<compile_context>
chip_gen: v7x
topology: tpu7x:2x2x1
jax: 0.10.2.dev20260603
libtpu: 0.0.44.dev20260713+nightly
codegen_flags: <defaults>
</compile_context>

<pallas_src>
import jax
import jax.numpy as jnp
from jax import lax
from jax.experimental import pallas as pl
from jax.experimental.pallas import tpu as pltpu
from jax.experimental.pallas import tpu_sc as plsc

N = 10000
E = 320000
D1 = 128
D2 = 64
NC = 2
NS = 16
NW = NC * NS
EPW = E // NW
K = 80
C = EPW // K
W8 = 624
TAIL = N - NS * W8
KA = 125
CA = (E // NS) // KA
DH1 = D1 // NC

_MESH = plsc.VectorSubcoreMesh(
    core_axis_name="c", subcore_axis_name="s", num_cores=NC, num_subcores=NS
)



def _make_deg():
    def body(src_hbm, dst_hbm, out_hbm,
             idx_v, ones_v, tmp_v, dsrc_sh, ddst_sh):
        c = lax.axis_index("c")
        s = lax.axis_index("s")
        wid = s * NC + c

        def obody(i, carry):
            ones_v[pl.ds(16 * i, 16)] = jnp.full((16,), 1.0, jnp.float32)
            return carry

        lax.fori_loop(0, K // 16, obody, 0)

        @pl.when(s == 0)
        def _zero():
            def zbody(i, carry):
                tmp_v[pl.ds(16 * i, 16)] = jnp.zeros((16,), jnp.float32)
                return carry

            lax.fori_loop(0, N // 16, zbody, 0)
            pltpu.sync_copy(tmp_v, dsrc_sh)
            pltpu.sync_copy(tmp_v, ddst_sh)

        plsc.subcore_barrier()

        pltpu.sync_copy(src_hbm.at[wid], idx_v)

        def sbody(j, carry):
            pltpu.sync_copy(ones_v, dsrc_sh.at[idx_v.at[j]], add=True)
            return carry

        lax.fori_loop(0, C, sbody, 0)

        pltpu.sync_copy(dst_hbm.at[wid], idx_v)

        def dbody(j, carry):
            pltpu.sync_copy(ones_v, ddst_sh.at[idx_v.at[j]], add=True)
            return carry

        lax.fori_loop(0, C, dbody, 0)

        plsc.subcore_barrier()

        @pl.when(s == 0)
        def _out():
            pltpu.sync_copy(dsrc_sh, tmp_v)
            pltpu.sync_copy(tmp_v, out_hbm.at[pl.ds((c * 2 + 0) * N, N)])
            pltpu.sync_copy(ddst_sh, tmp_v)
            pltpu.sync_copy(tmp_v, out_hbm.at[pl.ds((c * 2 + 1) * N, N)])

    return pl.kernel(
        body,
        out_type=jax.ShapeDtypeStruct((NC * 2 * N,), jnp.float32),
        mesh=_MESH,
        scratch_types=[
            pltpu.VMEM((C, K), jnp.int32),
            pltpu.VMEM((K,), jnp.float32),
            pltpu.VMEM((N,), jnp.float32),
            pltpu.VMEM_SHARED((N,), jnp.float32),
            pltpu.VMEM_SHARED((N,), jnp.float32),
        ],
        compiler_params=pltpu.CompilerParams(use_tc_tiling_on_sc=False),
    )


def _make_agg(D, tiled, NB, flat_src=False):
    CC = C
    MAIN = CC // NB
    TAILC = CC - MAIN * NB

    def body(y_hbm, src_hbm, dst_hbm, out_hbm, srcv, dstv, *rest):
        rows = rest[:NB]
        acc_sh = rest[NB]
        sem0 = rest[NB + 1]
        c = lax.axis_index("c")
        s = lax.axis_index("s")
        sems = (sem0,) * NB
        shard = s * NC + c

        def src_idx(j):
            return srcv.at[pl.ds(j * K, K)] if flat_src else srcv.at[j]

        K2 = K // 2

        def fire_gather(j, b):
            if flat_src:
                for h in range(2):
                    pltpu.async_copy(
                        y_hbm.at[srcv.at[pl.ds(j * K + h * K2, K2)]],
                        rows[b].at[pl.ds(h * K2, K2)], sems[b])
            else:
                pltpu.async_copy(y_hbm.at[src_idx(j)], rows[b], sems[b])

        def zbody(i, carry):
            for k_ in range(D // 16):
                rows[0][i, pl.ds(16 * k_, 16)] = jnp.zeros((16,), jnp.float32)
            return carry

        lax.fori_loop(0, K, zbody, 0)
        for k_ in range(7):
            pltpu.sync_copy(rows[0], acc_sh.at[pl.ds(s * W8 + K * k_, K)])
        pltpu.sync_copy(rows[0].at[pl.ds(0, 64)],
                        acc_sh.at[pl.ds(s * W8 + 7 * K, 64)])

        @pl.when(s == 0)
        def _zero_tail():
            pltpu.sync_copy(rows[0].at[pl.ds(0, TAIL)],
                            acc_sh.at[pl.ds(NS * W8, TAIL)])

        if flat_src:
            pltpu.sync_copy(src_hbm.at[pl.ds(shard * EPW, EPW)], srcv)
        else:
            pltpu.sync_copy(src_hbm.at[shard], srcv)
        pltpu.sync_copy(dst_hbm.at[shard], dstv)
        plsc.subcore_barrier()

        for b in range(NB):
            fire_gather(b, b)

        def step(jj, carry):
            for b in range(NB):
                j = jj * NB + b
                pltpu.make_async_copy(y_hbm.at[src_idx(j)], rows[b], sems[b]).wait()
                pltpu.sync_copy(rows[b], acc_sh.at[dstv.at[j]], add=True)

                @pl.when(j + NB < CC)
                def _refill():
                    fire_gather(j + NB, b)
            return carry

        lax.fori_loop(0, MAIN, step, 0)

        for t_ in range(TAILC):
            j = MAIN * NB + t_
            b = j % NB
            pltpu.make_async_copy(y_hbm.at[src_idx(j)], rows[b], sems[b]).wait()
            pltpu.sync_copy(rows[b], acc_sh.at[dstv.at[j]], add=True)

        plsc.subcore_barrier()
        for k_ in range(7):
            pltpu.sync_copy(acc_sh.at[pl.ds(s * W8 + K * k_, K)], rows[0])
            pltpu.sync_copy(rows[0], out_hbm.at[c, pl.ds(s * W8 + K * k_, K)])
        pltpu.sync_copy(acc_sh.at[pl.ds(s * W8 + 7 * K, 64)],
                        rows[0].at[pl.ds(0, 64)])
        pltpu.sync_copy(rows[0].at[pl.ds(0, 64)],
                        out_hbm.at[c, pl.ds(s * W8 + 7 * K, 64)])

        @pl.when(s == 0)
        def _out_tail():
            pltpu.sync_copy(acc_sh.at[pl.ds(NS * W8, TAIL)], rows[1].at[pl.ds(0, TAIL)])
            pltpu.sync_copy(rows[1].at[pl.ds(0, TAIL)],
                            out_hbm.at[c, pl.ds(NS * W8, TAIL)])

    return pl.kernel(
        body,
        out_type=jax.ShapeDtypeStruct((NC, N, D), jnp.float32),
        mesh=_MESH,
        scratch_types=[
            pltpu.VMEM((EPW,), jnp.int32) if flat_src
            else pltpu.VMEM((CC, K), jnp.int32),
            pltpu.VMEM((CC, K), jnp.int32),
        ] + [pltpu.VMEM((K, D), jnp.float32) for _ in range(NB)] + [
            pltpu.VMEM_SHARED((N, D), jnp.float32),
            pltpu.SemaphoreType.DMA,
        ],
        compiler_params=pltpu.CompilerParams(use_tc_tiling_on_sc=tiled),
    )


def _make_agg_cs(Dh, NB):
    KB = 125
    CC = (E // NS) // KB
    assert CC % NB == 0

    def body(ya_hbm, yb_hbm, src_hbm, dst_hbm, out_hbm, srcv, dstv, *rest):
        rows = rest[:NB]
        acc_sh = rest[NB]
        sem0 = rest[NB + 1]
        c = lax.axis_index("c")
        s = lax.axis_index("s")
        sems = (sem0,) * NB

        def zbody(i, carry):
            for k_ in range(Dh // 16):
                rows[0][i, pl.ds(16 * k_, 16)] = jnp.zeros((16,), jnp.float32)
            return carry

        lax.fori_loop(0, KB, zbody, 0)
        for k_ in range(4):
            pltpu.sync_copy(rows[0], acc_sh.at[pl.ds(s * W8 + KB * k_, KB)])
        pltpu.sync_copy(rows[0].at[pl.ds(0, 124)],
                        acc_sh.at[pl.ds(s * W8 + 4 * KB, 124)])

        @pl.when(s == 0)
        def _zero_tail():
            pltpu.sync_copy(rows[0].at[pl.ds(0, TAIL)],
                            acc_sh.at[pl.ds(NS * W8, TAIL)])

        pltpu.sync_copy(src_hbm.at[s], srcv)
        pltpu.sync_copy(dst_hbm.at[s], dstv)
        plsc.subcore_barrier()

        def src_idx(j):
            return srcv.at[j]

        def pipeline(yc):
            for b in range(NB):
                pltpu.async_copy(yc.at[src_idx(b)], rows[b], sems[b])

            def step(jj, carry):
                for b in range(NB):
                    j = jj * NB + b
                    pltpu.make_async_copy(yc.at[src_idx(j)], rows[b], sems[b]).wait()
                    pltpu.sync_copy(rows[b], acc_sh.at[dstv.at[j]], add=True)

                    @pl.when(j + NB < CC)
                    def _refill():
                        pltpu.async_copy(yc.at[src_idx(j + NB)], rows[b], sems[b])
                return carry

            lax.fori_loop(0, CC // NB, step, 0)

        @pl.when(c == 0)
        def _run_a():
            pipeline(ya_hbm)

        @pl.when(c == 1)
        def _run_b():
            pipeline(yb_hbm)

        plsc.subcore_barrier()
        for k_ in range(4):
            pltpu.sync_copy(acc_sh.at[pl.ds(s * W8 + KB * k_, KB)], rows[0])
            pltpu.sync_copy(rows[0], out_hbm.at[c, pl.ds(s * W8 + KB * k_, KB)])
        pltpu.sync_copy(acc_sh.at[pl.ds(s * W8 + 4 * KB, 124)],
                        rows[0].at[pl.ds(0, 124)])
        pltpu.sync_copy(rows[0].at[pl.ds(0, 124)],
                        out_hbm.at[c, pl.ds(s * W8 + 4 * KB, 124)])

        @pl.when(s == 0)
        def _out_tail():
            pltpu.sync_copy(acc_sh.at[pl.ds(NS * W8, TAIL)], rows[1].at[pl.ds(0, TAIL)])
            pltpu.sync_copy(rows[1].at[pl.ds(0, TAIL)],
                            out_hbm.at[c, pl.ds(NS * W8, TAIL)])

    return pl.kernel(
        body,
        out_type=jax.ShapeDtypeStruct((NC, N, Dh), jnp.float32),
        mesh=_MESH,
        scratch_types=[
            pltpu.VMEM((CC, KB), jnp.int32),
            pltpu.VMEM((CC, KB), jnp.int32),
        ] + [pltpu.VMEM((KB, Dh), jnp.float32) for _ in range(NB)] + [
            pltpu.VMEM_SHARED((N, Dh), jnp.float32),
            pltpu.SemaphoreType.DMA,
        ],
        compiler_params=pltpu.CompilerParams(use_tc_tiling_on_sc=False),
    )


_deg_call = _make_deg()
_agg1_call = _make_agg_cs(DH1, 4)
_agg2_call = _make_agg(D2, False, 5)



BN = 1000


def _mm_body(x_ref, w1_ref, xw_ref):
    xw_ref[...] = jnp.dot(x_ref[...], w1_ref[...],
                          preferred_element_type=jnp.float32)


def _prep_body(xw_ref, ds_ref, dd_ref, ya_ref, yb_ref, ns_ref, nd_ref):
    d_s = ds_ref[...]
    d_d = dd_ref[...]
    ns = lax.rsqrt(jnp.maximum(d_s[:, 0:1] + d_s[:, 1:2], 1.0))
    nd = lax.rsqrt(jnp.maximum(d_d[:, 0:1] + d_d[:, 1:2], 1.0))
    ns_ref[...] = ns
    nd_ref[...] = nd
    y = xw_ref[...] * ns
    ya_ref[...] = y[:, :DH1]
    yb_ref[...] = y[:, DH1:]


def _mid_body(p_ref, ns_ref, nd_ref, b1_ref, w2_ref, y2_ref):
    p = p_ref[...]
    agg = jnp.concatenate([p[0], p[1]], axis=1)
    h = jnp.maximum(agg * nd_ref[...] + b1_ref[...], 0.0)
    y2_ref[...] = jnp.dot(h * ns_ref[...], w2_ref[...],
                          preferred_element_type=jnp.float32)


def _fin_body(p_ref, nd_ref, b2_ref, o_ref):
    p = p_ref[...]
    o_ref[...] = (p[0] + p[1]) * nd_ref[...] + b2_ref[...]


def _mm(x, W1):
    return pl.pallas_call(
        _mm_body,
        grid=(N // BN,),
        in_specs=[
            pl.BlockSpec((BN, D1), lambda i: (i, 0)),
            pl.BlockSpec((D1, D1), lambda i: (0, 0)),
        ],
        out_specs=pl.BlockSpec((BN, D1), lambda i: (i, 0)),
        out_shape=jax.ShapeDtypeStruct((N, D1), jnp.float32),
    )(x, W1)


def _prep(xw, dsrcT, ddstT):
    return pl.pallas_call(
        _prep_body,
        grid=(N // BN,),
        in_specs=[
            pl.BlockSpec((BN, D1), lambda i: (i, 0)),
            pl.BlockSpec((BN, 2), lambda i: (i, 0)),
            pl.BlockSpec((BN, 2), lambda i: (i, 0)),
        ],
        out_specs=[
            pl.BlockSpec((BN, DH1), lambda i: (i, 0)),
            pl.BlockSpec((BN, DH1), lambda i: (i, 0)),
            pl.BlockSpec((BN, 1), lambda i: (i, 0)),
            pl.BlockSpec((BN, 1), lambda i: (i, 0)),
        ],
        out_shape=[
            jax.ShapeDtypeStruct((N, DH1), jnp.float32),
            jax.ShapeDtypeStruct((N, DH1), jnp.float32),
            jax.ShapeDtypeStruct((N, 1), jnp.float32),
            jax.ShapeDtypeStruct((N, 1), jnp.float32),
        ],
    )(xw, dsrcT, ddstT)


def _mid(agg1p, nsT, ndT, b1, W2):
    return pl.pallas_call(
        _mid_body,
        grid=(N // BN,),
        in_specs=[
            pl.BlockSpec((NC, BN, DH1), lambda i: (0, i, 0)),
            pl.BlockSpec((BN, 1), lambda i: (i, 0)),
            pl.BlockSpec((BN, 1), lambda i: (i, 0)),
            pl.BlockSpec((1, D1), lambda i: (0, 0)),
            pl.BlockSpec((D1, D2), lambda i: (0, 0)),
        ],
        out_specs=pl.BlockSpec((BN, D2), lambda i: (i, 0)),
        out_shape=jax.ShapeDtypeStruct((N, D2), jnp.float32),
    )(agg1p, nsT, ndT, b1, W2)


def _fin(agg2p, ndT, b2):
    return pl.pallas_call(
        _fin_body,
        grid=(N // BN,),
        in_specs=[
            pl.BlockSpec((NC, BN, D2), lambda i: (0, i, 0)),
            pl.BlockSpec((BN, 1), lambda i: (i, 0)),
            pl.BlockSpec((1, D2), lambda i: (0, 0)),
        ],
        out_specs=pl.BlockSpec((BN, D2), lambda i: (i, 0)),
        out_shape=jax.ShapeDtypeStruct((N, D2), jnp.float32),
    )(agg2p, ndT, b2)



def kernel(x, edge_index, W1, b1, W2, b2):
    src32 = edge_index[0].astype(jnp.int32)
    dst32 = edge_index[1].astype(jnp.int32)
    src_d = src32.reshape(NW, C, K)
    dst_d = dst32.reshape(NW, C, K)
    src_a = src32.reshape(NS, 160, 125)
    dst_a = dst32.reshape(NS, 160, 125)

    xw = _mm(x, W1)
    degs = _deg_call(src_d, dst_d).reshape(NC, 2, N)
    dsrcT = degs[:, 0, :].T
    ddstT = degs[:, 1, :].T

    ya, yb, nsT, ndT = _prep(xw, dsrcT, ddstT)
    agg1p = _agg1_call(ya, yb, src_a, dst_a)
    y2 = _mid(agg1p, nsT, ndT, b1.reshape(1, D1), W2)
    agg2p = _agg2_call(y2, src_d, dst_d)
    return _fin(agg2p, ndT, b2.reshape(1, D2))

# --- scband reference (transcript-rebuilt; emitter-appended) ---
"""Pipeline reference for scband-gcn-61435212202423 (READ-ONLY COPY).

The authoritative reference and input builder live on the scoring server;
editing this copy changes nothing except your own understanding.
"""

import jax, jax.numpy as jnp
import numpy as np

N_NODES = 10000


def graph_conv(x, src, dst, W, b, n_nodes):
    # DGL GraphConv with norm='both', allow_zero_in_degree=True
    # out-degree normalization on source side
    deg_out = jnp.zeros((n_nodes,), dtype=x.dtype).at[src].add(1.0)
    deg_out = jnp.clip(deg_out, 1.0, None)
    norm_src = deg_out ** -0.5
    h = x * norm_src[:, None]
    # apply linear weight (math is order-independent)
    h = h @ W
    # message passing: gather from src, scatter-add to dst
    m = h[src]
    agg = jnp.zeros((n_nodes, h.shape[1]), dtype=h.dtype).at[dst].add(m)
    # in-degree normalization on destination side
    deg_in = jnp.zeros((n_nodes,), dtype=x.dtype).at[dst].add(1.0)
    deg_in = jnp.clip(deg_in, 1.0, None)
    norm_dst = deg_in ** -0.5
    out = agg * norm_dst[:, None] + b
    return out


def setup_inputs(seed: int = 0) -> dict:
    key = jax.random.key(seed)
    k1, k2, k3, k4, k5, k6 = jax.random.split(key, 6)
    x = jax.random.normal(k1, (N_NODES, 128), dtype=jnp.float32)
    edge_index = jax.random.randint(k2, (2, 320000), 0, N_NODES, dtype=jnp.int64 if jax.config.jax_enable_x64 else jnp.int32)
    # layer 0: GraphConv(128 -> 128); layer 1: GraphConv(128 -> 64)
    W1 = jax.random.normal(k3, (128, 128), dtype=jnp.float32) * (1.0 / np.sqrt(128.0))
    b1 = jnp.zeros((128,), dtype=jnp.float32)
    W2 = jax.random.normal(k4, (128, 64), dtype=jnp.float32) * (1.0 / np.sqrt(128.0))
    b2 = jnp.zeros((64,), dtype=jnp.float32)
    return {"x": x, "edge_index": edge_index, "W1": W1, "b1": b1, "W2": W2, "b2": b2}


def reference(x, edge_index, W1, b1, W2, b2):
    src = edge_index[0]
    dst = edge_index[1]
    # layer 0 + activation (dropout is identity in eval mode)
    h = graph_conv(x, src, dst, W1, b1, N_NODES)
    h = jax.nn.relu(h)
    # layer 1 (no activation on final layer)
    h = graph_conv(h, src, dst, W2, b2, N_NODES)
    return h

if __name__ == "__main__":
    import jax
    _d = setup_inputs()
    print(jax.jit(kernel)(*tuple(_d.values())))

</pallas_src>

<mosaic_0001>
#map = affine_map<(d0, d1) -> (0, 0, 0)>
#map1 = affine_map<(d0, d1) -> (0)>
module attributes {stable_mosaic.version = 14 : i64} {
  func.func @body(%arg0: i32, %arg1: i32, %arg2: memref<32x125x80xi32, #tpu.memory_space<hbm>>, %arg3: memref<32x125x80xi32, #tpu.memory_space<hbm>>, %arg4: memref<40000xf32, #tpu.memory_space<hbm>>, %arg5: memref<125x80xi32, #tpu.memory_space<vmem>>, %arg6: memref<80xf32, #tpu.memory_space<vmem>>, %arg7: memref<10000xf32, #tpu.memory_space<vmem>>, %arg8: memref<10000xf32, #tpu.memory_space<vmem_shared>>, %arg9: memref<10000xf32, #tpu.memory_space<vmem_shared>>) attributes {dimension_semantics = [#tpu.dimension_semantics<core_parallel>, #tpu.dimension_semantics<subcore_parallel>], iteration_bounds = array<i64: 2, 16>, scalar_prefetch = 0 : i64, scratch_operands = 5 : i64, tpu.core_type = #tpu.core_type<sc_vector_subcore>, window_params = [{transform_indices = #map}, {transform_indices = #map}, {transform_indices = #map1}]} {
    %mul3A = arith.constant 2 : i32
    %mul3A_0 = arith.muli %arg1, %mul3A : i32
    %add3A = arith.addi %mul3A_0, %arg0 : i32
    %scan3A = arith.constant 0 : i32
    %scan3A_1 = arith.constant 0 : i32
    %scan3A_2 = arith.constant 5 : i32
    %scan3A_3 = arith.addi %scan3A_1, %scan3A_2 : i32
    %scan3A_4 = arith.constant 1 : i32
    scf.for %scan3A_26 = %scan3A_1 to %scan3A_3 step %scan3A_4  : i32 {
      %broadcast_in_dim3A = arith.constant 1.000000e+00 : f32
      %broadcast_in_dim3A_27 = vector.broadcast %broadcast_in_dim3A : f32 to vector<16xf32>
      %mul3A_28 = arith.constant 16 : i32
      %mul3A_29 = arith.muli %mul3A_28, %scan3A_26 : i32
      %swap3A = arith.index_cast %mul3A_29 : i32 to index
      %swap3A_30 = tpu.vector_load %arg6[%swap3A] {strides = array<i32>} : memref<80xf32, #tpu.memory_space<vmem>>, vector<16xf32>,
      %swap3A_31 = vector.shape_cast %swap3A_30 : vector<16xf32> to vector<16xf32>
      %swap3A_32 = vector.shape_cast %broadcast_in_dim3A_27 : vector<16xf32> to vector<16xf32>
      tpu.vector_store %arg6[%swap3A], %swap3A_32 {strides = array<i32>} : memref<80xf32, #tpu.memory_space<vmem>>, vector<16xf32>,
    }
    %scan3A_5 = arith.constant 5 : i32
    %eq3A = arith.constant 0 : i32
    %eq3A_6 = arith.cmpi eq, %arg1, %eq3A : i32
    %convert_element_type3A = arith.extui %eq3A_6 : i1 to i32
    %cond3A = arith.constant 0 : i32
    %cond3A_7 = arith.cmpi ne, %convert_element_type3A, %cond3A : i32
    scf.if %cond3A_7 {
      %scan3A_26 = arith.constant 0 : i32
      %scan3A_27 = arith.constant 0 : i32
      %scan3A_28 = arith.constant 625 : i32
      %scan3A_29 = arith.addi %scan3A_27, %scan3A_28 : i32
      %scan3A_30 = arith.constant 1 : i32
      scf.for %scan3A_32 = %scan3A_27 to %scan3A_29 step %scan3A_30  : i32 {
        %broadcast_in_dim3A = arith.constant 0.000000e+00 : f32
        %broadcast_in_dim3A_33 = vector.broadcast %broadcast_in_dim3A : f32 to vector<16xf32>
        %mul3A_34 = arith.constant 16 : i32
        %mul3A_35 = arith.muli %mul3A_34, %scan3A_32 : i32
        %swap3A = arith.index_cast %mul3A_35 : i32 to index
        %swap3A_36 = tpu.vector_load %arg7[%swap3A] {strides = array<i32>} : memref<10000xf32, #tpu.memory_space<vmem>>, vector<16xf32>,
        %swap3A_37 = vector.shape_cast %swap3A_36 : vector<16xf32> to vector<16xf32>
        %swap3A_38 = vector.shape_cast %broadcast_in_dim3A_33 : vector<16xf32> to vector<16xf32>
        tpu.vector_store %arg7[%swap3A], %swap3A_38 {strides = array<i32>} : memref<10000xf32, #tpu.memory_space<vmem>>, vector<16xf32>,
      }
      %scan3A_31 = arith.constant 625 : i32
      "tpu.region"() ({
        %run_scoped3A = tpu.sem_alloc : memref<!tpu.dma_semaphore, #tpu.memory_space<semaphore_mem>>
        tpu.enqueue_dma source(%arg7 : memref<10000xf32, #tpu.memory_space<vmem>>) target(%arg8 : memref<10000xf32, #tpu.memory_space<vmem_shared>>) target_semaphore(%run_scoped3A : memref<!tpu.dma_semaphore, #tpu.memory_space<semaphore_mem>>)
        tpu.wait_dma2 semaphore(%run_scoped3A : memref<!tpu.dma_semaphore, #tpu.memory_space<semaphore_mem>>) src(%arg7 : memref<10000xf32, #tpu.memory_space<vmem>>) dst(%arg8 : memref<10000xf32, #tpu.memory_space<vmem_shared>>)
        tpu.yield
      }) : () -> ()
      "tpu.region"() ({
        %run_scoped3A = tpu.sem_alloc : memref<!tpu.dma_semaphore, #tpu.memory_space<semaphore_mem>>
        tpu.enqueue_dma source(%arg7 : memref<10000xf32, #tpu.memory_space<vmem>>) target(%arg9 : memref<10000xf32, #tpu.memory_space<vmem_shared>>) target_semaphore(%run_scoped3A : memref<!tpu.dma_semaphore, #tpu.memory_space<semaphore_mem>>)
        tpu.wait_dma2 semaphore(%run_scoped3A : memref<!tpu.dma_semaphore, #tpu.memory_space<semaphore_mem>>) src(%arg7 : memref<10000xf32, #tpu.memory_space<vmem>>) dst(%arg9 : memref<10000xf32, #tpu.memory_space<vmem_shared>>)
        tpu.yield
      }) : () -> ()
    } else {
    }
    %barrier3A = arith.constant 0 : index
    tpu.barrier barrier_id(%barrier3A)
    "tpu.region"() ({
      %run_scoped3A = tpu.sem_alloc : memref<!tpu.dma_semaphore, #tpu.memory_space<semaphore_mem>>
      %dma_start3A = arith.constant 0 : i32
      %dma_start3A_26 = arith.constant 0 : i32
      %dma_start3A_27 = tpu.memref_slice %arg2[%add3A, %dma_start3A, %dma_start3A_26] : memref<32x125x80xi32, #tpu.memory_space<hbm>> -> memref<1x125x80xi32, #tpu.memory_space<hbm>>
      %dma_start3A_28 = tpu.memref_squeeze %dma_start3A_27 : memref<1x125x80xi32, #tpu.memory_space<hbm>> -> memref<125x80xi32, #tpu.memory_space<hbm>>
      %dma_start3A_29 = arith.constant 0 : i32
      %dma_start3A_30 = arith.constant 0 : i32
      %dma_start3A_31 = tpu.memref_slice %arg2[%add3A, %dma_start3A_29, %dma_start3A_30] : memref<32x125x80xi32, #tpu.memory_space<hbm>> -> memref<1x125x80xi32, #tpu.memory_space<hbm>>
      %dma_start3A_32 = tpu.memref_squeeze %dma_start3A_31 : memref<1x125x80xi32, #tpu.memory_space<hbm>> -> memref<125x80xi32, #tpu.memory_space<hbm>>
      tpu.enqueue_dma source(%dma_start3A_32 : memref<125x80xi32, #tpu.memory_space<hbm>>) target(%arg5 : memref<125x80xi32, #tpu.memory_space<vmem>>) target_semaphore(%run_scoped3A : memref<!tpu.dma_semaphore, #tpu.memory_space<semaphore_mem>>)
      %dma_wait3A = arith.constant 0 : i32
      %dma_wait3A_33 = arith.constant 0 : i32
      %dma_wait3A_34 = tpu.memref_slice %arg2[%add3A, %dma_wait3A, %dma_wait3A_33] : memref<32x125x80xi32, #tpu.memory_space<hbm>> -> memref<1x125x80xi32, #tpu.memory_space<hbm>>
      %dma_wait3A_35 = tpu.memref_squeeze %dma_wait3A_34 : memref<1x125x80xi32, #tpu.memory_space<hbm>> -> memref<125x80xi32, #tpu.memory_space<hbm>>
      %dma_wait3A_36 = arith.constant 0 : i32
      %dma_wait3A_37 = arith.constant 0 : i32
      %dma_wait3A_38 = tpu.memref_slice %arg2[%add3A, %dma_wait3A_36, %dma_wait3A_37] : memref<32x125x80xi32, #tpu.memory_space<hbm>> -> memref<1x125x80xi32, #tpu.memory_space<hbm>>
      %dma_wait3A_39 = tpu.memref_squeeze %dma_wait3A_38 : memref<1x125x80xi32, #tpu.memory_space<hbm>> -> memref<125x80xi32, #tpu.memory_space<hbm>>
      tpu.wait_dma2 semaphore(%run_scoped3A : memref<!tpu.dma_semaphore, #tpu.memory_space<semaphore_mem>>) src(%dma_wait3A_39 : memref<125x80xi32, #tpu.memory_space<hbm>>) dst(%arg5 : memref<125x80xi32, #tpu.memory_space<vmem>>)
      tpu.yield
    }) : () -> ()
    %scan3A_8 = arith.constant 0 : i32
    %scan3A_9 = arith.constant 0 : i32
    %scan3A_10 = arith.constant 125 : i32
    %scan3A_11 = arith.addi %scan3A_9, %scan3A_10 : i32
    %scan3A_12 = arith.constant 1 : i32
    scf.for %scan3A_26 = %scan3A_9 to %scan3A_11 step %scan3A_12  : i32 {
      "tpu.region"() ({
        %run_scoped3A = tpu.sem_alloc : memref<!tpu.dma_semaphore, #tpu.memory_space<semaphore_mem>>
        %dma_start3A = arith.constant 0 : i32
        %dma_start3A_27 = tpu.memref_slice %arg5[%scan3A_26, %dma_start3A] : memref<125x80xi32, #tpu.memory_space<vmem>> -> memref<1x80xi32, #tpu.memory_space<vmem>>
        %dma_start3A_28 = tpu.memref_squeeze %dma_start3A_27 : memref<1x80xi32, #tpu.memory_space<vmem>> -> memref<80xi32, #tpu.memory_space<vmem>>
        %dma_start3A_29 = arith.constant 0 : i32
        %dma_start3A_30 = tpu.memref_slice %arg8[%dma_start3A_29] : memref<10000xf32, #tpu.memory_space<vmem_shared>> -> memref<10000xf32, #tpu.memory_space<vmem_shared>>
        tpu.enqueue_indirect_dma source(%arg6 : memref<80xf32, #tpu.memory_space<vmem>>) target(%dma_start3A_30 : memref<10000xf32, #tpu.memory_space<vmem_shared>>) offsets(%dma_start3A_28 : memref<80xi32, #tpu.memory_space<vmem>>) semaphore(%run_scoped3A : memref<!tpu.dma_semaphore, #tpu.memory_space<semaphore_mem>>) {add = true}
        %dma_wait3A = arith.constant 0 : i32
        %dma_wait3A_31 = tpu.memref_slice %arg5[%scan3A_26, %dma_wait3A] : memref<125x80xi32, #tpu.memory_space<vmem>> -> memref<1x80xi32, #tpu.memory_space<vmem>>
        %dma_wait3A_32 = tpu.memref_squeeze %dma_wait3A_31 : memref<1x80xi32, #tpu.memory_space<vmem>> -> memref<80xi32, #tpu.memory_space<vmem>>
        %dma_wait3A_33 = arith.constant 0 : i32
        %dma_wait3A_34 = tpu.memref_slice %arg8[%dma_wait3A_33] : memref<10000xf32, #tpu.memory_space<vmem_shared>> -> memref<10000xf32, #tpu.memory_space<vmem_shared>>
        tpu.wait_indirect_dma semaphore(%run_scoped3A : memref<!tpu.dma_semaphore, #tpu.memory_space<semaphore_mem>>) src(%arg6 : memref<80xf32, #tpu.memory_space<vmem>>) dst(%dma_wait3A_34 : memref<10000xf32, #tpu.memory_space<vmem_shared>>)
        tpu.yield
      }) : () -> ()
    }
    %scan3A_13 = arith.constant 125 : i32
    "tpu.region"() ({
      %run_scoped3A = tpu.sem_alloc : memref<!tpu.dma_semaphore, #tpu.memory_space<semaphore_mem>>
      %dma_start3A = arith.constant 0 : i32
      %dma_start3A_26 = arith.constant 0 : i32
      %dma_start3A_27 = tpu.memref_slice %arg3[%add3A, %dma_start3A, %dma_start3A_26] : memref<32x125x80xi32, #tpu.memory_space<hbm>> -> memref<1x125x80xi32, #tpu.memory_space<hbm>>
      %dma_start3A_28 = tpu.memref_squeeze %dma_start3A_27 : memref<1x125x80xi32, #tpu.memory_space<hbm>> -> memref<125x80xi32, #tpu.memory_space<hbm>>
      %dma_start3A_29 = arith.constant 0 : i32
      %dma_start3A_30 = arith.constant 0 : i32
      %dma_start3A_31 = tpu.memref_slice %arg3[%add3A, %dma_start3A_29, %dma_start3A_30] : memref<32x125x80xi32, #tpu.memory_space<hbm>> -> memref<1x125x80xi32, #tpu.memory_space<hbm>>
      %dma_start3A_32 = tpu.memref_squeeze %dma_start3A_31 : memref<1x125x80xi32, #tpu.memory_space<hbm>> -> memref<125x80xi32, #tpu.memory_space<hbm>>
      tpu.enqueue_dma source(%dma_start3A_32 : memref<125x80xi32, #tpu.memory_space<hbm>>) target(%arg5 : memref<125x80xi32, #tpu.memory_space<vmem>>) target_semaphore(%run_scoped3A : memref<!tpu.dma_semaphore, #tpu.memory_space<semaphore_mem>>)
      %dma_wait3A = arith.constant 0 : i32
      %dma_wait3A_33 = arith.constant 0 : i32
      %dma_wait3A_34 = tpu.memref_slice %arg3[%add3A, %dma_wait3A, %dma_wait3A_33] : memref<32x125x80xi32, #tpu.memory_space<hbm>> -> memref<1x125x80xi32, #tpu.memory_space<hbm>>
      %dma_wait3A_35 = tpu.memref_squeeze %dma_wait3A_34 : memref<1x125x80xi32, #tpu.memory_space<hbm>> -> memref<125x80xi32, #tpu.memory_space<hbm>>
      %dma_wait3A_36 = arith.constant 0 : i32
      %dma_wait3A_37 = arith.constant 0 : i32
      %dma_wait3A_38 = tpu.memref_slice %arg3[%add3A, %dma_wait3A_36, %dma_wait3A_37] : memref<32x125x80xi32, #tpu.memory_space<hbm>> -> memref<1x125x80xi32, #tpu.memory_space<hbm>>
      %dma_wait3A_39 = tpu.memref_squeeze %dma_wait3A_38 : memref<1x125x80xi32, #tpu.memory_space<hbm>> -> memref<125x80xi32, #tpu.memory_space<hbm>>
      tpu.wait_dma2 semaphore(%run_scoped3A : memref<!tpu.dma_semaphore, #tpu.memory_space<semaphore_mem>>) src(%dma_wait3A_39 : memref<125x80xi32, #tpu.memory_space<hbm>>) dst(%arg5 : memref<125x80xi32, #tpu.memory_space<vmem>>)
      tpu.yield
    }) : () -> ()
    %scan3A_14 = arith.constant 0 : i32
    %scan3A_15 = arith.constant 0 : i32
    %scan3A_16 = arith.constant 125 : i32
    %scan3A_17 = arith.addi %scan3A_15, %scan3A_16 : i32
    %scan3A_18 = arith.constant 1 : i32
    scf.for %scan3A_26 = %scan3A_15 to %scan3A_17 step %scan3A_18  : i32 {
      "tpu.region"() ({
        %run_scoped3A = tpu.sem_alloc : memref<!tpu.dma_semaphore, #tpu.memory_space<semaphore_mem>>
        %dma_start3A = arith.constant 0 : i32
        %dma_start3A_27 = tpu.memref_slice %arg5[%scan3A_26, %dma_start3A] : memref<125x80xi32, #tpu.memory_space<vmem>> -> memref<1x80xi32, #tpu.memory_space<vmem>>
        %dma_start3A_28 = tpu.memref_squeeze %dma_start3A_27 : memref<1x80xi32, #tpu.memory_space<vmem>> -> memref<80xi32, #tpu.memory_space<vmem>>
        %dma_start3A_29 = arith.constant 0 : i32
        %dma_start3A_30 = tpu.memref_slice %arg9[%dma_start3A_29] : memref<10000xf32, #tpu.memory_space<vmem_shared>> -> memref<10000xf32, #tpu.memory_space<vmem_shared>>
        tpu.enqueue_indirect_dma source(%arg6 : memref<80xf32, #tpu.memory_space<vmem>>) target(%dma_start3A_30 : memref<10000xf32, #tpu.memory_space<vmem_shared>>) offsets(%dma_start3A_28 : memref<80xi32, #tpu.memory_space<vmem>>) semaphore(%run_scoped3A : memref<!tpu.dma_semaphore, #tpu.memory_space<semaphore_mem>>) {add = true}
        %dma_wait3A = arith.constant 0 : i32
        %dma_wait3A_31 = tpu.memref_slice %arg5[%scan3A_26, %dma_wait3A] : memref<125x80xi32, #tpu.memory_space<vmem>> -> memref<1x80xi32, #tpu.memory_space<vmem>>
        %dma_wait3A_32 = tpu.memref_squeeze %dma_wait3A_31 : memref<1x80xi32, #tpu.memory_space<vmem>> -> memref<80xi32, #tpu.memory_space<vmem>>
        %dma_wait3A_33 = arith.constant 0 : i32
        %dma_wait3A_34 = tpu.memref_slice %arg9[%dma_wait3A_33] : memref<10000xf32, #tpu.memory_space<vmem_shared>> -> memref<10000xf32, #tpu.memory_space<vmem_shared>>
        tpu.wait_indirect_dma semaphore(%run_scoped3A : memref<!tpu.dma_semaphore, #tpu.memory_space<semaphore_mem>>) src(%arg6 : memref<80xf32, #tpu.memory_space<vmem>>) dst(%dma_wait3A_34 : memref<10000xf32, #tpu.memory_space<vmem_shared>>)
        tpu.yield
      }) : () -> ()
    }
    %scan3A_19 = arith.constant 125 : i32
    %barrier3A_20 = arith.constant 0 : index
    tpu.barrier barrier_id(%barrier3A_20)
    %eq3A_21 = arith.constant 0 : i32
    %eq3A_22 = arith.cmpi eq, %arg1, %eq3A_21 : i32
    %convert_element_type3A_23 = arith.extui %eq3A_22 : i1 to i32
    %cond3A_24 = arith.constant 0 : i32
    %cond3A_25 = arith.cmpi ne, %convert_element_type3A_23, %cond3A_24 : i32
    scf.if %cond3A_25 {
      "tpu.region"() ({
        %run_scoped3A = tpu.sem_alloc : memref<!tpu.dma_semaphore, #tpu.memory_space<semaphore_mem>>
        tpu.enqueue_dma source(%arg8 : memref<10000xf32, #tpu.memory_space<vmem_shared>>) target(%arg7 : memref<10000xf32, #tpu.memory_space<vmem>>) target_semaphore(%run_scoped3A : memref<!tpu.dma_semaphore, #tpu.memory_space<semaphore_mem>>)
        tpu.wait_dma2 semaphore(%run_scoped3A : memref<!tpu.dma_semaphore, #tpu.memory_space<semaphore_mem>>) src(%arg8 : memref<10000xf32, #tpu.memory_space<vmem_shared>>) dst(%arg7 : memref<10000xf32, #tpu.memory_space<vmem>>)
        tpu.yield
      }) : () -> ()
      %mul3A_26 = arith.constant 2 : i32
      %mul3A_27 = arith.muli %arg0, %mul3A_26 : i32
      %add3A_28 = arith.constant 0 : i32
      %add3A_29 = arith.addi %mul3A_27, %add3A_28 : i32
      %mul3A_30 = arith.constant 10000 : i32
      %mul3A_31 = arith.muli %add3A_29, %mul3A_30 : i32
      "tpu.region"() ({
        %run_scoped3A = tpu.sem_alloc : memref<!tpu.dma_semaphore, #tpu.memory_space<semaphore_mem>>
        %dma_start3A = tpu.memref_slice %arg4[%mul3A_31] : memref<40000xf32, #tpu.memory_space<hbm>> -> memref<10000xf32, #tpu.memory_space<hbm>>
        %dma_start3A_38 = tpu.memref_slice %arg4[%mul3A_31] : memref<40000xf32, #tpu.memory_space<hbm>> -> memref<10000xf32, #tpu.memory_space<hbm>>
        tpu.enqueue_dma source(%arg7 : memref<10000xf32, #tpu.memory_space<vmem>>) target(%dma_start3A_38 : memref<10000xf32, #tpu.memory_space<hbm>>) target_semaphore(%run_scoped3A : memref<!tpu.dma_semaphore, #tpu.memory_space<semaphore_mem>>)
        %dma_wait3A = tpu.memref_slice %arg4[%mul3A_31] : memref<40000xf32, #tpu.memory_space<hbm>> -> memref<10000xf32, #tpu.memory_space<hbm>>
        %dma_wait3A_39 = tpu.memref_slice %arg4[%mul3A_31] : memref<40000xf32, #tpu.memory_space<hbm>> -> memref<10000xf32, #tpu.memory_space<hbm>>
        tpu.wait_dma2 semaphore(%run_scoped3A : memref<!tpu.dma_semaphore, #tpu.memory_space<semaphore_mem>>) src(%arg7 : memref<10000xf32, #tpu.memory_space<vmem>>) dst(%dma_wait3A_39 : memref<10000xf32, #tpu.memory_space<hbm>>)
        tpu.yield
      }) : () -> ()
      "tpu.region"() ({
        %run_scoped3A = tpu.sem_alloc : memref<!tpu.dma_semaphore, #tpu.memory_space<semaphore_mem>>
        tpu.enqueue_dma source(%arg9 : memref<10000xf32, #tpu.memory_space<vmem_shared>>) target(%arg7 : memref<10000xf32, #tpu.memory_space<vmem>>) target_semaphore(%run_scoped3A : memref<!tpu.dma_semaphore, #tpu.memory_space<semaphore_mem>>)
        tpu.wait_dma2 semaphore(%run_scoped3A : memref<!tpu.dma_semaphore, #tpu.memory_space<semaphore_mem>>) src(%arg9 : memref<10000xf32, #tpu.memory_space<vmem_shared>>) dst(%arg7 : memref<10000xf32, #tpu.memory_space<vmem>>)
        tpu.yield
      }) : () -> ()
      %mul3A_32 = arith.constant 2 : i32
      %mul3A_33 = arith.muli %arg0, %mul3A_32 : i32
      %add3A_34 = arith.constant 1 : i32
      %add3A_35 = arith.addi %mul3A_33, %add3A_34 : i32
      %mul3A_36 = arith.constant 10000 : i32
      %mul3A_37 = arith.muli %add3A_35, %mul3A_36 : i32
      "tpu.region"() ({
        %run_scoped3A = tpu.sem_alloc : memref<!tpu.dma_semaphore, #tpu.memory_space<semaphore_mem>>
        %dma_start3A = tpu.memref_slice %arg4[%mul3A_37] : memref<40000xf32, #tpu.memory_space<hbm>> -> memref<10000xf32, #tpu.memory_space<hbm>>
        %dma_start3A_38 = tpu.memref_slice %arg4[%mul3A_37] : memref<40000xf32, #tpu.memory_space<hbm>> -> memref<10000xf32, #tpu.memory_space<hbm>>
        tpu.enqueue_dma source(%arg7 : memref<10000xf32, #tpu.memory_space<vmem>>) target(%dma_start3A_38 : memref<10000xf32, #tpu.memory_space<hbm>>) target_semaphore(%run_scoped3A : memref<!tpu.dma_semaphore, #tpu.memory_space<semaphore_mem>>)
        %dma_wait3A = tpu.memref_slice %arg4[%mul3A_37] : memref<40000xf32, #tpu.memory_space<hbm>> -> memref<10000xf32, #tpu.memory_space<hbm>>
        %dma_wait3A_39 = tpu.memref_slice %arg4[%mul3A_37] : memref<40000xf32, #tpu.memory_space<hbm>> -> memref<10000xf32, #tpu.memory_space<hbm>>
        tpu.wait_dma2 semaphore(%run_scoped3A : memref<!tpu.dma_semaphore, #tpu.memory_space<semaphore_mem>>) src(%arg7 : memref<10000xf32, #tpu.memory_space<vmem>>) dst(%dma_wait3A_39 : memref<10000xf32, #tpu.memory_space<hbm>>)
        tpu.yield
      }) : () -> ()
    } else {
    }
    return
  }
}

#map = affine_map<(d0, d1) -> (0, 0)>
#map1 = affine_map<(d0, d1) -> (0, 0, 0)>
module attributes {stable_mosaic.version = 14 : i64} {
  func.func @body(%arg0: i32, %arg1: i32, %arg2: memref<10000x64xf32, #tpu.memory_space<hbm>>, %arg3: memref<10000x64xf32, #tpu.memory_space<hbm>>, %arg4: memref<16x160x125xi32, #tpu.memory_space<hbm>>, %arg5: memref<16x160x125xi32, #tpu.memory_space<hbm>>, %arg6: memref<2x10000x64xf32, #tpu.memory_space<hbm>>, %arg7: memref<160x125xi32, #tpu.memory_space<vmem>>, %arg8: memref<160x125xi32, #tpu.memory_space<vmem>>, %arg9: memref<125x64xf32, #tpu.memory_space<vmem>>, %arg10: memref<125x64xf32, #tpu.memory_space<vmem>>, %arg11: memref<125x64xf32, #tpu.memory_space<vmem>>, %arg12: memref<125x64xf32, #tpu.memory_space<vmem>>, %arg13: memref<10000x64xf32, #tpu.memory_space<vmem_shared>>, %arg14: memref<!tpu.dma_semaphore, #tpu.memory_space<semaphore_mem>>) attributes {dimension_semantics = [#tpu.dimension_semantics<core_parallel>, #tpu.dimension_semantics<subcore_parallel>], iteration_bounds = array<i64: 2, 16>, scalar_prefetch = 0 : i64, scratch_operands = 8 : i64, tpu.core_type = #tpu.core_type<sc_vector_subcore>, window_params = [{transform_indices = #map}, {transform_indices = #map}, {transform_indices = #map1}, {transform_indices = #map1}, {transform_indices = #map1}]} {
    %scan3A = arith.constant 0 : i32
    %scan3A_0 = arith.constant 0 : i32
    %scan3A_1 = arith.constant 125 : i32
    %scan3A_2 = arith.addi %scan3A_0, %scan3A_1 : i32
    %scan3A_3 = arith.constant 1 : i32
    scf.for %scan3A_81 = %scan3A_0 to %scan3A_2 step %scan3A_3  : i32 {
      %broadcast_in_dim3A = arith.constant 0.000000e+00 : f32
      %broadcast_in_dim3A_82 = vector.broadcast %broadcast_in_dim3A : f32 to vector<16xf32>
      %swap3A = arith.index_cast %scan3A_81 : i32 to index
      %swap3A_83 = arith.constant 0 : index
      %swap3A_84 = tpu.vector_load %arg9[%swap3A, %swap3A_83] {strides = array<i32>} : memref<125x64xf32, #tpu.memory_space<vmem>>, vector<1x16xf32>,
      %swap3A_85 = vector.shape_cast %swap3A_84 : vector<1x16xf32> to vector<16xf32>
      %swap3A_86 = vector.shape_cast %broadcast_in_dim3A_82 : vector<16xf32> to vector<1x16xf32>
      tpu.vector_store %arg9[%swap3A, %swap3A_83], %swap3A_86 {strides = array<i32>} : memref<125x64xf32, #tpu.memory_space<vmem>>, vector<1x16xf32>,
      %broadcast_in_dim3A_87 = arith.constant 0.000000e+00 : f32
      %broadcast_in_dim3A_88 = vector.broadcast %broadcast_in_dim3A_87 : f32 to vector<16xf32>
      %swap3A_89 = arith.index_cast %scan3A_81 : i32 to index
      %swap3A_90 = arith.constant 16 : index
      %swap3A_91 = tpu.vector_load %arg9[%swap3A_89, %swap3A_90] {strides = array<i32>} : memref<125x64xf32, #tpu.memory_space<vmem>>, vector<1x16xf32>,
      %swap3A_92 = vector.shape_cast %swap3A_91 : vector<1x16xf32> to vector<16xf32>
      %swap3A_93 = vector.shape_cast %broadcast_in_dim3A_88 : vector<16xf32> to vector<1x16xf32>
      tpu.vector_store %arg9[%swap3A_89, %swap3A_90], %swap3A_93 {strides = array<i32>} : memref<125x64xf32, #tpu.memory_space<vmem>>, vector<1x16xf32>,
      %broadcast_in_dim3A_94 = arith.constant 0.000000e+00 : f32
      %broadcast_in_dim3A_95 = vector.broadcast %broadcast_in_dim3A_94 : f32 to vector<16xf32>
      %swap3A_96 = arith.index_cast %scan3A_81 : i32 to index
      %swap3A_97 = arith.constant 32 : index
      %swap3A_98 = tpu.vector_load %arg9[%swap3A_96, %swap3A_97] {strides = array<i32>} : memref<125x64xf32, #tpu.memory_space<vmem>>, vector<1x16xf32>,
      %swap3A_99 = vector.shape_cast %swap3A_98 : vector<1x16xf32> to vector<16xf32>
      %swap3A_100 = vector.shape_cast %broadcast_in_dim3A_95 : vector<16xf32> to vector<1x16xf32>
      tpu.vector_store %arg9[%swap3A_96, %swap3A_97], %swap3A_100 {strides = array<i32>} : memref<125x64xf32, #tpu.memory_space<vmem>>, vector<1x16xf32>,
      %broadcast_in_dim3A_101 = arith.constant 0.000000e+00 : f32
      %broadcast_in_dim3A_102 = vector.broadcast %broadcast_in_dim3A_101 : f32 to vector<16xf32>
      %swap3A_103 = arith.index_cast %scan3A_81 : i32 to index
      %swap3A_104 = arith.constant 48 : index
      %swap3A_105 = tpu.vector_load %arg9[%swap3A_103, %swap3A_104] {strides = array<i32>} : memref<125x64xf32, #tpu.memory_space<vmem>>, vector<1x16xf32>,
      %swap3A_106 = vector.shape_cast %swap3A_105 : vector<1x16xf32> to vector<16xf32>
      %swap3A_107 = vector.shape_cast %broadcast_in_dim3A_102 : vector<16xf32> to vector<1x16xf32>
      tpu.vector_store %arg9[%swap3A_103, %swap3A_104], %swap3A_107 {strides = array<i32>} : memref<125x64xf32, #tpu.memory_space<vmem>>, vector<1x16xf32>,
    }
    %scan3A_4 = arith.constant 125 : i32
    %mul3A = arith.constant 624 : i32
    %mul3A_5 = arith.muli %arg1, %mul3A : i32
    %add3A = arith.constant 0 : i32
    %add3A_6 = arith.addi %mul3A_5, %add3A : i32
    "tpu.region"() ({
      %run_scoped3A = tpu.sem_alloc : memref<!tpu.dma_semaphore, #tpu.memory_space<semaphore_mem>>
      %dma_start3A = arith.constant 0 : i32
      %dma_start3A_81 = tpu.memref_slice %arg13[%add3A_6, %dma_start3A] : memref<10000x64xf32, #tpu.memory_space<vmem_shared>> -> memref<125x64xf32, #tpu.memory_space<vmem_shared>>
      %dma_start3A_82 = arith.constant 0 : i32
      %dma_start3A_83 = tpu.memref_slice %arg13[%add3A_6, %dma_start3A_82] : memref<10000x64xf32, #tpu.memory_space<vmem_shared>> -> memref<125x64xf32, #tpu.memory_space<vmem_shared>>
      tpu.enqueue_dma source(%arg9 : memref<125x64xf32, #tpu.memory_space<vmem>>) target(%dma_start3A_83 : memref<125x64xf32, #tpu.memory_space<vmem_shared>>) target_semaphore(%run_scoped3A : memref<!tpu.dma_semaphore, #tpu.memory_space<semaphore_mem>>)
      %dma_wait3A = arith.constant 0 : i32
      %dma_wait3A_84 = tpu.memref_slice %arg13[%add3A_6, %dma_wait3A] : memref<10000x64xf32, #tpu.memory_space<vmem_shared>> -> memref<125x64xf32, #tpu.memory_space<vmem_shared>>
      %dma_wait3A_85 = arith.constant 0 : i32
      %dma_wait3A_86 = tpu.memref_slice %arg13[%add3A_6, %dma_wait3A_85] : memref<10000x64xf32, #tpu.memory_space<vmem_shared>> -> memref<125x64xf32, #tpu.memory_space<vmem_shared>>
      tpu.wait_dma2 semaphore(%run_scoped3A : memref<!tpu.dma_semaphore, #tpu.memory_space<semaphore_mem>>) src(%arg9 : memref<125x64xf32, #tpu.memory_space<vmem>>) dst(%dma_wait3A_86 : memref<125x64xf32, #tpu.memory_space<vmem_shared>>)
      tpu.yield
    }) : () -> ()
    %mul3A_7 = arith.constant 624 : i32
    %mul3A_8 = arith.muli %arg1, %mul3A_7 : i32
    %add3A_9 = arith.constant 125 : i32
    %add3A_10 = arith.addi %mul3A_8, %add3A_9 : i32
    "tpu.region"() ({
      %run_scoped3A = tpu.sem_alloc : memref<!tpu.dma_semaphore, #tpu.memory_space<semaphore_mem>>
      %dma_start3A = arith.constant 0 : i32
      %dma_start3A_81 = tpu.memref_slice %arg13[%add3A_10, %dma_start3A] : memref<10000x64xf32, #tpu.memory_space<vmem_shared>> -> memref<125x64xf32, #tpu.memory_space<vmem_shared>>
      %dma_start3A_82 = arith.constant 0 : i32
      %dma_start3A_83 = tpu.memref_slice %arg13[%add3A_10, %dma_start3A_82] : memref<10000x64xf32, #tpu.memory_space<vmem_shared>> -> memref<125x64xf32, #tpu.memory_space<vmem_shared>>
      tpu.enqueue_dma source(%arg9 : memref<125x64xf32, #tpu.memory_space<vmem>>) target(%dma_start3A_83 : memref<125x64xf32, #tpu.memory_space<vmem_shared>>) target_semaphore(%run_scoped3A : memref<!tpu.dma_semaphore, #tpu.memory_space<semaphore_mem>>)
      %dma_wait3A = arith.constant 0 : i32
      %dma_wait3A_84 = tpu.memref_slice %arg13[%add3A_10, %dma_wait3A] : memref<10000x64xf32, #tpu.memory_space<vmem_shared>> -> memref<125x64xf32, #tpu.memory_space<vmem_shared>>
      %dma_wait3A_85 = arith.constant 0 : i32
      %dma_wait3A_86 = tpu.memref_slice %arg13[%add3A_10, %dma_wait3A_85] : memref<10000x64xf32, #tpu.memory_space<vmem_shared>> -> memref<125x64xf32, #tpu.memory_space<vmem_shared>>
      tpu.wait_dma2 semaphore(%run_scoped3A : memref<!tpu.dma_semaphore, #tpu.memory_space<semaphore_mem>>) src(%arg9 : memref<125x64xf32, #tpu.memory_space<vmem>>) dst(%dma_wait3A_86 : memref<125x64xf32, #tpu.memory_space<vmem_shared>>)
      tpu.yield
    }) : () -> ()
    %mul3A_11 = arith.constant 624 : i32
    %mul3A_12 = arith.muli %arg1, %mul3A_11 : i32
    %add3A_13 = arith.constant 250 : i32
    %add3A_14 = arith.addi %mul3A_12, %add3A_13 : i32
    "tpu.region"() ({
      %run_scoped3A = tpu.sem_alloc : memref<!tpu.dma_semaphore, #tpu.memory_space<semaphore_mem>>
      %dma_start3A = arith.constant 0 : i32
      %dma_start3A_81 = tpu.memref_slice %arg13[%add3A_14, %dma_start3A] : memref<10000x64xf32, #tpu.memory_space<vmem_shared>> -> memref<125x64xf32, #tpu.memory_space<vmem_shared>>
      %dma_start3A_82 = arith.constant 0 : i32
      %dma_start3A_83 = tpu.memref_slice %arg13[%add3A_14, %dma_start3A_82] : memref<10000x64xf32, #tpu.memory_space<vmem_shared>> -> memref<125x64xf32, #tpu.memory_space<vmem_shared>>
      tpu.enqueue_dma source(%arg9 : memref<125x64xf32, #tpu.memory_space<vmem>>) target(%dma_start3A_83 : memref<125x64xf32, #tpu.memory_space<vmem_shared>>) target_semaphore(%run_scoped3A : memref<!tpu.dma_semaphore, #tpu.memory_space<semaphore_mem>>)
      %dma_wait3A = arith.constant 0 : i32
      %dma_wait3A_84 = tpu.memref_slice %arg13[%add3A_14, %dma_wait3A] : memref<10000x64xf32, #tpu.memory_space<vmem_shared>> -> memref<125x64xf32, #tpu.memory_space<vmem_shared>>
      %dma_wait3A_85 = arith.constant 0 : i32
      %dma_wait3A_86 = tpu.memref_slice %arg13[%add3A_14, %dma_wait3A_85] : memref<10000x64xf32, #tpu.memory_space<vmem_shared>> -> memref<125x64xf32, #tpu.memory_space<vmem_shared>>
      tpu.wait_dma2 semaphore(%run_scoped3A : memref<!tpu.dma_semaphore, #tpu.memory_space<semaphore_mem>>) src(%arg9 : memref<125x64xf32, #tpu.memory_space<vmem>>) dst(%dma_wait3A_86 : memref<125x64xf32, #tpu.memory_space<vmem_shared>>)
      tpu.yield
    }) : () -> ()
    %mul3A_15 = arith.constant 624 : i32
    %mul3A_16 = arith.muli %arg1, %mul3A_15 : i32
    %add3A_17 = arith.constant 375 : i32
    %add3A_18 = arith.addi %mul3A_16, %add3A_17 : i32
    "tpu.region"() ({
      %run_scoped3A = tpu.sem_alloc : memref<!tpu.dma_semaphore, #tpu.memory_space<semaphore_mem>>
      %dma_start3A = arith.constant 0 : i32
      %dma_start3A_81 = tpu.memref_slice %arg13[%add3A_18, %dma_start3A] : memref<10000x64xf32, #tpu.memory_space<vmem_shared>> -> memref<125x64xf32, #tpu.memory_space<vmem_shared>>
      %dma_start3A_82 = arith.constant 0 : i32
      %dma_start3A_83 = tpu.memref_slice %arg13[%add3A_18, %dma_start3A_82] : memref<10000x64xf32, #tpu.memory_space<vmem_shared>> -> memref<125x64xf32, #tpu.memory_space<vmem_shared>>
      tpu.enqueue_dma source(%arg9 : memref<125x64xf32, #tpu.memory_space<vmem>>) target(%dma_start3A_83 : memref<125x64xf32, #tpu.memory_space<vmem_shared>>) target_semaphore(%run_scoped3A : memref<!tpu.dma_semaphore, #tpu.memory_space<semaphore_mem>>)
      %dma_wait3A = arith.constant 0 : i32
      %dma_wait3A_84 = tpu.memref_slice %arg13[%add3A_18, %dma_wait3A] : memref<10000x64xf32, #tpu.memory_space<vmem_shared>> -> memref<125x64xf32, #tpu.memory_space<vmem_shared>>
      %dma_wait3A_85 = arith.constant 0 : i32
      %dma_wait3A_86 = tpu.memref_slice %arg13[%add3A_18, %dma_wait3A_85] : memref<10000x64xf32, #tpu.memory_space<vmem_shared>> -> memref<125x64xf32, #tpu.memory_space<vmem_shared>>
      tpu.wait_dma2 semaphore(%run_scoped3A : memref<!tpu.dma_semaphore, #tpu.memory_space<semaphore_mem>>) src(%arg9 : memref<125x64xf32, #tpu.memory_space<vmem>>) dst(%dma_wait3A_86 : memref<125x64xf32, #tpu.memory_space<vmem_shared>>)
      tpu.yield
    }) : () -> ()
    %mul3A_19 = arith.constant 624 : i32
    %mul3A_20 = arith.muli %arg1, %mul3A_19 : i32
    %add3A_21 = arith.constant 500 : i32
    %add3A_22 = arith.addi %mul3A_20, %add3A_21 : i32
    "tpu.region"() ({
      %run_scoped3A = tpu.sem_alloc : memref<!tpu.dma_semaphore, #tpu.memory_space<semaphore_mem>>
      %dma_start3A = arith.constant 0 : i32
      %dma_start3A_81 = arith.constant 0 : i32
      %dma_start3A_82 = tpu.memref_slice %arg9[%dma_start3A, %dma_start3A_81] : memref<125x64xf32, #tpu.memory_space<vmem>> -> memref<124x64xf32, #tpu.memory_space<vmem>>
      %dma_start3A_83 = arith.constant 0 : i32
      %dma_start3A_84 = tpu.memref_slice %arg13[%add3A_22, %dma_start3A_83] : memref<10000x64xf32, #tpu.memory_space<vmem_shared>> -> memref<124x64xf32, #tpu.memory_space<vmem_shared>>
      %dma_start3A_85 = arith.constant 0 : i32
      %dma_start3A_86 = tpu.memref_slice %arg13[%add3A_22, %dma_start3A_85] : memref<10000x64xf32, #tpu.memory_space<vmem_shared>> -> memref<124x64xf32, #tpu.memory_space<vmem_shared>>
      %dma_start3A_87 = arith.constant 0 : i32
      %dma_start3A_88 = arith.constant 0 : i32
      %dma_start3A_89 = tpu.memref_slice %arg9[%dma_start3A_87, %dma_start3A_88] : memref<125x64xf32, #tpu.memory_space<vmem>> -> memref<124x64xf32, #tpu.memory_space<vmem>>
      tpu.enqueue_dma source(%dma_start3A_89 : memref<124x64xf32, #tpu.memory_space<vmem>>) target(%dma_start3A_86 : memref<124x64xf32, #tpu.memory_space<vmem_shared>>) target_semaphore(%run_scoped3A : memref<!tpu.dma_semaphore, #tpu.memory_space<semaphore_mem>>)
      %dma_wait3A = arith.constant 0 : i32
      %dma_wait3A_90 = arith.constant 0 : i32
      %dma_wait3A_91 = tpu.memref_slice %arg9[%dma_wait3A, %dma_wait3A_90] : memref<125x64xf32, #tpu.memory_space<vmem>> -> memref<124x64xf32, #tpu.memory_space<vmem>>
      %dma_wait3A_92 = arith.constant 0 : i32
      %dma_wait3A_93 = tpu.memref_slice %arg13[%add3A_22, %dma_wait3A_92] : memref<10000x64xf32, #tpu.memory_space<vmem_shared>> -> memref<124x64xf32, #tpu.memory_space<vmem_shared>>
      %dma_wait3A_94 = arith.constant 0 : i32
      %dma_wait3A_95 = tpu.memref_slice %arg13[%add3A_22, %dma_wait3A_94] : memref<10000x64xf32, #tpu.memory_space<vmem_shared>> -> memref<124x64xf32, #tpu.memory_space<vmem_shared>>
      %dma_wait3A_96 = arith.constant 0 : i32
      %dma_wait3A_97 = arith.constant 0 : i32
      %dma_wait3A_98 = tpu.memref_slice %arg9[%dma_wait3A_96, %dma_wait3A_97] : memref<125x64xf32, #tpu.memory_space<vmem>> -> memref<124x64xf32, #tpu.memory_space<vmem>>
      tpu.wait_dma2 semaphore(%run_scoped3A : memref<!tpu.dma_semaphore, #tpu.memory_space<semaphore_mem>>) src(%dma_wait3A_98 : memref<124x64xf32, #tpu.memory_space<vmem>>) dst(%dma_wait3A_95 : memref<124x64xf32, #tpu.memory_space<vmem_shared>>)
      tpu.yield
    }) : () -> ()
    %eq3A = arith.constant 0 : i32
    %eq3A_23 = arith.cmpi eq, %arg1, %eq3A : i32
    %convert_element_type3A = arith.extui %eq3A_23 : i1 to i32
    %cond3A = arith.constant 0 : i32
    %cond3A_24 = arith.cmpi ne, %convert_element_type3A, %cond3A : i32
    scf.if %cond3A_24 {
      "tpu.region"() ({
        %run_scoped3A = tpu.sem_alloc : memref<!tpu.dma_semaphore, #tpu.memory_space<semaphore_mem>>
        %dma_start3A = arith.constant 0 : i32
        %dma_start3A_81 = arith.constant 0 : i32
        %dma_start3A_82 = tpu.memref_slice %arg9[%dma_start3A, %dma_start3A_81] : memref<125x64xf32, #tpu.memory_space<vmem>> -> memref<16x64xf32, #tpu.memory_space<vmem>>
        %dma_start3A_83 = arith.constant 9984 : i32
        %dma_start3A_84 = arith.constant 0 : i32
        %dma_start3A_85 = tpu.memref_slice %arg13[%dma_start3A_83, %dma_start3A_84] : memref<10000x64xf32, #tpu.memory_space<vmem_shared>> -> memref<16x64xf32, #tpu.memory_space<vmem_shared>>
        %dma_start3A_86 = arith.constant 9984 : i32
        %dma_start3A_87 = arith.constant 0 : i32
        %dma_start3A_88 = tpu.memref_slice %arg13[%dma_start3A_86, %dma_start3A_87] : memref<10000x64xf32, #tpu.memory_space<vmem_shared>> -> memref<16x64xf32, #tpu.memory_space<vmem_shared>>
        %dma_start3A_89 = arith.constant 0 : i32
        %dma_start3A_90 = arith.constant 0 : i32
        %dma_start3A_91 = tpu.memref_slice %arg9[%dma_start3A_89, %dma_start3A_90] : memref<125x64xf32, #tpu.memory_space<vmem>> -> memref<16x64xf32, #tpu.memory_space<vmem>>
        tpu.enqueue_dma source(%dma_start3A_91 : memref<16x64xf32, #tpu.memory_space<vmem>>) target(%dma_start3A_88 : memref<16x64xf32, #tpu.memory_space<vmem_shared>>) target_semaphore(%run_scoped3A : memref<!tpu.dma_semaphore, #tpu.memory_space<semaphore_mem>>)
        %dma_wait3A = arith.constant 0 : i32
        %dma_wait3A_92 = arith.constant 0 : i32
        %dma_wait3A_93 = tpu.memref_slice %arg9[%dma_wait3A, %dma_wait3A_92] : memref<125x64xf32, #tpu.memory_space<vmem>> -> memref<16x64xf32, #tpu.memory_space<vmem>>
        %dma_wait3A_94 = arith.constant 9984 : i32
        %dma_wait3A_95 = arith.constant 0 : i32
        %dma_wait3A_96 = tpu.memref_slice %arg13[%dma_wait3A_94, %dma_wait3A_95] : memref<10000x64xf32, #tpu.memory_space<vmem_shared>> -> memref<16x64xf32, #tpu.memory_space<vmem_shared>>
        %dma_wait3A_97 = arith.constant 9984 : i32
        %dma_wait3A_98 = arith.constant 0 : i32
        %dma_wait3A_99 = tpu.memref_slice %arg13[%dma_wait3A_97, %dma_wait3A_98] : memref<10000x64xf32, #tpu.memory_space<vmem_shared>> -> memref<16x64xf32, #tpu.memory_space<vmem_shared>>
        %dma_wait3A_100 = arith.constant 0 : i32
        %dma_wait3A_101 = arith.constant 0 : i32
        %dma_wait3A_102 = tpu.memref_slice %arg9[%dma_wait3A_100, %dma_wait3A_101] : memref<125x64xf32, #tpu.memory_space<vmem>> -> memref<16x64xf32, #tpu.memory_space<vmem>>
        tpu.wait_dma2 semaphore(%run_scoped3A : memref<!tpu.dma_semaphore, #tpu.memory_space<semaphore_mem>>) src(%dma_wait3A_102 : memref<16x64xf32, #tpu.memory_space<vmem>>) dst(%dma_wait3A_99 : memref<16x64xf32, #tpu.memory_space<vmem_shared>>)
        tpu.yield
      }) : () -> ()
    } else {
    }
    "tpu.region"() ({
      %run_scoped3A = tpu.sem_alloc : memref<!tpu.dma_semaphore, #tpu.memory_space<semaphore_mem>>
      %dma_start3A = arith.constant 0 : i32
      %dma_start3A_81 = arith.constant 0 : i32
      %dma_start3A_82 = tpu.memref_slice %arg4[%arg1, %dma_start3A, %dma_start3A_81] : memref<16x160x125xi32, #tpu.memory_space<hbm>> -> memref<1x160x125xi32, #tpu.memory_space<hbm>>
      %dma_start3A_83 = tpu.memref_squeeze %dma_start3A_82 : memref<1x160x125xi32, #tpu.memory_space<hbm>> -> memref<160x125xi32, #tpu.memory_space<hbm>>
      %dma_start3A_84 = arith.constant 0 : i32
      %dma_start3A_85 = arith.constant 0 : i32
      %dma_start3A_86 = tpu.memref_slice %arg4[%arg1, %dma_start3A_84, %dma_start3A_85] : memref<16x160x125xi32, #tpu.memory_space<hbm>> -> memref<1x160x125xi32, #tpu.memory_space<hbm>>
      %dma_start3A_87 = tpu.memref_squeeze %dma_start3A_86 : memref<1x160x125xi32, #tpu.memory_space<hbm>> -> memref<160x125xi32, #tpu.memory_space<hbm>>
      tpu.enqueue_dma source(%dma_start3A_87 : memref<160x125xi32, #tpu.memory_space<hbm>>) target(%arg7 : memref<160x125xi32, #tpu.memory_space<vmem>>) target_semaphore(%run_scoped3A : memref<!tpu.dma_semaphore, #tpu.memory_space<semaphore_mem>>)
      %dma_wait3A = arith.constant 0 : i32
      %dma_wait3A_88 = arith.constant 0 : i32
      %dma_wait3A_89 = tpu.memref_slice %arg4[%arg1, %dma_wait3A, %dma_wait3A_88] : memref<16x160x125xi32, #tpu.memory_space<hbm>> -> memref<1x160x125xi32, #tpu.memory_space<hbm>>
      %dma_wait3A_90 = tpu.memref_squeeze %dma_wait3A_89 : memref<1x160x125xi32, #tpu.memory_space<hbm>> -> memref<160x125xi32, #tpu.memory_space<hbm>>
      %dma_wait3A_91 = arith.constant 0 : i32
      %dma_wait3A_92 = arith.constant 0 : i32
      %dma_wait3A_93 = tpu.memref_slice %arg4[%arg1, %dma_wait3A_91, %dma_wait3A_92] : memref<16x160x125xi32, #tpu.memory_space<hbm>> -> memref<1x160x125xi32, #tpu.memory_space<hbm>>
      %dma_wait3A_94 = tpu.memref_squeeze %dma_wait3A_93 : memref<1x160x125xi32, #tpu.memory_space<hbm>> -> memref<160x125xi32, #tpu.memory_space<hbm>>
      tpu.wait_dma2 semaphore(%run_scoped3A : memref<!tpu.dma_semaphore, #tpu.memory_space<semaphore_mem>>) src(%dma_wait3A_94 : memref<160x125xi32, #tpu.memory_space<hbm>>) dst(%arg7 : memref<160x125xi32, #tpu.memory_space<vmem>>)
      tpu.yield
    }) : () -> ()
    "tpu.region"() ({
      %run_scoped3A = tpu.sem_alloc : memref<!tpu.dma_semaphore, #tpu.memory_space<semaphore_mem>>
      %dma_start3A = arith.constant 0 : i32
      %dma_start3A_81 = arith.constant 0 : i32
      %dma_start3A_82 = tpu.memref_slice %arg5[%arg1, %dma_start3A, %dma_start3A_81] : memref<16x160x125xi32, #tpu.memory_space<hbm>> -> memref<1x160x125xi32, #tpu.memory_space<hbm>>
      %dma_start3A_83 = tpu.memref_squeeze %dma_start3A_82 : memref<1x160x125xi32, #tpu.memory_space<hbm>> -> memref<160x125xi32, #tpu.memory_space<hbm>>
      %dma_start3A_84 = arith.constant 0 : i32
      %dma_start3A_85 = arith.constant 0 : i32
      %dma_start3A_86 = tpu.memref_slice %arg5[%arg1, %dma_start3A_84, %dma_start3A_85] : memref<16x160x125xi32, #tpu.memory_space<hbm>> -> memref<1x160x125xi32, #tpu.memory_space<hbm>>
      %dma_start3A_87 = tpu.memref_squeeze %dma_start3A_86 : memref<1x160x125xi32, #tpu.memory_space<hbm>> -> memref<160x125xi32, #tpu.memory_space<hbm>>
      tpu.enqueue_dma source(%dma_start3A_87 : memref<160x125xi32, #tpu.memory_space<hbm>>) target(%arg8 : memref<160x125xi32, #tpu.memory_space<vmem>>) target_semaphore(%run_scoped3A : memref<!tpu.dma_semaphore, #tpu.memory_space<semaphore_mem>>)
      %dma_wait3A = arith.constant 0 : i32
      %dma_wait3A_88 = arith.constant 0 : i32
      %dma_wait3A_89 = tpu.memref_slice %arg5[%arg1, %dma_wait3A, %dma_wait3A_88] : memref<16x160x125xi32, #tpu.memory_space<hbm>> -> memref<1x160x125xi32, #tpu.memory_space<hbm>>
      %dma_wait3A_90 = tpu.memref_squeeze %dma_wait3A_89 : memref<1x160x125xi32, #tpu.memory_space<hbm>> -> memref<160x125xi32, #tpu.memory_space<hbm>>
      %dma_wait3A_91 = arith.constant 0 : i32
      %dma_wait3A_92 = arith.constant 0 : i32
      %dma_wait3A_93 = tpu.memref_slice %arg5[%arg1, %dma_wait3A_91, %dma_wait3A_92] : memref<16x160x125xi32, #tpu.memory_space<hbm>> -> memref<1x160x125xi32, #tpu.memory_space<hbm>>
      %dma_wait3A_94 = tpu.memref_squeeze %dma_wait3A_93 : memref<1x160x125xi32, #tpu.memory_space<hbm>> -> memref<160x125xi32, #tpu.memory_space<hbm>>
      tpu.wait_dma2 semaphore(%run_scoped3A : memref<!tpu.dma_semaphore, #tpu.memory_space<semaphore_mem>>) src(%dma_wait3A_94 : memref<160x125xi32, #tpu.memory_space<hbm>>) dst(%arg8 : memref<160x125xi32, #tpu.memory_space<vmem>>)
      tpu.yield
    }) : () -> ()
    %barrier3A = arith.constant 0 : index
    tpu.barrier barrier_id(%barrier3A)
    %eq3A_25 = arith.constant 0 : i32
    %eq3A_26 = arith.cmpi eq, %arg0, %eq3A_25 : i32
    %convert_element_type3A_27 = arith.extui %eq3A_26 : i1 to i32
    %cond3A_28 = arith.constant 0 : i32
    %cond3A_29 = arith.cmpi ne, %convert_element_type3A_27, %cond3A_28 : i32
    scf.if %cond3A_29 {
      %dma_start3A = arith.constant 0 : i32
      %dma_start3A_81 = arith.constant 0 : i32
      %dma_start3A_82 = tpu.memref_slice %arg7[%dma_start3A, %dma_start3A_81] : memref<160x125xi32, #tpu.memory_space<vmem>> -> memref<1x125xi32, #tpu.memory_space<vmem>>
      %dma_start3A_83 = tpu.memref_squeeze %dma_start3A_82 : memref<1x125xi32, #tpu.memory_space<vmem>> -> memref<125xi32, #tpu.memory_space<vmem>>
      %dma_start3A_84 = arith.constant 0 : i32
      %dma_start3A_85 = arith.constant 0 : i32
      %dma_start3A_86 = tpu.memref_slice %arg2[%dma_start3A_84, %dma_start3A_85] : memref<10000x64xf32, #tpu.memory_space<hbm>> -> memref<10000x64xf32, #tpu.memory_space<hbm>>
      tpu.enqueue_indirect_dma source(%dma_start3A_86 : memref<10000x64xf32, #tpu.memory_space<hbm>>) target(%arg9 : memref<125x64xf32, #tpu.memory_space<vmem>>) offsets(%dma_start3A_83 : memref<125xi32, #tpu.memory_space<vmem>>) semaphore(%arg14 : memref<!tpu.dma_semaphore, #tpu.memory_space<semaphore_mem>>)
      %dma_start3A_87 = arith.constant 1 : i32
      %dma_start3A_88 = arith.constant 0 : i32
      %dma_start3A_89 = tpu.memref_slice %arg7[%dma_start3A_87, %dma_start3A_88] : memref<160x125xi32, #tpu.memory_space<vmem>> -> memref<1x125xi32, #tpu.memory_space<vmem>>
      %dma_start3A_90 = tpu.memref_squeeze %dma_start3A_89 : memref<1x125xi32, #tpu.memory_space<vmem>> -> memref<125xi32, #tpu.memory_space<vmem>>
      %dma_start3A_91 = arith.constant 0 : i32
      %dma_start3A_92 = arith.constant 0 : i32
      %dma_start3A_93 = tpu.memref_slice %arg2[%dma_start3A_91, %dma_start3A_92] : memref<10000x64xf32, #tpu.memory_space<hbm>> -> memref<10000x64xf32, #tpu.memory_space<hbm>>
      tpu.enqueue_indirect_dma source(%dma_start3A_93 : memref<10000x64xf32, #tpu.memory_space<hbm>>) target(%arg10 : memref<125x64xf32, #tpu.memory_space<vmem>>) offsets(%dma_start3A_90 : memref<125xi32, #tpu.memory_space<vmem>>) semaphore(%arg14 : memref<!tpu.dma_semaphore, #tpu.memory_space<semaphore_mem>>)
      %dma_start3A_94 = arith.constant 2 : i32
      %dma_start3A_95 = arith.constant 0 : i32
      %dma_start3A_96 = tpu.memref_slice %arg7[%dma_start3A_94, %dma_start3A_95] : memref<160x125xi32, #tpu.memory_space<vmem>> -> memref<1x125xi32, #tpu.memory_space<vmem>>
      %dma_start3A_97 = tpu.memref_squeeze %dma_start3A_96 : memref<1x125xi32, #tpu.memory_space<vmem>> -> memref<125xi32, #tpu.memory_space<vmem>>
      %dma_start3A_98 = arith.constant 0 : i32
      %dma_start3A_99 = arith.constant 0 : i32
      %dma_start3A_100 = tpu.memref_slice %arg2[%dma_start3A_98, %dma_start3A_99] : memref<10000x64xf32, #tpu.memory_space<hbm>> -> memref<10000x64xf32, #tpu.memory_space<hbm>>
      tpu.enqueue_indirect_dma source(%dma_start3A_100 : memref<10000x64xf32, #tpu.memory_space<hbm>>) target(%arg11 : memref<125x64xf32, #tpu.memory_space<vmem>>) offsets(%dma_start3A_97 : memref<125xi32, #tpu.memory_space<vmem>>) semaphore(%arg14 : memref<!tpu.dma_semaphore, #tpu.memory_space<semaphore_mem>>)
      %dma_start3A_101 = arith.constant 3 : i32
      %dma_start3A_102 = arith.constant 0 : i32
      %dma_start3A_103 = tpu.memref_slice %arg7[%dma_start3A_101, %dma_start3A_102] : memref<160x125xi32, #tpu.memory_space<vmem>> -> memref<1x125xi32, #tpu.memory_space<vmem>>
      %dma_start3A_104 = tpu.memref_squeeze %dma_start3A_103 : memref<1x125xi32, #tpu.memory_space<vmem>> -> memref<125xi32, #tpu.memory_space<vmem>>
      %dma_start3A_105 = arith.constant 0 : i32
      %dma_start3A_106 = arith.constant 0 : i32
      %dma_start3A_107 = tpu.memref_slice %arg2[%dma_start3A_105, %dma_start3A_106] : memref<10000x64xf32, #tpu.memory_space<hbm>> -> memref<10000x64xf32, #tpu.memory_space<hbm>>
      tpu.enqueue_indirect_dma source(%dma_start3A_107 : memref<10000x64xf32, #tpu.memory_space<hbm>>) target(%arg12 : memref<125x64xf32, #tpu.memory_space<vmem>>) offsets(%dma_start3A_104 : memref<125xi32, #tpu.memory_space<vmem>>) semaphore(%arg14 : memref<!tpu.dma_semaphore, #tpu.memory_space<semaphore_mem>>)
      %scan3A_108 = arith.constant 0 : i32
      %scan3A_109 = arith.constant 0 : i32
      %scan3A_110 = arith.constant 40 : i32
      %scan3A_111 = arith.addi %scan3A_109, %scan3A_110 : i32
      %scan3A_112 = arith.constant 1 : i32
      scf.for %scan3A_114 = %scan3A_109 to %scan3A_111 step %scan3A_112  : i32 {
        %mul3A_115 = arith.constant 4 : i32
        %mul3A_116 = arith.muli %scan3A_114, %mul3A_115 : i32
        %add3A_117 = arith.constant 0 : i32
        %add3A_118 = arith.addi %mul3A_116, %add3A_117 : i32
        %dma_wait3A = arith.constant 0 : i32
        %dma_wait3A_119 = tpu.memref_slice %arg7[%add3A_118, %dma_wait3A] : memref<160x125xi32, #tpu.memory_space<vmem>> -> memref<1x125xi32, #tpu.memory_space<vmem>>
        %dma_wait3A_120 = tpu.memref_squeeze %dma_wait3A_119 : memref<1x125xi32, #tpu.memory_space<vmem>> -> memref<125xi32, #tpu.memory_space<vmem>>
        %dma_wait3A_121 = arith.constant 0 : i32
        %dma_wait3A_122 = arith.constant 0 : i32
        %dma_wait3A_123 = tpu.memref_slice %arg2[%dma_wait3A_121, %dma_wait3A_122] : memref<10000x64xf32, #tpu.memory_space<hbm>> -> memref<10000x64xf32, #tpu.memory_space<hbm>>
        tpu.wait_indirect_dma semaphore(%arg14 : memref<!tpu.dma_semaphore, #tpu.memory_space<semaphore_mem>>) src(%dma_wait3A_123 : memref<10000x64xf32, #tpu.memory_space<hbm>>) dst(%arg9 : memref<125x64xf32, #tpu.memory_space<vmem>>)
        "tpu.region"() ({
          %run_scoped3A = tpu.sem_alloc : memref<!tpu.dma_semaphore, #tpu.memory_space<semaphore_mem>>
          %dma_start3A_181 = arith.constant 0 : i32
          %dma_start3A_182 = tpu.memref_slice %arg8[%add3A_118, %dma_start3A_181] : memref<160x125xi32, #tpu.memory_space<vmem>> -> memref<1x125xi32, #tpu.memory_space<vmem>>
          %dma_start3A_183 = tpu.memref_squeeze %dma_start3A_182 : memref<1x125xi32, #tpu.memory_space<vmem>> -> memref<125xi32, #tpu.memory_space<vmem>>
          %dma_start3A_184 = arith.constant 0 : i32
          %dma_start3A_185 = arith.constant 0 : i32
          %dma_start3A_186 = tpu.memref_slice %arg13[%dma_start3A_184, %dma_start3A_185] : memref<10000x64xf32, #tpu.memory_space<vmem_shared>> -> memref<10000x64xf32, #tpu.memory_space<vmem_shared>>
          tpu.enqueue_indirect_dma source(%arg9 : memref<125x64xf32, #tpu.memory_space<vmem>>) target(%dma_start3A_186 : memref<10000x64xf32, #tpu.memory_space<vmem_shared>>) offsets(%dma_start3A_183 : memref<125xi32, #tpu.memory_space<vmem>>) semaphore(%run_scoped3A : memref<!tpu.dma_semaphore, #tpu.memory_space<semaphore_mem>>) {add = true}
          %dma_wait3A_187 = arith.constant 0 : i32
          %dma_wait3A_188 = tpu.memref_slice %arg8[%add3A_118, %dma_wait3A_187] : memref<160x125xi32, #tpu.memory_space<vmem>> -> memref<1x125xi32, #tpu.memory_space<vmem>>
          %dma_wait3A_189 = tpu.memref_squeeze %dma_wait3A_188 : memref<1x125xi32, #tpu.memory_space<vmem>> -> memref<125xi32, #tpu.memory_space<vmem>>
          %dma_wait3A_190 = arith.constant 0 : i32
          %dma_wait3A_191 = arith.constant 0 : i32
          %dma_wait3A_192 = tpu.memref_slice %arg13[%dma_wait3A_190, %dma_wait3A_191] : memref<10000x64xf32, #tpu.memory_space<vmem_shared>> -> memref<10000x64xf32, #tpu.memory_space<vmem_shared>>
          tpu.wait_indirect_dma semaphore(%run_scoped3A : memref<!tpu.dma_semaphore, #tpu.memory_space<semaphore_mem>>) src(%arg9 : memref<125x64xf32, #tpu.memory_space<vmem>>) dst(%dma_wait3A_192 : memref<10000x64xf32, #tpu.memory_space<vmem_shared>>)
          tpu.yield
        }) : () -> ()
        %add3A_124 = arith.constant 4 : i32
        %add3A_125 = arith.addi %add3A_118, %add3A_124 : i32
        %lt3A = arith.constant 160 : i32
        %lt3A_126 = arith.cmpi slt, %add3A_125, %lt3A : i32
        %convert_element_type3A_127 = arith.extui %lt3A_126 : i1 to i32
        %cond3A_128 = arith.constant 0 : i32
        %cond3A_129 = arith.cmpi ne, %convert_element_type3A_127, %cond3A_128 : i32
        scf.if %cond3A_129 {
          %add3A_181 = arith.constant 4 : i32
          %add3A_182 = arith.addi %add3A_118, %add3A_181 : i32
          %dma_start3A_183 = arith.constant 0 : i32
          %dma_start3A_184 = tpu.memref_slice %arg7[%add3A_182, %dma_start3A_183] : memref<160x125xi32, #tpu.memory_space<vmem>> -> memref<1x125xi32, #tpu.memory_space<vmem>>
          %dma_start3A_185 = tpu.memref_squeeze %dma_start3A_184 : memref<1x125xi32, #tpu.memory_space<vmem>> -> memref<125xi32, #tpu.memory_space<vmem>>
          %dma_start3A_186 = arith.constant 0 : i32
          %dma_start3A_187 = arith.constant 0 : i32
          %dma_start3A_188 = tpu.memref_slice %arg2[%dma_start3A_186, %dma_start3A_187] : memref<10000x64xf32, #tpu.memory_space<hbm>> -> memref<10000x64xf32, #tpu.memory_space<hbm>>
          tpu.enqueue_indirect_dma source(%dma_start3A_188 : memref<10000x64xf32, #tpu.memory_space<hbm>>) target(%arg9 : memref<125x64xf32, #tpu.memory_space<vmem>>) offsets(%dma_start3A_185 : memref<125xi32, #tpu.memory_space<vmem>>) semaphore(%arg14 : memref<!tpu.dma_semaphore, #tpu.memory_space<semaphore_mem>>)
        } else {
        }
        %mul3A_130 = arith.constant 4 : i32
        %mul3A_131 = arith.muli %scan3A_114, %mul3A_130 : i32
        %add3A_132 = arith.constant 1 : i32
        %add3A_133 = arith.addi %mul3A_131, %add3A_132 : i32
        %dma_wait3A_134 = arith.constant 0 : i32
        %dma_wait3A_135 = tpu.memref_slice %arg7[%add3A_133, %dma_wait3A_134] : memref<160x125xi32, #tpu.memory_space<vmem>> -> memref<1x125xi32, #tpu.memory_space<vmem>>
        %dma_wait3A_136 = tpu.memref_squeeze %dma_wait3A_135 : memref<1x125xi32, #tpu.memory_space<vmem>> -> memref<125xi32, #tpu.memory_space<vmem>>
        %dma_wait3A_137 = arith.constant 0 : i32
        %dma_wait3A_138 = arith.constant 0 : i32
        %dma_wait3A_139 = tpu.memref_slice %arg2[%dma_wait3A_137, %dma_wait3A_138] : memref<10000x64xf32, #tpu.memory_space<hbm>> -> memref<10000x64xf32, #tpu.memory_space<hbm>>
        tpu.wait_indirect_dma semaphore(%arg14 : memref<!tpu.dma_semaphore, #tpu.memory_space<semaphore_mem>>) src(%dma_wait3A_139 : memref<10000x64xf32, #tpu.memory_space<hbm>>) dst(%arg10 : memref<125x64xf32, #tpu.memory_space<vmem>>)
        "tpu.region"() ({
          %run_scoped3A = tpu.sem_alloc : memref<!tpu.dma_semaphore, #tpu.memory_space<semaphore_mem>>
          %dma_start3A_181 = arith.constant 0 : i32
          %dma_start3A_182 = tpu.memref_slice %arg8[%add3A_133, %dma_start3A_181] : memref<160x125xi32, #tpu.memory_space<vmem>> -> memref<1x125xi32, #tpu.memory_space<vmem>>
          %dma_start3A_183 = tpu.memref_squeeze %dma_start3A_182 : memref<1x125xi32, #tpu.memory_space<vmem>> -> memref<125xi32, #tpu.memory_space<vmem>>
          %dma_start3A_184 = arith.constant 0 : i32
          %dma_start3A_185 = arith.constant 0 : i32
          %dma_start3A_186 = tpu.memref_slice %arg13[%dma_start3A_184, %dma_start3A_185] : memref<10000x64xf32, #tpu.memory_space<vmem_shared>> -> memref<10000x64xf32, #tpu.memory_space<vmem_shared>>
          tpu.enqueue_indirect_dma source(%arg10 : memref<125x64xf32, #tpu.memory_space<vmem>>) target(%dma_start3A_186 : memref<10000x64xf32, #tpu.memory_space<vmem_shared>>) offsets(%dma_start3A_183 : memref<125xi32, #tpu.memory_space<vmem>>) semaphore(%run_scoped3A : memref<!tpu.dma_semaphore, #tpu.memory_space<semaphore_mem>>) {add = true}
          %dma_wait3A_187 = arith.constant 0 : i32
          %dma_wait3A_188 = tpu.memref_slice %arg8[%add3A_133, %dma_wait3A_187] : memref<160x125xi32, #tpu.memory_space<vmem>> -> memref<1x125xi32, #tpu.memory_space<vmem>>
          %dma_wait3A_189 = tpu.memref_squeeze %dma_wait3A_188 : memref<1x125xi32, #tpu.memory_space<vmem>> -> memref<125xi32, #tpu.memory_space<vmem>>
          %dma_wait3A_190 = arith.constant 0 : i32
          %dma_wait3A_191 = arith.constant 0 : i32
          %dma_wait3A_192 = tpu.memref_slice %arg13[%dma_wait3A_190, %dma_wait3A_191] : memref<10000x64xf32, #tpu.memory_space<vmem_shared>> -> memref<10000x64xf32, #tpu.memory_space<vmem_shared>>
          tpu.wait_indirect_dma semaphore(%run_scoped3A : memref<!tpu.dma_semaphore, #tpu.memory_space<semaphore_mem>>) src(%arg10 : memref<125x64xf32, #tpu.memory_space<vmem>>) dst(%dma_wait3A_192 : memref<10000x64xf32, #tpu.memory_space<vmem_shared>>)
          tpu.yield
        }) : () -> ()
        %add3A_140 = arith.constant 4 : i32
        %add3A_141 = arith.addi %add3A_133, %add3A_140 : i32
        %lt3A_142 = arith.constant 160 : i32
        %lt3A_143 = arith.cmpi slt, %add3A_141, %lt3A_142 : i32
        %convert_element_type3A_144 = arith.extui %lt3A_143 : i1 to i32
        %cond3A_145 = arith.constant 0 : i32
        %cond3A_146 = arith.cmpi ne, %convert_element_type3A_144, %cond3A_145 : i32
        scf.if %cond3A_146 {
          %add3A_181 = arith.constant 4 : i32
          %add3A_182 = arith.addi %add3A_133, %add3A_181 : i32
          %dma_start3A_183 = arith.constant 0 : i32
          %dma_start3A_184 = tpu.memref_slice %arg7[%add3A_182, %dma_start3A_183] : memref<160x125xi32, #tpu.memory_space<vmem>> -> memref<1x125xi32, #tpu.memory_space<vmem>>
          %dma_start3A_185 = tpu.memref_squeeze %dma_start3A_184 : memref<1x125xi32, #tpu.memory_space<vmem>> -> memref<125xi32, #tpu.memory_space<vmem>>
          %dma_start3A_186 = arith.constant 0 : i32
          %dma_start3A_187 = arith.constant 0 : i32
          %dma_start3A_188 = tpu.memref_slice %arg2[%dma_start3A_186, %dma_start3A_187] : memref<10000x64xf32, #tpu.memory_space<hbm>> -> memref<10000x64xf32, #tpu.memory_space<hbm>>
          tpu.enqueue_indirect_dma source(%dma_start3A_188 : memref<10000x64xf32, #tpu.memory_space<hbm>>) target(%arg10 : memref<125x64xf32, #tpu.memory_space<vmem>>) offsets(%dma_start3A_185 : memref<125xi32, #tpu.memory_space<vmem>>) semaphore(%arg14 : memref<!tpu.dma_semaphore, #tpu.memory_space<semaphore_mem>>)
        } else {
        }
        %mul3A_147 = arith.constant 4 : i32
        %mul3A_148 = arith.muli %scan3A_114, %mul3A_147 : i32
        %add3A_149 = arith.constant 2 : i32
        %add3A_150 = arith.addi %mul3A_148, %add3A_149 : i32
        %dma_wait3A_151 = arith.constant 0 : i32
        %dma_wait3A_152 = tpu.memref_slice %arg7[%add3A_150, %dma_wait3A_151] : memref<160x125xi32, #tpu.memory_space<vmem>> -> memref<1x125xi32, #tpu.memory_space<vmem>>
        %dma_wait3A_153 = tpu.memref_squeeze %dma_wait3A_152 : memref<1x125xi32, #tpu.memory_space<vmem>> -> memref<125xi32, #tpu.memory_space<vmem>>
        %dma_wait3A_154 = arith.constant 0 : i32
        %dma_wait3A_155 = arith.constant 0 : i32
        %dma_wait3A_156 = tpu.memref_slice %arg2[%dma_wait3A_154, %dma_wait3A_155] : memref<10000x64xf32, #tpu.memory_space<hbm>> -> memref<10000x64xf32, #tpu.memory_space<hbm>>
        tpu.wait_indirect_dma semaphore(%arg14 : memref<!tpu.dma_semaphore, #tpu.memory_space<semaphore_mem>>) src(%dma_wait3A_156 : memref<10000x64xf32, #tpu.memory_space<hbm>>) dst(%arg11 : memref<125x64xf32, #tpu.memory_space<vmem>>)
        "tpu.region"() ({
          %run_scoped3A = tpu.sem_alloc : memref<!tpu.dma_semaphore, #tpu.memory_space<semaphore_mem>>
          %dma_start3A_181 = arith.constant 0 : i32
          %dma_start3A_182 = tpu.memref_slice %arg8[%add3A_150, %dma_start3A_181] : memref<160x125xi32, #tpu.memory_space<vmem>> -> memref<1x125xi32, #tpu.memory_space<vmem>>
          %dma_start3A_183 = tpu.memref_squeeze %dma_start3A_182 : memref<1x125xi32, #tpu.memory_space<vmem>> -> memref<125xi32, #tpu.memory_space<vmem>>
          %dma_start3A_184 = arith.constant 0 : i32
          %dma_start3A_185 = arith.constant 0 : i32
          %dma_start3A_186 = tpu.memref_slice %arg13[%dma_start3A_184, %dma_start3A_185] : memref<10000x64xf32, #tpu.memory_space<vmem_shared>> -> memref<10000x64xf32, #tpu.memory_space<vmem_shared>>
          tpu.enqueue_indirect_dma source(%arg11 : memref<125x64xf32, #tpu.memory_space<vmem>>) target(%dma_start3A_186 : memref<10000x64xf32, #tpu.memory_space<vmem_shared>>) offsets(%dma_start3A_183 : memref<125xi32, #tpu.memory_space<vmem>>) semaphore(%run_scoped3A : memref<!tpu.dma_semaphore, #tpu.memory_space<semaphore_mem>>) {add = true}
          %dma_wait3A_187 = arith.constant 0 : i32
          %dma_wait3A_188 = tpu.memref_slice %arg8[%add3A_150, %dma_wait3A_187] : memref<160x125xi32, #tpu.memory_space<vmem>> -> memref<1x125xi32, #tpu.memory_space<vmem>>
          %dma_wait3A_189 = tpu.memref_squeeze %dma_wait3A_188 : memref<1x125xi32, #tpu.memory_space<vmem>> -> memref<125xi32, #tpu.memory_space<vmem>>
          %dma_wait3A_190 = arith.constant 0 : i32
          %dma_wait3A_191 = arith.constant 0 : i32
          %dma_wait3A_192 = tpu.memref_slice %arg13[%dma_wait3A_190, %dma_wait3A_191] : memref<10000x64xf32, #tpu.memory_space<vmem_shared>> -> memref<10000x64xf32, #tpu.memory_space<vmem_shared>>
          tpu.wait_indirect_dma semaphore(%run_scoped3A : memref<!tpu.dma_semaphore, #tpu.memory_space<semaphore_mem>>) src(%arg11 : memref<125x64xf32, #tpu.memory_space<vmem>>) dst(%dma_wait3A_192 : memref<10000x64xf32, #tpu.memory_space<vmem_shared>>)
          tpu.yield
        }) : () -> ()
        %add3A_157 = arith.constant 4 : i32
        %add3A_158 = arith.addi %add3A_150, %add3A_157 : i32
        %lt3A_159 = arith.constant 160 : i32
        %lt3A_160 = arith.cmpi slt, %add3A_158, %lt3A_159 : i32
        %convert_element_type3A_161 = arith.extui %lt3A_160 : i1 to i32
        %cond3A_162 = arith.constant 0 : i32
        %cond3A_163 = arith.cmpi ne, %convert_element_type3A_161, %cond3A_162 : i32
        scf.if %cond3A_163 {
          %add3A_181 = arith.constant 4 : i32
          %add3A_182 = arith.addi %add3A_150, %add3A_181 : i32
          %dma_start3A_183 = arith.constant 0 : i32
          %dma_start3A_184 = tpu.memref_slice %arg7[%add3A_182, %dma_start3A_183] : memref<160x125xi32, #tpu.memory_space<vmem>> -> memref<1x125xi32, #tpu.memory_space<vmem>>
          %dma_start3A_185 = tpu.memref_squeeze %dma_start3A_184 : memref<1x125xi32, #tpu.memory_space<vmem>> -> memref<125xi32, #tpu.memory_space<vmem>>
          %dma_start3A_186 = arith.constant 0 : i32
          %dma_start3A_187 = arith.constant 0 : i32
          %dma_start3A_188 = tpu.memref_slice %arg2[%dma_start3A_186, %dma_start3A_187] : memref<10000x64xf32, #tpu.memory_space<hbm>> -> memref<10000x64xf32, #tpu.memory_space<hbm>>
          tpu.enqueue_indirect_dma source(%dma_start3A_188 : memref<10000x64xf32, #tpu.memory_space<hbm>>) target(%arg11 : memref<125x64xf32, #tpu.memory_space<vmem>>) offsets(%dma_start3A_185 : memref<125xi32, #tpu.memory_space<vmem>>) semaphore(%arg14 : memref<!tpu.dma_semaphore, #tpu.memory_space<semaphore_mem>>)
        } else {
        }
        %mul3A_164 = arith.constant 4 : i32
        %mul3A_165 = arith.muli %scan3A_114, %mul3A_164 : i32
        %add3A_166 = arith.constant 3 : i32
        %add3A_167 = arith.addi %mul3A_165, %add3A_166 : i32
        %dma_wait3A_168 = arith.constant 0 : i32
        %dma_wait3A_169 = tpu.memref_slice %arg7[%add3A_167, %dma_wait3A_168] : memref<160x125xi32, #tpu.memory_space<vmem>> -> memref<1x125xi32, #tpu.memory_space<vmem>>
        %dma_wait3A_170 = tpu.memref_squeeze %dma_wait3A_169 : memref<1x125xi32, #tpu.memory_space<vmem>> -> memref<125xi32, #tpu.memory_space<vmem>>
        %dma_wait3A_171 = arith.constant 0 : i32
        %dma_wait3A_172 = arith.constant 0 : i32
        %dma_wait3A_173 = tpu.memref_slice %arg2[%dma_wait3A_171, %dma_wait3A_172] : memref<10000x64xf32, #tpu.memory_space<hbm>> -> memref<10000x64xf32, #tpu.memory_space<hbm>>
        tpu.wait_indirect_dma semaphore(%arg14 : memref<!tpu.dma_semaphore, #tpu.memory_space<semaphore_mem>>) src(%dma_wait3A_173 : memref<10000x64xf32, #tpu.memory_space<hbm>>) dst(%arg12 : memref<125x64xf32, #tpu.memory_space<vmem>>)
        "tpu.region"() ({
          %run_scoped3A = tpu.sem_alloc : memref<!tpu.dma_semaphore, #tpu.memory_space<semaphore_mem>>
          %dma_start3A_181 = arith.constant 0 : i32
          %dma_start3A_182 = tpu.memref_slice %arg8[%add3A_167, %dma_start3A_181] : memref<160x125xi32, #tpu.memory_space<vmem>> -> memref<1x125xi32, #tpu.memory_space<vmem>>
          %dma_start3A_183 = tpu.memref_squeeze %dma_start3A_182 : memref<1x125xi32, #tpu.memory_space<vmem>> -> memref<125xi32, #tpu.memory_space<vmem>>
          %dma_start3A_184 = arith.constant 0 : i32
          %dma_start3A_185 = arith.constant 0 : i32
          %dma_start3A_186 = tpu.memref_slice %arg13[%dma_start3A_184, %dma_start3A_185] : memref<10000x64xf32, #tpu.memory_space<vmem_shared>> -> memref<10000x64xf32, #tpu.memory_space<vmem_shared>>
          tpu.enqueue_indirect_dma source(%arg12 : memref<125x64xf32, #tpu.memory_space<vmem>>) target(%dma_start3A_186 : memref<10000x64xf32, #tpu.memory_space<vmem_shared>>) offsets(%dma_start3A_183 : memref<125xi32, #tpu.memory_space<vmem>>) semaphore(%run_scoped3A : memref<!tpu.dma_semaphore, #tpu.memory_space<semaphore_mem>>) {add = true}
          %dma_wait3A_187 = arith.constant 0 : i32
          %dma_wait3A_188 = tpu.memref_slice %arg8[%add3A_167, %dma_wait3A_187] : memref<160x125xi32, #tpu.memory_space<vmem>> -> memref<1x125xi32, #tpu.memory_space<vmem>>
          %dma_wait3A_189 = tpu.memref_squeeze %dma_wait3A_188 : memref<1x125xi32, #tpu.memory_space<vmem>> -> memref<125xi32, #tpu.memory_space<vmem>>
          %dma_wait3A_190 = arith.constant 0 : i32
          %dma_wait3A_191 = arith.constant 0 : i32
          %dma_wait3A_192 = tpu.memref_slice %arg13[%dma_wait3A_190, %dma_wait3A_191] : memref<10000x64xf32, #tpu.memory_space<vmem_shared>> -> memref<10000x64xf32, #tpu.memory_space<vmem_shared>>
          tpu.wait_indirect_dma semaphore(%run_scoped3A : memref<!tpu.dma_semaphore, #tpu.memory_space<semaphore_mem>>) src(%arg12 : memref<125x64xf32, #tpu.memory_space<vmem>>) dst(%dma_wait3A_192 : memref<10000x64xf32, #tpu.memory_space<vmem_shared>>)
          tpu.yield
        }) : () -> ()
        %add3A_174 = arith.constant 4 : i32
        %add3A_175 = arith.addi %add3A_167, %add3A_174 : i32
        %lt3A_176 = arith.constant 160 : i32
        %lt3A_177 = arith.cmpi slt, %add3A_175, %lt3A_176 : i32
        %convert_element_type3A_178 = arith.extui %lt3A_177 : i1 to i32
        %cond3A_179 = arith.constant 0 : i32
        %cond3A_180 = arith.cmpi ne, %convert_element_type3A_178, %cond3A_179 : i32
        scf.if %cond3A_180 {
          %add3A_181 = arith.constant 4 : i32
          %add3A_182 = arith.addi %add3A_167, %add3A_181 : i32
          %dma_start3A_183 = arith.constant 0 : i32
          %dma_start3A_184 = tpu.memref_slice %arg7[%add3A_182, %dma_start3A_183] : memref<160x125xi32, #tpu.memory_space<vmem>> -> memref<1x125xi32, #tpu.memory_space<vmem>>
          %dma_start3A_185 = tpu.memref_squeeze %dma_start3A_184 : memref<1x125xi32, #tpu.memory_space<vmem>> -> memref<125xi32, #tpu.memory_space<vmem>>
          %dma_start3A_186 = arith.constant 0 : i32
          %dma_start3A_187 = arith.constant 0 : i32
          %dma_start3A_188 = tpu.memref_slice %arg2[%dma_start3A_186, %dma_start3A_187] : memref<10000x64xf32, #tpu.memory_space<hbm>> -> memref<10000x64xf32, #tpu.memory_space<hbm>>
          tpu.enqueue_indirect_dma source(%dma_start3A_188 : memref<10000x64xf32, #tpu.memory_space<hbm>>) target(%arg12 : memref<125x64xf32, #tpu.memory_space<vmem>>) offsets(%dma_start3A_185 : memref<125xi32, #tpu.memory_space<vmem>>) semaphore(%arg14 : memref<!tpu.dma_semaphore, #tpu.memory_space<semaphore_mem>>)
        } else {
        }
      }
      %scan3A_113 = arith.constant 40 : i32
    } else {
    }
    %eq3A_30 = arith.constant 1 : i32
    %eq3A_31 = arith.cmpi eq, %arg0, %eq3A_30 : i32
    %convert_element_type3A_32 = arith.extui %eq3A_31 : i1 to i32
    %cond3A_33 = arith.constant 0 : i32
    %cond3A_34 = arith.cmpi ne, %convert_element_type3A_32, %cond3A_33 : i32
    scf.if %cond3A_34 {
      %dma_start3A = arith.constant 0 : i32
      %dma_start3A_81 = arith.constant 0 : i32
      %dma_start3A_82 = tpu.memref_slice %arg7[%dma_start3A, %dma_start3A_81] : memref<160x125xi32, #tpu.memory_space<vmem>> -> memref<1x125xi32, #tpu.memory_space<vmem>>
      %dma_start3A_83 = tpu.memref_squeeze %dma_start3A_82 : memref<1x125xi32, #tpu.memory_space<vmem>> -> memref<125xi32, #tpu.memory_space<vmem>>
      %dma_start3A_84 = arith.constant 0 : i32
      %dma_start3A_85 = arith.constant 0 : i32
      %dma_start3A_86 = tpu.memref_slice %arg3[%dma_start3A_84, %dma_start3A_85] : memref<10000x64xf32, #tpu.memory_space<hbm>> -> memref<10000x64xf32, #tpu.memory_space<hbm>>
      tpu.enqueue_indirect_dma source(%dma_start3A_86 : memref<10000x64xf32, #tpu.memory_space<hbm>>) target(%arg9 : memref<125x64xf32, #tpu.memory_space<vmem>>) offsets(%dma_start3A_83 : memref<125xi32, #tpu.memory_space<vmem>>) semaphore(%arg14 : memref<!tpu.dma_semaphore, #tpu.memory_space<semaphore_mem>>)
      %dma_start3A_87 = arith.constant 1 : i32
      %dma_start3A_88 = arith.constant 0 : i32
      %dma_start3A_89 = tpu.memref_slice %arg7[%dma_start3A_87, %dma_start3A_88] : memref<160x125xi32, #tpu.memory_space<vmem>> -> memref<1x125xi32, #tpu.memory_space<vmem>>
      %dma_start3A_90 = tpu.memref_squeeze %dma_start3A_89 : memref<1x125xi32, #tpu.memory_space<vmem>> -> memref<125xi32, #tpu.memory_space<vmem>>
      %dma_start3A_91 = arith.constant 0 : i32
      %dma_start3A_92 = arith.constant 0 : i32
      %dma_start3A_93 = tpu.memref_slice %arg3[%dma_start3A_91, %dma_start3A_92] : memref<10000x64xf32, #tpu.memory_space<hbm>> -> memref<10000x64xf32, #tpu.memory_space<hbm>>
      tpu.enqueue_indirect_dma source(%dma_start3A_93 : memref<10000x64xf32, #tpu.memory_space<hbm>>) target(%arg10 : memref<125x64xf32, #tpu.memory_space<vmem>>) offsets(%dma_start3A_90 : memref<125xi32, #tpu.memory_space<vmem>>) semaphore(%arg14 : memref<!tpu.dma_semaphore, #tpu.memory_space<semaphore_mem>>)
      %dma_start3A_94 = arith.constant 2 : i32
      %dma_start3A_95 = arith.constant 0 : i32
      %dma_start3A_96 = tpu.memref_slice %arg7[%dma_start3A_94, %dma_start3A_95] : memref<160x125xi32, #tpu.memory_space<vmem>> -> memref<1x125xi32, #tpu.memory_space<vmem>>
      %dma_start3A_97 = tpu.memref_squeeze %dma_start3A_96 : memref<1x125xi32, #tpu.memory_space<vmem>> -> memref<125xi32, #tpu.memory_space<vmem>>
      %dma_start3A_98 = arith.constant 0 : i32
      %dma_start3A_99 = arith.constant 0 : i32
      %dma_start3A_100 = tpu.memref_slice %arg3[%dma_start3A_98, %dma_start3A_99] : memref<10000x64xf32, #tpu.memory_space<hbm>> -> memref<10000x64xf32, #tpu.memory_space<hbm>>
      tpu.enqueue_indirect_dma source(%dma_start3A_100 : memref<10000x64xf32, #tpu.memory_space<hbm>>) target(%arg11 : memref<125x64xf32, #tpu.memory_space<vmem>>) offsets(%dma_start3A_97 : memref<125xi32, #tpu.memory_space<vmem>>) semaphore(%arg14 : memref<!tpu.dma_semaphore, #tpu.memory_space<semaphore_mem>>)
      %dma_start3A_101 = arith.constant 3 : i32
      %dma_start3A_102 = arith.constant 0 : i32
      %dma_start3A_103 = tpu.memref_slice %arg7[%dma_start3A_101, %dma_start3A_102] : memref<160x125xi32, #tpu.memory_space<vmem>> -> memref<1x125xi32, #tpu.memory_space<vmem>>
      %dma_start3A_104 = tpu.memref_squeeze %dma_start3A_103 : memref<1x125xi32, #tpu.memory_space<vmem>> -> memref<125xi32, #tpu.memory_space<vmem>>
      %dma_start3A_105 = arith.constant 0 : i32
      %dma_start3A_106 = arith.constant 0 : i32
      %dma_start3A_107 = tpu.memref_slice %arg3[%dma_start3A_105, %dma_start3A_106] : memref<10000x64xf32, #tpu.memory_space<hbm>> -> memref<10000x64xf32, #tpu.memory_space<hbm>>
      tpu.enqueue_indirect_dma source(%dma_start3A_107 : memref<10000x64xf32, #tpu.memory_space<hbm>>) target(%arg12 : memref<125x64xf32, #tpu.memory_space<vmem>>) offsets(%dma_start3A_104 : memref<125xi32, #tpu.memory_space<vmem>>) semaphore(%arg14 : memref<!tpu.dma_semaphore, #tpu.memory_space<semaphore_mem>>)
      %scan3A_108 = arith.constant 0 : i32
      %scan3A_109 = arith.constant 0 : i32
      %scan3A_110 = arith.constant 40 : i32
      %scan3A_111 = arith.addi %scan3A_109, %scan3A_110 : i32
      %scan3A_112 = arith.constant 1 : i32
      scf.for %scan3A_114 = %scan3A_109 to %scan3A_111 step %scan3A_112  : i32 {
        %mul3A_115 = arith.constant 4 : i32
        %mul3A_116 = arith.muli %scan3A_114, %mul3A_115 : i32
        %add3A_117 = arith.constant 0 : i32
        %add3A_118 = arith.addi %mul3A_116, %add3A_117 : i32
        %dma_wait3A = arith.constant 0 : i32
        %dma_wait3A_119 = tpu.memref_slice %arg7[%add3A_118, %dma_wait3A] : memref<160x125xi32, #tpu.memory_space<vmem>> -> memref<1x125xi32, #tpu.memory_space<vmem>>
        %dma_wait3A_120 = tpu.memref_squeeze %dma_wait3A_119 : memref<1x125xi32, #tpu.memory_space<vmem>> -> memref<125xi32, #tpu.memory_space<vmem>>
        %dma_wait3A_121 = arith.constant 0 : i32
        %dma_wait3A_122 = arith.constant 0 : i32
        %dma_wait3A_123 = tpu.memref_slice %arg3[%dma_wait3A_121, %dma_wait3A_122] : memref<10000x64xf32, #tpu.memory_space<hbm>> -> memref<10000x64xf32, #tpu.memory_space<hbm>>
        tpu.wait_indirect_dma semaphore(%arg14 : memref<!tpu.dma_semaphore, #tpu.memory_space<semaphore_mem>>) src(%dma_wait3A_123 : memref<10000x64xf32, #tpu.memory_space<hbm>>) dst(%arg9 : memref<125x64xf32, #tpu.memory_space<vmem>>)
        "tpu.region"() ({
          %run_scoped3A = tpu.sem_alloc : memref<!tpu.dma_semaphore, #tpu.memory_space<semaphore_mem>>
          %dma_start3A_181 = arith.constant 0 : i32
          %dma_start3A_182 = tpu.memref_slice %arg8[%add3A_118, %dma_start3A_181] : memref<160x125xi32, #tpu.memory_space<vmem>> -> memref<1x125xi32, #tpu.memory_space<vmem>>
          %dma_start3A_183 = tpu.memref_squeeze %dma_start3A_182 : memref<1x125xi32, #tpu.memory_space<vmem>> -> memref<125xi32, #tpu.memory_space<vmem>>
          %dma_start3A_184 = arith.constant 0 : i32
          %dma_start3A_185 = arith.constant 0 : i32
          %dma_start3A_186 = tpu.memref_slice %arg13[%dma_start3A_184, %dma_start3A_185] : memref<10000x64xf32, #tpu.memory_space<vmem_shared>> -> memref<10000x64xf32, #tpu.memory_space<vmem_shared>>
          tpu.enqueue_indirect_dma source(%arg9 : memref<125x64xf32, #tpu.memory_space<vmem>>) target(%dma_start3A_186 : memref<10000x64xf32, #tpu.memory_space<vmem_shared>>) offsets(%dma_start3A_183 : memref<125xi32, #tpu.memory_space<vmem>>) semaphore(%run_scoped3A : memref<!tpu.dma_semaphore, #tpu.memory_space<semaphore_mem>>) {add = true}
          %dma_wait3A_187 = arith.constant 0 : i32
          %dma_wait3A_188 = tpu.memref_slice %arg8[%add3A_118, %dma_wait3A_187] : memref<160x125xi32, #tpu.memory_space<vmem>> -> memref<1x125xi32, #tpu.memory_space<vmem>>
          %dma_wait3A_189 = tpu.memref_squeeze %dma_wait3A_188 : memref<1x125xi32, #tpu.memory_space<vmem>> -> memref<125xi32, #tpu.memory_space<vmem>>
          %dma_wait3A_190 = arith.constant 0 : i32
          %dma_wait3A_191 = arith.constant 0 : i32
          %dma_wait3A_192 = tpu.memref_slice %arg13[%dma_wait3A_190, %dma_wait3A_191] : memref<10000x64xf32, #tpu.memory_space<vmem_shared>> -> memref<10000x64xf32, #tpu.memory_space<vmem_shared>>
          tpu.wait_indirect_dma semaphore(%run_scoped3A : memref<!tpu.dma_semaphore, #tpu.memory_space<semaphore_mem>>) src(%arg9 : memref<125x64xf32, #tpu.memory_space<vmem>>) dst(%dma_wait3A_192 : memref<10000x64xf32, #tpu.memory_space<vmem_shared>>)
          tpu.yield
        }) : () -> ()
        %add3A_124 = arith.constant 4 : i32
        %add3A_125 = arith.addi %add3A_118, %add3A_124 : i32
        %lt3A = arith.constant 160 : i32
        %lt3A_126 = arith.cmpi slt, %add3A_125, %lt3A : i32
        %convert_element_type3A_127 = arith.extui %lt3A_126 : i1 to i32
        %cond3A_128 = arith.constant 0 : i32
        %cond3A_129 = arith.cmpi ne, %convert_element_type3A_127, %cond3A_128 : i32
        scf.if %cond3A_129 {
          %add3A_181 = arith.constant 4 : i32
          %add3A_182 = arith.addi %add3A_118, %add3A_181 : i32
          %dma_start3A_183 = arith.constant 0 : i32
          %dma_start3A_184 = tpu.memref_slice %arg7[%add3A_182, %dma_start3A_183] : memref<160x125xi32, #tpu.memory_space<vmem>> -> memref<1x125xi32, #tpu.memory_space<vmem>>
          %dma_start3A_185 = tpu.memref_squeeze %dma_start3A_184 : memref<1x125xi32, #tpu.memory_space<vmem>> -> memref<125xi32, #tpu.memory_space<vmem>>
          %dma_start3A_186 = arith.constant 0 : i32
          %dma_start3A_187 = arith.constant 0 : i32
          %dma_start3A_188 = tpu.memref_slice %arg3[%dma_start3A_186, %dma_start3A_187] : memref<10000x64xf32, #tpu.memory_space<hbm>> -> memref<10000x64xf32, #tpu.memory_space<hbm>>
          tpu.enqueue_indirect_dma source(%dma_start3A_188 : memref<10000x64xf32, #tpu.memory_space<hbm>>) target(%arg9 : memref<125x64xf32, #tpu.memory_space<vmem>>) offsets(%dma_start3A_185 : memref<125xi32, #tpu.memory_space<vmem>>) semaphore(%arg14 : memref<!tpu.dma_semaphore, #tpu.memory_space<semaphore_mem>>)
        } else {
        }
        %mul3A_130 = arith.constant 4 : i32
        %mul3A_131 = arith.muli %scan3A_114, %mul3A_130 : i32
        %add3A_132 = arith.constant 1 : i32
        %add3A_133 = arith.addi %mul3A_131, %add3A_132 : i32
        %dma_wait3A_134 = arith.constant 0 : i32
        %dma_wait3A_135 = tpu.memref_slice %arg7[%add3A_133, %dma_wait3A_134] : memref<160x125xi32, #tpu.memory_space<vmem>> -> memref<1x125xi32, #tpu.memory_space<vmem>>
        %dma_wait3A_136 = tpu.memref_squeeze %dma_wait3A_135 : memref<1x125xi32, #tpu.memory_space<vmem>> -> memref<125xi32, #tpu.memory_space<vmem>>
        %dma_wait3A_137 = arith.constant 0 : i32
        %dma_wait3A_138 = arith.constant 0 : i32
        %dma_wait3A_139 = tpu.memref_slice %arg3[%dma_wait3A_137, %dma_wait3A_138] : memref<10000x64xf32, #tpu.memory_space<hbm>> -> memref<10000x64xf32, #tpu.memory_space<hbm>>
        tpu.wait_indirect_dma semaphore(%arg14 : memref<!tpu.dma_semaphore, #tpu.memory_space<semaphore_mem>>) src(%dma_wait3A_139 : memref<10000x64xf32, #tpu.memory_space<hbm>>) dst(%arg10 : memref<125x64xf32, #tpu.memory_space<vmem>>)
        "tpu.region"() ({
          %run_scoped3A = tpu.sem_alloc : memref<!tpu.dma_semaphore, #tpu.memory_space<semaphore_mem>>
          %dma_start3A_181 = arith.constant 0 : i32
          %dma_start3A_182 = tpu.memref_slice %arg8[%add3A_133, %dma_start3A_181] : memref<160x125xi32, #tpu.memory_space<vmem>> -> memref<1x125xi32, #tpu.memory_space<vmem>>
          %dma_start3A_183 = tpu.memref_squeeze %dma_start3A_182 : memref<1x125xi32, #tpu.memory_space<vmem>> -> memref<125xi32, #tpu.memory_space<vmem>>
          %dma_start3A_184 = arith.constant 0 : i32
          %dma_start3A_185 = arith.constant 0 : i32
          %dma_start3A_186 = tpu.memref_slice %arg13[%dma_start3A_184, %dma_start3A_185] : memref<10000x64xf32, #tpu.memory_space<vmem_shared>> -> memref<10000x64xf32, #tpu.memory_space<vmem_shared>>
          tpu.enqueue_indirect_dma source(%arg10 : memref<125x64xf32, #tpu.memory_space<vmem>>) target(%dma_start3A_186 : memref<10000x64xf32, #tpu.memory_space<vmem_shared>>) offsets(%dma_start3A_183 : memref<125xi32, #tpu.memory_space<vmem>>) semaphore(%run_scoped3A : memref<!tpu.dma_semaphore, #tpu.memory_space<semaphore_mem>>) {add = true}
          %dma_wait3A_187 = arith.constant 0 : i32
          %dma_wait3A_188 = tpu.memref_slice %arg8[%add3A_133, %dma_wait3A_187] : memref<160x125xi32, #tpu.memory_space<vmem>> -> memref<1x125xi32, #tpu.memory_space<vmem>>
          %dma_wait3A_189 = tpu.memref_squeeze %dma_wait3A_188 : memref<1x125xi32, #tpu.memory_space<vmem>> -> memref<125xi32, #tpu.memory_space<vmem>>
          %dma_wait3A_190 = arith.constant 0 : i32
          %dma_wait3A_191 = arith.constant 0 : i32
          %dma_wait3A_192 = tpu.memref_slice %arg13[%dma_wait3A_190, %dma_wait3A_191] : memref<10000x64xf32, #tpu.memory_space<vmem_shared>> -> memref<10000x64xf32, #tpu.memory_space<vmem_shared>>
          tpu.wait_indirect_dma semaphore(%run_scoped3A : memref<!tpu.dma_semaphore, #tpu.memory_space<semaphore_mem>>) src(%arg10 : memref<125x64xf32, #tpu.memory_space<vmem>>) dst(%dma_wait3A_192 : memref<10000x64xf32, #tpu.memory_space<vmem_shared>>)
          tpu.yield
        }) : () -> ()
        %add3A_140 = arith.constant 4 : i32
        %add3A_141 = arith.addi %add3A_133, %add3A_140 : i32
        %lt3A_142 = arith.constant 160 : i32
        %lt3A_143 = arith.cmpi slt, %add3A_141, %lt3A_142 : i32
        %convert_element_type3A_144 = arith.extui %lt3A_143 : i1 to i32
        %cond3A_145 = arith.constant 0 : i32
        %cond3A_146 = arith.cmpi ne, %convert_element_type3A_144, %cond3A_145 : i32
        scf.if %cond3A_146 {
          %add3A_181 = arith.constant 4 : i32
          %add3A_182 = arith.addi %add3A_133, %add3A_181 : i32
          %dma_start3A_183 = arith.constant 0 : i32
          %dma_start3A_184 = tpu.memref_slice %arg7[%add3A_182, %dma_start3A_183] : memref<160x125xi32, #tpu.memory_space<vmem>> -> memref<1x125xi32, #tpu.memory_space<vmem>>
          %dma_start3A_185 = tpu.memref_squeeze %dma_start3A_184 : memref<1x125xi32, #tpu.memory_space<vmem>> -> memref<125xi32, #tpu.memory_space<vmem>>
          %dma_start3A_186 = arith.constant 0 : i32
          %dma_start3A_187 = arith.constant 0 : i32
          %dma_start3A_188 = tpu.memref_slice %arg3[%dma_start3A_186, %dma_start3A_187] : memref<10000x64xf32, #tpu.memory_space<hbm>> -> memref<10000x64xf32, #tpu.memory_space<hbm>>
          tpu.enqueue_indirect_dma source(%dma_start3A_188 : memref<10000x64xf32, #tpu.memory_space<hbm>>) target(%arg10 : memref<125x64xf32, #tpu.memory_space<vmem>>) offsets(%dma_start3A_185 : memref<125xi32, #tpu.memory_space<vmem>>) semaphore(%arg14 : memref<!tpu.dma_semaphore, #tpu.memory_space<semaphore_mem>>)
        } else {
        }
        %mul3A_147 = arith.constant 4 : i32
        %mul3A_148 = arith.muli %scan3A_114, %mul3A_147 : i32
        %add3A_149 = arith.constant 2 : i32
        %add3A_150 = arith.addi %mul3A_148, %add3A_149 : i32
        %dma_wait3A_151 = arith.constant 0 : i32
        %dma_wait3A_152 = tpu.memref_slice %arg7[%add3A_150, %dma_wait3A_151] : memref<160x125xi32, #tpu.memory_space<vmem>> -> memref<1x125xi32, #tpu.memory_space<vmem>>
        %dma_wait3A_153 = tpu.memref_squeeze %dma_wait3A_152 : memref<1x125xi32, #tpu.memory_space<vmem>> -> memref<125xi32, #tpu.memory_space<vmem>>
        %dma_wait3A_154 = arith.constant 0 : i32
        %dma_wait3A_155 = arith.constant 0 : i32
        %dma_wait3A_156 = tpu.memref_slice %arg3[%dma_wait3A_154, %dma_wait3A_155] : memref<10000x64xf32, #tpu.memory_space<hbm>> -> memref<10000x64xf32, #tpu.memory_space<hbm>>
        tpu.wait_indirect_dma semaphore(%arg14 : memref<!tpu.dma_semaphore, #tpu.memory_space<semaphore_mem>>) src(%dma_wait3A_156 : memref<10000x64xf32, #tpu.memory_space<hbm>>) dst(%arg11 : memref<125x64xf32, #tpu.memory_space<vmem>>)
        "tpu.region"() ({
          %run_scoped3A = tpu.sem_alloc : memref<!tpu.dma_semaphore, #tpu.memory_space<semaphore_mem>>
          %dma_start3A_181 = arith.constant 0 : i32
          %dma_start3A_182 = tpu.memref_slice %arg8[%add3A_150, %dma_start3A_181] : memref<160x125xi32, #tpu.memory_space<vmem>> -> memref<1x125xi32, #tpu.memory_space<vmem>>
          %dma_start3A_183 = tpu.memref_squeeze %dma_start3A_182 : memref<1x125xi32, #tpu.memory_space<vmem>> -> memref<125xi32, #tpu.memory_space<vmem>>
          %dma_start3A_184 = arith.constant 0 : i32
          %dma_start3A_185 = arith.constant 0 : i32
          %dma_start3A_186 = tpu.memref_slice %arg13[%dma_start3A_184, %dma_start3A_185] : memref<10000x64xf32, #tpu.memory_space<vmem_shared>> -> memref<10000x64xf32, #tpu.memory_space<vmem_shared>>
          tpu.enqueue_indirect_dma source(%arg11 : memref<125x64xf32, #tpu.memory_space<vmem>>) target(%dma_start3A_186 : memref<10000x64xf32, #tpu.memory_space<vmem_shared>>) offsets(%dma_start3A_183 : memref<125xi32, #tpu.memory_space<vmem>>) semaphore(%run_scoped3A : memref<!tpu.dma_semaphore, #tpu.memory_space<semaphore_mem>>) {add = true}
          %dma_wait3A_187 = arith.constant 0 : i32
          %dma_wait3A_188 = tpu.memref_slice %arg8[%add3A_150, %dma_wait3A_187] : memref<160x125xi32, #tpu.memory_space<vmem>> -> memref<1x125xi32, #tpu.memory_space<vmem>>
          %dma_wait3A_189 = tpu.memref_squeeze %dma_wait3A_188 : memref<1x125xi32, #tpu.memory_space<vmem>> -> memref<125xi32, #tpu.memory_space<vmem>>
          %dma_wait3A_190 = arith.constant 0 : i32
          %dma_wait3A_191 = arith.constant 0 : i32
          %dma_wait3A_192 = tpu.memref_slice %arg13[%dma_wait3A_190, %dma_wait3A_191] : memref<10000x64xf32, #tpu.memory_space<vmem_shared>> -> memref<10000x64xf32, #tpu.memory_space<vmem_shared>>
          tpu.wait_indirect_dma semaphore(%run_scoped3A : memref<!tpu.dma_semaphore, #tpu.memory_space<semaphore_mem>>) src(%arg11 : memref<125x64xf32, #tpu.memory_space<vmem>>) dst(%dma_wait3A_192 : memref<10000x64xf32, #tpu.memory_space<vmem_shared>>)
          tpu.yield
        }) : () -> ()
        %add3A_157 = arith.constant 4 : i32
        %add3A_158 = arith.addi %add3A_150, %add3A_157 : i32
        %lt3A_159 = arith.constant 160 : i32
        %lt3A_160 = arith.cmpi slt, %add3A_158, %lt3A_159 : i32
        %convert_element_type3A_161 = arith.extui %lt3A_160 : i1 to i32
        %cond3A_162 = arith.constant 0 : i32
        %cond3A_163 = arith.cmpi ne, %convert_element_type3A_161, %cond3A_162 : i32
        scf.if %cond3A_163 {
          %add3A_181 = arith.constant 4 : i32
          %add3A_182 = arith.addi %add3A_150, %add3A_181 : i32
          %dma_start3A_183 = arith.constant 0 : i32
          %dma_start3A_184 = tpu.memref_slice %arg7[%add3A_182, %dma_start3A_183] : memref<160x125xi32, #tpu.memory_space<vmem>> -> memref<1x125xi32, #tpu.memory_space<vmem>>
          %dma_start3A_185 = tpu.memref_squeeze %dma_start3A_184 : memref<1x125xi32, #tpu.memory_space<vmem>> -> memref<125xi32, #tpu.memory_space<vmem>>
          %dma_start3A_186 = arith.constant 0 : i32
          %dma_start3A_187 = arith.constant 0 : i32
          %dma_start3A_188 = tpu.memref_slice %arg3[%dma_start3A_186, %dma_start3A_187] : memref<10000x64xf32, #tpu.memory_space<hbm>> -> memref<10000x64xf32, #tpu.memory_space<hbm>>
          tpu.enqueue_indirect_dma source(%dma_start3A_188 : memref<10000x64xf32, #tpu.memory_space<hbm>>) target(%arg11 : memref<125x64xf32, #tpu.memory_space<vmem>>) offsets(%dma_start3A_185 : memref<125xi32, #tpu.memory_space<vmem>>) semaphore(%arg14 : memref<!tpu.dma_semaphore, #tpu.memory_space<semaphore_mem>>)
        } else {
        }
        %mul3A_164 = arith.constant 4 : i32
        %mul3A_165 = arith.muli %scan3A_114, %mul3A_164 : i32
        %add3A_166 = arith.constant 3 : i32
        %add3A_167 = arith.addi %mul3A_165, %add3A_166 : i32
        %dma_wait3A_168 = arith.constant 0 : i32
        %dma_wait3A_169 = tpu.memref_slice %arg7[%add3A_167, %dma_wait3A_168] : memref<160x125xi32, #tpu.memory_space<vmem>> -> memref<1x125xi32, #tpu.memory_space<vmem>>
        %dma_wait3A_170 = tpu.memref_squeeze %dma_wait3A_169 : memref<1x125xi32, #tpu.memory_space<vmem>> -> memref<125xi32, #tpu.memory_space<vmem>>
        %dma_wait3A_171 = arith.constant 0 : i32
        %dma_wait3A_172 = arith.constant 0 : i32
        %dma_wait3A_173 = tpu.memref_slice %arg3[%dma_wait3A_171, %dma_wait3A_172] : memref<10000x64xf32, #tpu.memory_space<hbm>> -> memref<10000x64xf32, #tpu.memory_space<hbm>>
        tpu.wait_indirect_dma semaphore(%arg14 : memref<!tpu.dma_semaphore, #tpu.memory_space<semaphore_mem>>) src(%dma_wait3A_173 : memref<10000x64xf32, #tpu.memory_space<hbm>>) dst(%arg12 : memref<125x64xf32, #tpu.memory_space<vmem>>)
        "tpu.region"() ({
          %run_scoped3A = tpu.sem_alloc : memref<!tpu.dma_semaphore, #tpu.memory_space<semaphore_mem>>
          %dma_start3A_181 = arith.constant 0 : i32
          %dma_start3A_182 = tpu.memref_slice %arg8[%add3A_167, %dma_start3A_181] : memref<160x125xi32, #tpu.memory_space<vmem>> -> memref<1x125xi32, #tpu.memory_space<vmem>>
          %dma_start3A_183 = tpu.memref_squeeze %dma_start3A_182 : memref<1x125xi32, #tpu.memory_space<vmem>> -> memref<125xi32, #tpu.memory_space<vmem>>
          %dma_start3A_184 = arith.constant 0 : i32
          %dma_start3A_185 = arith.constant 0 : i32
          %dma_start3A_186 = tpu.memref_slice %arg13[%dma_start3A_184, %dma_start3A_185] : memref<10000x64xf32, #tpu.memory_space<vmem_shared>> -> memref<10000x64xf32, #tpu.memory_space<vmem_shared>>
          tpu.enqueue_indirect_dma source(%arg12 : memref<125x64xf32, #tpu.memory_space<vmem>>) target(%dma_start3A_186 : memref<10000x64xf32, #tpu.memory_space<vmem_shared>>) offsets(%dma_start3A_183 : memref<125xi32, #tpu.memory_space<vmem>>) semaphore(%run_scoped3A : memref<!tpu.dma_semaphore, #tpu.memory_space<semaphore_mem>>) {add = true}
          %dma_wait3A_187 = arith.constant 0 : i32
          %dma_wait3A_188 = tpu.memref_slice %arg8[%add3A_167, %dma_wait3A_187] : memref<160x125xi32, #tpu.memory_space<vmem>> -> memref<1x125xi32, #tpu.memory_space<vmem>>
          %dma_wait3A_189 = tpu.memref_squeeze %dma_wait3A_188 : memref<1x125xi32, #tpu.memory_space<vmem>> -> memref<125xi32, #tpu.memory_space<vmem>>
          %dma_wait3A_190 = arith.constant 0 : i32
          %dma_wait3A_191 = arith.constant 0 : i32
          %dma_wait3A_192 = tpu.memref_slice %arg13[%dma_wait3A_190, %dma_wait3A_191] : memref<10000x64xf32, #tpu.memory_space<vmem_shared>> -> memref<10000x64xf32, #tpu.memory_space<vmem_shared>>
          tpu.wait_indirect_dma semaphore(%run_scoped3A : memref<!tpu.dma_semaphore, #tpu.memory_space<semaphore_mem>>) src(%arg12 : memref<125x64xf32, #tpu.memory_space<vmem>>) dst(%dma_wait3A_192 : memref<10000x64xf32, #tpu.memory_space<vmem_shared>>)
          tpu.yield
        }) : () -> ()
        %add3A_174 = arith.constant 4 : i32
        %add3A_175 = arith.addi %add3A_167, %add3A_174 : i32
        %lt3A_176 = arith.constant 160 : i32
        %lt3A_177 = arith.cmpi slt, %add3A_175, %lt3A_176 : i32
        %convert_element_type3A_178 = arith.extui %lt3A_177 : i1 to i32
        %cond3A_179 = arith.constant 0 : i32
        %cond3A_180 = arith.cmpi ne, %convert_element_type3A_178, %cond3A_179 : i32
        scf.if %cond3A_180 {
          %add3A_181 = arith.constant 4 : i32
          %add3A_182 = arith.addi %add3A_167, %add3A_181 : i32
          %dma_start3A_183 = arith.constant 0 : i32
          %dma_start3A_184 = tpu.memref_slice %arg7[%add3A_182, %dma_start3A_183] : memref<160x125xi32, #tpu.memory_space<vmem>> -> memref<1x125xi32, #tpu.memory_space<vmem>>
          %dma_start3A_185 = tpu.memref_squeeze %dma_start3A_184 : memref<1x125xi32, #tpu.memory_space<vmem>> -> memref<125xi32, #tpu.memory_space<vmem>>
          %dma_start3A_186 = arith.constant 0 : i32
          %dma_start3A_187 = arith.constant 0 : i32
          %dma_start3A_188 = tpu.memref_slice %arg3[%dma_start3A_186, %dma_start3A_187] : memref<10000x64xf32, #tpu.memory_space<hbm>> -> memref<10000x64xf32, #tpu.memory_space<hbm>>
          tpu.enqueue_indirect_dma source(%dma_start3A_188 : memref<10000x64xf32, #tpu.memory_space<hbm>>) target(%arg12 : memref<125x64xf32, #tpu.memory_space<vmem>>) offsets(%dma_start3A_185 : memref<125xi32, #tpu.memory_space<vmem>>) semaphore(%arg14 : memref<!tpu.dma_semaphore, #tpu.memory_space<semaphore_mem>>)
        } else {
        }
      }
      %scan3A_113 = arith.constant 40 : i32
    } else {
    }
    %barrier3A_35 = arith.constant 0 : index
    tpu.barrier barrier_id(%barrier3A_35)
    %mul3A_36 = arith.constant 624 : i32
    %mul3A_37 = arith.muli %arg1, %mul3A_36 : i32
    %add3A_38 = arith.constant 0 : i32
    %add3A_39 = arith.addi %mul3A_37, %add3A_38 : i32
    "tpu.region"() ({
      %run_scoped3A = tpu.sem_alloc : memref<!tpu.dma_semaphore, #tpu.memory_space<semaphore_mem>>
      %dma_start3A = arith.constant 0 : i32
      %dma_start3A_81 = tpu.memref_slice %arg13[%add3A_39, %dma_start3A] : memref<10000x64xf32, #tpu.memory_space<vmem_shared>> -> memref<125x64xf32, #tpu.memory_space<vmem_shared>>
      %dma_start3A_82 = arith.constant 0 : i32
      %dma_start3A_83 = tpu.memref_slice %arg13[%add3A_39, %dma_start3A_82] : memref<10000x64xf32, #tpu.memory_space<vmem_shared>> -> memref<125x64xf32, #tpu.memory_space<vmem_shared>>
      tpu.enqueue_dma source(%dma_start3A_83 : memref<125x64xf32, #tpu.memory_space<vmem_shared>>) target(%arg9 : memref<125x64xf32, #tpu.memory_space<vmem>>) target_semaphore(%run_scoped3A : memref<!tpu.dma_semaphore, #tpu.memory_space<semaphore_mem>>)
      %dma_wait3A = arith.constant 0 : i32
      %dma_wait3A_84 = tpu.memref_slice %arg13[%add3A_39, %dma_wait3A] : memref<10000x64xf32, #tpu.memory_space<vmem_shared>> -> memref<125x64xf32, #tpu.memory_space<vmem_shared>>
      %dma_wait3A_85 = arith.constant 0 : i32
      %dma_wait3A_86 = tpu.memref_slice %arg13[%add3A_39, %dma_wait3A_85] : memref<10000x64xf32, #tpu.memory_space<vmem_shared>> -> memref<125x64xf32, #tpu.memory_space<vmem_shared>>
      tpu.wait_dma2 semaphore(%run_scoped3A : memref<!tpu.dma_semaphore, #tpu.memory_space<semaphore_mem>>) src(%dma_wait3A_86 : memref<125x64xf32, #tpu.memory_space<vmem_shared>>) dst(%arg9 : memref<125x64xf32, #tpu.memory_space<vmem>>)
      tpu.yield
    }) : () -> ()
    %mul3A_40 = arith.constant 624 : i32
    %mul3A_41 = arith.muli %arg1, %mul3A_40 : i32
    %add3A_42 = arith.constant 0 : i32
    %add3A_43 = arith.addi %mul3A_41, %add3A_42 : i32
    "tpu.region"() ({
      %run_scoped3A = tpu.sem_alloc : memref<!tpu.dma_semaphore, #tpu.memory_space<semaphore_mem>>
      %dma_start3A = arith.constant 0 : i32
      %dma_start3A_81 = tpu.memref_slice %arg6[%arg0, %add3A_43, %dma_start3A] : memref<2x10000x64xf32, #tpu.memory_space<hbm>> -> memref<1x125x64xf32, #tpu.memory_space<hbm>>
      %dma_start3A_82 = tpu.memref_squeeze %dma_start3A_81 : memref<1x125x64xf32, #tpu.memory_space<hbm>> -> memref<125x64xf32, #tpu.memory_space<hbm>>
      %dma_start3A_83 = arith.constant 0 : i32
      %dma_start3A_84 = tpu.memref_slice %arg6[%arg0, %add3A_43, %dma_start3A_83] : memref<2x10000x64xf32, #tpu.memory_space<hbm>> -> memref<1x125x64xf32, #tpu.memory_space<hbm>>
      %dma_start3A_85 = tpu.memref_squeeze %dma_start3A_84 : memref<1x125x64xf32, #tpu.memory_space<hbm>> -> memref<125x64xf32, #tpu.memory_space<hbm>>
      tpu.enqueue_dma source(%arg9 : memref<125x64xf32, #tpu.memory_space<vmem>>) target(%dma_start3A_85 : memref<125x64xf32, #tpu.memory_space<hbm>>) target_semaphore(%run_scoped3A : memref<!tpu.dma_semaphore, #tpu.memory_space<semaphore_mem>>)
      %dma_wait3A = arith.constant 0 : i32
      %dma_wait3A_86 = tpu.memref_slice %arg6[%arg0, %add3A_43, %dma_wait3A] : memref<2x10000x64xf32, #tpu.memory_space<hbm>> -> memref<1x125x64xf32, #tpu.memory_space<hbm>>
      %dma_wait3A_87 = tpu.memref_squeeze %dma_wait3A_86 : memref<1x125x64xf32, #tpu.memory_space<hbm>> -> memref<125x64xf32, #tpu.memory_space<hbm>>
      %dma_wait3A_88 = arith.constant 0 : i32
      %dma_wait3A_89 = tpu.memref_slice %arg6[%arg0, %add3A_43, %dma_wait3A_88] : memref<2x10000x64xf32, #tpu.memory_space<hbm>> -> memref<1x125x64xf32, #tpu.memory_space<hbm>>
      %dma_wait3A_90 = tpu.memref_squeeze %dma_wait3A_89 : memref<1x125x64xf32, #tpu.memory_space<hbm>> -> memref<125x64xf32, #tpu.memory_space<hbm>>
      tpu.wait_dma2 semaphore(%run_scoped3A : memref<!tpu.dma_semaphore, #tpu.memory_space<semaphore_mem>>) src(%arg9 : memref<125x64xf32, #tpu.memory_space<vmem>>) dst(%dma_wait3A_90 : memref<125x64xf32, #tpu.memory_space<hbm>>)
      tpu.yield
    }) : () -> ()
    %mul3A_44 = arith.constant 624 : i32
    %mul3A_45 = arith.muli %arg1, %mul3A_44 : i32
    %add3A_46 = arith.constant 125 : i32
    %add3A_47 = arith.addi %mul3A_45, %add3A_46 : i32
    "tpu.region"() ({
      %run_scoped3A = tpu.sem_alloc : memref<!tpu.dma_semaphore, #tpu.memory_space<semaphore_mem>>
      %dma_start3A = arith.constant 0 : i32
      %dma_start3A_81 = tpu.memref_slice %arg13[%add3A_47, %dma_start3A] : memref<10000x64xf32, #tpu.memory_space<vmem_shared>> -> memref<125x64xf32, #tpu.memory_space<vmem_shared>>
      %dma_start3A_82 = arith.constant 0 : i32
      %dma_start3A_83 = tpu.memref_slice %arg13[%add3A_47, %dma_start3A_82] : memref<10000x64xf32, #tpu.memory_space<vmem_shared>> -> memref<125x64xf32, #tpu.memory_space<vmem_shared>>
      tpu.enqueue_dma source(%dma_start3A_83 : memref<125x64xf32, #tpu.memory_space<vmem_shared>>) target(%arg9 : memref<125x64xf32, #tpu.memory_space<vmem>>) target_semaphore(%run_scoped3A : memref<!tpu.dma_semaphore, #tpu.memory_space<semaphore_mem>>)
      %dma_wait3A = arith.constant 0 : i32
      %dma_wait3A_84 = tpu.memref_slice %arg13[%add3A_47, %dma_wait3A] : memref<10000x64xf32, #tpu.memory_space<vmem_shared>> -> memref<125x64xf32, #tpu.memory_space<vmem_shared>>
      %dma_wait3A_85 = arith.constant 0 : i32
      %dma_wait3A_86 = tpu.memref_slice %arg13[%add3A_47, %dma_wait3A_85] : memref<10000x64xf32, #tpu.memory_space<vmem_shared>> -> memref<125x64xf32, #tpu.memory_space<vmem_shared>>
      tpu.wait_dma2 semaphore(%run_scoped3A : memref<!tpu.dma_semaphore, #tpu.memory_space<semaphore_mem>>) src(%dma_wait3A_86 : memref<125x64xf32, #tpu.memory_space<vmem_shared>>) dst(%arg9 : memref<125x64xf32, #tpu.memory_space<vmem>>)
      tpu.yield
    }) : () -> ()
    %mul3A_48 = arith.constant 624 : i32
    %mul3A_49 = arith.muli %arg1, %mul3A_48 : i32
    %add3A_50 = arith.constant 125 : i32
    %add3A_51 = arith.addi %mul3A_49, %add3A_50 : i32
    "tpu.region"() ({
      %run_scoped3A = tpu.sem_alloc : memref<!tpu.dma_semaphore, #tpu.memory_space<semaphore_mem>>
      %dma_start3A = arith.constant 0 : i32
      %dma_start3A_81 = tpu.memref_slice %arg6[%arg0, %add3A_51, %dma_start3A] : memref<2x10000x64xf32, #tpu.memory_space<hbm>> -> memref<1x125x64xf32, #tpu.memory_space<hbm>>
      %dma_start3A_82 = tpu.memref_squeeze %dma_start3A_81 : memref<1x125x64xf32, #tpu.memory_space<hbm>> -> memref<125x64xf32, #tpu.memory_space<hbm>>
      %dma_start3A_83 = arith.constant 0 : i32
      %dma_start3A_84 = tpu.memref_slice %arg6[%arg0, %add3A_51, %dma_start3A_83] : memref<2x10000x64xf32, #tpu.memory_space<hbm>> -> memref<1x125x64xf32, #tpu.memory_space<hbm>>
      %dma_start3A_85 = tpu.memref_squeeze %dma_start3A_84 : memref<1x125x64xf32, #tpu.memory_space<hbm>> -> memref<125x64xf32, #tpu.memory_space<hbm>>
      tpu.enqueue_dma source(%arg9 : memref<125x64xf32, #tpu.memory_space<vmem>>) target(%dma_start3A_85 : memref<125x64xf32, #tpu.memory_space<hbm>>) target_semaphore(%run_scoped3A : memref<!tpu.dma_semaphore, #tpu.memory_space<semaphore_mem>>)
      %dma_wait3A = arith.constant 0 : i32
      %dma_wait3A_86 = tpu.memref_slice %arg6[%arg0, %add3A_51, %dma_wait3A] : memref<2x10000x64xf32, #tpu.memory_space<hbm>> -> memref<1x125x64xf32, #tpu.memory_space<hbm>>
      %dma_wait3A_87 = tpu.memref_squeeze %dma_wait3A_86 : memref<1x125x64xf32, #tpu.memory_space<hbm>> -> memref<125x64xf32, #tpu.memory_space<hbm>>
      %dma_wait3A_88 = arith.constant 0 : i32
      %dma_wait3A_89 = tpu.memref_slice %arg6[%arg0, %add3A_51, %dma_wait3A_88] : memref<2x10000x64xf32, #tpu.memory_space<hbm>> -> memref<1x125x64xf32, #tpu.memory_space<hbm>>
      %dma_wait3A_90 = tpu.memref_squeeze %dma_wait3A_89 : memref<1x125x64xf32, #tpu.memory_space<hbm>> -> memref<125x64xf32, #tpu.memory_space<hbm>>
      tpu.wait_dma2 semaphore(%run_scoped3A : memref<!tpu.dma_semaphore, #tpu.memory_space<semaphore_mem>>) src(%arg9 : memref<125x64xf32, #tpu.memory_space<vmem>>) dst(%dma_wait3A_90 : memref<125x64xf32, #tpu.memory_space<hbm>>)
      tpu.yield
    }) : () -> ()
    %mul3A_52 = arith.constant 624 : i32
    %mul3A_53 = arith.muli %arg1, %mul3A_52 : i32
    %add3A_54 = arith.constant 250 : i32
    %add3A_55 = arith.addi %mul3A_53, %add3A_54 : i32
    "tpu.region"() ({
      %run_scoped3A = tpu.sem_alloc : memref<!tpu.dma_semaphore, #tpu.memory_space<semaphore_mem>>
      %dma_start3A = arith.constant 0 : i32
      %dma_start3A_81 = tpu.memref_slice %arg13[%add3A_55, %dma_start3A] : memref<10000x64xf32, #tpu.memory_space<vmem_shared>> -> memref<125x64xf32, #tpu.memory_space<vmem_shared>>
      %dma_start3A_82 = arith.constant 0 : i32
      %dma_start3A_83 = tpu.memref_slice %arg13[%add3A_55, %dma_start3A_82] : memref<10000x64xf32, #tpu.memory_space<vmem_shared>> -> memref<125x64xf32, #tpu.memory_space<vmem_shared>>
      tpu.enqueue_dma source(%dma_start3A_83 : memref<125x64xf32, #tpu.memory_space<vmem_shared>>) target(%arg9 : memref<125x64xf32, #tpu.memory_space<vmem>>) target_semaphore(%run_scoped3A : memref<!tpu.dma_semaphore, #tpu.memory_space<semaphore_mem>>)
      %dma_wait3A = arith.constant 0 : i32
      %dma_wait3A_84 = tpu.memref_slice %arg13[%add3A_55, %dma_wait3A] : memref<10000x64xf32, #tpu.memory_space<vmem_shared>> -> memref<125x64xf32, #tpu.memory_space<vmem_shared>>
      %dma_wait3A_85 = arith.constant 0 : i32
      %dma_wait3A_86 = tpu.memref_slice %arg13[%add3A_55, %dma_wait3A_85] : memref<10000x64xf32, #tpu.memory_space<vmem_shared>> -> memref<125x64xf32, #tpu.memory_space<vmem_shared>>
      tpu.wait_dma2 semaphore(%run_scoped3A : memref<!tpu.dma_semaphore, #tpu.memory_space<semaphore_mem>>) src(%dma_wait3A_86 : memref<125x64xf32, #tpu.memory_space<vmem_shared>>) dst(%arg9 : memref<125x64xf32, #tpu.memory_space<vmem>>)
      tpu.yield
    }) : () -> ()
    %mul3A_56 = arith.constant 624 : i32
    %mul3A_57 = arith.muli %arg1, %mul3A_56 : i32
    %add3A_58 = arith.constant 250 : i32
    %add3A_59 = arith.addi %mul3A_57, %add3A_58 : i32
    "tpu.region"() ({
      %run_scoped3A = tpu.sem_alloc : memref<!tpu.dma_semaphore, #tpu.memory_space<semaphore_mem>>
      %dma_start3A = arith.constant 0 : i32
      %dma_start3A_81 = tpu.memref_slice %arg6[%arg0, %add3A_59, %dma_start3A] : memref<2x10000x64xf32, #tpu.memory_space<hbm>> -> memref<1x125x64xf32, #tpu.memory_space<hbm>>
      %dma_start3A_82 = tpu.memref_squeeze %dma_start3A_81 : memref<1x125x64xf32, #tpu.memory_space<hbm>> -> memref<125x64xf32, #tpu.memory_space<hbm>>
      %dma_start3A_83 = arith.constant 0 : i32
      %dma_start3A_84 = tpu.memref_slice %arg6[%arg0, %add3A_59, %dma_start3A_83] : memref<2x10000x64xf32, #tpu.memory_space<hbm>> -> memref<1x125x64xf32, #tpu.memory_space<hbm>>
      %dma_start3A_85 = tpu.memref_squeeze %dma_start3A_84 : memref<1x125x64xf32, #tpu.memory_space<hbm>> -> memref<125x64xf32, #tpu.memory_space<hbm>>
      tpu.enqueue_dma source(%arg9 : memref<125x64xf32, #tpu.memory_space<vmem>>) target(%dma_start3A_85 : memref<125x64xf32, #tpu.memory_space<hbm>>) target_semaphore(%run_scoped3A : memref<!tpu.dma_semaphore, #tpu.memory_space<semaphore_mem>>)
      %dma_wait3A = arith.constant 0 : i32
      %dma_wait3A_86 = tpu.memref_slice %arg6[%arg0, %add3A_59, %dma_wait3A] : memref<2x10000x64xf32, #tpu.memory_space<hbm>> -> memref<1x125x64xf32, #tpu.memory_space<hbm>>
      %dma_wait3A_87 = tpu.memref_squeeze %dma_wait3A_86 : memref<1x125x64xf32, #tpu.memory_space<hbm>> -> memref<125x64xf32, #tpu.memory_space<hbm>>
      %dma_wait3A_88 = arith.constant 0 : i32
      %dma_wait3A_89 = tpu.memref_slice %arg6[%arg0, %add3A_59, %dma_wait3A_88] : memref<2x10000x64xf32, #tpu.memory_space<hbm>> -> memref<1x125x64xf32, #tpu.memory_space<hbm>>
      %dma_wait3A_90 = tpu.memref_squeeze %dma_wait3A_89 : memref<1x125x64xf32, #tpu.memory_space<hbm>> -> memref<125x64xf32, #tpu.memory_space<hbm>>
      tpu.wait_dma2 semaphore(%run_scoped3A : memref<!tpu.dma_semaphore, #tpu.memory_space<semaphore_mem>>) src(%arg9 : memref<125x64xf32, #tpu.memory_space<vmem>>) dst(%dma_wait3A_90 : memref<125x64xf32, #tpu.memory_space<hbm>>)
      tpu.yield
    }) : () -> ()
    %mul3A_60 = arith.constant 624 : i32
    %mul3A_61 = arith.muli %arg1, %mul3A_60 : i32
    %add3A_62 = arith.constant 375 : i32
    %add3A_63 = arith.addi %mul3A_61, %add3A_62 : i32
    "tpu.region"() ({
      %run_scoped3A = tpu.sem_alloc : memref<!tpu.dma_semaphore, #tpu.memory_space<semaphore_mem>>
      %dma_start3A = arith.constant 0 : i32
      %dma_start3A_81 = tpu.memref_slice %arg13[%add3A_63, %dma_start3A] : memref<10000x64xf32, #tpu.memory_space<vmem_shared>> -> memref<125x64xf32, #tpu.memory_space<vmem_shared>>
      %dma_start3A_82 = arith.constant 0 : i32
      %dma_start3A_83 = tpu.memref_slice %arg13[%add3A_63, %dma_start3A_82] : memref<10000x64xf32, #tpu.memory_space<vmem_shared>> -> memref<125x64xf32, #tpu.memory_space<vmem_shared>>
      tpu.enqueue_dma source(%dma_start3A_83 : memref<125x64xf32, #tpu.memory_space<vmem_shared>>) target(%arg9 : memref<125x64xf32, #tpu.memory_space<vmem>>) target_semaphore(%run_scoped3A : memref<!tpu.dma_semaphore, #tpu.memory_space<semaphore_mem>>)
      %dma_wait3A = arith.constant 0 : i32
      %dma_wait3A_84 = tpu.memref_slice %arg13[%add3A_63, %dma_wait3A] : memref<10000x64xf32, #tpu.memory_space<vmem_shared>> -> memref<125x64xf32, #tpu.memory_space<vmem_shared>>
      %dma_wait3A_85 = arith.constant 0 : i32
      %dma_wait3A_86 = tpu.memref_slice %arg13[%add3A_63, %dma_wait3A_85] : memref<10000x64xf32, #tpu.memory_space<vmem_shared>> -> memref<125x64xf32, #tpu.memory_space<vmem_shared>>
      tpu.wait_dma2 semaphore(%run_scoped3A : memref<!tpu.dma_semaphore, #tpu.memory_space<semaphore_mem>>) src(%dma_wait3A_86 : memref<125x64xf32, #tpu.memory_space<vmem_shared>>) dst(%arg9 : memref<125x64xf32, #tpu.memory_space<vmem>>)
      tpu.yield
    }) : () -> ()
    %mul3A_64 = arith.constant 624 : i32
    %mul3A_65 = arith.muli %arg1, %mul3A_64 : i32
    %add3A_66 = arith.constant 375 : i32
    %add3A_67 = arith.addi %mul3A_65, %add3A_66 : i32
    "tpu.region"() ({
      %run_scoped3A = tpu.sem_alloc : memref<!tpu.dma_semaphore, #tpu.memory_space<semaphore_mem>>
      %dma_start3A = arith.constant 0 : i32
      %dma_start3A_81 = tpu.memref_slice %arg6[%arg0, %add3A_67, %dma_start3A] : memref<2x10000x64xf32, #tpu.memory_space<hbm>> -> memref<1x125x64xf32, #tpu.memory_space<hbm>>
      %dma_start3A_82 = tpu.memref_squeeze %dma_start3A_81 : memref<1x125x64xf32, #tpu.memory_space<hbm>> -> memref<125x64xf32, #tpu.memory_space<hbm>>
      %dma_start3A_83 = arith.constant 0 : i32
      %dma_start3A_84 = tpu.memref_slice %arg6[%arg0, %add3A_67, %dma_start3A_83] : memref<2x10000x64xf32, #tpu.memory_space<hbm>> -> memref<1x125x64xf32, #tpu.memory_space<hbm>>
      %dma_start3A_85 = tpu.memref_squeeze %dma_start3A_84 : memref<1x125x64xf32, #tpu.memory_space<hbm>> -> memref<125x64xf32, #tpu.memory_space<hbm>>
      tpu.enqueue_dma source(%arg9 : memref<125x64xf32, #tpu.memory_space<vmem>>) target(%dma_start3A_85 : memref<125x64xf32, #tpu.memory_space<hbm>>) target_semaphore(%run_scoped3A : memref<!tpu.dma_semaphore, #tpu.memory_space<semaphore_mem>>)
      %dma_wait3A = arith.constant 0 : i32
      %dma_wait3A_86 = tpu.memref_slice %arg6[%arg0, %add3A_67, %dma_wait3A] : memref<2x10000x64xf32, #tpu.memory_space<hbm>> -> memref<1x125x64xf32, #tpu.memory_space<hbm>>
      %dma_wait3A_87 = tpu.memref_squeeze %dma_wait3A_86 : memref<1x125x64xf32, #tpu.memory_space<hbm>> -> memref<125x64xf32, #tpu.memory_space<hbm>>
      %dma_wait3A_88 = arith.constant 0 : i32
      %dma_wait3A_89 = tpu.memref_slice %arg6[%arg0, %add3A_67, %dma_wait3A_88] : memref<2x10000x64xf32, #tpu.memory_space<hbm>> -> memref<1x125x64xf32, #tpu.memory_space<hbm>>
      %dma_wait3A_90 = tpu.memref_squeeze %dma_wait3A_89 : memref<1x125x64xf32, #tpu.memory_space<hbm>> -> memref<125x64xf32, #tpu.memory_space<hbm>>
      tpu.wait_dma2 semaphore(%run_scoped3A : memref<!tpu.dma_semaphore, #tpu.memory_space<semaphore_mem>>) src(%arg9 : memref<125x64xf32, #tpu.memory_space<vmem>>) dst(%dma_wait3A_90 : memref<125x64xf32, #tpu.memory_space<hbm>>)
      tpu.yield
    }) : () -> ()
    %mul3A_68 = arith.constant 624 : i32
    %mul3A_69 = arith.muli %arg1, %mul3A_68 : i32
    %add3A_70 = arith.constant 500 : i32
    %add3A_71 = arith.addi %mul3A_69, %add3A_70 : i32
    "tpu.region"() ({
      %run_scoped3A = tpu.sem_alloc : memref<!tpu.dma_semaphore, #tpu.memory_space<semaphore_mem>>
      %dma_start3A = arith.constant 0 : i32
      %dma_start3A_81 = arith.constant 0 : i32
      %dma_start3A_82 = tpu.memref_slice %arg9[%dma_start3A, %dma_start3A_81] : memref<125x64xf32, #tpu.memory_space<vmem>> -> memref<124x64xf32, #tpu.memory_space<vmem>>
      %dma_start3A_83 = arith.constant 0 : i32
      %dma_start3A_84 = tpu.memref_slice %arg13[%add3A_71, %dma_start3A_83] : memref<10000x64xf32, #tpu.memory_space<vmem_shared>> -> memref<124x64xf32, #tpu.memory_space<vmem_shared>>
      %dma_start3A_85 = arith.constant 0 : i32
      %dma_start3A_86 = arith.constant 0 : i32
      %dma_start3A_87 = tpu.memref_slice %arg9[%dma_start3A_85, %dma_start3A_86] : memref<125x64xf32, #tpu.memory_space<vmem>> -> memref<124x64xf32, #tpu.memory_space<vmem>>
      %dma_start3A_88 = arith.constant 0 : i32
      %dma_start3A_89 = tpu.memref_slice %arg13[%add3A_71, %dma_start3A_88] : memref<10000x64xf32, #tpu.memory_space<vmem_shared>> -> memref<124x64xf32, #tpu.memory_space<vmem_shared>>
      tpu.enqueue_dma source(%dma_start3A_89 : memref<124x64xf32, #tpu.memory_space<vmem_shared>>) target(%dma_start3A_87 : memref<124x64xf32, #tpu.memory_space<vmem>>) target_semaphore(%run_scoped3A : memref<!tpu.dma_semaphore, #tpu.memory_space<semaphore_mem>>)
      %dma_wait3A = arith.constant 0 : i32
      %dma_wait3A_90 = arith.constant 0 : i32
      %dma_wait3A_91 = tpu.memref_slice %arg9[%dma_wait3A, %dma_wait3A_90] : memref<125x64xf32, #tpu.memory_space<vmem>> -> memref<124x64xf32, #tpu.memory_space<vmem>>
      %dma_wait3A_92 = arith.constant 0 : i32
      %dma_wait3A_93 = tpu.memref_slice %arg13[%add3A_71, %dma_wait3A_92] : memref<10000x64xf32, #tpu.memory_space<vmem_shared>> -> memref<124x64xf32, #tpu.memory_space<vmem_shared>>
      %dma_wait3A_94 = arith.constant 0 : i32
      %dma_wait3A_95 = arith.constant 0 : i32
      %dma_wait3A_96 = tpu.memref_slice %arg9[%dma_wait3A_94, %dma_wait3A_95] : memref<125x64xf32, #tpu.memory_space<vmem>> -> memref<124x64xf32, #tpu.memory_space<vmem>>
      %dma_wait3A_97 = arith.constant 0 : i32
      %dma_wait3A_98 = tpu.memref_slice %arg13[%add3A_71, %dma_wait3A_97] : memref<10000x64xf32, #tpu.memory_space<vmem_shared>> -> memref<124x64xf32, #tpu.memory_space<vmem_shared>>
      tpu.wait_dma2 semaphore(%run_scoped3A : memref<!tpu.dma_semaphore, #tpu.memory_space<semaphore_mem>>) src(%dma_wait3A_98 : memref<124x64xf32, #tpu.memory_space<vmem_shared>>) dst(%dma_wait3A_96 : memref<124x64xf32, #tpu.memory_space<vmem>>)
      tpu.yield
    }) : () -> ()
    %mul3A_72 = arith.constant 624 : i32
    %mul3A_73 = arith.muli %arg1, %mul3A_72 : i32
    %add3A_74 = arith.constant 500 : i32
    %add3A_75 = arith.addi %mul3A_73, %add3A_74 : i32
    "tpu.region"() ({
      %run_scoped3A = tpu.sem_alloc : memref<!tpu.dma_semaphore, #tpu.memory_space<semaphore_mem>>
      %dma_start3A = arith.constant 0 : i32
      %dma_start3A_81 = arith.constant 0 : i32
      %dma_start3A_82 = tpu.memref_slice %arg9[%dma_start3A, %dma_start3A_81] : memref<125x64xf32, #tpu.memory_space<vmem>> -> memref<124x64xf32, #tpu.memory_space<vmem>>
      %dma_start3A_83 = arith.constant 0 : i32
      %dma_start3A_84 = tpu.memref_slice %arg6[%arg0, %add3A_75, %dma_start3A_83] : memref<2x10000x64xf32, #tpu.memory_space<hbm>> -> memref<1x124x64xf32, #tpu.memory_space<hbm>>
      %dma_start3A_85 = tpu.memref_squeeze %dma_start3A_84 : memref<1x124x64xf32, #tpu.memory_space<hbm>> -> memref<124x64xf32, #tpu.memory_space<hbm>>
      %dma_start3A_86 = arith.constant 0 : i32
      %dma_start3A_87 = tpu.memref_slice %arg6[%arg0, %add3A_75, %dma_start3A_86] : memref<2x10000x64xf32, #tpu.memory_space<hbm>> -> memref<1x124x64xf32, #tpu.memory_space<hbm>>
      %dma_start3A_88 = tpu.memref_squeeze %dma_start3A_87 : memref<1x124x64xf32, #tpu.memory_space<hbm>> -> memref<124x64xf32, #tpu.memory_space<hbm>>
      %dma_start3A_89 = arith.constant 0 : i32
      %dma_start3A_90 = arith.constant 0 : i32
      %dma_start3A_91 = tpu.memref_slice %arg9[%dma_start3A_89, %dma_start3A_90] : memref<125x64xf32, #tpu.memory_space<vmem>> -> memref<124x64xf32, #tpu.memory_space<vmem>>
      tpu.enqueue_dma source(%dma_start3A_91 : memref<124x64xf32, #tpu.memory_space<vmem>>) target(%dma_start3A_88 : memref<124x64xf32, #tpu.memory_space<hbm>>) target_semaphore(%run_scoped3A : memref<!tpu.dma_semaphore, #tpu.memory_space<semaphore_mem>>)
      %dma_wait3A = arith.constant 0 : i32
      %dma_wait3A_92 = arith.constant 0 : i32
      %dma_wait3A_93 = tpu.memref_slice %arg9[%dma_wait3A, %dma_wait3A_92] : memref<125x64xf32, #tpu.memory_space<vmem>> -> memref<124x64xf32, #tpu.memory_space<vmem>>
      %dma_wait3A_94 = arith.constant 0 : i32
      %dma_wait3A_95 = tpu.memref_slice %arg6[%arg0, %add3A_75, %dma_wait3A_94] : memref<2x10000x64xf32, #tpu.memory_space<hbm>> -> memref<1x124x64xf32, #tpu.memory_space<hbm>>
      %dma_wait3A_96 = tpu.memref_squeeze %dma_wait3A_95 : memref<1x124x64xf32, #tpu.memory_space<hbm>> -> memref<124x64xf32, #tpu.memory_space<hbm>>
      %dma_wait3A_97 = arith.constant 0 : i32
      %dma_wait3A_98 = tpu.memref_slice %arg6[%arg0, %add3A_75, %dma_wait3A_97] : memref<2x10000x64xf32, #tpu.memory_space<hbm>> -> memref<1x124x64xf32, #tpu.memory_space<hbm>>
      %dma_wait3A_99 = tpu.memref_squeeze %dma_wait3A_98 : memref<1x124x64xf32, #tpu.memory_space<hbm>> -> memref<124x64xf32, #tpu.memory_space<hbm>>
      %dma_wait3A_100 = arith.constant 0 : i32
      %dma_wait3A_101 = arith.constant 0 : i32
      %dma_wait3A_102 = tpu.memref_slice %arg9[%dma_wait3A_100, %dma_wait3A_101] : memref<125x64xf32, #tpu.memory_space<vmem>> -> memref<124x64xf32, #tpu.memory_space<vmem>>
      tpu.wait_dma2 semaphore(%run_scoped3A : memref<!tpu.dma_semaphore, #tpu.memory_space<semaphore_mem>>) src(%dma_wait3A_102 : memref<124x64xf32, #tpu.memory_space<vmem>>) dst(%dma_wait3A_99 : memref<124x64xf32, #tpu.memory_space<hbm>>)
      tpu.yield
    }) : () -> ()
    %eq3A_76 = arith.constant 0 : i32
    %eq3A_77 = arith.cmpi eq, %arg1, %eq3A_76 : i32
    %convert_element_type3A_78 = arith.extui %eq3A_77 : i1 to i32
    %cond3A_79 = arith.constant 0 : i32
    %cond3A_80 = arith.cmpi ne, %convert_element_type3A_78, %cond3A_79 : i32
    scf.if %cond3A_80 {
      "tpu.region"() ({
        %run_scoped3A = tpu.sem_alloc : memref<!tpu.dma_semaphore, #tpu.memory_space<semaphore_mem>>
        %dma_start3A = arith.constant 0 : i32
        %dma_start3A_81 = arith.constant 0 : i32
        %dma_start3A_82 = tpu.memref_slice %arg10[%dma_start3A, %dma_start3A_81] : memref<125x64xf32, #tpu.memory_space<vmem>> -> memref<16x64xf32, #tpu.memory_space<vmem>>
        %dma_start3A_83 = arith.constant 9984 : i32
        %dma_start3A_84 = arith.constant 0 : i32
        %dma_start3A_85 = tpu.memref_slice %arg13[%dma_start3A_83, %dma_start3A_84] : memref<10000x64xf32, #tpu.memory_space<vmem_shared>> -> memref<16x64xf32, #tpu.memory_space<vmem_shared>>
        %dma_start3A_86 = arith.constant 0 : i32
        %dma_start3A_87 = arith.constant 0 : i32
        %dma_start3A_88 = tpu.memref_slice %arg10[%dma_start3A_86, %dma_start3A_87] : memref<125x64xf32, #tpu.memory_space<vmem>> -> memref<16x64xf32, #tpu.memory_space<vmem>>
        %dma_start3A_89 = arith.constant 9984 : i32
        %dma_start3A_90 = arith.constant 0 : i32
        %dma_start3A_91 = tpu.memref_slice %arg13[%dma_start3A_89, %dma_start3A_90] : memref<10000x64xf32, #tpu.memory_space<vmem_shared>> -> memref<16x64xf32, #tpu.memory_space<vmem_shared>>
        tpu.enqueue_dma source(%dma_start3A_91 : memref<16x64xf32, #tpu.memory_space<vmem_shared>>) target(%dma_start3A_88 : memref<16x64xf32, #tpu.memory_space<vmem>>) target_semaphore(%run_scoped3A : memref<!tpu.dma_semaphore, #tpu.memory_space<semaphore_mem>>)
        %dma_wait3A = arith.constant 0 : i32
        %dma_wait3A_92 = arith.constant 0 : i32
        %dma_wait3A_93 = tpu.memref_slice %arg10[%dma_wait3A, %dma_wait3A_92] : memref<125x64xf32, #tpu.memory_space<vmem>> -> memref<16x64xf32, #tpu.memory_space<vmem>>
        %dma_wait3A_94 = arith.constant 9984 : i32
        %dma_wait3A_95 = arith.constant 0 : i32
        %dma_wait3A_96 = tpu.memref_slice %arg13[%dma_wait3A_94, %dma_wait3A_95] : memref<10000x64xf32, #tpu.memory_space<vmem_shared>> -> memref<16x64xf32, #tpu.memory_space<vmem_shared>>
        %dma_wait3A_97 = arith.constant 0 : i32
        %dma_wait3A_98 = arith.constant 0 : i32
        %dma_wait3A_99 = tpu.memref_slice %arg10[%dma_wait3A_97, %dma_wait3A_98] : memref<125x64xf32, #tpu.memory_space<vmem>> -> memref<16x64xf32, #tpu.memory_space<vmem>>
        %dma_wait3A_100 = arith.constant 9984 : i32
        %dma_wait3A_101 = arith.constant 0 : i32
        %dma_wait3A_102 = tpu.memref_slice %arg13[%dma_wait3A_100, %dma_wait3A_101] : memref<10000x64xf32, #tpu.memory_space<vmem_shared>> -> memref<16x64xf32, #tpu.memory_space<vmem_shared>>
        tpu.wait_dma2 semaphore(%run_scoped3A : memref<!tpu.dma_semaphore, #tpu.memory_space<semaphore_mem>>) src(%dma_wait3A_102 : memref<16x64xf32, #tpu.memory_space<vmem_shared>>) dst(%dma_wait3A_99 : memref<16x64xf32, #tpu.memory_space<vmem>>)
        tpu.yield
      }) : () -> ()
      "tpu.region"() ({
        %run_scoped3A = tpu.sem_alloc : memref<!tpu.dma_semaphore, #tpu.memory_space<semaphore_mem>>
        %dma_start3A = arith.constant 0 : i32
        %dma_start3A_81 = arith.constant 0 : i32
        %dma_start3A_82 = tpu.memref_slice %arg10[%dma_start3A, %dma_start3A_81] : memref<125x64xf32, #tpu.memory_space<vmem>> -> memref<16x64xf32, #tpu.memory_space<vmem>>
        %dma_start3A_83 = arith.constant 9984 : i32
        %dma_start3A_84 = arith.constant 0 : i32
        %dma_start3A_85 = tpu.memref_slice %arg6[%arg0, %dma_start3A_83, %dma_start3A_84] : memref<2x10000x64xf32, #tpu.memory_space<hbm>> -> memref<1x16x64xf32, #tpu.memory_space<hbm>>
        %dma_start3A_86 = tpu.memref_squeeze %dma_start3A_85 : memref<1x16x64xf32, #tpu.memory_space<hbm>> -> memref<16x64xf32, #tpu.memory_space<hbm>>
        %dma_start3A_87 = arith.constant 9984 : i32
        %dma_start3A_88 = arith.constant 0 : i32
        %dma_start3A_89 = tpu.memref_slice %arg6[%arg0, %dma_start3A_87, %dma_start3A_88] : memref<2x10000x64xf32, #tpu.memory_space<hbm>> -> memref<1x16x64xf32, #tpu.memory_space<hbm>>
        %dma_start3A_90 = tpu.memref_squeeze %dma_start3A_89 : memref<1x16x64xf32, #tpu.memory_space<hbm>> -> memref<16x64xf32, #tpu.memory_space<hbm>>
        %dma_start3A_91 = arith.constant 0 : i32
        %dma_start3A_92 = arith.constant 0 : i32
        %dma_start3A_93 = tpu.memref_slice %arg10[%dma_start3A_91, %dma_start3A_92] : memref<125x64xf32, #tpu.memory_space<vmem>> -> memref<16x64xf32, #tpu.memory_space<vmem>>
        tpu.enqueue_dma source(%dma_start3A_93 : memref<16x64xf32, #tpu.memory_space<vmem>>) target(%dma_start3A_90 : memref<16x64xf32, #tpu.memory_space<hbm>>) target_semaphore(%run_scoped3A : memref<!tpu.dma_semaphore, #tpu.memory_space<semaphore_mem>>)
        %dma_wait3A = arith.constant 0 : i32
        %dma_wait3A_94 = arith.constant 0 : i32
        %dma_wait3A_95 = tpu.memref_slice %arg10[%dma_wait3A, %dma_wait3A_94] : memref<125x64xf32, #tpu.memory_space<vmem>> -> memref<16x64xf32, #tpu.memory_space<vmem>>
        %dma_wait3A_96 = arith.constant 9984 : i32
        %dma_wait3A_97 = arith.constant 0 : i32
        %dma_wait3A_98 = tpu.memref_slice %arg6[%arg0, %dma_wait3A_96, %dma_wait3A_97] : memref<2x10000x64xf32, #tpu.memory_space<hbm>> -> memref<1x16x64xf32, #tpu.memory_space<hbm>>
        %dma_wait3A_99 = tpu.memref_squeeze %dma_wait3A_98 : memref<1x16x64xf32, #tpu.memory_space<hbm>> -> memref<16x64xf32, #tpu.memory_space<hbm>>
        %dma_wait3A_100 = arith.constant 9984 : i32
        %dma_wait3A_101 = arith.constant 0 : i32
        %dma_wait3A_102 = tpu.memref_slice %arg6[%arg0, %dma_wait3A_100, %dma_wait3A_101] : memref<2x10000x64xf32, #tpu.memory_space<hbm>> -> memref<1x16x64xf32, #tpu.memory_space<hbm>>
        %dma_wait3A_103 = tpu.memref_squeeze %dma_wait3A_102 : memref<1x16x64xf32, #tpu.memory_space<hbm>> -> memref<16x64xf32, #tpu.memory_space<hbm>>
        %dma_wait3A_104 = arith.constant 0 : i32
        %dma_wait3A_105 = arith.constant 0 : i32
        %dma_wait3A_106 = tpu.memref_slice %arg10[%dma_wait3A_104, %dma_wait3A_105] : memref<125x64xf32, #tpu.memory_space<vmem>> -> memref<16x64xf32, #tpu.memory_space<vmem>>
        tpu.wait_dma2 semaphore(%run_scoped3A : memref<!tpu.dma_semaphore, #tpu.memory_space<semaphore_mem>>) src(%dma_wait3A_106 : memref<16x64xf32, #tpu.memory_space<vmem>>) dst(%dma_wait3A_103 : memref<16x64xf32, #tpu.memory_space<hbm>>)
        tpu.yield
      }) : () -> ()
    } else {
    }
    return
  }
}

#map = affine_map<(d0, d1) -> (0, 0)>
#map1 = affine_map<(d0, d1) -> (0, 0, 0)>
module attributes {stable_mosaic.version = 14 : i64} {
  func.func @body(%arg0: i32, %arg1: i32, %arg2: memref<10000x64xf32, #tpu.memory_space<hbm>>, %arg3: memref<32x125x80xi32, #tpu.memory_space<hbm>>, %arg4: memref<32x125x80xi32, #tpu.memory_space<hbm>>, %arg5: memref<2x10000x64xf32, #tpu.memory_space<hbm>>, %arg6: memref<125x80xi32, #tpu.memory_space<vmem>>, %arg7: memref<125x80xi32, #tpu.memory_space<vmem>>, %arg8: memref<80x64xf32, #tpu.memory_space<vmem>>, %arg9: memref<80x64xf32, #tpu.memory_space<vmem>>, %arg10: memref<80x64xf32, #tpu.memory_space<vmem>>, %arg11: memref<80x64xf32, #tpu.memory_space<vmem>>, %arg12: memref<80x64xf32, #tpu.memory_space<vmem>>, %arg13: memref<10000x64xf32, #tpu.memory_space<vmem_shared>>, %arg14: memref<!tpu.dma_semaphore, #tpu.memory_space<semaphore_mem>>) attributes {dimension_semantics = [#tpu.dimension_semantics<core_parallel>, #tpu.dimension_semantics<subcore_parallel>], iteration_bounds = array<i64: 2, 16>, scalar_prefetch = 0 : i64, scratch_operands = 9 : i64, tpu.core_type = #tpu.core_type<sc_vector_subcore>, window_params = [{transform_indices = #map}, {transform_indices = #map1}, {transform_indices = #map1}, {transform_indices = #map1}]} {
    %mul3A = arith.constant 2 : i32
    %mul3A_0 = arith.muli %arg1, %mul3A : i32
    %add3A = arith.addi %mul3A_0, %arg0 : i32
    %scan3A = arith.constant 0 : i32
    %scan3A_1 = arith.constant 0 : i32
    %scan3A_2 = arith.constant 80 : i32
    %scan3A_3 = arith.addi %scan3A_1, %scan3A_2 : i32
    %scan3A_4 = arith.constant 1 : i32
    scf.for %scan3A_150 = %scan3A_1 to %scan3A_3 step %scan3A_4  : i32 {
      %broadcast_in_dim3A = arith.constant 0.000000e+00 : f32
      %broadcast_in_dim3A_151 = vector.broadcast %broadcast_in_dim3A : f32 to vector<16xf32>
      %swap3A = arith.index_cast %scan3A_150 : i32 to index
      %swap3A_152 = arith.constant 0 : index
      %swap3A_153 = tpu.vector_load %arg8[%swap3A, %swap3A_152] {strides = array<i32>} : memref<80x64xf32, #tpu.memory_space<vmem>>, vector<1x16xf32>,
      %swap3A_154 = vector.shape_cast %swap3A_153 : vector<1x16xf32> to vector<16xf32>
      %swap3A_155 = vector.shape_cast %broadcast_in_dim3A_151 : vector<16xf32> to vector<1x16xf32>
      tpu.vector_store %arg8[%swap3A, %swap3A_152], %swap3A_155 {strides = array<i32>} : memref<80x64xf32, #tpu.memory_space<vmem>>, vector<1x16xf32>,
      %broadcast_in_dim3A_156 = arith.constant 0.000000e+00 : f32
      %broadcast_in_dim3A_157 = vector.broadcast %broadcast_in_dim3A_156 : f32 to vector<16xf32>
      %swap3A_158 = arith.index_cast %scan3A_150 : i32 to index
      %swap3A_159 = arith.constant 16 : index
      %swap3A_160 = tpu.vector_load %arg8[%swap3A_158, %swap3A_159] {strides = array<i32>} : memref<80x64xf32, #tpu.memory_space<vmem>>, vector<1x16xf32>,
      %swap3A_161 = vector.shape_cast %swap3A_160 : vector<1x16xf32> to vector<16xf32>
      %swap3A_162 = vector.shape_cast %broadcast_in_dim3A_157 : vector<16xf32> to vector<1x16xf32>
      tpu.vector_store %arg8[%swap3A_158, %swap3A_159], %swap3A_162 {strides = array<i32>} : memref<80x64xf32, #tpu.memory_space<vmem>>, vector<1x16xf32>,
      %broadcast_in_dim3A_163 = arith.constant 0.000000e+00 : f32
      %broadcast_in_dim3A_164 = vector.broadcast %broadcast_in_dim3A_163 : f32 to vector<16xf32>
      %swap3A_165 = arith.index_cast %scan3A_150 : i32 to index
      %swap3A_166 = arith.constant 32 : index
      %swap3A_167 = tpu.vector_load %arg8[%swap3A_165, %swap3A_166] {strides = array<i32>} : memref<80x64xf32, #tpu.memory_space<vmem>>, vector<1x16xf32>,
      %swap3A_168 = vector.shape_cast %swap3A_167 : vector<1x16xf32> to vector<16xf32>
      %swap3A_169 = vector.shape_cast %broadcast_in_dim3A_164 : vector<16xf32> to vector<1x16xf32>
      tpu.vector_store %arg8[%swap3A_165, %swap3A_166], %swap3A_169 {strides = array<i32>} : memref<80x64xf32, #tpu.memory_space<vmem>>, vector<1x16xf32>,
      %broadcast_in_dim3A_170 = arith.constant 0.000000e+00 : f32
      %broadcast_in_dim3A_171 = vector.broadcast %broadcast_in_dim3A_170 : f32 to vector<16xf32>
      %swap3A_172 = arith.index_cast %scan3A_150 : i32 to index
      %swap3A_173 = arith.constant 48 : index
      %swap3A_174 = tpu.vector_load %arg8[%swap3A_172, %swap3A_173] {strides = array<i32>} : memref<80x64xf32, #tpu.memory_space<vmem>>, vector<1x16xf32>,
      %swap3A_175 = vector.shape_cast %swap3A_174 : vector<1x16xf32> to vector<16xf32>
      %swap3A_176 = vector.shape_cast %broadcast_in_dim3A_171 : vector<16xf32> to vector<1x16xf32>
      tpu.vector_store %arg8[%swap3A_172, %swap3A_173], %swap3A_176 {strides = array<i32>} : memref<80x64xf32, #tpu.memory_space<vmem>>, vector<1x16xf32>,
    }
    %scan3A_5 = arith.constant 80 : i32
    %mul3A_6 = arith.constant 624 : i32
    %mul3A_7 = arith.muli %arg1, %mul3A_6 : i32
    %add3A_8 = arith.constant 0 : i32
    %add3A_9 = arith.addi %mul3A_7, %add3A_8 : i32
    "tpu.region"() ({
      %run_scoped3A = tpu.sem_alloc : memref<!tpu.dma_semaphore, #tpu.memory_space<semaphore_mem>>
      %dma_start3A_150 = arith.constant 0 : i32
      %dma_start3A_151 = tpu.memref_slice %arg13[%add3A_9, %dma_start3A_150] : memref<10000x64xf32, #tpu.memory_space<vmem_shared>> -> memref<80x64xf32, #tpu.memory_space<vmem_shared>>
      %dma_start3A_152 = arith.constant 0 : i32
      %dma_start3A_153 = tpu.memref_slice %arg13[%add3A_9, %dma_start3A_152] : memref<10000x64xf32, #tpu.memory_space<vmem_shared>> -> memref<80x64xf32, #tpu.memory_space<vmem_shared>>
      tpu.enqueue_dma source(%arg8 : memref<80x64xf32, #tpu.memory_space<vmem>>) target(%dma_start3A_153 : memref<80x64xf32, #tpu.memory_space<vmem_shared>>) target_semaphore(%run_scoped3A : memref<!tpu.dma_semaphore, #tpu.memory_space<semaphore_mem>>)
      %dma_wait3A = arith.constant 0 : i32
      %dma_wait3A_154 = tpu.memref_slice %arg13[%add3A_9, %dma_wait3A] : memref<10000x64xf32, #tpu.memory_space<vmem_shared>> -> memref<80x64xf32, #tpu.memory_space<vmem_shared>>
      %dma_wait3A_155 = arith.constant 0 : i32
      %dma_wait3A_156 = tpu.memref_slice %arg13[%add3A_9, %dma_wait3A_155] : memref<10000x64xf32, #tpu.memory_space<vmem_shared>> -> memref<80x64xf32, #tpu.memory_space<vmem_shared>>
      tpu.wait_dma2 semaphore(%run_scoped3A : memref<!tpu.dma_semaphore, #tpu.memory_space<semaphore_mem>>) src(%arg8 : memref<80x64xf32, #tpu.memory_space<vmem>>) dst(%dma_wait3A_156 : memref<80x64xf32, #tpu.memory_space<vmem_shared>>)
      tpu.yield
    }) : () -> ()
    %mul3A_10 = arith.constant 624 : i32
    %mul3A_11 = arith.muli %arg1, %mul3A_10 : i32
    %add3A_12 = arith.constant 80 : i32
    %add3A_13 = arith.addi %mul3A_11, %add3A_12 : i32
    "tpu.region"() ({
      %run_scoped3A = tpu.sem_alloc : memref<!tpu.dma_semaphore, #tpu.memory_space<semaphore_mem>>
      %dma_start3A_150 = arith.constant 0 : i32
      %dma_start3A_151 = tpu.memref_slice %arg13[%add3A_13, %dma_start3A_150] : memref<10000x64xf32, #tpu.memory_space<vmem_shared>> -> memref<80x64xf32, #tpu.memory_space<vmem_shared>>
      %dma_start3A_152 = arith.constant 0 : i32
      %dma_start3A_153 = tpu.memref_slice %arg13[%add3A_13, %dma_start3A_152] : memref<10000x64xf32, #tpu.memory_space<vmem_shared>> -> memref<80x64xf32, #tpu.memory_space<vmem_shared>>
      tpu.enqueue_dma source(%arg8 : memref<80x64xf32, #tpu.memory_space<vmem>>) target(%dma_start3A_153 : memref<80x64xf32, #tpu.memory_space<vmem_shared>>) target_semaphore(%run_scoped3A : memref<!tpu.dma_semaphore, #tpu.memory_space<semaphore_mem>>)
      %dma_wait3A = arith.constant 0 : i32
      %dma_wait3A_154 = tpu.memref_slice %arg13[%add3A_13, %dma_wait3A] : memref<10000x64xf32, #tpu.memory_space<vmem_shared>> -> memref<80x64xf32, #tpu.memory_space<vmem_shared>>
      %dma_wait3A_155 = arith.constant 0 : i32
      %dma_wait3A_156 = tpu.memref_slice %arg13[%add3A_13, %dma_wait3A_155] : memref<10000x64xf32, #tpu.memory_space<vmem_shared>> -> memref<80x64xf32, #tpu.memory_space<vmem_shared>>
      tpu.wait_dma2 semaphore(%run_scoped3A : memref<!tpu.dma_semaphore, #tpu.memory_space<semaphore_mem>>) src(%arg8 : memref<80x64xf32, #tpu.memory_space<vmem>>) dst(%dma_wait3A_156 : memref<80x64xf32, #tpu.memory_space<vmem_shared>>)
      tpu.yield
    }) : () -> ()
    %mul3A_14 = arith.constant 624 : i32
    %mul3A_15 = arith.muli %arg1, %mul3A_14 : i32
    %add3A_16 = arith.constant 160 : i32
    %add3A_17 = arith.addi %mul3A_15, %add3A_16 : i32
    "tpu.region"() ({
      %run_scoped3A = tpu.sem_alloc : memref<!tpu.dma_semaphore, #tpu.memory_space<semaphore_mem>>
      %dma_start3A_150 = arith.constant 0 : i32
      %dma_start3A_151 = tpu.memref_slice %arg13[%add3A_17, %dma_start3A_150] : memref<10000x64xf32, #tpu.memory_space<vmem_shared>> -> memref<80x64xf32, #tpu.memory_space<vmem_shared>>
      %dma_start3A_152 = arith.constant 0 : i32
      %dma_start3A_153 = tpu.memref_slice %arg13[%add3A_17, %dma_start3A_152] : memref<10000x64xf32, #tpu.memory_space<vmem_shared>> -> memref<80x64xf32, #tpu.memory_space<vmem_shared>>
      tpu.enqueue_dma source(%arg8 : memref<80x64xf32, #tpu.memory_space<vmem>>) target(%dma_start3A_153 : memref<80x64xf32, #tpu.memory_space<vmem_shared>>) target_semaphore(%run_scoped3A : memref<!tpu.dma_semaphore, #tpu.memory_space<semaphore_mem>>)
      %dma_wait3A = arith.constant 0 : i32
      %dma_wait3A_154 = tpu.memref_slice %arg13[%add3A_17, %dma_wait3A] : memref<10000x64xf32, #tpu.memory_space<vmem_shared>> -> memref<80x64xf32, #tpu.memory_space<vmem_shared>>
      %dma_wait3A_155 = arith.constant 0 : i32
      %dma_wait3A_156 = tpu.memref_slice %arg13[%add3A_17, %dma_wait3A_155] : memref<10000x64xf32, #tpu.memory_space<vmem_shared>> -> memref<80x64xf32, #tpu.memory_space<vmem_shared>>
      tpu.wait_dma2 semaphore(%run_scoped3A : memref<!tpu.dma_semaphore, #tpu.memory_space<semaphore_mem>>) src(%arg8 : memref<80x64xf32, #tpu.memory_space<vmem>>) dst(%dma_wait3A_156 : memref<80x64xf32, #tpu.memory_space<vmem_shared>>)
      tpu.yield
    }) : () -> ()
    %mul3A_18 = arith.constant 624 : i32
    %mul3A_19 = arith.muli %arg1, %mul3A_18 : i32
    %add3A_20 = arith.constant 240 : i32
    %add3A_21 = arith.addi %mul3A_19, %add3A_20 : i32
    "tpu.region"() ({
      %run_scoped3A = tpu.sem_alloc : memref<!tpu.dma_semaphore, #tpu.memory_space<semaphore_mem>>
      %dma_start3A_150 = arith.constant 0 : i32
      %dma_start3A_151 = tpu.memref_slice %arg13[%add3A_21, %dma_start3A_150] : memref<10000x64xf32, #tpu.memory_space<vmem_shared>> -> memref<80x64xf32, #tpu.memory_space<vmem_shared>>
      %dma_start3A_152 = arith.constant 0 : i32
      %dma_start3A_153 = tpu.memref_slice %arg13[%add3A_21, %dma_start3A_152] : memref<10000x64xf32, #tpu.memory_space<vmem_shared>> -> memref<80x64xf32, #tpu.memory_space<vmem_shared>>
      tpu.enqueue_dma source(%arg8 : memref<80x64xf32, #tpu.memory_space<vmem>>) target(%dma_start3A_153 : memref<80x64xf32, #tpu.memory_space<vmem_shared>>) target_semaphore(%run_scoped3A : memref<!tpu.dma_semaphore, #tpu.memory_space<semaphore_mem>>)
      %dma_wait3A = arith.constant 0 : i32
      %dma_wait3A_154 = tpu.memref_slice %arg13[%add3A_21, %dma_wait3A] : memref<10000x64xf32, #tpu.memory_space<vmem_shared>> -> memref<80x64xf32, #tpu.memory_space<vmem_shared>>
      %dma_wait3A_155 = arith.constant 0 : i32
      %dma_wait3A_156 = tpu.memref_slice %arg13[%add3A_21, %dma_wait3A_155] : memref<10000x64xf32, #tpu.memory_space<vmem_shared>> -> memref<80x64xf32, #tpu.memory_space<vmem_shared>>
      tpu.wait_dma2 semaphore(%run_scoped3A : memref<!tpu.dma_semaphore, #tpu.memory_space<semaphore_mem>>) src(%arg8 : memref<80x64xf32, #tpu.memory_space<vmem>>) dst(%dma_wait3A_156 : memref<80x64xf32, #tpu.memory_space<vmem_shared>>)
      tpu.yield
    }) : () -> ()
    %mul3A_22 = arith.constant 624 : i32
    %mul3A_23 = arith.muli %arg1, %mul3A_22 : i32
    %add3A_24 = arith.constant 320 : i32
    %add3A_25 = arith.addi %mul3A_23, %add3A_24 : i32
    "tpu.region"() ({
      %run_scoped3A = tpu.sem_alloc : memref<!tpu.dma_semaphore, #tpu.memory_space<semaphore_mem>>
      %dma_start3A_150 = arith.constant 0 : i32
      %dma_start3A_151 = tpu.memref_slice %arg13[%add3A_25, %dma_start3A_150] : memref<10000x64xf32, #tpu.memory_space<vmem_shared>> -> memref<80x64xf32, #tpu.memory_space<vmem_shared>>
      %dma_start3A_152 = arith.constant 0 : i32
      %dma_start3A_153 = tpu.memref_slice %arg13[%add3A_25, %dma_start3A_152] : memref<10000x64xf32, #tpu.memory_space<vmem_shared>> -> memref<80x64xf32, #tpu.memory_space<vmem_shared>>
      tpu.enqueue_dma source(%arg8 : memref<80x64xf32, #tpu.memory_space<vmem>>) target(%dma_start3A_153 : memref<80x64xf32, #tpu.memory_space<vmem_shared>>) target_semaphore(%run_scoped3A : memref<!tpu.dma_semaphore, #tpu.memory_space<semaphore_mem>>)
      %dma_wait3A = arith.constant 0 : i32
      %dma_wait3A_154 = tpu.memref_slice %arg13[%add3A_25, %dma_wait3A] : memref<10000x64xf32, #tpu.memory_space<vmem_shared>> -> memref<80x64xf32, #tpu.memory_space<vmem_shared>>
      %dma_wait3A_155 = arith.constant 0 : i32
      %dma_wait3A_156 = tpu.memref_slice %arg13[%add3A_25, %dma_wait3A_155] : memref<10000x64xf32, #tpu.memory_space<vmem_shared>> -> memref<80x64xf32, #tpu.memory_space<vmem_shared>>
      tpu.wait_dma2 semaphore(%run_scoped3A : memref<!tpu.dma_semaphore, #tpu.memory_space<semaphore_mem>>) src(%arg8 : memref<80x64xf32, #tpu.memory_space<vmem>>) dst(%dma_wait3A_156 : memref<80x64xf32, #tpu.memory_space<vmem_shared>>)
      tpu.yield
    }) : () -> ()
    %mul3A_26 = arith.constant 624 : i32
    %mul3A_27 = arith.muli %arg1, %mul3A_26 : i32
    %add3A_28 = arith.constant 400 : i32
    %add3A_29 = arith.addi %mul3A_27, %add3A_28 : i32
    "tpu.region"() ({
      %run_scoped3A = tpu.sem_alloc : memref<!tpu.dma_semaphore, #tpu.memory_space<semaphore_mem>>
      %dma_start3A_150 = arith.constant 0 : i32
      %dma_start3A_151 = tpu.memref_slice %arg13[%add3A_29, %dma_start3A_150] : memref<10000x64xf32, #tpu.memory_space<vmem_shared>> -> memref<80x64xf32, #tpu.memory_space<vmem_shared>>
      %dma_start3A_152 = arith.constant 0 : i32
      %dma_start3A_153 = tpu.memref_slice %arg13[%add3A_29, %dma_start3A_152] : memref<10000x64xf32, #tpu.memory_space<vmem_shared>> -> memref<80x64xf32, #tpu.memory_space<vmem_shared>>
      tpu.enqueue_dma source(%arg8 : memref<80x64xf32, #tpu.memory_space<vmem>>) target(%dma_start3A_153 : memref<80x64xf32, #tpu.memory_space<vmem_shared>>) target_semaphore(%run_scoped3A : memref<!tpu.dma_semaphore, #tpu.memory_space<semaphore_mem>>)
      %dma_wait3A = arith.constant 0 : i32
      %dma_wait3A_154 = tpu.memref_slice %arg13[%add3A_29, %dma_wait3A] : memref<10000x64xf32, #tpu.memory_space<vmem_shared>> -> memref<80x64xf32, #tpu.memory_space<vmem_shared>>
      %dma_wait3A_155 = arith.constant 0 : i32
      %dma_wait3A_156 = tpu.memref_slice %arg13[%add3A_29, %dma_wait3A_155] : memref<10000x64xf32, #tpu.memory_space<vmem_shared>> -> memref<80x64xf32, #tpu.memory_space<vmem_shared>>
      tpu.wait_dma2 semaphore(%run_scoped3A : memref<!tpu.dma_semaphore, #tpu.memory_space<semaphore_mem>>) src(%arg8 : memref<80x64xf32, #tpu.memory_space<vmem>>) dst(%dma_wait3A_156 : memref<80x64xf32, #tpu.memory_space<vmem_shared>>)
      tpu.yield
    }) : () -> ()
    %mul3A_30 = arith.constant 624 : i32
    %mul3A_31 = arith.muli %arg1, %mul3A_30 : i32
    %add3A_32 = arith.constant 480 : i32
    %add3A_33 = arith.addi %mul3A_31, %add3A_32 : i32
    "tpu.region"() ({
      %run_scoped3A = tpu.sem_alloc : memref<!tpu.dma_semaphore, #tpu.memory_space<semaphore_mem>>
      %dma_start3A_150 = arith.constant 0 : i32
      %dma_start3A_151 = tpu.memref_slice %arg13[%add3A_33, %dma_start3A_150] : memref<10000x64xf32, #tpu.memory_space<vmem_shared>> -> memref<80x64xf32, #tpu.memory_space<vmem_shared>>
      %dma_start3A_152 = arith.constant 0 : i32
      %dma_start3A_153 = tpu.memref_slice %arg13[%add3A_33, %dma_start3A_152] : memref<10000x64xf32, #tpu.memory_space<vmem_shared>> -> memref<80x64xf32, #tpu.memory_space<vmem_shared>>
      tpu.enqueue_dma source(%arg8 : memref<80x64xf32, #tpu.memory_space<vmem>>) target(%dma_start3A_153 : memref<80x64xf32, #tpu.memory_space<vmem_shared>>) target_semaphore(%run_scoped3A : memref<!tpu.dma_semaphore, #tpu.memory_space<semaphore_mem>>)
      %dma_wait3A = arith.constant 0 : i32
      %dma_wait3A_154 = tpu.memref_slice %arg13[%add3A_33, %dma_wait3A] : memref<10000x64xf32, #tpu.memory_space<vmem_shared>> -> memref<80x64xf32, #tpu.memory_space<vmem_shared>>
      %dma_wait3A_155 = arith.constant 0 : i32
      %dma_wait3A_156 = tpu.memref_slice %arg13[%add3A_33, %dma_wait3A_155] : memref<10000x64xf32, #tpu.memory_space<vmem_shared>> -> memref<80x64xf32, #tpu.memory_space<vmem_shared>>
      tpu.wait_dma2 semaphore(%run_scoped3A : memref<!tpu.dma_semaphore, #tpu.memory_space<semaphore_mem>>) src(%arg8 : memref<80x64xf32, #tpu.memory_space<vmem>>) dst(%dma_wait3A_156 : memref<80x64xf32, #tpu.memory_space<vmem_shared>>)
      tpu.yield
    }) : () -> ()
    %mul3A_34 = arith.constant 624 : i32
    %mul3A_35 = arith.muli %arg1, %mul3A_34 : i32
    %add3A_36 = arith.constant 560 : i32
    %add3A_37 = arith.addi %mul3A_35, %add3A_36 : i32
    "tpu.region"() ({
      %run_scoped3A = tpu.sem_alloc : memref<!tpu.dma_semaphore, #tpu.memory_space<semaphore_mem>>
      %dma_start3A_150 = arith.constant 0 : i32
      %dma_start3A_151 = arith.constant 0 : i32
      %dma_start3A_152 = tpu.memref_slice %arg8[%dma_start3A_150, %dma_start3A_151] : memref<80x64xf32, #tpu.memory_space<vmem>> -> memref<64x64xf32, #tpu.memory_space<vmem>>
      %dma_start3A_153 = arith.constant 0 : i32
      %dma_start3A_154 = tpu.memref_slice %arg13[%add3A_37, %dma_start3A_153] : memref<10000x64xf32, #tpu.memory_space<vmem_shared>> -> memref<64x64xf32, #tpu.memory_space<vmem_shared>>
      %dma_start3A_155 = arith.constant 0 : i32
      %dma_start3A_156 = tpu.memref_slice %arg13[%add3A_37, %dma_start3A_155] : memref<10000x64xf32, #tpu.memory_space<vmem_shared>> -> memref<64x64xf32, #tpu.memory_space<vmem_shared>>
      %dma_start3A_157 = arith.constant 0 : i32
      %dma_start3A_158 = arith.constant 0 : i32
      %dma_start3A_159 = tpu.memref_slice %arg8[%dma_start3A_157, %dma_start3A_158] : memref<80x64xf32, #tpu.memory_space<vmem>> -> memref<64x64xf32, #tpu.memory_space<vmem>>
      tpu.enqueue_dma source(%dma_start3A_159 : memref<64x64xf32, #tpu.memory_space<vmem>>) target(%dma_start3A_156 : memref<64x64xf32, #tpu.memory_space<vmem_shared>>) target_semaphore(%run_scoped3A : memref<!tpu.dma_semaphore, #tpu.memory_space<semaphore_mem>>)
      %dma_wait3A = arith.constant 0 : i32
      %dma_wait3A_160 = arith.constant 0 : i32
      %dma_wait3A_161 = tpu.memref_slice %arg8[%dma_wait3A, %dma_wait3A_160] : memref<80x64xf32, #tpu.memory_space<vmem>> -> memref<64x64xf32, #tpu.memory_space<vmem>>
      %dma_wait3A_162 = arith.constant 0 : i32
      %dma_wait3A_163 = tpu.memref_slice %arg13[%add3A_37, %dma_wait3A_162] : memref<10000x64xf32, #tpu.memory_space<vmem_shared>> -> memref<64x64xf32, #tpu.memory_space<vmem_shared>>
      %dma_wait3A_164 = arith.constant 0 : i32
      %dma_wait3A_165 = tpu.memref_slice %arg13[%add3A_37, %dma_wait3A_164] : memref<10000x64xf32, #tpu.memory_space<vmem_shared>> -> memref<64x64xf32, #tpu.memory_space<vmem_shared>>
      %dma_wait3A_166 = arith.constant 0 : i32
      %dma_wait3A_167 = arith.constant 0 : i32
      %dma_wait3A_168 = tpu.memref_slice %arg8[%dma_wait3A_166, %dma_wait3A_167] : memref<80x64xf32, #tpu.memory_space<vmem>> -> memref<64x64xf32, #tpu.memory_space<vmem>>
      tpu.wait_dma2 semaphore(%run_scoped3A : memref<!tpu.dma_semaphore, #tpu.memory_space<semaphore_mem>>) src(%dma_wait3A_168 : memref<64x64xf32, #tpu.memory_space<vmem>>) dst(%dma_wait3A_165 : memref<64x64xf32, #tpu.memory_space<vmem_shared>>)
      tpu.yield
    }) : () -> ()
    %eq3A = arith.constant 0 : i32
    %eq3A_38 = arith.cmpi eq, %arg1, %eq3A : i32
    %convert_element_type3A = arith.extui %eq3A_38 : i1 to i32
    %cond3A = arith.constant 0 : i32
    %cond3A_39 = arith.cmpi ne, %convert_element_type3A, %cond3A : i32
    scf.if %cond3A_39 {
      "tpu.region"() ({
        %run_scoped3A = tpu.sem_alloc : memref<!tpu.dma_semaphore, #tpu.memory_space<semaphore_mem>>
        %dma_start3A_150 = arith.constant 0 : i32
        %dma_start3A_151 = arith.constant 0 : i32
        %dma_start3A_152 = tpu.memref_slice %arg8[%dma_start3A_150, %dma_start3A_151] : memref<80x64xf32, #tpu.memory_space<vmem>> -> memref<16x64xf32, #tpu.memory_space<vmem>>
        %dma_start3A_153 = arith.constant 9984 : i32
        %dma_start3A_154 = arith.constant 0 : i32
        %dma_start3A_155 = tpu.memref_slice %arg13[%dma_start3A_153, %dma_start3A_154] : memref<10000x64xf32, #tpu.memory_space<vmem_shared>> -> memref<16x64xf32, #tpu.memory_space<vmem_shared>>
        %dma_start3A_156 = arith.constant 9984 : i32
        %dma_start3A_157 = arith.constant 0 : i32
        %dma_start3A_158 = tpu.memref_slice %arg13[%dma_start3A_156, %dma_start3A_157] : memref<10000x64xf32, #tpu.memory_space<vmem_shared>> -> memref<16x64xf32, #tpu.memory_space<vmem_shared>>
        %dma_start3A_159 = arith.constant 0 : i32
        %dma_start3A_160 = arith.constant 0 : i32
        %dma_start3A_161 = tpu.memref_slice %arg8[%dma_start3A_159, %dma_start3A_160] : memref<80x64xf32, #tpu.memory_space<vmem>> -> memref<16x64xf32, #tpu.memory_space<vmem>>
        tpu.enqueue_dma source(%dma_start3A_161 : memref<16x64xf32, #tpu.memory_space<vmem>>) target(%dma_start3A_158 : memref<16x64xf32, #tpu.memory_space<vmem_shared>>) target_semaphore(%run_scoped3A : memref<!tpu.dma_semaphore, #tpu.memory_space<semaphore_mem>>)
        %dma_wait3A = arith.constant 0 : i32
        %dma_wait3A_162 = arith.constant 0 : i32
        %dma_wait3A_163 = tpu.memref_slice %arg8[%dma_wait3A, %dma_wait3A_162] : memref<80x64xf32, #tpu.memory_space<vmem>> -> memref<16x64xf32, #tpu.memory_space<vmem>>
        %dma_wait3A_164 = arith.constant 9984 : i32
        %dma_wait3A_165 = arith.constant 0 : i32
        %dma_wait3A_166 = tpu.memref_slice %arg13[%dma_wait3A_164, %dma_wait3A_165] : memref<10000x64xf32, #tpu.memory_space<vmem_shared>> -> memref<16x64xf32, #tpu.memory_space<vmem_shared>>
        %dma_wait3A_167 = arith.constant 9984 : i32
        %dma_wait3A_168 = arith.constant 0 : i32
        %dma_wait3A_169 = tpu.memref_slice %arg13[%dma_wait3A_167, %dma_wait3A_168] : memref<10000x64xf32, #tpu.memory_space<vmem_shared>> -> memref<16x64xf32, #tpu.memory_space<vmem_shared>>
        %dma_wait3A_170 = arith.constant 0 : i32
        %dma_wait3A_171 = arith.constant 0 : i32
        %dma_wait3A_172 = tpu.memref_slice %arg8[%dma_wait3A_170, %dma_wait3A_171] : memref<80x64xf32, #tpu.memory_space<vmem>> -> memref<16x64xf32, #tpu.memory_space<vmem>>
        tpu.wait_dma2 semaphore(%run_scoped3A : memref<!tpu.dma_semaphore, #tpu.memory_space<semaphore_mem>>) src(%dma_wait3A_172 : memref<16x64xf32, #tpu.memory_space<vmem>>) dst(%dma_wait3A_169 : memref<16x64xf32, #tpu.memory_space<vmem_shared>>)
        tpu.yield
      }) : () -> ()
    } else {
    }
    "tpu.region"() ({
      %run_scoped3A = tpu.sem_alloc : memref<!tpu.dma_semaphore, #tpu.memory_space<semaphore_mem>>
      %dma_start3A_150 = arith.constant 0 : i32
      %dma_start3A_151 = arith.constant 0 : i32
      %dma_start3A_152 = tpu.memref_slice %arg3[%add3A, %dma_start3A_150, %dma_start3A_151] : memref<32x125x80xi32, #tpu.memory_space<hbm>> -> memref<1x125x80xi32, #tpu.memory_space<hbm>>
      %dma_start3A_153 = tpu.memref_squeeze %dma_start3A_152 : memref<1x125x80xi32, #tpu.memory_space<hbm>> -> memref<125x80xi32, #tpu.memory_space<hbm>>
      %dma_start3A_154 = arith.constant 0 : i32
      %dma_start3A_155 = arith.constant 0 : i32
      %dma_start3A_156 = tpu.memref_slice %arg3[%add3A, %dma_start3A_154, %dma_start3A_155] : memref<32x125x80xi32, #tpu.memory_space<hbm>> -> memref<1x125x80xi32, #tpu.memory_space<hbm>>
      %dma_start3A_157 = tpu.memref_squeeze %dma_start3A_156 : memref<1x125x80xi32, #tpu.memory_space<hbm>> -> memref<125x80xi32, #tpu.memory_space<hbm>>
      tpu.enqueue_dma source(%dma_start3A_157 : memref<125x80xi32, #tpu.memory_space<hbm>>) target(%arg6 : memref<125x80xi32, #tpu.memory_space<vmem>>) target_semaphore(%run_scoped3A : memref<!tpu.dma_semaphore, #tpu.memory_space<semaphore_mem>>)
      %dma_wait3A = arith.constant 0 : i32
      %dma_wait3A_158 = arith.constant 0 : i32
      %dma_wait3A_159 = tpu.memref_slice %arg3[%add3A, %dma_wait3A, %dma_wait3A_158] : memref<32x125x80xi32, #tpu.memory_space<hbm>> -> memref<1x125x80xi32, #tpu.memory_space<hbm>>
      %dma_wait3A_160 = tpu.memref_squeeze %dma_wait3A_159 : memref<1x125x80xi32, #tpu.memory_space<hbm>> -> memref<125x80xi32, #tpu.memory_space<hbm>>
      %dma_wait3A_161 = arith.constant 0 : i32
      %dma_wait3A_162 = arith.constant 0 : i32
      %dma_wait3A_163 = tpu.memref_slice %arg3[%add3A, %dma_wait3A_161, %dma_wait3A_162] : memref<32x125x80xi32, #tpu.memory_space<hbm>> -> memref<1x125x80xi32, #tpu.memory_space<hbm>>
      %dma_wait3A_164 = tpu.memref_squeeze %dma_wait3A_163 : memref<1x125x80xi32, #tpu.memory_space<hbm>> -> memref<125x80xi32, #tpu.memory_space<hbm>>
      tpu.wait_dma2 semaphore(%run_scoped3A : memref<!tpu.dma_semaphore, #tpu.memory_space<semaphore_mem>>) src(%dma_wait3A_164 : memref<125x80xi32, #tpu.memory_space<hbm>>) dst(%arg6 : memref<125x80xi32, #tpu.memory_space<vmem>>)
      tpu.yield
    }) : () -> ()
    "tpu.region"() ({
      %run_scoped3A = tpu.sem_alloc : memref<!tpu.dma_semaphore, #tpu.memory_space<semaphore_mem>>
      %dma_start3A_150 = arith.constant 0 : i32
      %dma_start3A_151 = arith.constant 0 : i32
      %dma_start3A_152 = tpu.memref_slice %arg4[%add3A, %dma_start3A_150, %dma_start3A_151] : memref<32x125x80xi32, #tpu.memory_space<hbm>> -> memref<1x125x80xi32, #tpu.memory_space<hbm>>
      %dma_start3A_153 = tpu.memref_squeeze %dma_start3A_152 : memref<1x125x80xi32, #tpu.memory_space<hbm>> -> memref<125x80xi32, #tpu.memory_space<hbm>>
      %dma_start3A_154 = arith.constant 0 : i32
      %dma_start3A_155 = arith.constant 0 : i32
      %dma_start3A_156 = tpu.memref_slice %arg4[%add3A, %dma_start3A_154, %dma_start3A_155] : memref<32x125x80xi32, #tpu.memory_space<hbm>> -> memref<1x125x80xi32, #tpu.memory_space<hbm>>
      %dma_start3A_157 = tpu.memref_squeeze %dma_start3A_156 : memref<1x125x80xi32, #tpu.memory_space<hbm>> -> memref<125x80xi32, #tpu.memory_space<hbm>>
      tpu.enqueue_dma source(%dma_start3A_157 : memref<125x80xi32, #tpu.memory_space<hbm>>) target(%arg7 : memref<125x80xi32, #tpu.memory_space<vmem>>) target_semaphore(%run_scoped3A : memref<!tpu.dma_semaphore, #tpu.memory_space<semaphore_mem>>)
      %dma_wait3A = arith.constant 0 : i32
      %dma_wait3A_158 = arith.constant 0 : i32
      %dma_wait3A_159 = tpu.memref_slice %arg4[%add3A, %dma_wait3A, %dma_wait3A_158] : memref<32x125x80xi32, #tpu.memory_space<hbm>> -> memref<1x125x80xi32, #tpu.memory_space<hbm>>
      %dma_wait3A_160 = tpu.memref_squeeze %dma_wait3A_159 : memref<1x125x80xi32, #tpu.memory_space<hbm>> -> memref<125x80xi32, #tpu.memory_space<hbm>>
      %dma_wait3A_161 = arith.constant 0 : i32
      %dma_wait3A_162 = arith.constant 0 : i32
      %dma_wait3A_163 = tpu.memref_slice %arg4[%add3A, %dma_wait3A_161, %dma_wait3A_162] : memref<32x125x80xi32, #tpu.memory_space<hbm>> -> memref<1x125x80xi32, #tpu.memory_space<hbm>>
      %dma_wait3A_164 = tpu.memref_squeeze %dma_wait3A_163 : memref<1x125x80xi32, #tpu.memory_space<hbm>> -> memref<125x80xi32, #tpu.memory_space<hbm>>
      tpu.wait_dma2 semaphore(%run_scoped3A : memref<!tpu.dma_semaphore, #tpu.memory_space<semaphore_mem>>) src(%dma_wait3A_164 : memref<125x80xi32, #tpu.memory_space<hbm>>) dst(%arg7 : memref<125x80xi32, #tpu.memory_space<vmem>>)
      tpu.yield
    }) : () -> ()
    %barrier3A = arith.constant 0 : index
    tpu.barrier barrier_id(%barrier3A)
    %dma_start3A = arith.constant 0 : i32
    %dma_start3A_40 = arith.constant 0 : i32
    %dma_start3A_41 = tpu.memref_slice %arg6[%dma_start3A, %dma_start3A_40] : memref<125x80xi32, #tpu.memory_space<vmem>> -> memref<1x80xi32, #tpu.memory_space<vmem>>
    %dma_start3A_42 = tpu.memref_squeeze %dma_start3A_41 : memref<1x80xi32, #tpu.memory_space<vmem>> -> memref<80xi32, #tpu.memory_space<vmem>>
    %dma_start3A_43 = arith.constant 0 : i32
    %dma_start3A_44 = arith.constant 0 : i32
    %dma_start3A_45 = tpu.memref_slice %arg2[%dma_start3A_43, %dma_start3A_44] : memref<10000x64xf32, #tpu.memory_space<hbm>> -> memref<10000x64xf32, #tpu.memory_space<hbm>>
    tpu.enqueue_indirect_dma source(%dma_start3A_45 : memref<10000x64xf32, #tpu.memory_space<hbm>>) target(%arg8 : memref<80x64xf32, #tpu.memory_space<vmem>>) offsets(%dma_start3A_42 : memref<80xi32, #tpu.memory_space<vmem>>) semaphore(%arg14 : memref<!tpu.dma_semaphore, #tpu.memory_space<semaphore_mem>>)
    %dma_start3A_46 = arith.constant 1 : i32
    %dma_start3A_47 = arith.constant 0 : i32
    %dma_start3A_48 = tpu.memref_slice %arg6[%dma_start3A_46, %dma_start3A_47] : memref<125x80xi32, #tpu.memory_space<vmem>> -> memref<1x80xi32, #tpu.memory_space<vmem>>
    %dma_start3A_49 = tpu.memref_squeeze %dma_start3A_48 : memref<1x80xi32, #tpu.memory_space<vmem>> -> memref<80xi32, #tpu.memory_space<vmem>>
    %dma_start3A_50 = arith.constant 0 : i32
    %dma_start3A_51 = arith.constant 0 : i32
    %dma_start3A_52 = tpu.memref_slice %arg2[%dma_start3A_50, %dma_start3A_51] : memref<10000x64xf32, #tpu.memory_space<hbm>> -> memref<10000x64xf32, #tpu.memory_space<hbm>>
    tpu.enqueue_indirect_dma source(%dma_start3A_52 : memref<10000x64xf32, #tpu.memory_space<hbm>>) target(%arg9 : memref<80x64xf32, #tpu.memory_space<vmem>>) offsets(%dma_start3A_49 : memref<80xi32, #tpu.memory_space<vmem>>) semaphore(%arg14 : memref<!tpu.dma_semaphore, #tpu.memory_space<semaphore_mem>>)
    %dma_start3A_53 = arith.constant 2 : i32
    %dma_start3A_54 = arith.constant 0 : i32
    %dma_start3A_55 = tpu.memref_slice %arg6[%dma_start3A_53, %dma_start3A_54] : memref<125x80xi32, #tpu.memory_space<vmem>> -> memref<1x80xi32, #tpu.memory_space<vmem>>
    %dma_start3A_56 = tpu.memref_squeeze %dma_start3A_55 : memref<1x80xi32, #tpu.memory_space<vmem>> -> memref<80xi32, #tpu.memory_space<vmem>>
    %dma_start3A_57 = arith.constant 0 : i32
    %dma_start3A_58 = arith.constant 0 : i32
    %dma_start3A_59 = tpu.memref_slice %arg2[%dma_start3A_57, %dma_start3A_58] : memref<10000x64xf32, #tpu.memory_space<hbm>> -> memref<10000x64xf32, #tpu.memory_space<hbm>>
    tpu.enqueue_indirect_dma source(%dma_start3A_59 : memref<10000x64xf32, #tpu.memory_space<hbm>>) target(%arg10 : memref<80x64xf32, #tpu.memory_space<vmem>>) offsets(%dma_start3A_56 : memref<80xi32, #tpu.memory_space<vmem>>) semaphore(%arg14 : memref<!tpu.dma_semaphore, #tpu.memory_space<semaphore_mem>>)
    %dma_start3A_60 = arith.constant 3 : i32
    %dma_start3A_61 = arith.constant 0 : i32
    %dma_start3A_62 = tpu.memref_slice %arg6[%dma_start3A_60, %dma_start3A_61] : memref<125x80xi32, #tpu.memory_space<vmem>> -> memref<1x80xi32, #tpu.memory_space<vmem>>
    %dma_start3A_63 = tpu.memref_squeeze %dma_start3A_62 : memref<1x80xi32, #tpu.memory_space<vmem>> -> memref<80xi32, #tpu.memory_space<vmem>>
    %dma_start3A_64 = arith.constant 0 : i32
    %dma_start3A_65 = arith.constant 0 : i32
    %dma_start3A_66 = tpu.memref_slice %arg2[%dma_start3A_64, %dma_start3A_65] : memref<10000x64xf32, #tpu.memory_space<hbm>> -> memref<10000x64xf32, #tpu.memory_space<hbm>>
    tpu.enqueue_indirect_dma source(%dma_start3A_66 : memref<10000x64xf32, #tpu.memory_space<hbm>>) target(%arg11 : memref<80x64xf32, #tpu.memory_space<vmem>>) offsets(%dma_start3A_63 : memref<80xi32, #tpu.memory_space<vmem>>) semaphore(%arg14 : memref<!tpu.dma_semaphore, #tpu.memory_space<semaphore_mem>>)
    %dma_start3A_67 = arith.constant 4 : i32
    %dma_start3A_68 = arith.constant 0 : i32
    %dma_start3A_69 = tpu.memref_slice %arg6[%dma_start3A_67, %dma_start3A_68] : memref<125x80xi32, #tpu.memory_space<vmem>> -> memref<1x80xi32, #tpu.memory_space<vmem>>
    %dma_start3A_70 = tpu.memref_squeeze %dma_start3A_69 : memref<1x80xi32, #tpu.memory_space<vmem>> -> memref<80xi32, #tpu.memory_space<vmem>>
    %dma_start3A_71 = arith.constant 0 : i32
    %dma_start3A_72 = arith.constant 0 : i32
    %dma_start3A_73 = tpu.memref_slice %arg2[%dma_start3A_71, %dma_start3A_72] : memref<10000x64xf32, #tpu.memory_space<hbm>> -> memref<10000x64xf32, #tpu.memory_space<hbm>>
    tpu.enqueue_indirect_dma source(%dma_start3A_73 : memref<10000x64xf32, #tpu.memory_space<hbm>>) target(%arg12 : memref<80x64xf32, #tpu.memory_space<vmem>>) offsets(%dma_start3A_70 : memref<80xi32, #tpu.memory_space<vmem>>) semaphore(%arg14 : memref<!tpu.dma_semaphore, #tpu.memory_space<semaphore_mem>>)
    %scan3A_74 = arith.constant 0 : i32
    %scan3A_75 = arith.constant 0 : i32
    %scan3A_76 = arith.constant 25 : i32
    %scan3A_77 = arith.addi %scan3A_75, %scan3A_76 : i32
    %scan3A_78 = arith.constant 1 : i32
    scf.for %scan3A_150 = %scan3A_75 to %scan3A_77 step %scan3A_78  : i32 {
      %mul3A_151 = arith.constant 5 : i32
      %mul3A_152 = arith.muli %scan3A_150, %mul3A_151 : i32
      %add3A_153 = arith.constant 0 : i32
      %add3A_154 = arith.addi %mul3A_152, %add3A_153 : i32
      %dma_wait3A = arith.constant 0 : i32
      %dma_wait3A_155 = tpu.memref_slice %arg6[%add3A_154, %dma_wait3A] : memref<125x80xi32, #tpu.memory_space<vmem>> -> memref<1x80xi32, #tpu.memory_space<vmem>>
      %dma_wait3A_156 = tpu.memref_squeeze %dma_wait3A_155 : memref<1x80xi32, #tpu.memory_space<vmem>> -> memref<80xi32, #tpu.memory_space<vmem>>
      %dma_wait3A_157 = arith.constant 0 : i32
      %dma_wait3A_158 = arith.constant 0 : i32
      %dma_wait3A_159 = tpu.memref_slice %arg2[%dma_wait3A_157, %dma_wait3A_158] : memref<10000x64xf32, #tpu.memory_space<hbm>> -> memref<10000x64xf32, #tpu.memory_space<hbm>>
      tpu.wait_indirect_dma semaphore(%arg14 : memref<!tpu.dma_semaphore, #tpu.memory_space<semaphore_mem>>) src(%dma_wait3A_159 : memref<10000x64xf32, #tpu.memory_space<hbm>>) dst(%arg8 : memref<80x64xf32, #tpu.memory_space<vmem>>)
      "tpu.region"() ({
        %run_scoped3A = tpu.sem_alloc : memref<!tpu.dma_semaphore, #tpu.memory_space<semaphore_mem>>
        %dma_start3A_234 = arith.constant 0 : i32
        %dma_start3A_235 = tpu.memref_slice %arg7[%add3A_154, %dma_start3A_234] : memref<125x80xi32, #tpu.memory_space<vmem>> -> memref<1x80xi32, #tpu.memory_space<vmem>>
        %dma_start3A_236 = tpu.memref_squeeze %dma_start3A_235 : memref<1x80xi32, #tpu.memory_space<vmem>> -> memref<80xi32, #tpu.memory_space<vmem>>
        %dma_start3A_237 = arith.constant 0 : i32
        %dma_start3A_238 = arith.constant 0 : i32
        %dma_start3A_239 = tpu.memref_slice %arg13[%dma_start3A_237, %dma_start3A_238] : memref<10000x64xf32, #tpu.memory_space<vmem_shared>> -> memref<10000x64xf32, #tpu.memory_space<vmem_shared>>
        tpu.enqueue_indirect_dma source(%arg8 : memref<80x64xf32, #tpu.memory_space<vmem>>) target(%dma_start3A_239 : memref<10000x64xf32, #tpu.memory_space<vmem_shared>>) offsets(%dma_start3A_236 : memref<80xi32, #tpu.memory_space<vmem>>) semaphore(%run_scoped3A : memref<!tpu.dma_semaphore, #tpu.memory_space<semaphore_mem>>) {add = true}
        %dma_wait3A_240 = arith.constant 0 : i32
        %dma_wait3A_241 = tpu.memref_slice %arg7[%add3A_154, %dma_wait3A_240] : memref<125x80xi32, #tpu.memory_space<vmem>> -> memref<1x80xi32, #tpu.memory_space<vmem>>
        %dma_wait3A_242 = tpu.memref_squeeze %dma_wait3A_241 : memref<1x80xi32, #tpu.memory_space<vmem>> -> memref<80xi32, #tpu.memory_space<vmem>>
        %dma_wait3A_243 = arith.constant 0 : i32
        %dma_wait3A_244 = arith.constant 0 : i32
        %dma_wait3A_245 = tpu.memref_slice %arg13[%dma_wait3A_243, %dma_wait3A_244] : memref<10000x64xf32, #tpu.memory_space<vmem_shared>> -> memref<10000x64xf32, #tpu.memory_space<vmem_shared>>
        tpu.wait_indirect_dma semaphore(%run_scoped3A : memref<!tpu.dma_semaphore, #tpu.memory_space<semaphore_mem>>) src(%arg8 : memref<80x64xf32, #tpu.memory_space<vmem>>) dst(%dma_wait3A_245 : memref<10000x64xf32, #tpu.memory_space<vmem_shared>>)
        tpu.yield
      }) : () -> ()
      %add3A_160 = arith.constant 5 : i32
      %add3A_161 = arith.addi %add3A_154, %add3A_160 : i32
      %lt3A = arith.constant 125 : i32
      %lt3A_162 = arith.cmpi slt, %add3A_161, %lt3A : i32
      %convert_element_type3A_163 = arith.extui %lt3A_162 : i1 to i32
      %cond3A_164 = arith.constant 0 : i32
      %cond3A_165 = arith.cmpi ne, %convert_element_type3A_163, %cond3A_164 : i32
      scf.if %cond3A_165 {
        %add3A_234 = arith.constant 5 : i32
        %add3A_235 = arith.addi %add3A_154, %add3A_234 : i32
        %dma_start3A_236 = arith.constant 0 : i32
        %dma_start3A_237 = tpu.memref_slice %arg6[%add3A_235, %dma_start3A_236] : memref<125x80xi32, #tpu.memory_space<vmem>> -> memref<1x80xi32, #tpu.memory_space<vmem>>
        %dma_start3A_238 = tpu.memref_squeeze %dma_start3A_237 : memref<1x80xi32, #tpu.memory_space<vmem>> -> memref<80xi32, #tpu.memory_space<vmem>>
        %dma_start3A_239 = arith.constant 0 : i32
        %dma_start3A_240 = arith.constant 0 : i32
        %dma_start3A_241 = tpu.memref_slice %arg2[%dma_start3A_239, %dma_start3A_240] : memref<10000x64xf32, #tpu.memory_space<hbm>> -> memref<10000x64xf32, #tpu.memory_space<hbm>>
        tpu.enqueue_indirect_dma source(%dma_start3A_241 : memref<10000x64xf32, #tpu.memory_space<hbm>>) target(%arg8 : memref<80x64xf32, #tpu.memory_space<vmem>>) offsets(%dma_start3A_238 : memref<80xi32, #tpu.memory_space<vmem>>) semaphore(%arg14 : memref<!tpu.dma_semaphore, #tpu.memory_space<semaphore_mem>>)
      } else {
      }
      %mul3A_166 = arith.constant 5 : i32
      %mul3A_167 = arith.muli %scan3A_150, %mul3A_166 : i32
      %add3A_168 = arith.constant 1 : i32
      %add3A_169 = arith.addi %mul3A_167, %add3A_168 : i32
      %dma_wait3A_170 = arith.constant 0 : i32
      %dma_wait3A_171 = tpu.memref_slice %arg6[%add3A_169, %dma_wait3A_170] : memref<125x80xi32, #tpu.memory_space<vmem>> -> memref<1x80xi32, #tpu.memory_space<vmem>>
      %dma_wait3A_172 = tpu.memref_squeeze %dma_wait3A_171 : memref<1x80xi32, #tpu.memory_space<vmem>> -> memref<80xi32, #tpu.memory_space<vmem>>
      %dma_wait3A_173 = arith.constant 0 : i32
      %dma_wait3A_174 = arith.constant 0 : i32
      %dma_wait3A_175 = tpu.memref_slice %arg2[%dma_wait3A_173, %dma_wait3A_174] : memref<10000x64xf32, #tpu.memory_space<hbm>> -> memref<10000x64xf32, #tpu.memory_space<hbm>>
      tpu.wait_indirect_dma semaphore(%arg14 : memref<!tpu.dma_semaphore, #tpu.memory_space<semaphore_mem>>) src(%dma_wait3A_175 : memref<10000x64xf32, #tpu.memory_space<hbm>>) dst(%arg9 : memref<80x64xf32, #tpu.memory_space<vmem>>)
      "tpu.region"() ({
        %run_scoped3A = tpu.sem_alloc : memref<!tpu.dma_semaphore, #tpu.memory_space<semaphore_mem>>
        %dma_start3A_234 = arith.constant 0 : i32
        %dma_start3A_235 = tpu.memref_slice %arg7[%add3A_169, %dma_start3A_234] : memref<125x80xi32, #tpu.memory_space<vmem>> -> memref<1x80xi32, #tpu.memory_space<vmem>>
        %dma_start3A_236 = tpu.memref_squeeze %dma_start3A_235 : memref<1x80xi32, #tpu.memory_space<vmem>> -> memref<80xi32, #tpu.memory_space<vmem>>
        %dma_start3A_237 = arith.constant 0 : i32
        %dma_start3A_238 = arith.constant 0 : i32
        %dma_start3A_239 = tpu.memref_slice %arg13[%dma_start3A_237, %dma_start3A_238] : memref<10000x64xf32, #tpu.memory_space<vmem_shared>> -> memref<10000x64xf32, #tpu.memory_space<vmem_shared>>
        tpu.enqueue_indirect_dma source(%arg9 : memref<80x64xf32, #tpu.memory_space<vmem>>) target(%dma_start3A_239 : memref<10000x64xf32, #tpu.memory_space<vmem_shared>>) offsets(%dma_start3A_236 : memref<80xi32, #tpu.memory_space<vmem>>) semaphore(%run_scoped3A : memref<!tpu.dma_semaphore, #tpu.memory_space<semaphore_mem>>) {add = true}
        %dma_wait3A_240 = arith.constant 0 : i32
        %dma_wait3A_241 = tpu.memref_slice %arg7[%add3A_169, %dma_wait3A_240] : memref<125x80xi32, #tpu.memory_space<vmem>> -> memref<1x80xi32, #tpu.memory_space<vmem>>
        %dma_wait3A_242 = tpu.memref_squeeze %dma_wait3A_241 : memref<1x80xi32, #tpu.memory_space<vmem>> -> memref<80xi32, #tpu.memory_space<vmem>>
        %dma_wait3A_243 = arith.constant 0 : i32
        %dma_wait3A_244 = arith.constant 0 : i32
        %dma_wait3A_245 = tpu.memref_slice %arg13[%dma_wait3A_243, %dma_wait3A_244] : memref<10000x64xf32, #tpu.memory_space<vmem_shared>> -> memref<10000x64xf32, #tpu.memory_space<vmem_shared>>
        tpu.wait_indirect_dma semaphore(%run_scoped3A : memref<!tpu.dma_semaphore, #tpu.memory_space<semaphore_mem>>) src(%arg9 : memref<80x64xf32, #tpu.memory_space<vmem>>) dst(%dma_wait3A_245 : memref<10000x64xf32, #tpu.memory_space<vmem_shared>>)
        tpu.yield
      }) : () -> ()
      %add3A_176 = arith.constant 5 : i32
      %add3A_177 = arith.addi %add3A_169, %add3A_176 : i32
      %lt3A_178 = arith.constant 125 : i32
      %lt3A_179 = arith.cmpi slt, %add3A_177, %lt3A_178 : i32
      %convert_element_type3A_180 = arith.extui %lt3A_179 : i1 to i32
      %cond3A_181 = arith.constant 0 : i32
      %cond3A_182 = arith.cmpi ne, %convert_element_type3A_180, %cond3A_181 : i32
      scf.if %cond3A_182 {
        %add3A_234 = arith.constant 5 : i32
        %add3A_235 = arith.addi %add3A_169, %add3A_234 : i32
        %dma_start3A_236 = arith.constant 0 : i32
        %dma_start3A_237 = tpu.memref_slice %arg6[%add3A_235, %dma_start3A_236] : memref<125x80xi32, #tpu.memory_space<vmem>> -> memref<1x80xi32, #tpu.memory_space<vmem>>
        %dma_start3A_238 = tpu.memref_squeeze %dma_start3A_237 : memref<1x80xi32, #tpu.memory_space<vmem>> -> memref<80xi32, #tpu.memory_space<vmem>>
        %dma_start3A_239 = arith.constant 0 : i32
        %dma_start3A_240 = arith.constant 0 : i32
        %dma_start3A_241 = tpu.memref_slice %arg2[%dma_start3A_239, %dma_start3A_240] : memref<10000x64xf32, #tpu.memory_space<hbm>> -> memref<10000x64xf32, #tpu.memory_space<hbm>>
        tpu.enqueue_indirect_dma source(%dma_start3A_241 : memref<10000x64xf32, #tpu.memory_space<hbm>>) target(%arg9 : memref<80x64xf32, #tpu.memory_space<vmem>>) offsets(%dma_start3A_238 : memref<80xi32, #tpu.memory_space<vmem>>) semaphore(%arg14 : memref<!tpu.dma_semaphore, #tpu.memory_space<semaphore_mem>>)
      } else {
      }
      %mul3A_183 = arith.constant 5 : i32
      %mul3A_184 = arith.muli %scan3A_150, %mul3A_183 : i32
      %add3A_185 = arith.constant 2 : i32
      %add3A_186 = arith.addi %mul3A_184, %add3A_185 : i32
      %dma_wait3A_187 = arith.constant 0 : i32
      %dma_wait3A_188 = tpu.memref_slice %arg6[%add3A_186, %dma_wait3A_187] : memref<125x80xi32, #tpu.memory_space<vmem>> -> memref<1x80xi32, #tpu.memory_space<vmem>>
      %dma_wait3A_189 = tpu.memref_squeeze %dma_wait3A_188 : memref<1x80xi32, #tpu.memory_space<vmem>> -> memref<80xi32, #tpu.memory_space<vmem>>
      %dma_wait3A_190 = arith.constant 0 : i32
      %dma_wait3A_191 = arith.constant 0 : i32
      %dma_wait3A_192 = tpu.memref_slice %arg2[%dma_wait3A_190, %dma_wait3A_191] : memref<10000x64xf32, #tpu.memory_space<hbm>> -> memref<10000x64xf32, #tpu.memory_space<hbm>>
      tpu.wait_indirect_dma semaphore(%arg14 : memref<!tpu.dma_semaphore, #tpu.memory_space<semaphore_mem>>) src(%dma_wait3A_192 : memref<10000x64xf32, #tpu.memory_space<hbm>>) dst(%arg10 : memref<80x64xf32, #tpu.memory_space<vmem>>)
      "tpu.region"() ({
        %run_scoped3A = tpu.sem_alloc : memref<!tpu.dma_semaphore, #tpu.memory_space<semaphore_mem>>
        %dma_start3A_234 = arith.constant 0 : i32
        %dma_start3A_235 = tpu.memref_slice %arg7[%add3A_186, %dma_start3A_234] : memref<125x80xi32, #tpu.memory_space<vmem>> -> memref<1x80xi32, #tpu.memory_space<vmem>>
        %dma_start3A_236 = tpu.memref_squeeze %dma_start3A_235 : memref<1x80xi32, #tpu.memory_space<vmem>> -> memref<80xi32, #tpu.memory_space<vmem>>
        %dma_start3A_237 = arith.constant 0 : i32
        %dma_start3A_238 = arith.constant 0 : i32
        %dma_start3A_239 = tpu.memref_slice %arg13[%dma_start3A_237, %dma_start3A_238] : memref<10000x64xf32, #tpu.memory_space<vmem_shared>> -> memref<10000x64xf32, #tpu.memory_space<vmem_shared>>
        tpu.enqueue_indirect_dma source(%arg10 : memref<80x64xf32, #tpu.memory_space<vmem>>) target(%dma_start3A_239 : memref<10000x64xf32, #tpu.memory_space<vmem_shared>>) offsets(%dma_start3A_236 : memref<80xi32, #tpu.memory_space<vmem>>) semaphore(%run_scoped3A : memref<!tpu.dma_semaphore, #tpu.memory_space<semaphore_mem>>) {add = true}
        %dma_wait3A_240 = arith.constant 0 : i32
        %dma_wait3A_241 = tpu.memref_slice %arg7[%add3A_186, %dma_wait3A_240] : memref<125x80xi32, #tpu.memory_space<vmem>> -> memref<1x80xi32, #tpu.memory_space<vmem>>
        %dma_wait3A_242 = tpu.memref_squeeze %dma_wait3A_241 : memref<1x80xi32, #tpu.memory_space<vmem>> -> memref<80xi32, #tpu.memory_space<vmem>>
        %dma_wait3A_243 = arith.constant 0 : i32
        %dma_wait3A_244 = arith.constant 0 : i32
        %dma_wait3A_245 = tpu.memref_slice %arg13[%dma_wait3A_243, %dma_wait3A_244] : memref<10000x64xf32, #tpu.memory_space<vmem_shared>> -> memref<10000x64xf32, #tpu.memory_space<vmem_shared>>
        tpu.wait_indirect_dma semaphore(%run_scoped3A : memref<!tpu.dma_semaphore, #tpu.memory_space<semaphore_mem>>) src(%arg10 : memref<80x64xf32, #tpu.memory_space<vmem>>) dst(%dma_wait3A_245 : memref<10000x64xf32, #tpu.memory_space<vmem_shared>>)
        tpu.yield
      }) : () -> ()
      %add3A_193 = arith.constant 5 : i32
      %add3A_194 = arith.addi %add3A_186, %add3A_193 : i32
      %lt3A_195 = arith.constant 125 : i32
      %lt3A_196 = arith.cmpi slt, %add3A_194, %lt3A_195 : i32
      %convert_element_type3A_197 = arith.extui %lt3A_196 : i1 to i32
      %cond3A_198 = arith.constant 0 : i32
      %cond3A_199 = arith.cmpi ne, %convert_element_type3A_197, %cond3A_198 : i32
      scf.if %cond3A_199 {
        %add3A_234 = arith.constant 5 : i32
        %add3A_235 = arith.addi %add3A_186, %add3A_234 : i32
        %dma_start3A_236 = arith.constant 0 : i32
        %dma_start3A_237 = tpu.memref_slice %arg6[%add3A_235, %dma_start3A_236] : memref<125x80xi32, #tpu.memory_space<vmem>> -> memref<1x80xi32, #tpu.memory_space<vmem>>
        %dma_start3A_238 = tpu.memref_squeeze %dma_start3A_237 : memref<1x80xi32, #tpu.memory_space<vmem>> -> memref<80xi32, #tpu.memory_space<vmem>>
        %dma_start3A_239 = arith.constant 0 : i32
        %dma_start3A_240 = arith.constant 0 : i32
        %dma_start3A_241 = tpu.memref_slice %arg2[%dma_start3A_239, %dma_start3A_240] : memref<10000x64xf32, #tpu.memory_space<hbm>> -> memref<10000x64xf32, #tpu.memory_space<hbm>>
        tpu.enqueue_indirect_dma source(%dma_start3A_241 : memref<10000x64xf32, #tpu.memory_space<hbm>>) target(%arg10 : memref<80x64xf32, #tpu.memory_space<vmem>>) offsets(%dma_start3A_238 : memref<80xi32, #tpu.memory_space<vmem>>) semaphore(%arg14 : memref<!tpu.dma_semaphore, #tpu.memory_space<semaphore_mem>>)
      } else {
      }
      %mul3A_200 = arith.constant 5 : i32
      %mul3A_201 = arith.muli %scan3A_150, %mul3A_200 : i32
      %add3A_202 = arith.constant 3 : i32
      %add3A_203 = arith.addi %mul3A_201, %add3A_202 : i32
      %dma_wait3A_204 = arith.constant 0 : i32
      %dma_wait3A_205 = tpu.memref_slice %arg6[%add3A_203, %dma_wait3A_204] : memref<125x80xi32, #tpu.memory_space<vmem>> -> memref<1x80xi32, #tpu.memory_space<vmem>>
      %dma_wait3A_206 = tpu.memref_squeeze %dma_wait3A_205 : memref<1x80xi32, #tpu.memory_space<vmem>> -> memref<80xi32, #tpu.memory_space<vmem>>
      %dma_wait3A_207 = arith.constant 0 : i32
      %dma_wait3A_208 = arith.constant 0 : i32
      %dma_wait3A_209 = tpu.memref_slice %arg2[%dma_wait3A_207, %dma_wait3A_208] : memref<10000x64xf32, #tpu.memory_space<hbm>> -> memref<10000x64xf32, #tpu.memory_space<hbm>>
      tpu.wait_indirect_dma semaphore(%arg14 : memref<!tpu.dma_semaphore, #tpu.memory_space<semaphore_mem>>) src(%dma_wait3A_209 : memref<10000x64xf32, #tpu.memory_space<hbm>>) dst(%arg11 : memref<80x64xf32, #tpu.memory_space<vmem>>)
      "tpu.region"() ({
        %run_scoped3A = tpu.sem_alloc : memref<!tpu.dma_semaphore, #tpu.memory_space<semaphore_mem>>
        %dma_start3A_234 = arith.constant 0 : i32
        %dma_start3A_235 = tpu.memref_slice %arg7[%add3A_203, %dma_start3A_234] : memref<125x80xi32, #tpu.memory_space<vmem>> -> memref<1x80xi32, #tpu.memory_space<vmem>>
        %dma_start3A_236 = tpu.memref_squeeze %dma_start3A_235 : memref<1x80xi32, #tpu.memory_space<vmem>> -> memref<80xi32, #tpu.memory_space<vmem>>
        %dma_start3A_237 = arith.constant 0 : i32
        %dma_start3A_238 = arith.constant 0 : i32
        %dma_start3A_239 = tpu.memref_slice %arg13[%dma_start3A_237, %dma_start3A_238] : memref<10000x64xf32, #tpu.memory_space<vmem_shared>> -> memref<10000x64xf32, #tpu.memory_space<vmem_shared>>
        tpu.enqueue_indirect_dma source(%arg11 : memref<80x64xf32, #tpu.memory_space<vmem>>) target(%dma_start3A_239 : memref<10000x64xf32, #tpu.memory_space<vmem_shared>>) offsets(%dma_start3A_236 : memref<80xi32, #tpu.memory_space<vmem>>) semaphore(%run_scoped3A : memref<!tpu.dma_semaphore, #tpu.memory_space<semaphore_mem>>) {add = true}
        %dma_wait3A_240 = arith.constant 0 : i32
        %dma_wait3A_241 = tpu.memref_slice %arg7[%add3A_203, %dma_wait3A_240] : memref<125x80xi32, #tpu.memory_space<vmem>> -> memref<1x80xi32, #tpu.memory_space<vmem>>
        %dma_wait3A_242 = tpu.memref_squeeze %dma_wait3A_241 : memref<1x80xi32, #tpu.memory_space<vmem>> -> memref<80xi32, #tpu.memory_space<vmem>>
        %dma_wait3A_243 = arith.constant 0 : i32
        %dma_wait3A_244 = arith.constant 0 : i32
        %dma_wait3A_245 = tpu.memref_slice %arg13[%dma_wait3A_243, %dma_wait3A_244] : memref<10000x64xf32, #tpu.memory_space<vmem_shared>> -> memref<10000x64xf32, #tpu.memory_space<vmem_shared>>
        tpu.wait_indirect_dma semaphore(%run_scoped3A : memref<!tpu.dma_semaphore, #tpu.memory_space<semaphore_mem>>) src(%arg11 : memref<80x64xf32, #tpu.memory_space<vmem>>) dst(%dma_wait3A_245 : memref<10000x64xf32, #tpu.memory_space<vmem_shared>>)
        tpu.yield
      }) : () -> ()
      %add3A_210 = arith.constant 5 : i32
      %add3A_211 = arith.addi %add3A_203, %add3A_210 : i32
      %lt3A_212 = arith.constant 125 : i32
      %lt3A_213 = arith.cmpi slt, %add3A_211, %lt3A_212 : i32
      %convert_element_type3A_214 = arith.extui %lt3A_213 : i1 to i32
      %cond3A_215 = arith.constant 0 : i32
      %cond3A_216 = arith.cmpi ne, %convert_element_type3A_214, %cond3A_215 : i32
      scf.if %cond3A_216 {
        %add3A_234 = arith.constant 5 : i32
        %add3A_235 = arith.addi %add3A_203, %add3A_234 : i32
        %dma_start3A_236 = arith.constant 0 : i32
        %dma_start3A_237 = tpu.memref_slice %arg6[%add3A_235, %dma_start3A_236] : memref<125x80xi32, #tpu.memory_space<vmem>> -> memref<1x80xi32, #tpu.memory_space<vmem>>
        %dma_start3A_238 = tpu.memref_squeeze %dma_start3A_237 : memref<1x80xi32, #tpu.memory_space<vmem>> -> memref<80xi32, #tpu.memory_space<vmem>>
        %dma_start3A_239 = arith.constant 0 : i32
        %dma_start3A_240 = arith.constant 0 : i32
        %dma_start3A_241 = tpu.memref_slice %arg2[%dma_start3A_239, %dma_start3A_240] : memref<10000x64xf32, #tpu.memory_space<hbm>> -> memref<10000x64xf32, #tpu.memory_space<hbm>>
        tpu.enqueue_indirect_dma source(%dma_start3A_241 : memref<10000x64xf32, #tpu.memory_space<hbm>>) target(%arg11 : memref<80x64xf32, #tpu.memory_space<vmem>>) offsets(%dma_start3A_238 : memref<80xi32, #tpu.memory_space<vmem>>) semaphore(%arg14 : memref<!tpu.dma_semaphore, #tpu.memory_space<semaphore_mem>>)
      } else {
      }
      %mul3A_217 = arith.constant 5 : i32
      %mul3A_218 = arith.muli %scan3A_150, %mul3A_217 : i32
      %add3A_219 = arith.constant 4 : i32
      %add3A_220 = arith.addi %mul3A_218, %add3A_219 : i32
      %dma_wait3A_221 = arith.constant 0 : i32
      %dma_wait3A_222 = tpu.memref_slice %arg6[%add3A_220, %dma_wait3A_221] : memref<125x80xi32, #tpu.memory_space<vmem>> -> memref<1x80xi32, #tpu.memory_space<vmem>>
      %dma_wait3A_223 = tpu.memref_squeeze %dma_wait3A_222 : memref<1x80xi32, #tpu.memory_space<vmem>> -> memref<80xi32, #tpu.memory_space<vmem>>
      %dma_wait3A_224 = arith.constant 0 : i32
      %dma_wait3A_225 = arith.constant 0 : i32
      %dma_wait3A_226 = tpu.memref_slice %arg2[%dma_wait3A_224, %dma_wait3A_225] : memref<10000x64xf32, #tpu.memory_space<hbm>> -> memref<10000x64xf32, #tpu.memory_space<hbm>>
      tpu.wait_indirect_dma semaphore(%arg14 : memref<!tpu.dma_semaphore, #tpu.memory_space<semaphore_mem>>) src(%dma_wait3A_226 : memref<10000x64xf32, #tpu.memory_space<hbm>>) dst(%arg12 : memref<80x64xf32, #tpu.memory_space<vmem>>)
      "tpu.region"() ({
        %run_scoped3A = tpu.sem_alloc : memref<!tpu.dma_semaphore, #tpu.memory_space<semaphore_mem>>
        %dma_start3A_234 = arith.constant 0 : i32
        %dma_start3A_235 = tpu.memref_slice %arg7[%add3A_220, %dma_start3A_234] : memref<125x80xi32, #tpu.memory_space<vmem>> -> memref<1x80xi32, #tpu.memory_space<vmem>>
        %dma_start3A_236 = tpu.memref_squeeze %dma_start3A_235 : memref<1x80xi32, #tpu.memory_space<vmem>> -> memref<80xi32, #tpu.memory_space<vmem>>
        %dma_start3A_237 = arith.constant 0 : i32
        %dma_start3A_238 = arith.constant 0 : i32
        %dma_start3A_239 = tpu.memref_slice %arg13[%dma_start3A_237, %dma_start3A_238] : memref<10000x64xf32, #tpu.memory_space<vmem_shared>> -> memref<10000x64xf32, #tpu.memory_space<vmem_shared>>
        tpu.enqueue_indirect_dma source(%arg12 : memref<80x64xf32, #tpu.memory_space<vmem>>) target(%dma_start3A_239 : memref<10000x64xf32, #tpu.memory_space<vmem_shared>>) offsets(%dma_start3A_236 : memref<80xi32, #tpu.memory_space<vmem>>) semaphore(%run_scoped3A : memref<!tpu.dma_semaphore, #tpu.memory_space<semaphore_mem>>) {add = true}
        %dma_wait3A_240 = arith.constant 0 : i32
        %dma_wait3A_241 = tpu.memref_slice %arg7[%add3A_220, %dma_wait3A_240] : memref<125x80xi32, #tpu.memory_space<vmem>> -> memref<1x80xi32, #tpu.memory_space<vmem>>
        %dma_wait3A_242 = tpu.memref_squeeze %dma_wait3A_241 : memref<1x80xi32, #tpu.memory_space<vmem>> -> memref<80xi32, #tpu.memory_space<vmem>>
        %dma_wait3A_243 = arith.constant 0 : i32
        %dma_wait3A_244 = arith.constant 0 : i32
        %dma_wait3A_245 = tpu.memref_slice %arg13[%dma_wait3A_243, %dma_wait3A_244] : memref<10000x64xf32, #tpu.memory_space<vmem_shared>> -> memref<10000x64xf32, #tpu.memory_space<vmem_shared>>
        tpu.wait_indirect_dma semaphore(%run_scoped3A : memref<!tpu.dma_semaphore, #tpu.memory_space<semaphore_mem>>) src(%arg12 : memref<80x64xf32, #tpu.memory_space<vmem>>) dst(%dma_wait3A_245 : memref<10000x64xf32, #tpu.memory_space<vmem_shared>>)
        tpu.yield
      }) : () -> ()
      %add3A_227 = arith.constant 5 : i32
      %add3A_228 = arith.addi %add3A_220, %add3A_227 : i32
      %lt3A_229 = arith.constant 125 : i32
      %lt3A_230 = arith.cmpi slt, %add3A_228, %lt3A_229 : i32
      %convert_element_type3A_231 = arith.extui %lt3A_230 : i1 to i32
      %cond3A_232 = arith.constant 0 : i32
      %cond3A_233 = arith.cmpi ne, %convert_element_type3A_231, %cond3A_232 : i32
      scf.if %cond3A_233 {
        %add3A_234 = arith.constant 5 : i32
        %add3A_235 = arith.addi %add3A_220, %add3A_234 : i32
        %dma_start3A_236 = arith.constant 0 : i32
        %dma_start3A_237 = tpu.memref_slice %arg6[%add3A_235, %dma_start3A_236] : memref<125x80xi32, #tpu.memory_space<vmem>> -> memref<1x80xi32, #tpu.memory_space<vmem>>
        %dma_start3A_238 = tpu.memref_squeeze %dma_start3A_237 : memref<1x80xi32, #tpu.memory_space<vmem>> -> memref<80xi32, #tpu.memory_space<vmem>>
        %dma_start3A_239 = arith.constant 0 : i32
        %dma_start3A_240 = arith.constant 0 : i32
        %dma_start3A_241 = tpu.memref_slice %arg2[%dma_start3A_239, %dma_start3A_240] : memref<10000x64xf32, #tpu.memory_space<hbm>> -> memref<10000x64xf32, #tpu.memory_space<hbm>>
        tpu.enqueue_indirect_dma source(%dma_start3A_241 : memref<10000x64xf32, #tpu.memory_space<hbm>>) target(%arg12 : memref<80x64xf32, #tpu.memory_space<vmem>>) offsets(%dma_start3A_238 : memref<80xi32, #tpu.memory_space<vmem>>) semaphore(%arg14 : memref<!tpu.dma_semaphore, #tpu.memory_space<semaphore_mem>>)
      } else {
      }
    }
    %scan3A_79 = arith.constant 25 : i32
    %barrier3A_80 = arith.constant 0 : index
    tpu.barrier barrier_id(%barrier3A_80)
    %mul3A_81 = arith.constant 624 : i32
    %mul3A_82 = arith.muli %arg1, %mul3A_81 : i32
    %add3A_83 = arith.constant 0 : i32
    %add3A_84 = arith.addi %mul3A_82, %add3A_83 : i32
    "tpu.region"() ({
      %run_scoped3A = tpu.sem_alloc : memref<!tpu.dma_semaphore, #tpu.memory_space<semaphore_mem>>
      %dma_start3A_150 = arith.constant 0 : i32
      %dma_start3A_151 = tpu.memref_slice %arg13[%add3A_84, %dma_start3A_150] : memref<10000x64xf32, #tpu.memory_space<vmem_shared>> -> memref<80x64xf32, #tpu.memory_space<vmem_shared>>
      %dma_start3A_152 = arith.constant 0 : i32
      %dma_start3A_153 = tpu.memref_slice %arg13[%add3A_84, %dma_start3A_152] : memref<10000x64xf32, #tpu.memory_space<vmem_shared>> -> memref<80x64xf32, #tpu.memory_space<vmem_shared>>
      tpu.enqueue_dma source(%dma_start3A_153 : memref<80x64xf32, #tpu.memory_space<vmem_shared>>) target(%arg8 : memref<80x64xf32, #tpu.memory_space<vmem>>) target_semaphore(%run_scoped3A : memref<!tpu.dma_semaphore, #tpu.memory_space<semaphore_mem>>)
      %dma_wait3A = arith.constant 0 : i32
      %dma_wait3A_154 = tpu.memref_slice %arg13[%add3A_84, %dma_wait3A] : memref<10000x64xf32, #tpu.memory_space<vmem_shared>> -> memref<80x64xf32, #tpu.memory_space<vmem_shared>>
      %dma_wait3A_155 = arith.constant 0 : i32
      %dma_wait3A_156 = tpu.memref_slice %arg13[%add3A_84, %dma_wait3A_155] : memref<10000x64xf32, #tpu.memory_space<vmem_shared>> -> memref<80x64xf32, #tpu.memory_space<vmem_shared>>
      tpu.wait_dma2 semaphore(%run_scoped3A : memref<!tpu.dma_semaphore, #tpu.memory_space<semaphore_mem>>) src(%dma_wait3A_156 : memref<80x64xf32, #tpu.memory_space<vmem_shared>>) dst(%arg8 : memref<80x64xf32, #tpu.memory_space<vmem>>)
      tpu.yield
    }) : () -> ()
    %mul3A_85 = arith.constant 624 : i32
    %mul3A_86 = arith.muli %arg1, %mul3A_85 : i32
    %add3A_87 = arith.constant 0 : i32
    %add3A_88 = arith.addi %mul3A_86, %add3A_87 : i32
    "tpu.region"() ({
      %run_scoped3A = tpu.sem_alloc : memref<!tpu.dma_semaphore, #tpu.memory_space<semaphore_mem>>
      %dma_start3A_150 = arith.constant 0 : i32
      %dma_start3A_151 = tpu.memref_slice %arg5[%arg0, %add3A_88, %dma_start3A_150] : memref<2x10000x64xf32, #tpu.memory_space<hbm>> -> memref<1x80x64xf32, #tpu.memory_space<hbm>>
      %dma_start3A_152 = tpu.memref_squeeze %dma_start3A_151 : memref<1x80x64xf32, #tpu.memory_space<hbm>> -> memref<80x64xf32, #tpu.memory_space<hbm>>
      %dma_start3A_153 = arith.constant 0 : i32
      %dma_start3A_154 = tpu.memref_slice %arg5[%arg0, %add3A_88, %dma_start3A_153] : memref<2x10000x64xf32, #tpu.memory_space<hbm>> -> memref<1x80x64xf32, #tpu.memory_space<hbm>>
      %dma_start3A_155 = tpu.memref_squeeze %dma_start3A_154 : memref<1x80x64xf32, #tpu.memory_space<hbm>> -> memref<80x64xf32, #tpu.memory_space<hbm>>
      tpu.enqueue_dma source(%arg8 : memref<80x64xf32, #tpu.memory_space<vmem>>) target(%dma_start3A_155 : memref<80x64xf32, #tpu.memory_space<hbm>>) target_semaphore(%run_scoped3A : memref<!tpu.dma_semaphore, #tpu.memory_space<semaphore_mem>>)
      %dma_wait3A = arith.constant 0 : i32
      %dma_wait3A_156 = tpu.memref_slice %arg5[%arg0, %add3A_88, %dma_wait3A] : memref<2x10000x64xf32, #tpu.memory_space<hbm>> -> memref<1x80x64xf32, #tpu.memory_space<hbm>>
      %dma_wait3A_157 = tpu.memref_squeeze %dma_wait3A_156 : memref<1x80x64xf32, #tpu.memory_space<hbm>> -> memref<80x64xf32, #tpu.memory_space<hbm>>
      %dma_wait3A_158 = arith.constant 0 : i32
      %dma_wait3A_159 = tpu.memref_slice %arg5[%arg0, %add3A_88, %dma_wait3A_158] : memref<2x10000x64xf32, #tpu.memory_space<hbm>> -> memref<1x80x64xf32, #tpu.memory_space<hbm>>
      %dma_wait3A_160 = tpu.memref_squeeze %dma_wait3A_159 : memref<1x80x64xf32, #tpu.memory_space<hbm>> -> memref<80x64xf32, #tpu.memory_space<hbm>>
      tpu.wait_dma2 semaphore(%run_scoped3A : memref<!tpu.dma_semaphore, #tpu.memory_space<semaphore_mem>>) src(%arg8 : memref<80x64xf32, #tpu.memory_space<vmem>>) dst(%dma_wait3A_160 : memref<80x64xf32, #tpu.memory_space<hbm>>)
      tpu.yield
    }) : () -> ()
    %mul3A_89 = arith.constant 624 : i32
    %mul3A_90 = arith.muli %arg1, %mul3A_89 : i32
    %add3A_91 = arith.constant 80 : i32
    %add3A_92 = arith.addi %mul3A_90, %add3A_91 : i32
    "tpu.region"() ({
      %run_scoped3A = tpu.sem_alloc : memref<!tpu.dma_semaphore, #tpu.memory_space<semaphore_mem>>
      %dma_start3A_150 = arith.constant 0 : i32
      %dma_start3A_151 = tpu.memref_slice %arg13[%add3A_92, %dma_start3A_150] : memref<10000x64xf32, #tpu.memory_space<vmem_shared>> -> memref<80x64xf32, #tpu.memory_space<vmem_shared>>
      %dma_start3A_152 = arith.constant 0 : i32
      %dma_start3A_153 = tpu.memref_slice %arg13[%add3A_92, %dma_start3A_152] : memref<10000x64xf32, #tpu.memory_space<vmem_shared>> -> memref<80x64xf32, #tpu.memory_space<vmem_shared>>
      tpu.enqueue_dma source(%dma_start3A_153 : memref<80x64xf32, #tpu.memory_space<vmem_shared>>) target(%arg8 : memref<80x64xf32, #tpu.memory_space<vmem>>) target_semaphore(%run_scoped3A : memref<!tpu.dma_semaphore, #tpu.memory_space<semaphore_mem>>)
      %dma_wait3A = arith.constant 0 : i32
      %dma_wait3A_154 = tpu.memref_slice %arg13[%add3A_92, %dma_wait3A] : memref<10000x64xf32, #tpu.memory_space<vmem_shared>> -> memref<80x64xf32, #tpu.memory_space<vmem_shared>>
      %dma_wait3A_155 = arith.constant 0 : i32
      %dma_wait3A_156 = tpu.memref_slice %arg13[%add3A_92, %dma_wait3A_155] : memref<10000x64xf32, #tpu.memory_space<vmem_shared>> -> memref<80x64xf32, #tpu.memory_space<vmem_shared>>
      tpu.wait_dma2 semaphore(%run_scoped3A : memref<!tpu.dma_semaphore, #tpu.memory_space<semaphore_mem>>) src(%dma_wait3A_156 : memref<80x64xf32, #tpu.memory_space<vmem_shared>>) dst(%arg8 : memref<80x64xf32, #tpu.memory_space<vmem>>)
      tpu.yield
    }) : () -> ()
    %mul3A_93 = arith.constant 624 : i32
    %mul3A_94 = arith.muli %arg1, %mul3A_93 : i32
    %add3A_95 = arith.constant 80 : i32
    %add3A_96 = arith.addi %mul3A_94, %add3A_95 : i32
    "tpu.region"() ({
      %run_scoped3A = tpu.sem_alloc : memref<!tpu.dma_semaphore, #tpu.memory_space<semaphore_mem>>
      %dma_start3A_150 = arith.constant 0 : i32
      %dma_start3A_151 = tpu.memref_slice %arg5[%arg0, %add3A_96, %dma_start3A_150] : memref<2x10000x64xf32, #tpu.memory_space<hbm>> -> memref<1x80x64xf32, #tpu.memory_space<hbm>>
      %dma_start3A_152 = tpu.memref_squeeze %dma_start3A_151 : memref<1x80x64xf32, #tpu.memory_space<hbm>> -> memref<80x64xf32, #tpu.memory_space<hbm>>
      %dma_start3A_153 = arith.constant 0 : i32
      %dma_start3A_154 = tpu.memref_slice %arg5[%arg0, %add3A_96, %dma_start3A_153] : memref<2x10000x64xf32, #tpu.memory_space<hbm>> -> memref<1x80x64xf32, #tpu.memory_space<hbm>>
      %dma_start3A_155 = tpu.memref_squeeze %dma_start3A_154 : memref<1x80x64xf32, #tpu.memory_space<hbm>> -> memref<80x64xf32, #tpu.memory_space<hbm>>
      tpu.enqueue_dma source(%arg8 : memref<80x64xf32, #tpu.memory_space<vmem>>) target(%dma_start3A_155 : memref<80x64xf32, #tpu.memory_space<hbm>>) target_semaphore(%run_scoped3A : memref<!tpu.dma_semaphore, #tpu.memory_space<semaphore_mem>>)
      %dma_wait3A = arith.constant 0 : i32
      %dma_wait3A_156 = tpu.memref_slice %arg5[%arg0, %add3A_96, %dma_wait3A] : memref<2x10000x64xf32, #tpu.memory_space<hbm>> -> memref<1x80x64xf32, #tpu.memory_space<hbm>>
      %dma_wait3A_157 = tpu.memref_squeeze %dma_wait3A_156 : memref<1x80x64xf32, #tpu.memory_space<hbm>> -> memref<80x64xf32, #tpu.memory_space<hbm>>
      %dma_wait3A_158 = arith.constant 0 : i32
      %dma_wait3A_159 = tpu.memref_slice %arg5[%arg0, %add3A_96, %dma_wait3A_158] : memref<2x10000x64xf32, #tpu.memory_space<hbm>> -> memref<1x80x64xf32, #tpu.memory_space<hbm>>
      %dma_wait3A_160 = tpu.memref_squeeze %dma_wait3A_159 : memref<1x80x64xf32, #tpu.memory_space<hbm>> -> memref<80x64xf32, #tpu.memory_space<hbm>>
      tpu.wait_dma2 semaphore(%run_scoped3A : memref<!tpu.dma_semaphore, #tpu.memory_space<semaphore_mem>>) src(%arg8 : memref<80x64xf32, #tpu.memory_space<vmem>>) dst(%dma_wait3A_160 : memref<80x64xf32, #tpu.memory_space<hbm>>)
      tpu.yield
    }) : () -> ()
    %mul3A_97 = arith.constant 624 : i32
    %mul3A_98 = arith.muli %arg1, %mul3A_97 : i32
    %add3A_99 = arith.constant 160 : i32
    %add3A_100 = arith.addi %mul3A_98, %add3A_99 : i32
    "tpu.region"() ({
      %run_scoped3A = tpu.sem_alloc : memref<!tpu.dma_semaphore, #tpu.memory_space<semaphore_mem>>
      %dma_start3A_150 = arith.constant 0 : i32
      %dma_start3A_151 = tpu.memref_slice %arg13[%add3A_100, %dma_start3A_150] : memref<10000x64xf32, #tpu.memory_space<vmem_shared>> -> memref<80x64xf32, #tpu.memory_space<vmem_shared>>
      %dma_start3A_152 = arith.constant 0 : i32
      %dma_start3A_153 = tpu.memref_slice %arg13[%add3A_100, %dma_start3A_152] : memref<10000x64xf32, #tpu.memory_space<vmem_shared>> -> memref<80x64xf32, #tpu.memory_space<vmem_shared>>
      tpu.enqueue_dma source(%dma_start3A_153 : memref<80x64xf32, #tpu.memory_space<vmem_shared>>) target(%arg8 : memref<80x64xf32, #tpu.memory_space<vmem>>) target_semaphore(%run_scoped3A : memref<!tpu.dma_semaphore, #tpu.memory_space<semaphore_mem>>)
      %dma_wait3A = arith.constant 0 : i32
      %dma_wait3A_154 = tpu.memref_slice %arg13[%add3A_100, %dma_wait3A] : memref<10000x64xf32, #tpu.memory_space<vmem_shared>> -> memref<80x64xf32, #tpu.memory_space<vmem_shared>>
      %dma_wait3A_155 = arith.constant 0 : i32
      %dma_wait3A_156 = tpu.memref_slice %arg13[%add3A_100, %dma_wait3A_155] : memref<10000x64xf32, #tpu.memory_space<vmem_shared>> -> memref<80x64xf32, #tpu.memory_space<vmem_shared>>
      tpu.wait_dma2 semaphore(%run_scoped3A : memref<!tpu.dma_semaphore, #tpu.memory_space<semaphore_mem>>) src(%dma_wait3A_156 : memref<80x64xf32, #tpu.memory_space<vmem_shared>>) dst(%arg8 : memref<80x64xf32, #tpu.memory_space<vmem>>)
      tpu.yield
    }) : () -> ()
    %mul3A_101 = arith.constant 624 : i32
    %mul3A_102 = arith.muli %arg1, %mul3A_101 : i32
    %add3A_103 = arith.constant 160 : i32
    %add3A_104 = arith.addi %mul3A_102, %add3A_103 : i32
    "tpu.region"() ({
      %run_scoped3A = tpu.sem_alloc : memref<!tpu.dma_semaphore, #tpu.memory_space<semaphore_mem>>
      %dma_start3A_150 = arith.constant 0 : i32
      %dma_start3A_151 = tpu.memref_slice %arg5[%arg0, %add3A_104, %dma_start3A_150] : memref<2x10000x64xf32, #tpu.memory_space<hbm>> -> memref<1x80x64xf32, #tpu.memory_space<hbm>>
      %dma_start3A_152 = tpu.memref_squeeze %dma_start3A_151 : memref<1x80x64xf32, #tpu.memory_space<hbm>> -> memref<80x64xf32, #tpu.memory_space<hbm>>
      %dma_start3A_153 = arith.constant 0 : i32
      %dma_start3A_154 = tpu.memref_slice %arg5[%arg0, %add3A_104, %dma_start3A_153] : memref<2x10000x64xf32, #tpu.memory_space<hbm>> -> memref<1x80x64xf32, #tpu.memory_space<hbm>>
      %dma_start3A_155 = tpu.memref_squeeze %dma_start3A_154 : memref<1x80x64xf32, #tpu.memory_space<hbm>> -> memref<80x64xf32, #tpu.memory_space<hbm>>
      tpu.enqueue_dma source(%arg8 : memref<80x64xf32, #tpu.memory_space<vmem>>) target(%dma_start3A_155 : memref<80x64xf32, #tpu.memory_space<hbm>>) target_semaphore(%run_scoped3A : memref<!tpu.dma_semaphore, #tpu.memory_space<semaphore_mem>>)
      %dma_wait3A = arith.constant 0 : i32
      %dma_wait3A_156 = tpu.memref_slice %arg5[%arg0, %add3A_104, %dma_wait3A] : memref<2x10000x64xf32, #tpu.memory_space<hbm>> -> memref<1x80x64xf32, #tpu.memory_space<hbm>>
      %dma_wait3A_157 = tpu.memref_squeeze %dma_wait3A_156 : memref<1x80x64xf32, #tpu.memory_space<hbm>> -> memref<80x64xf32, #tpu.memory_space<hbm>>
      %dma_wait3A_158 = arith.constant 0 : i32
      %dma_wait3A_159 = tpu.memref_slice %arg5[%arg0, %add3A_104, %dma_wait3A_158] : memref<2x10000x64xf32, #tpu.memory_space<hbm>> -> memref<1x80x64xf32, #tpu.memory_space<hbm>>
      %dma_wait3A_160 = tpu.memref_squeeze %dma_wait3A_159 : memref<1x80x64xf32, #tpu.memory_space<hbm>> -> memref<80x64xf32, #tpu.memory_space<hbm>>
      tpu.wait_dma2 semaphore(%run_scoped3A : memref<!tpu.dma_semaphore, #tpu.memory_space<semaphore_mem>>) src(%arg8 : memref<80x64xf32, #tpu.memory_space<vmem>>) dst(%dma_wait3A_160 : memref<80x64xf32, #tpu.memory_space<hbm>>)
      tpu.yield
    }) : () -> ()
    %mul3A_105 = arith.constant 624 : i32
    %mul3A_106 = arith.muli %arg1, %mul3A_105 : i32
    %add3A_107 = arith.constant 240 : i32
    %add3A_108 = arith.addi %mul3A_106, %add3A_107 : i32
    "tpu.region"() ({
      %run_scoped3A = tpu.sem_alloc : memref<!tpu.dma_semaphore, #tpu.memory_space<semaphore_mem>>
      %dma_start3A_150 = arith.constant 0 : i32
      %dma_start3A_151 = tpu.memref_slice %arg13[%add3A_108, %dma_start3A_150] : memref<10000x64xf32, #tpu.memory_space<vmem_shared>> -> memref<80x64xf32, #tpu.memory_space<vmem_shared>>
      %dma_start3A_152 = arith.constant 0 : i32
      %dma_start3A_153 = tpu.memref_slice %arg13[%add3A_108, %dma_start3A_152] : memref<10000x64xf32, #tpu.memory_space<vmem_shared>> -> memref<80x64xf32, #tpu.memory_space<vmem_shared>>
      tpu.enqueue_dma source(%dma_start3A_153 : memref<80x64xf32, #tpu.memory_space<vmem_shared>>) target(%arg8 : memref<80x64xf32, #tpu.memory_space<vmem>>) target_semaphore(%run_scoped3A : memref<!tpu.dma_semaphore, #tpu.memory_space<semaphore_mem>>)
      %dma_wait3A = arith.constant 0 : i32
      %dma_wait3A_154 = tpu.memref_slice %arg13[%add3A_108, %dma_wait3A] : memref<10000x64xf32, #tpu.memory_space<vmem_shared>> -> memref<80x64xf32, #tpu.memory_space<vmem_shared>>
      %dma_wait3A_155 = arith.constant 0 : i32
      %dma_wait3A_156 = tpu.memref_slice %arg13[%add3A_108, %dma_wait3A_155] : memref<10000x64xf32, #tpu.memory_space<vmem_shared>> -> memref<80x64xf32, #tpu.memory_space<vmem_shared>>
      tpu.wait_dma2 semaphore(%run_scoped3A : memref<!tpu.dma_semaphore, #tpu.memory_space<semaphore_mem>>) src(%dma_wait3A_156 : memref<80x64xf32, #tpu.memory_space<vmem_shared>>) dst(%arg8 : memref<80x64xf32, #tpu.memory_space<vmem>>)
      tpu.yield
    }) : () -> ()
    %mul3A_109 = arith.constant 624 : i32
    %mul3A_110 = arith.muli %arg1, %mul3A_109 : i32
    %add3A_111 = arith.constant 240 : i32
    %add3A_112 = arith.addi %mul3A_110, %add3A_111 : i32
    "tpu.region"() ({
      %run_scoped3A = tpu.sem_alloc : memref<!tpu.dma_semaphore, #tpu.memory_space<semaphore_mem>>
      %dma_start3A_150 = arith.constant 0 : i32
      %dma_start3A_151 = tpu.memref_slice %arg5[%arg0, %add3A_112, %dma_start3A_150] : memref<2x10000x64xf32, #tpu.memory_space<hbm>> -> memref<1x80x64xf32, #tpu.memory_space<hbm>>
      %dma_start3A_152 = tpu.memref_squeeze %dma_start3A_151 : memref<1x80x64xf32, #tpu.memory_space<hbm>> -> memref<80x64xf32, #tpu.memory_space<hbm>>
      %dma_start3A_153 = arith.constant 0 : i32
      %dma_start3A_154 = tpu.memref_slice %arg5[%arg0, %add3A_112, %dma_start3A_153] : memref<2x10000x64xf32, #tpu.memory_space<hbm>> -> memref<1x80x64xf32, #tpu.memory_space<hbm>>
      %dma_start3A_155 = tpu.memref_squeeze %dma_start3A_154 : memref<1x80x64xf32, #tpu.memory_space<hbm>> -> memref<80x64xf32, #tpu.memory_space<hbm>>
      tpu.enqueue_dma source(%arg8 : memref<80x64xf32, #tpu.memory_space<vmem>>) target(%dma_start3A_155 : memref<80x64xf32, #tpu.memory_space<hbm>>) target_semaphore(%run_scoped3A : memref<!tpu.dma_semaphore, #tpu.memory_space<semaphore_mem>>)
      %dma_wait3A = arith.constant 0 : i32
      %dma_wait3A_156 = tpu.memref_slice %arg5[%arg0, %add3A_112, %dma_wait3A] : memref<2x10000x64xf32, #tpu.memory_space<hbm>> -> memref<1x80x64xf32, #tpu.memory_space<hbm>>
      %dma_wait3A_157 = tpu.memref_squeeze %dma_wait3A_156 : memref<1x80x64xf32, #tpu.memory_space<hbm>> -> memref<80x64xf32, #tpu.memory_space<hbm>>
      %dma_wait3A_158 = arith.constant 0 : i32
      %dma_wait3A_159 = tpu.memref_slice %arg5[%arg0, %add3A_112, %dma_wait3A_158] : memref<2x10000x64xf32, #tpu.memory_space<hbm>> -> memref<1x80x64xf32, #tpu.memory_space<hbm>>
      %dma_wait3A_160 = tpu.memref_squeeze %dma_wait3A_159 : memref<1x80x64xf32, #tpu.memory_space<hbm>> -> memref<80x64xf32, #tpu.memory_space<hbm>>
      tpu.wait_dma2 semaphore(%run_scoped3A : memref<!tpu.dma_semaphore, #tpu.memory_space<semaphore_mem>>) src(%arg8 : memref<80x64xf32, #tpu.memory_space<vmem>>) dst(%dma_wait3A_160 : memref<80x64xf32, #tpu.memory_space<hbm>>)
      tpu.yield
    }) : () -> ()
    %mul3A_113 = arith.constant 624 : i32
    %mul3A_114 = arith.muli %arg1, %mul3A_113 : i32
    %add3A_115 = arith.constant 320 : i32
    %add3A_116 = arith.addi %mul3A_114, %add3A_115 : i32
    "tpu.region"() ({
      %run_scoped3A = tpu.sem_alloc : memref<!tpu.dma_semaphore, #tpu.memory_space<semaphore_mem>>
      %dma_start3A_150 = arith.constant 0 : i32
      %dma_start3A_151 = tpu.memref_slice %arg13[%add3A_116, %dma_start3A_150] : memref<10000x64xf32, #tpu.memory_space<vmem_shared>> -> memref<80x64xf32, #tpu.memory_space<vmem_shared>>
      %dma_start3A_152 = arith.constant 0 : i32
      %dma_start3A_153 = tpu.memref_slice %arg13[%add3A_116, %dma_start3A_152] : memref<10000x64xf32, #tpu.memory_space<vmem_shared>> -> memref<80x64xf32, #tpu.memory_space<vmem_shared>>
      tpu.enqueue_dma source(%dma_start3A_153 : memref<80x64xf32, #tpu.memory_space<vmem_shared>>) target(%arg8 : memref<80x64xf32, #tpu.memory_space<vmem>>) target_semaphore(%run_scoped3A : memref<!tpu.dma_semaphore, #tpu.memory_space<semaphore_mem>>)
      %dma_wait3A = arith.constant 0 : i32
      %dma_wait3A_154 = tpu.memref_slice %arg13[%add3A_116, %dma_wait3A] : memref<10000x64xf32, #tpu.memory_space<vmem_shared>> -> memref<80x64xf32, #tpu.memory_space<vmem_shared>>
      %dma_wait3A_155 = arith.constant 0 : i32
      %dma_wait3A_156 = tpu.memref_slice %arg13[%add3A_116, %dma_wait3A_155] : memref<10000x64xf32, #tpu.memory_space<vmem_shared>> -> memref<80x64xf32, #tpu.memory_space<vmem_shared>>
      tpu.wait_dma2 semaphore(%run_scoped3A : memref<!tpu.dma_semaphore, #tpu.memory_space<semaphore_mem>>) src(%dma_wait3A_156 : memref<80x64xf32, #tpu.memory_space<vmem_shared>>) dst(%arg8 : memref<80x64xf32, #tpu.memory_space<vmem>>)
      tpu.yield
    }) : () -> ()
    %mul3A_117 = arith.constant 624 : i32
    %mul3A_118 = arith.muli %arg1, %mul3A_117 : i32
    %add3A_119 = arith.constant 320 : i32
    %add3A_120 = arith.addi %mul3A_118, %add3A_119 : i32
    "tpu.region"() ({
      %run_scoped3A = tpu.sem_alloc : memref<!tpu.dma_semaphore, #tpu.memory_space<semaphore_mem>>
      %dma_start3A_150 = arith.constant 0 : i32
      %dma_start3A_151 = tpu.memref_slice %arg5[%arg0, %add3A_120, %dma_start3A_150] : memref<2x10000x64xf32, #tpu.memory_space<hbm>> -> memref<1x80x64xf32, #tpu.memory_space<hbm>>
      %dma_start3A_152 = tpu.memref_squeeze %dma_start3A_151 : memref<1x80x64xf32, #tpu.memory_space<hbm>> -> memref<80x64xf32, #tpu.memory_space<hbm>>
      %dma_start3A_153 = arith.constant 0 : i32
      %dma_start3A_154 = tpu.memref_slice %arg5[%arg0, %add3A_120, %dma_start3A_153] : memref<2x10000x64xf32, #tpu.memory_space<hbm>> -> memref<1x80x64xf32, #tpu.memory_space<hbm>>
      %dma_start3A_155 = tpu.memref_squeeze %dma_start3A_154 : memref<1x80x64xf32, #tpu.memory_space<hbm>> -> memref<80x64xf32, #tpu.memory_space<hbm>>
      tpu.enqueue_dma source(%arg8 : memref<80x64xf32, #tpu.memory_space<vmem>>) target(%dma_start3A_155 : memref<80x64xf32, #tpu.memory_space<hbm>>) target_semaphore(%run_scoped3A : memref<!tpu.dma_semaphore, #tpu.memory_space<semaphore_mem>>)
      %dma_wait3A = arith.constant 0 : i32
      %dma_wait3A_156 = tpu.memref_slice %arg5[%arg0, %add3A_120, %dma_wait3A] : memref<2x10000x64xf32, #tpu.memory_space<hbm>> -> memref<1x80x64xf32, #tpu.memory_space<hbm>>
      %dma_wait3A_157 = tpu.memref_squeeze %dma_wait3A_156 : memref<1x80x64xf32, #tpu.memory_space<hbm>> -> memref<80x64xf32, #tpu.memory_space<hbm>>
      %dma_wait3A_158 = arith.constant 0 : i32
      %dma_wait3A_159 = tpu.memref_slice %arg5[%arg0, %add3A_120, %dma_wait3A_158] : memref<2x10000x64xf32, #tpu.memory_space<hbm>> -> memref<1x80x64xf32, #tpu.memory_space<hbm>>
      %dma_wait3A_160 = tpu.memref_squeeze %dma_wait3A_159 : memref<1x80x64xf32, #tpu.memory_space<hbm>> -> memref<80x64xf32, #tpu.memory_space<hbm>>
      tpu.wait_dma2 semaphore(%run_scoped3A : memref<!tpu.dma_semaphore, #tpu.memory_space<semaphore_mem>>) src(%arg8 : memref<80x64xf32, #tpu.memory_space<vmem>>) dst(%dma_wait3A_160 : memref<80x64xf32, #tpu.memory_space<hbm>>)
      tpu.yield
    }) : () -> ()
    %mul3A_121 = arith.constant 624 : i32
    %mul3A_122 = arith.muli %arg1, %mul3A_121 : i32
    %add3A_123 = arith.constant 400 : i32
    %add3A_124 = arith.addi %mul3A_122, %add3A_123 : i32
    "tpu.region"() ({
      %run_scoped3A = tpu.sem_alloc : memref<!tpu.dma_semaphore, #tpu.memory_space<semaphore_mem>>
      %dma_start3A_150 = arith.constant 0 : i32
      %dma_start3A_151 = tpu.memref_slice %arg13[%add3A_124, %dma_start3A_150] : memref<10000x64xf32, #tpu.memory_space<vmem_shared>> -> memref<80x64xf32, #tpu.memory_space<vmem_shared>>
      %dma_start3A_152 = arith.constant 0 : i32
      %dma_start3A_153 = tpu.memref_slice %arg13[%add3A_124, %dma_start3A_152] : memref<10000x64xf32, #tpu.memory_space<vmem_shared>> -> memref<80x64xf32, #tpu.memory_space<vmem_shared>>
      tpu.enqueue_dma source(%dma_start3A_153 : memref<80x64xf32, #tpu.memory_space<vmem_shared>>) target(%arg8 : memref<80x64xf32, #tpu.memory_space<vmem>>) target_semaphore(%run_scoped3A : memref<!tpu.dma_semaphore, #tpu.memory_space<semaphore_mem>>)
      %dma_wait3A = arith.constant 0 : i32
      %dma_wait3A_154 = tpu.memref_slice %arg13[%add3A_124, %dma_wait3A] : memref<10000x64xf32, #tpu.memory_space<vmem_shared>> -> memref<80x64xf32, #tpu.memory_space<vmem_shared>>
      %dma_wait3A_155 = arith.constant 0 : i32
      %dma_wait3A_156 = tpu.memref_slice %arg13[%add3A_124, %dma_wait3A_155] : memref<10000x64xf32, #tpu.memory_space<vmem_shared>> -> memref<80x64xf32, #tpu.memory_space<vmem_shared>>
      tpu.wait_dma2 semaphore(%run_scoped3A : memref<!tpu.dma_semaphore, #tpu.memory_space<semaphore_mem>>) src(%dma_wait3A_156 : memref<80x64xf32, #tpu.memory_space<vmem_shared>>) dst(%arg8 : memref<80x64xf32, #tpu.memory_space<vmem>>)
      tpu.yield
    }) : () -> ()
    %mul3A_125 = arith.constant 624 : i32
    %mul3A_126 = arith.muli %arg1, %mul3A_125 : i32
    %add3A_127 = arith.constant 400 : i32
    %add3A_128 = arith.addi %mul3A_126, %add3A_127 : i32
    "tpu.region"() ({
      %run_scoped3A = tpu.sem_alloc : memref<!tpu.dma_semaphore, #tpu.memory_space<semaphore_mem>>
      %dma_start3A_150 = arith.constant 0 : i32
      %dma_start3A_151 = tpu.memref_slice %arg5[%arg0, %add3A_128, %dma_start3A_150] : memref<2x10000x64xf32, #tpu.memory_space<hbm>> -> memref<1x80x64xf32, #tpu.memory_space<hbm>>
      %dma_start3A_152 = tpu.memref_squeeze %dma_start3A_151 : memref<1x80x64xf32, #tpu.memory_space<hbm>> -> memref<80x64xf32, #tpu.memory_space<hbm>>
      %dma_start3A_153 = arith.constant 0 : i32
      %dma_start3A_154 = tpu.memref_slice %arg5[%arg0, %add3A_128, %dma_start3A_153] : memref<2x10000x64xf32, #tpu.memory_space<hbm>> -> memref<1x80x64xf32, #tpu.memory_space<hbm>>
      %dma_start3A_155 = tpu.memref_squeeze %dma_start3A_154 : memref<1x80x64xf32, #tpu.memory_space<hbm>> -> memref<80x64xf32, #tpu.memory_space<hbm>>
      tpu.enqueue_dma source(%arg8 : memref<80x64xf32, #tpu.memory_space<vmem>>) target(%dma_start3A_155 : memref<80x64xf32, #tpu.memory_space<hbm>>) target_semaphore(%run_scoped3A : memref<!tpu.dma_semaphore, #tpu.memory_space<semaphore_mem>>)
      %dma_wait3A = arith.constant 0 : i32
      %dma_wait3A_156 = tpu.memref_slice %arg5[%arg0, %add3A_128, %dma_wait3A] : memref<2x10000x64xf32, #tpu.memory_space<hbm>> -> memref<1x80x64xf32, #tpu.memory_space<hbm>>
      %dma_wait3A_157 = tpu.memref_squeeze %dma_wait3A_156 : memref<1x80x64xf32, #tpu.memory_space<hbm>> -> memref<80x64xf32, #tpu.memory_space<hbm>>
      %dma_wait3A_158 = arith.constant 0 : i32
      %dma_wait3A_159 = tpu.memref_slice %arg5[%arg0, %add3A_128, %dma_wait3A_158] : memref<2x10000x64xf32, #tpu.memory_space<hbm>> -> memref<1x80x64xf32, #tpu.memory_space<hbm>>
      %dma_wait3A_160 = tpu.memref_squeeze %dma_wait3A_159 : memref<1x80x64xf32, #tpu.memory_space<hbm>> -> memref<80x64xf32, #tpu.memory_space<hbm>>
      tpu.wait_dma2 semaphore(%run_scoped3A : memref<!tpu.dma_semaphore, #tpu.memory_space<semaphore_mem>>) src(%arg8 : memref<80x64xf32, #tpu.memory_space<vmem>>) dst(%dma_wait3A_160 : memref<80x64xf32, #tpu.memory_space<hbm>>)
      tpu.yield
    }) : () -> ()
    %mul3A_129 = arith.constant 624 : i32
    %mul3A_130 = arith.muli %arg1, %mul3A_129 : i32
    %add3A_131 = arith.constant 480 : i32
    %add3A_132 = arith.addi %mul3A_130, %add3A_131 : i32
    "tpu.region"() ({
      %run_scoped3A = tpu.sem_alloc : memref<!tpu.dma_semaphore, #tpu.memory_space<semaphore_mem>>
      %dma_start3A_150 = arith.constant 0 : i32
      %dma_start3A_151 = tpu.memref_slice %arg13[%add3A_132, %dma_start3A_150] : memref<10000x64xf32, #tpu.memory_space<vmem_shared>> -> memref<80x64xf32, #tpu.memory_space<vmem_shared>>
      %dma_start3A_152 = arith.constant 0 : i32
      %dma_start3A_153 = tpu.memref_slice %arg13[%add3A_132, %dma_start3A_152] : memref<10000x64xf32, #tpu.memory_space<vmem_shared>> -> memref<80x64xf32, #tpu.memory_space<vmem_shared>>
      tpu.enqueue_dma source(%dma_start3A_153 : memref<80x64xf32, #tpu.memory_space<vmem_shared>>) target(%arg8 : memref<80x64xf32, #tpu.memory_space<vmem>>) target_semaphore(%run_scoped3A : memref<!tpu.dma_semaphore, #tpu.memory_space<semaphore_mem>>)
      %dma_wait3A = arith.constant 0 : i32
      %dma_wait3A_154 = tpu.memref_slice %arg13[%add3A_132, %dma_wait3A] : memref<10000x64xf32, #tpu.memory_space<vmem_shared>> -> memref<80x64xf32, #tpu.memory_space<vmem_shared>>
      %dma_wait3A_155 = arith.constant 0 : i32
      %dma_wait3A_156 = tpu.memref_slice %arg13[%add3A_132, %dma_wait3A_155] : memref<10000x64xf32, #tpu.memory_space<vmem_shared>> -> memref<80x64xf32, #tpu.memory_space<vmem_shared>>
      tpu.wait_dma2 semaphore(%run_scoped3A : memref<!tpu.dma_semaphore, #tpu.memory_space<semaphore_mem>>) src(%dma_wait3A_156 : memref<80x64xf32, #tpu.memory_space<vmem_shared>>) dst(%arg8 : memref<80x64xf32, #tpu.memory_space<vmem>>)
      tpu.yield
    }) : () -> ()
    %mul3A_133 = arith.constant 624 : i32
    %mul3A_134 = arith.muli %arg1, %mul3A_133 : i32
    %add3A_135 = arith.constant 480 : i32
    %add3A_136 = arith.addi %mul3A_134, %add3A_135 : i32
    "tpu.region"() ({
      %run_scoped3A = tpu.sem_alloc : memref<!tpu.dma_semaphore, #tpu.memory_space<semaphore_mem>>
      %dma_start3A_150 = arith.constant 0 : i32
      %dma_start3A_151 = tpu.memref_slice %arg5[%arg0, %add3A_136, %dma_start3A_150] : memref<2x10000x64xf32, #tpu.memory_space<hbm>> -> memref<1x80x64xf32, #tpu.memory_space<hbm>>
      %dma_start3A_152 = tpu.memref_squeeze %dma_start3A_151 : memref<1x80x64xf32, #tpu.memory_space<hbm>> -> memref<80x64xf32, #tpu.memory_space<hbm>>
      %dma_start3A_153 = arith.constant 0 : i32
      %dma_start3A_154 = tpu.memref_slice %arg5[%arg0, %add3A_136, %dma_start3A_153] : memref<2x10000x64xf32, #tpu.memory_space<hbm>> -> memref<1x80x64xf32, #tpu.memory_space<hbm>>
      %dma_start3A_155 = tpu.memref_squeeze %dma_start3A_154 : memref<1x80x64xf32, #tpu.memory_space<hbm>> -> memref<80x64xf32, #tpu.memory_space<hbm>>
      tpu.enqueue_dma source(%arg8 : memref<80x64xf32, #tpu.memory_space<vmem>>) target(%dma_start3A_155 : memref<80x64xf32, #tpu.memory_space<hbm>>) target_semaphore(%run_scoped3A : memref<!tpu.dma_semaphore, #tpu.memory_space<semaphore_mem>>)
      %dma_wait3A = arith.constant 0 : i32
      %dma_wait3A_156 = tpu.memref_slice %arg5[%arg0, %add3A_136, %dma_wait3A] : memref<2x10000x64xf32, #tpu.memory_space<hbm>> -> memref<1x80x64xf32, #tpu.memory_space<hbm>>
      %dma_wait3A_157 = tpu.memref_squeeze %dma_wait3A_156 : memref<1x80x64xf32, #tpu.memory_space<hbm>> -> memref<80x64xf32, #tpu.memory_space<hbm>>
      %dma_wait3A_158 = arith.constant 0 : i32
      %dma_wait3A_159 = tpu.memref_slice %arg5[%arg0, %add3A_136, %dma_wait3A_158] : memref<2x10000x64xf32, #tpu.memory_space<hbm>> -> memref<1x80x64xf32, #tpu.memory_space<hbm>>
      %dma_wait3A_160 = tpu.memref_squeeze %dma_wait3A_159 : memref<1x80x64xf32, #tpu.memory_space<hbm>> -> memref<80x64xf32, #tpu.memory_space<hbm>>
      tpu.wait_dma2 semaphore(%run_scoped3A : memref<!tpu.dma_semaphore, #tpu.memory_space<semaphore_mem>>) src(%arg8 : memref<80x64xf32, #tpu.memory_space<vmem>>) dst(%dma_wait3A_160 : memref<80x64xf32, #tpu.memory_space<hbm>>)
      tpu.yield
    }) : () -> ()
    %mul3A_137 = arith.constant 624 : i32
    %mul3A_138 = arith.muli %arg1, %mul3A_137 : i32
    %add3A_139 = arith.constant 560 : i32
    %add3A_140 = arith.addi %mul3A_138, %add3A_139 : i32
    "tpu.region"() ({
      %run_scoped3A = tpu.sem_alloc : memref<!tpu.dma_semaphore, #tpu.memory_space<semaphore_mem>>
      %dma_start3A_150 = arith.constant 0 : i32
      %dma_start3A_151 = arith.constant 0 : i32
      %dma_start3A_152 = tpu.memref_slice %arg8[%dma_start3A_150, %dma_start3A_151] : memref<80x64xf32, #tpu.memory_space<vmem>> -> memref<64x64xf32, #tpu.memory_space<vmem>>
      %dma_start3A_153 = arith.constant 0 : i32
      %dma_start3A_154 = tpu.memref_slice %arg13[%add3A_140, %dma_start3A_153] : memref<10000x64xf32, #tpu.memory_space<vmem_shared>> -> memref<64x64xf32, #tpu.memory_space<vmem_shared>>
      %dma_start3A_155 = arith.constant 0 : i32
      %dma_start3A_156 = arith.constant 0 : i32
      %dma_start3A_157 = tpu.memref_slice %arg8[%dma_start3A_155, %dma_start3A_156] : memref<80x64xf32, #tpu.memory_space<vmem>> -> memref<64x64xf32, #tpu.memory_space<vmem>>
      %dma_start3A_158 = arith.constant 0 : i32
      %dma_start3A_159 = tpu.memref_slice %arg13[%add3A_140, %dma_start3A_158] : memref<10000x64xf32, #tpu.memory_space<vmem_shared>> -> memref<64x64xf32, #tpu.memory_space<vmem_shared>>
      tpu.enqueue_dma source(%dma_start3A_159 : memref<64x64xf32, #tpu.memory_space<vmem_shared>>) target(%dma_start3A_157 : memref<64x64xf32, #tpu.memory_space<vmem>>) target_semaphore(%run_scoped3A : memref<!tpu.dma_semaphore, #tpu.memory_space<semaphore_mem>>)
      %dma_wait3A = arith.constant 0 : i32
      %dma_wait3A_160 = arith.constant 0 : i32
      %dma_wait3A_161 = tpu.memref_slice %arg8[%dma_wait3A, %dma_wait3A_160] : memref<80x64xf32, #tpu.memory_space<vmem>> -> memref<64x64xf32, #tpu.memory_space<vmem>>
      %dma_wait3A_162 = arith.constant 0 : i32
      %dma_wait3A_163 = tpu.memref_slice %arg13[%add3A_140, %dma_wait3A_162] : memref<10000x64xf32, #tpu.memory_space<vmem_shared>> -> memref<64x64xf32, #tpu.memory_space<vmem_shared>>
      %dma_wait3A_164 = arith.constant 0 : i32
      %dma_wait3A_165 = arith.constant 0 : i32
      %dma_wait3A_166 = tpu.memref_slice %arg8[%dma_wait3A_164, %dma_wait3A_165] : memref<80x64xf32, #tpu.memory_space<vmem>> -> memref<64x64xf32, #tpu.memory_space<vmem>>
      %dma_wait3A_167 = arith.constant 0 : i32
      %dma_wait3A_168 = tpu.memref_slice %arg13[%add3A_140, %dma_wait3A_167] : memref<10000x64xf32, #tpu.memory_space<vmem_shared>> -> memref<64x64xf32, #tpu.memory_space<vmem_shared>>
      tpu.wait_dma2 semaphore(%run_scoped3A : memref<!tpu.dma_semaphore, #tpu.memory_space<semaphore_mem>>) src(%dma_wait3A_168 : memref<64x64xf32, #tpu.memory_space<vmem_shared>>) dst(%dma_wait3A_166 : memref<64x64xf32, #tpu.memory_space<vmem>>)
      tpu.yield
    }) : () -> ()
    %mul3A_141 = arith.constant 624 : i32
    %mul3A_142 = arith.muli %arg1, %mul3A_141 : i32
    %add3A_143 = arith.constant 560 : i32
    %add3A_144 = arith.addi %mul3A_142, %add3A_143 : i32
    "tpu.region"() ({
      %run_scoped3A = tpu.sem_alloc : memref<!tpu.dma_semaphore, #tpu.memory_space<semaphore_mem>>
      %dma_start3A_150 = arith.constant 0 : i32
      %dma_start3A_151 = arith.constant 0 : i32
      %dma_start3A_152 = tpu.memref_slice %arg8[%dma_start3A_150, %dma_start3A_151] : memref<80x64xf32, #tpu.memory_space<vmem>> -> memref<64x64xf32, #tpu.memory_space<vmem>>
      %dma_start3A_153 = arith.constant 0 : i32
      %dma_start3A_154 = tpu.memref_slice %arg5[%arg0, %add3A_144, %dma_start3A_153] : memref<2x10000x64xf32, #tpu.memory_space<hbm>> -> memref<1x64x64xf32, #tpu.memory_space<hbm>>
      %dma_start3A_155 = tpu.memref_squeeze %dma_start3A_154 : memref<1x64x64xf32, #tpu.memory_space<hbm>> -> memref<64x64xf32, #tpu.memory_space<hbm>>
      %dma_start3A_156 = arith.constant 0 : i32
      %dma_start3A_157 = tpu.memref_slice %arg5[%arg0, %add3A_144, %dma_start3A_156] : memref<2x10000x64xf32, #tpu.memory_space<hbm>> -> memref<1x64x64xf32, #tpu.memory_space<hbm>>
      %dma_start3A_158 = tpu.memref_squeeze %dma_start3A_157 : memref<1x64x64xf32, #tpu.memory_space<hbm>> -> memref<64x64xf32, #tpu.memory_space<hbm>>
      %dma_start3A_159 = arith.constant 0 : i32
      %dma_start3A_160 = arith.constant 0 : i32
      %dma_start3A_161 = tpu.memref_slice %arg8[%dma_start3A_159, %dma_start3A_160] : memref<80x64xf32, #tpu.memory_space<vmem>> -> memref<64x64xf32, #tpu.memory_space<vmem>>
      tpu.enqueue_dma source(%dma_start3A_161 : memref<64x64xf32, #tpu.memory_space<vmem>>) target(%dma_start3A_158 : memref<64x64xf32, #tpu.memory_space<hbm>>) target_semaphore(%run_scoped3A : memref<!tpu.dma_semaphore, #tpu.memory_space<semaphore_mem>>)
      %dma_wait3A = arith.constant 0 : i32
      %dma_wait3A_162 = arith.constant 0 : i32
      %dma_wait3A_163 = tpu.memref_slice %arg8[%dma_wait3A, %dma_wait3A_162] : memref<80x64xf32, #tpu.memory_space<vmem>> -> memref<64x64xf32, #tpu.memory_space<vmem>>
      %dma_wait3A_164 = arith.constant 0 : i32
      %dma_wait3A_165 = tpu.memref_slice %arg5[%arg0, %add3A_144, %dma_wait3A_164] : memref<2x10000x64xf32, #tpu.memory_space<hbm>> -> memref<1x64x64xf32, #tpu.memory_space<hbm>>
      %dma_wait3A_166 = tpu.memref_squeeze %dma_wait3A_165 : memref<1x64x64xf32, #tpu.memory_space<hbm>> -> memref<64x64xf32, #tpu.memory_space<hbm>>
      %dma_wait3A_167 = arith.constant 0 : i32
      %dma_wait3A_168 = tpu.memref_slice %arg5[%arg0, %add3A_144, %dma_wait3A_167] : memref<2x10000x64xf32, #tpu.memory_space<hbm>> -> memref<1x64x64xf32, #tpu.memory_space<hbm>>
      %dma_wait3A_169 = tpu.memref_squeeze %dma_wait3A_168 : memref<1x64x64xf32, #tpu.memory_space<hbm>> -> memref<64x64xf32, #tpu.memory_space<hbm>>
      %dma_wait3A_170 = arith.constant 0 : i32
      %dma_wait3A_171 = arith.constant 0 : i32
      %dma_wait3A_172 = tpu.memref_slice %arg8[%dma_wait3A_170, %dma_wait3A_171] : memref<80x64xf32, #tpu.memory_space<vmem>> -> memref<64x64xf32, #tpu.memory_space<vmem>>
      tpu.wait_dma2 semaphore(%run_scoped3A : memref<!tpu.dma_semaphore, #tpu.memory_space<semaphore_mem>>) src(%dma_wait3A_172 : memref<64x64xf32, #tpu.memory_space<vmem>>) dst(%dma_wait3A_169 : memref<64x64xf32, #tpu.memory_space<hbm>>)
      tpu.yield
    }) : () -> ()
    %eq3A_145 = arith.constant 0 : i32
    %eq3A_146 = arith.cmpi eq, %arg1, %eq3A_145 : i32
    %convert_element_type3A_147 = arith.extui %eq3A_146 : i1 to i32
    %cond3A_148 = arith.constant 0 : i32
    %cond3A_149 = arith.cmpi ne, %convert_element_type3A_147, %cond3A_148 : i32
    scf.if %cond3A_149 {
      "tpu.region"() ({
        %run_scoped3A = tpu.sem_alloc : memref<!tpu.dma_semaphore, #tpu.memory_space<semaphore_mem>>
        %dma_start3A_150 = arith.constant 0 : i32
        %dma_start3A_151 = arith.constant 0 : i32
        %dma_start3A_152 = tpu.memref_slice %arg9[%dma_start3A_150, %dma_start3A_151] : memref<80x64xf32, #tpu.memory_space<vmem>> -> memref<16x64xf32, #tpu.memory_space<vmem>>
        %dma_start3A_153 = arith.constant 9984 : i32
        %dma_start3A_154 = arith.constant 0 : i32
        %dma_start3A_155 = tpu.memref_slice %arg13[%dma_start3A_153, %dma_start3A_154] : memref<10000x64xf32, #tpu.memory_space<vmem_shared>> -> memref<16x64xf32, #tpu.memory_space<vmem_shared>>
        %dma_start3A_156 = arith.constant 0 : i32
        %dma_start3A_157 = arith.constant 0 : i32
        %dma_start3A_158 = tpu.memref_slice %arg9[%dma_start3A_156, %dma_start3A_157] : memref<80x64xf32, #tpu.memory_space<vmem>> -> memref<16x64xf32, #tpu.memory_space<vmem>>
        %dma_start3A_159 = arith.constant 9984 : i32
        %dma_start3A_160 = arith.constant 0 : i32
        %dma_start3A_161 = tpu.memref_slice %arg13[%dma_start3A_159, %dma_start3A_160] : memref<10000x64xf32, #tpu.memory_space<vmem_shared>> -> memref<16x64xf32, #tpu.memory_space<vmem_shared>>
        tpu.enqueue_dma source(%dma_start3A_161 : memref<16x64xf32, #tpu.memory_space<vmem_shared>>) target(%dma_start3A_158 : memref<16x64xf32, #tpu.memory_space<vmem>>) target_semaphore(%run_scoped3A : memref<!tpu.dma_semaphore, #tpu.memory_space<semaphore_mem>>)
        %dma_wait3A = arith.constant 0 : i32
        %dma_wait3A_162 = arith.constant 0 : i32
        %dma_wait3A_163 = tpu.memref_slice %arg9[%dma_wait3A, %dma_wait3A_162] : memref<80x64xf32, #tpu.memory_space<vmem>> -> memref<16x64xf32, #tpu.memory_space<vmem>>
        %dma_wait3A_164 = arith.constant 9984 : i32
        %dma_wait3A_165 = arith.constant 0 : i32
        %dma_wait3A_166 = tpu.memref_slice %arg13[%dma_wait3A_164, %dma_wait3A_165] : memref<10000x64xf32, #tpu.memory_space<vmem_shared>> -> memref<16x64xf32, #tpu.memory_space<vmem_shared>>
        %dma_wait3A_167 = arith.constant 0 : i32
        %dma_wait3A_168 = arith.constant 0 : i32
        %dma_wait3A_169 = tpu.memref_slice %arg9[%dma_wait3A_167, %dma_wait3A_168] : memref<80x64xf32, #tpu.memory_space<vmem>> -> memref<16x64xf32, #tpu.memory_space<vmem>>
        %dma_wait3A_170 = arith.constant 9984 : i32
        %dma_wait3A_171 = arith.constant 0 : i32
        %dma_wait3A_172 = tpu.memref_slice %arg13[%dma_wait3A_170, %dma_wait3A_171] : memref<10000x64xf32, #tpu.memory_space<vmem_shared>> -> memref<16x64xf32, #tpu.memory_space<vmem_shared>>
        tpu.wait_dma2 semaphore(%run_scoped3A : memref<!tpu.dma_semaphore, #tpu.memory_space<semaphore_mem>>) src(%dma_wait3A_172 : memref<16x64xf32, #tpu.memory_space<vmem_shared>>) dst(%dma_wait3A_169 : memref<16x64xf32, #tpu.memory_space<vmem>>)
        tpu.yield
      }) : () -> ()
      "tpu.region"() ({
        %run_scoped3A = tpu.sem_alloc : memref<!tpu.dma_semaphore, #tpu.memory_space<semaphore_mem>>
        %dma_start3A_150 = arith.constant 0 : i32
        %dma_start3A_151 = arith.constant 0 : i32
        %dma_start3A_152 = tpu.memref_slice %arg9[%dma_start3A_150, %dma_start3A_151] : memref<80x64xf32, #tpu.memory_space<vmem>> -> memref<16x64xf32, #tpu.memory_space<vmem>>
        %dma_start3A_153 = arith.constant 9984 : i32
        %dma_start3A_154 = arith.constant 0 : i32
        %dma_start3A_155 = tpu.memref_slice %arg5[%arg0, %dma_start3A_153, %dma_start3A_154] : memref<2x10000x64xf32, #tpu.memory_space<hbm>> -> memref<1x16x64xf32, #tpu.memory_space<hbm>>
        %dma_start3A_156 = tpu.memref_squeeze %dma_start3A_155 : memref<1x16x64xf32, #tpu.memory_space<hbm>> -> memref<16x64xf32, #tpu.memory_space<hbm>>
        %dma_start3A_157 = arith.constant 9984 : i32
        %dma_start3A_158 = arith.constant 0 : i32
        %dma_start3A_159 = tpu.memref_slice %arg5[%arg0, %dma_start3A_157, %dma_start3A_158] : memref<2x10000x64xf32, #tpu.memory_space<hbm>> -> memref<1x16x64xf32, #tpu.memory_space<hbm>>
        %dma_start3A_160 = tpu.memref_squeeze %dma_start3A_159 : memref<1x16x64xf32, #tpu.memory_space<hbm>> -> memref<16x64xf32, #tpu.memory_space<hbm>>
        %dma_start3A_161 = arith.constant 0 : i32
        %dma_start3A_162 = arith.constant 0 : i32
        %dma_start3A_163 = tpu.memref_slice %arg9[%dma_start3A_161, %dma_start3A_162] : memref<80x64xf32, #tpu.memory_space<vmem>> -> memref<16x64xf32, #tpu.memory_space<vmem>>
        tpu.enqueue_dma source(%dma_start3A_163 : memref<16x64xf32, #tpu.memory_space<vmem>>) target(%dma_start3A_160 : memref<16x64xf32, #tpu.memory_space<hbm>>) target_semaphore(%run_scoped3A : memref<!tpu.dma_semaphore, #tpu.memory_space<semaphore_mem>>)
        %dma_wait3A = arith.constant 0 : i32
        %dma_wait3A_164 = arith.constant 0 : i32
        %dma_wait3A_165 = tpu.memref_slice %arg9[%dma_wait3A, %dma_wait3A_164] : memref<80x64xf32, #tpu.memory_space<vmem>> -> memref<16x64xf32, #tpu.memory_space<vmem>>
        %dma_wait3A_166 = arith.constant 9984 : i32
        %dma_wait3A_167 = arith.constant 0 : i32
        %dma_wait3A_168 = tpu.memref_slice %arg5[%arg0, %dma_wait3A_166, %dma_wait3A_167] : memref<2x10000x64xf32, #tpu.memory_space<hbm>> -> memref<1x16x64xf32, #tpu.memory_space<hbm>>
        %dma_wait3A_169 = tpu.memref_squeeze %dma_wait3A_168 : memref<1x16x64xf32, #tpu.memory_space<hbm>> -> memref<16x64xf32, #tpu.memory_space<hbm>>
        %dma_wait3A_170 = arith.constant 9984 : i32
        %dma_wait3A_171 = arith.constant 0 : i32
        %dma_wait3A_172 = tpu.memref_slice %arg5[%arg0, %dma_wait3A_170, %dma_wait3A_171] : memref<2x10000x64xf32, #tpu.memory_space<hbm>> -> memref<1x16x64xf32, #tpu.memory_space<hbm>>
        %dma_wait3A_173 = tpu.memref_squeeze %dma_wait3A_172 : memref<1x16x64xf32, #tpu.memory_space<hbm>> -> memref<16x64xf32, #tpu.memory_space<hbm>>
        %dma_wait3A_174 = arith.constant 0 : i32
        %dma_wait3A_175 = arith.constant 0 : i32
        %dma_wait3A_176 = tpu.memref_slice %arg9[%dma_wait3A_174, %dma_wait3A_175] : memref<80x64xf32, #tpu.memory_space<vmem>> -> memref<16x64xf32, #tpu.memory_space<vmem>>
        tpu.wait_dma2 semaphore(%run_scoped3A : memref<!tpu.dma_semaphore, #tpu.memory_space<semaphore_mem>>) src(%dma_wait3A_176 : memref<16x64xf32, #tpu.memory_space<vmem>>) dst(%dma_wait3A_173 : memref<16x64xf32, #tpu.memory_space<hbm>>)
        tpu.yield
      }) : () -> ()
    } else {
    }
    return
  }
}

module attributes {stable_mosaic.version = 14 : i64} {
  func.func @_mm_body(%arg0: i32, %arg1: memref<1000x128xf32, #tpu.memory_space<vmem>>, %arg2: memref<128x128xf32, #tpu.memory_space<vmem>>, %arg3: memref<1000x128xf32, #tpu.memory_space<vmem>>) attributes {dimension_semantics = [#tpu.dimension_semantics<arbitrary>], iteration_bounds = array<i64: 10>, scalar_prefetch = 0 : i64, scratch_operands = 0 : i64, tpu.core_type = #tpu.core_type<tc>, window_params = [{transform_indices = @transform_0, window_bounds = array<i64: 1000, 128>}, {pipeline_mode = #tpu.pipeline_mode<synchronous>, transform_indices = @transform_1, window_bounds = array<i64: 128, 128>}, {transform_indices = @transform_2, window_bounds = array<i64: 1000, 128>}]} {
    %get3A = arith.constant 0 : index
    %get3A_0 = arith.constant 0 : index
    %get3A_1 = vector.load %arg1[%get3A, %get3A_0] : memref<1000x128xf32, #tpu.memory_space<vmem>>, vector<1000x128xf32>
    %get3A_2 = arith.constant 0 : index
    %get3A_3 = arith.constant 0 : index
    %get3A_4 = vector.load %arg2[%get3A_2, %get3A_3] : memref<128x128xf32, #tpu.memory_space<vmem>>, vector<128x128xf32>
    %dot_general3A = arith.constant dense<0.000000e+00> : vector<1000x128xf32>
    %dot_general3A_5 = tpu.matmul %get3A_1, %get3A_4, %dot_general3A {dimension_numbers = #tpu.dot_dimension_numbers<[1], [0], [0], [1], [0, 0, 1, 1], [], []>, transpose_lhs_hint = false} : vector<1000x128xf32>, vector<128x128xf32>, vector<1000x128xf32> -> vector<1000x128xf32>
    %swap3A = arith.constant 0 : index
    %swap3A_6 = arith.constant 0 : index
    %swap3A_7 = vector.load %arg3[%swap3A, %swap3A_6] : memref<1000x128xf32, #tpu.memory_space<vmem>>, vector<1000x128xf32>
    tpu.vector_store %arg3[%swap3A, %swap3A_6], %dot_general3A_5 {strides = array<i32>} : memref<1000x128xf32, #tpu.memory_space<vmem>>, vector<1000x128xf32>,
    return
  }
  func.func @transform_0(%arg0: i32) -> (i32, i32) {
    %c0_i32 = arith.constant 0 : i32
    %c0_i32_0 = arith.constant 0 : i32
    return %arg0, %c0_i32 : i32, i32
  }
  func.func @transform_1(%arg0: i32) -> (i32, i32) {
    %c0_i32 = arith.constant 0 : i32
    %c0_i32_0 = arith.constant 0 : i32
    %c0_i32_1 = arith.constant 0 : i32
    return %c0_i32, %c0_i32_0 : i32, i32
  }
  func.func @transform_2(%arg0: i32) -> (i32, i32) {
    %c0_i32 = arith.constant 0 : i32
    %c0_i32_0 = arith.constant 0 : i32
    return %arg0, %c0_i32 : i32, i32
  }
}

module attributes {stable_mosaic.version = 14 : i64} {
  func.func @_prep_body(%arg0: i32, %arg1: memref<1000x128xf32, #tpu.memory_space<vmem>>, %arg2: memref<1000x2xf32, #tpu.memory_space<vmem>>, %arg3: memref<1000x2xf32, #tpu.memory_space<vmem>>, %arg4: memref<1000x64xf32, #tpu.memory_space<vmem>>, %arg5: memref<1000x64xf32, #tpu.memory_space<vmem>>, %arg6: memref<1000x1xf32, #tpu.memory_space<vmem>>, %arg7: memref<1000x1xf32, #tpu.memory_space<vmem>>) attributes {dimension_semantics = [#tpu.dimension_semantics<arbitrary>], iteration_bounds = array<i64: 10>, scalar_prefetch = 0 : i64, scratch_operands = 0 : i64, tpu.core_type = #tpu.core_type<tc>, window_params = [{transform_indices = @transform_0, window_bounds = array<i64: 1000, 128>}, {transform_indices = @transform_1, window_bounds = array<i64: 1000, 2>}, {transform_indices = @transform_2, window_bounds = array<i64: 1000, 2>}, {transform_indices = @transform_3, window_bounds = array<i64: 1000, 64>}, {transform_indices = @transform_4, window_bounds = array<i64: 1000, 64>}, {transform_indices = @transform_5, window_bounds = array<i64: 1000, 1>}, {transform_indices = @transform_6, window_bounds = array<i64: 1000, 1>}]} {
    %get3A = arith.constant 0 : index
    %get3A_0 = arith.constant 0 : index
    %get3A_1 = vector.load %arg2[%get3A, %get3A_0] : memref<1000x2xf32, #tpu.memory_space<vmem>>, vector<1000x2xf32>
    %get3A_2 = arith.constant 0 : index
    %get3A_3 = arith.constant 0 : index
    %get3A_4 = vector.load %arg3[%get3A_2, %get3A_3] : memref<1000x2xf32, #tpu.memory_space<vmem>>, vector<1000x2xf32>
    %slice3A = vector.extract_strided_slice %get3A_1 {offsets = [0, 0], sizes = [1000, 1], strides = [1, 1]} : vector<1000x2xf32> to vector<1000x1xf32>
    %slice3A_5 = vector.extract_strided_slice %get3A_1 {offsets = [0, 1], sizes = [1000, 1], strides = [1, 1]} : vector<1000x2xf32> to vector<1000x1xf32>
    %add3A = arith.addf %slice3A, %slice3A_5 : vector<1000x1xf32>
    %max3A = arith.constant 1.000000e+00 : f32
    %max3A_6 = vector.broadcast %max3A : f32 to vector<1000x1xf32>
    %max3A_7 = arith.maximumf %add3A, %max3A_6 : vector<1000x1xf32>
    %rsqrt3A = math.rsqrt %max3A_7 : vector<1000x1xf32>
    %slice3A_8 = vector.extract_strided_slice %get3A_4 {offsets = [0, 0], sizes = [1000, 1], strides = [1, 1]} : vector<1000x2xf32> to vector<1000x1xf32>
    %slice3A_9 = vector.extract_strided_slice %get3A_4 {offsets = [0, 1], sizes = [1000, 1], strides = [1, 1]} : vector<1000x2xf32> to vector<1000x1xf32>
    %add3A_10 = arith.addf %slice3A_8, %slice3A_9 : vector<1000x1xf32>
    %max3A_11 = arith.constant 1.000000e+00 : f32
    %max3A_12 = vector.broadcast %max3A_11 : f32 to vector<1000x1xf32>
    %max3A_13 = arith.maximumf %add3A_10, %max3A_12 : vector<1000x1xf32>
    %rsqrt3A_14 = math.rsqrt %max3A_13 : vector<1000x1xf32>
    %swap3A = arith.constant 0 : index
    %swap3A_15 = arith.constant 0 : index
    %swap3A_16 = vector.load %arg6[%swap3A, %swap3A_15] : memref<1000x1xf32, #tpu.memory_space<vmem>>, vector<1000x1xf32>
    tpu.vector_store %arg6[%swap3A, %swap3A_15], %rsqrt3A {strides = array<i32>} : memref<1000x1xf32, #tpu.memory_space<vmem>>, vector<1000x1xf32>,
    %swap3A_17 = arith.constant 0 : index
    %swap3A_18 = arith.constant 0 : index
    %swap3A_19 = vector.load %arg7[%swap3A_17, %swap3A_18] : memref<1000x1xf32, #tpu.memory_space<vmem>>, vector<1000x1xf32>
    tpu.vector_store %arg7[%swap3A_17, %swap3A_18], %rsqrt3A_14 {strides = array<i32>} : memref<1000x1xf32, #tpu.memory_space<vmem>>, vector<1000x1xf32>,
    %get3A_20 = arith.constant 0 : index
    %get3A_21 = arith.constant 0 : index
    %get3A_22 = vector.load %arg1[%get3A_20, %get3A_21] : memref<1000x128xf32, #tpu.memory_space<vmem>>, vector<1000x128xf32>
    %mul3A = vector.broadcast %rsqrt3A : vector<1000x1xf32> to vector<1000x128xf32>
    %mul3A_23 = arith.mulf %get3A_22, %mul3A : vector<1000x128xf32>
    %slice3A_24 = vector.extract_strided_slice %mul3A_23 {offsets = [0, 0], sizes = [1000, 64], strides = [1, 1]} : vector<1000x128xf32> to vector<1000x64xf32>
    %swap3A_25 = arith.constant 0 : index
    %swap3A_26 = arith.constant 0 : index
    %swap3A_27 = vector.load %arg4[%swap3A_25, %swap3A_26] : memref<1000x64xf32, #tpu.memory_space<vmem>>, vector<1000x64xf32>
    tpu.vector_store %arg4[%swap3A_25, %swap3A_26], %slice3A_24 {strides = array<i32>} : memref<1000x64xf32, #tpu.memory_space<vmem>>, vector<1000x64xf32>,
    %slice3A_28 = vector.extract_strided_slice %mul3A_23 {offsets = [0, 64], sizes = [1000, 64], strides = [1, 1]} : vector<1000x128xf32> to vector<1000x64xf32>
    %swap3A_29 = arith.constant 0 : index
    %swap3A_30 = arith.constant 0 : index
    %swap3A_31 = vector.load %arg5[%swap3A_29, %swap3A_30] : memref<1000x64xf32, #tpu.memory_space<vmem>>, vector<1000x64xf32>
    tpu.vector_store %arg5[%swap3A_29, %swap3A_30], %slice3A_28 {strides = array<i32>} : memref<1000x64xf32, #tpu.memory_space<vmem>>, vector<1000x64xf32>,
    return
  }
  func.func @transform_0(%arg0: i32) -> (i32, i32) {
    %c0_i32 = arith.constant 0 : i32
    %c0_i32_0 = arith.constant 0 : i32
    return %arg0, %c0_i32 : i32, i32
  }
  func.func @transform_1(%arg0: i32) -> (i32, i32) {
    %c0_i32 = arith.constant 0 : i32
    %c0_i32_0 = arith.constant 0 : i32
    return %arg0, %c0_i32 : i32, i32
  }
  func.func @transform_2(%arg0: i32) -> (i32, i32) {
    %c0_i32 = arith.constant 0 : i32
    %c0_i32_0 = arith.constant 0 : i32
    return %arg0, %c0_i32 : i32, i32
  }
  func.func @transform_3(%arg0: i32) -> (i32, i32) {
    %c0_i32 = arith.constant 0 : i32
    %c0_i32_0 = arith.constant 0 : i32
    return %arg0, %c0_i32 : i32, i32
  }
  func.func @transform_4(%arg0: i32) -> (i32, i32) {
    %c0_i32 = arith.constant 0 : i32
    %c0_i32_0 = arith.constant 0 : i32
    return %arg0, %c0_i32 : i32, i32
  }
  func.func @transform_5(%arg0: i32) -> (i32, i32) {
    %c0_i32 = arith.constant 0 : i32
    %c0_i32_0 = arith.constant 0 : i32
    return %arg0, %c0_i32 : i32, i32
  }
  func.func @transform_6(%arg0: i32) -> (i32, i32) {
    %c0_i32 = arith.constant 0 : i32
    %c0_i32_0 = arith.constant 0 : i32
    return %arg0, %c0_i32 : i32, i32
  }
}

module attributes {stable_mosaic.version = 14 : i64} {
  func.func @_mid_body(%arg0: i32, %arg1: memref<2x1000x64xf32, #tpu.memory_space<vmem>>, %arg2: memref<1000x1xf32, #tpu.memory_space<vmem>>, %arg3: memref<1000x1xf32, #tpu.memory_space<vmem>>, %arg4: memref<1x128xf32, #tpu.memory_space<vmem>>, %arg5: memref<128x64xf32, #tpu.memory_space<vmem>>, %arg6: memref<1000x64xf32, #tpu.memory_space<vmem>>) attributes {dimension_semantics = [#tpu.dimension_semantics<arbitrary>], iteration_bounds = array<i64: 10>, scalar_prefetch = 0 : i64, scratch_operands = 0 : i64, tpu.core_type = #tpu.core_type<tc>, window_params = [{transform_indices = @transform_0, window_bounds = array<i64: 2, 1000, 64>}, {transform_indices = @transform_1, window_bounds = array<i64: 1000, 1>}, {transform_indices = @transform_2, window_bounds = array<i64: 1000, 1>}, {pipeline_mode = #tpu.pipeline_mode<synchronous>, transform_indices = @transform_3, window_bounds = array<i64: 1, 128>}, {pipeline_mode = #tpu.pipeline_mode<synchronous>, transform_indices = @transform_4, window_bounds = array<i64: 128, 64>}, {transform_indices = @transform_5, window_bounds = array<i64: 1000, 64>}]} {
    %get3A = arith.constant 0 : index
    %get3A_0 = arith.constant 0 : index
    %get3A_1 = arith.constant 0 : index
    %get3A_2 = vector.load %arg1[%get3A, %get3A_0, %get3A_1] : memref<2x1000x64xf32, #tpu.memory_space<vmem>>, vector<2x1000x64xf32>
    %slice3A = vector.extract_strided_slice %get3A_2 {offsets = [0, 0, 0], sizes = [1, 1000, 64], strides = [1, 1, 1]} : vector<2x1000x64xf32> to vector<1x1000x64xf32>
    %squeeze3A = vector.shape_cast %slice3A : vector<1x1000x64xf32> to vector<1000x64xf32>
    %slice3A_3 = vector.extract_strided_slice %get3A_2 {offsets = [1, 0, 0], sizes = [1, 1000, 64], strides = [1, 1, 1]} : vector<2x1000x64xf32> to vector<1x1000x64xf32>
    %squeeze3A_4 = vector.shape_cast %slice3A_3 : vector<1x1000x64xf32> to vector<1000x64xf32>
    %concatenate3A = tpu.concatenate %squeeze3A, %squeeze3A_4 in 1 : vector<1000x64xf32>, vector<1000x64xf32> -> vector<1000x128xf32>
    %get3A_5 = arith.constant 0 : index
    %get3A_6 = arith.constant 0 : index
    %get3A_7 = vector.load %arg3[%get3A_5, %get3A_6] : memref<1000x1xf32, #tpu.memory_space<vmem>>, vector<1000x1xf32>
    %mul3A = vector.broadcast %get3A_7 : vector<1000x1xf32> to vector<1000x128xf32>
    %mul3A_8 = arith.mulf %concatenate3A, %mul3A : vector<1000x128xf32>
    %get3A_9 = arith.constant 0 : index
    %get3A_10 = arith.constant 0 : index
    %get3A_11 = vector.load %arg4[%get3A_9, %get3A_10] : memref<1x128xf32, #tpu.memory_space<vmem>>, vector<1x128xf32>
    %add3A = vector.broadcast %get3A_11 : vector<1x128xf32> to vector<1000x128xf32>
    %add3A_12 = arith.addf %mul3A_8, %add3A : vector<1000x128xf32>
    %max3A = arith.constant 0.000000e+00 : f32
    %max3A_13 = vector.broadcast %max3A : f32 to vector<1000x128xf32>
    %max3A_14 = arith.maximumf %add3A_12, %max3A_13 : vector<1000x128xf32>
    %get3A_15 = arith.constant 0 : index
    %get3A_16 = arith.constant 0 : index
    %get3A_17 = vector.load %arg2[%get3A_15, %get3A_16] : memref<1000x1xf32, #tpu.memory_space<vmem>>, vector<1000x1xf32>
    %mul3A_18 = vector.broadcast %get3A_17 : vector<1000x1xf32> to vector<1000x128xf32>
    %mul3A_19 = arith.mulf %max3A_14, %mul3A_18 : vector<1000x128xf32>
    %get3A_20 = arith.constant 0 : index
    %get3A_21 = arith.constant 0 : index
    %get3A_22 = vector.load %arg5[%get3A_20, %get3A_21] : memref<128x64xf32, #tpu.memory_space<vmem>>, vector<128x64xf32>
    %dot_general3A = arith.constant dense<0.000000e+00> : vector<1000x64xf32>
    %dot_general3A_23 = tpu.matmul %mul3A_19, %get3A_22, %dot_general3A {dimension_numbers = #tpu.dot_dimension_numbers<[1], [0], [0], [1], [0, 0, 1, 1], [], []>, transpose_lhs_hint = false} : vector<1000x128xf32>, vector<128x64xf32>, vector<1000x64xf32> -> vector<1000x64xf32>
    %swap3A = arith.constant 0 : index
    %swap3A_24 = arith.constant 0 : index
    %swap3A_25 = vector.load %arg6[%swap3A, %swap3A_24] : memref<1000x64xf32, #tpu.memory_space<vmem>>, vector<1000x64xf32>
    tpu.vector_store %arg6[%swap3A, %swap3A_24], %dot_general3A_23 {strides = array<i32>} : memref<1000x64xf32, #tpu.memory_space<vmem>>, vector<1000x64xf32>,
    return
  }
  func.func @transform_0(%arg0: i32) -> (i32, i32, i32) {
    %c0_i32 = arith.constant 0 : i32
    %c0_i32_0 = arith.constant 0 : i32
    %c0_i32_1 = arith.constant 0 : i32
    return %c0_i32, %arg0, %c0_i32_0 : i32, i32, i32
  }
  func.func @transform_1(%arg0: i32) -> (i32, i32) {
    %c0_i32 = arith.constant 0 : i32
    %c0_i32_0 = arith.constant 0 : i32
    return %arg0, %c0_i32 : i32, i32
  }
  func.func @transform_2(%arg0: i32) -> (i32, i32) {
    %c0_i32 = arith.constant 0 : i32
    %c0_i32_0 = arith.constant 0 : i32
    return %arg0, %c0_i32 : i32, i32
  }
  func.func @transform_3(%arg0: i32) -> (i32, i32) {
    %c0_i32 = arith.constant 0 : i32
    %c0_i32_0 = arith.constant 0 : i32
    %c0_i32_1 = arith.constant 0 : i32
    return %c0_i32, %c0_i32_0 : i32, i32
  }
  func.func @transform_4(%arg0: i32) -> (i32, i32) {
    %c0_i32 = arith.constant 0 : i32
    %c0_i32_0 = arith.constant 0 : i32
    %c0_i32_1 = arith.constant 0 : i32
    return %c0_i32, %c0_i32_0 : i32, i32
  }
  func.func @transform_5(%arg0: i32) -> (i32, i32) {
    %c0_i32 = arith.constant 0 : i32
    %c0_i32_0 = arith.constant 0 : i32
    return %arg0, %c0_i32 : i32, i32
  }
}

module attributes {stable_mosaic.version = 14 : i64} {
  func.func @_fin_body(%arg0: i32, %arg1: memref<2x1000x64xf32, #tpu.memory_space<vmem>>, %arg2: memref<1000x1xf32, #tpu.memory_space<vmem>>, %arg3: memref<1x64xf32, #tpu.memory_space<vmem>>, %arg4: memref<1000x64xf32, #tpu.memory_space<vmem>>) attributes {dimension_semantics = [#tpu.dimension_semantics<arbitrary>], iteration_bounds = array<i64: 10>, scalar_prefetch = 0 : i64, scratch_operands = 0 : i64, tpu.core_type = #tpu.core_type<tc>, window_params = [{transform_indices = @transform_0, window_bounds = array<i64: 2, 1000, 64>}, {transform_indices = @transform_1, window_bounds = array<i64: 1000, 1>}, {pipeline_mode = #tpu.pipeline_mode<synchronous>, transform_indices = @transform_2, window_bounds = array<i64: 1, 64>}, {transform_indices = @transform_3, window_bounds = array<i64: 1000, 64>}]} {
    %get3A = arith.constant 0 : index
    %get3A_0 = arith.constant 0 : index
    %get3A_1 = arith.constant 0 : index
    %get3A_2 = vector.load %arg1[%get3A, %get3A_0, %get3A_1] : memref<2x1000x64xf32, #tpu.memory_space<vmem>>, vector<2x1000x64xf32>
    %slice3A = vector.extract_strided_slice %get3A_2 {offsets = [0, 0, 0], sizes = [1, 1000, 64], strides = [1, 1, 1]} : vector<2x1000x64xf32> to vector<1x1000x64xf32>
    %squeeze3A = vector.shape_cast %slice3A : vector<1x1000x64xf32> to vector<1000x64xf32>
    %slice3A_3 = vector.extract_strided_slice %get3A_2 {offsets = [1, 0, 0], sizes = [1, 1000, 64], strides = [1, 1, 1]} : vector<2x1000x64xf32> to vector<1x1000x64xf32>
    %squeeze3A_4 = vector.shape_cast %slice3A_3 : vector<1x1000x64xf32> to vector<1000x64xf32>
    %add3A = arith.addf %squeeze3A, %squeeze3A_4 : vector<1000x64xf32>
    %get3A_5 = arith.constant 0 : index
    %get3A_6 = arith.constant 0 : index
    %get3A_7 = vector.load %arg2[%get3A_5, %get3A_6] : memref<1000x1xf32, #tpu.memory_space<vmem>>, vector<1000x1xf32>
    %mul3A = vector.broadcast %get3A_7 : vector<1000x1xf32> to vector<1000x64xf32>
    %mul3A_8 = arith.mulf %add3A, %mul3A : vector<1000x64xf32>
    %get3A_9 = arith.constant 0 : index
    %get3A_10 = arith.constant 0 : index
    %get3A_11 = vector.load %arg3[%get3A_9, %get3A_10] : memref<1x64xf32, #tpu.memory_space<vmem>>, vector<1x64xf32>
    %add3A_12 = vector.broadcast %get3A_11 : vector<1x64xf32> to vector<1000x64xf32>
    %add3A_13 = arith.addf %mul3A_8, %add3A_12 : vector<1000x64xf32>
    %swap3A = arith.constant 0 : index
    %swap3A_14 = arith.constant 0 : index
    %swap3A_15 = vector.load %arg4[%swap3A, %swap3A_14] : memref<1000x64xf32, #tpu.memory_space<vmem>>, vector<1000x64xf32>
    tpu.vector_store %arg4[%swap3A, %swap3A_14], %add3A_13 {strides = array<i32>} : memref<1000x64xf32, #tpu.memory_space<vmem>>, vector<1000x64xf32>,
    return
  }
  func.func @transform_0(%arg0: i32) -> (i32, i32, i32) {
    %c0_i32 = arith.constant 0 : i32
    %c0_i32_0 = arith.constant 0 : i32
    %c0_i32_1 = arith.constant 0 : i32
    return %c0_i32, %arg0, %c0_i32_0 : i32, i32, i32
  }
  func.func @transform_1(%arg0: i32) -> (i32, i32) {
    %c0_i32 = arith.constant 0 : i32
    %c0_i32_0 = arith.constant 0 : i32
    return %arg0, %c0_i32 : i32, i32
  }
  func.func @transform_2(%arg0: i32) -> (i32, i32) {
    %c0_i32 = arith.constant 0 : i32
    %c0_i32_0 = arith.constant 0 : i32
    %c0_i32_1 = arith.constant 0 : i32
    return %c0_i32, %c0_i32_0 : i32, i32
  }
  func.func @transform_3(%arg0: i32) -> (i32, i32) {
    %c0_i32 = arith.constant 0 : i32
    %c0_i32_0 = arith.constant 0 : i32
    return %arg0, %c0_i32 : i32, i32
  }
}

</mosaic_0001>

<sc_bundles>
// kernel: kernel.12.cloned.1.call-start
scs
__scs_entry_jumppad:
0x0: {  	(pc) =	sbr.rel $0x88, $3  }
0x1: {  	(tag) =	ssettag $0x0;
	lr =	simm.s32 $0x1  }
0x2: {  	[smem:$0x3F9B] =	sst lr;
	_ =	strace $0xD0000000  }
0x3: {  	_ = 	snop  }
0x4: {  	_ = 	snop  }
0x5: {  	_ = 	snop  }
0x6: {  	_ = 	snop  }
0x7: {  	_ = 	snop  }
__scs_overlays_trampoline_lowered:
0x8: {  	[smem:$0x3FAA] =	sst s0  }
0x9: {  	[smem:$0x3FAB] =	sst s1  }
0xa: {  	[smem:$0x3FAC] =	sst s2  }
0xb: {  	[smem:$0x3FAD] =	sst s3  }
0xc: {  	[smem:$0x3FAE] =	sst s4  }
0xd: {  	[smem:$0x3FAF] =	sst s5  }
0xe: {  	[smem:$0x3FB0] =	sst s6  }
0xf: {  	[smem:$0x3FB1] =	sst s7  }
0x10: {  	[smem:$0x3FB2] =	sst s8  }
0x11: {  	[smem:$0x3FB3] =	sst s9;
	s0 =	simm.s32 @!p0 $0x0  }
0x12: {  	s1 =	sld [smem:$0x3F99];
	s0 =	simm.s32 @p0 $0x1  }
0x13: {  	[smem:$0x3FB4] =	sst s0;
	s0 =	simm.s32 @!p1 $0x0  }
0x14: {  	s2 =	sld [smem:$0x3F98];
	s0 =	simm.s32 @p1 $0x1  }
0x15: {  	[smem:$0x3FB5] =	sst s0;
	s0 =	simm.s32 @!p2 $0x0  }
0x16: {  	s3 =	sld [smem:$0x3FDB];
	s0 =	simm.s32 @p2 $0x1  }
0x17: {  	s4 =	simm.s32 $0x1BF5;
	[smem:$0x3FB7] =	sst s0  }
0x18: {  	s0 =	sld [smem:$0x3F9A];
	_ =	swait.ge [sflag:s4], $0x0  }
0x19: {  	s7 =	sld [smem:$0x3F9B]  }
0x1a: {  	s8 =	sadd.s32 $0xFFFFE003, lr  }
0x1b: {  	s9 =	sadd.s32 $0xFFFFFEF7, lr;
	s5 =	simm.s32 $0xFFFFFFFF;
	p2 =	slt.u32 s8, $0xFFFFF086  }
0x1c: {  	p1 =	slt.u32 s9, $0xF7A;
	s5 =	simm.s32 @!p2 $0x0  }
0x1d: {  	s5 =	simm.s32 @p1 $0x1;
	p0 =	seq.s32 s7, s2  }
0x1e: {  	s7 =	smul.u32 @!p0 $0xF7A, s2;
	p2 =	seq.s32 @!p0 s5, $0x0  }
0x1f: {  	s9 =	smul.u32 $0xF7A, s1;
	s8 =	simm.s32 @!p0 $0x1BF5;
	p2 =	por !p2, p0  }
0x20: {  	[sflag:s8] =	ssyncset.s32 @!p0 $0xFFFFF086;
	s6 =	sadd.s32 @!p0 s3, s7;
	s7 =	simm.s32 @!p0 $0x108  }
0x21: {  	s3 =	sadd.s32 s3, s9;
	s6 =	sadd.s32 @!p0 $0x88, s6;
	s7 =	simm.s32 @p2 $0x1082  }
0x22: {  	[simem:s7], [sflag:s8] =	dma.local @!p0 [hbm:s6], $0xF7A  }
0x23: {  	s9 =	sor.u32 $0xD0000000, s2;
	s6 =	simm.s32 $0x108;
	_ =	swait.ge @!p0 [sflag:s8], $0x0  }
0x24: {  	s3 =	sadd.s32 $0x88, s3;
	s6 =	simm.s32 @!p1 $0x1082;
	[sflag:s4] =	ssyncset.s32 $0xFFFFF086  }
0x25: {  	[simem:s6], [sflag:s4] =	dma.local [hbm:s3], $0xF7A  }
0x26: {  	[smem:$0x3F9B] =	sst s1;
	(tag) =	ssettag s2;
	_ =	strace s9  }
0x27: {  	s1 =	sld [smem:$0x3FAB]  }
0x28: {  	s2 =	sld [smem:$0x3FAC]  }
0x29: {  	s4 =	sld [smem:$0x3FAE]  }
0x2a: {  	p0 =	seq.s32 s5, $0x0;
	s5 =	sld [smem:$0x3FAF]  }
0x2b: {  	s6 =	sld [smem:$0x3FB0]  }
0x2c: {  	s7 =	sld [smem:$0x3FB1]  }
0x2d: {  	s3 =	simm.s32 $0x108;
	s8 =	sld [smem:$0x3FB2]  }
0x2e: {  	s3 =	simm.s32 @!p0 $0x1082;
	s9 =	sld [smem:$0x3FB3]  }
0x2f: {  	lr =	sadd.s32 s0, s3;
	s0 =	sld [smem:$0x3FAA]  }
0x30: {  	s3 =	sld [smem:$0x3FAD]  }
0x31: {  	[smem:$0x3FB6] =	sst s10  }
0x32: {  	s10 =	sld [smem:$0x3FB4];
	_ =	sdelay $0x3  }
0x33: {  	p0 =	seq.s32 s10, $0x1;
	s10 =	sld [smem:$0x3FB6];
	_ =	sdelay $0x3  }
0x34: {  	[smem:$0x3FB6] =	sst s10  }
0x35: {  	s10 =	sld [smem:$0x3FB5];
	_ =	sdelay $0x3  }
0x36: {  	p1 =	seq.s32 s10, $0x1;
	s10 =	sld [smem:$0x3FB6];
	_ =	sdelay $0x3  }
0x37: {  	[smem:$0x3FB6] =	sst s10  }
0x38: {  	s10 =	sld [smem:$0x3FB7]  }
0x39: {  	_ = 	snop;
	(pc) =	sbr.ind lr, $3  }
0x3a: {  	_ = 	snop  }
0x3b: {  	_ = 	snop  }
0x3c: {  	p2 =	seq.s32 s10, $0x1;
	s10 =	sld [smem:$0x3FB6]  }
0x3d: {  	_ =	shalt  }
0x3e: {  	_ =	shalt  }
0x3f: {  	_ =	shalt  }
0x40: {  	_ =	shalt  }
0x41: {  	_ =	shalt  }
0x42: {  	_ =	shalt  }
0x43: {  	_ =	shalt  }
0x44: {  	_ =	shalt  }
0x45: {  	_ =	shalt  }
0x46: {  	_ =	shalt  }
0x47: {  	_ =	shalt  }
0x48: {  	_ =	shalt  }
0x49: {  	_ =	shalt  }
0x4a: {  	_ =	shalt  }
0x4b: {  	_ =	shalt  }
0x4c: {  	_ =	shalt  }
0x4d: {  	_ =	shalt  }
0x4e: {  	_ =	shalt  }
0x4f: {  	_ =	shalt  }
0x50: {  	_ =	shalt  }
0x51: {  	_ =	shalt  }
0x52: {  	_ =	shalt  }
0x53: {  	_ =	shalt  }
0x54: {  	_ =	shalt  }
0x55: {  	_ =	shalt  }
0x56: {  	_ =	shalt  }
0x57: {  	_ =	shalt  }
0x58: {  	_ =	shalt  }
0x59: {  	_ =	shalt  }
0x5a: {  	_ =	shalt  }
0x5b: {  	_ =	shalt  }
0x5c: {  	_ =	shalt  }
0x5d: {  	_ =	shalt  }
0x5e: {  	_ =	shalt  }
0x5f: {  	_ =	shalt  }
0x60: {  	_ =	shalt  }
0x61: {  	_ =	shalt  }
0x62: {  	_ =	shalt  }
0x63: {  	_ =	shalt  }
0x64: {  	_ =	shalt  }
0x65: {  	_ =	shalt  }
0x66: {  	_ =	shalt  }
0x67: {  	_ =	shalt  }
0x68: {  	_ =	shalt  }
0x69: {  	_ =	shalt  }
0x6a: {  	_ =	shalt  }
0x6b: {  	_ =	shalt  }
0x6c: {  	_ =	shalt  }
0x6d: {  	_ =	shalt  }
0x6e: {  	_ =	shalt  }
0x6f: {  	_ =	shalt  }
0x70: {  	_ =	shalt  }
0x71: {  	_ =	shalt  }
0x72: {  	_ =	shalt  }
0x73: {  	_ =	shalt  }
0x74: {  	_ =	shalt  }
0x75: {  	_ =	shalt  }
0x76: {  	_ =	shalt  }
0x77: {  	_ =	shalt  }
0x78: {  	_ =	shalt  }
0x79: {  	_ =	shalt  }
0x7a: {  	_ =	shalt  }
0x7b: {  	_ =	shalt  }
0x7c: {  	_ =	shalt  }
0x7d: {  	_ =	shalt  }
0x7e: {  	_ =	shalt  }
0x7f: {  	_ =	shalt  }
0x80: {  	_ =	shalt  }
0x81: {  	_ =	shalt  }
0x82: {  	_ =	shalt  }
0x83: {  	_ =	shalt  }
0x84: {  	_ =	shalt  }
0x85: {  	_ =	shalt  }
0x86: {  	_ =	shalt  }
0x87: {  	_ =	shalt  }
.Lfunc_end0:
.L_simem_size_0:
called_computation.1_lowered:
.L_overlay_start_0:
0x88: {  	s2 =	sld [smem:$0x3FD9]  }
0x89: {  	s3 =	sld [smem:$0x3FFE];
	_ =	sdelay $0x1  }
0x8a: {  	s1 =	srdreg.scid  }
0x8b: {  	s0 =	sand.u32 $0x1, s1  }
0x8c: {  	s17 =	sshll.u32 s0, $0xA;
	s2 =	sadd.s32 s3, s2  }
0x8d: {  	s2 =	sadd.s32 s2, s17  }
0x8e: {  	[smem:$0x3FC2] =	sst s2  }
0x8f: {  	_ = 	snop  }
0x90: {  	s2 =	sld [smem:$0x3FD0];
	(tm) =	ssettm $0x1  }
0x91: {  	s18 =	sld [smem:$0x3FFB];
	_ =	sdelay $0x3  }
0x92: {  	_ =	strace s18  }
0x93: {  	s3 =	sld [smem:$0x3FFC];
	_ =	sdelay $0x3  }
0x94: {  	_ =	strace s3  }
0x95: {  	s3 =	sld [smem:$0x3FFD];
	_ =	sdelay $0x3  }
0x96: {  	_ =	strace s3  }
0x97: {  	_ =	strace $0x8FFFFFFF  }
0x98: {  	s19 =	sld [smem:$0x3FDB];
	_ =	sdelay $0x1  }
0x99: {  	s4 =	simm.s32 $_scs_section_size  }
0x9a: {  	s5 =	simm.s32 $_size__tile_overlayer_lowered;
	s6 =	simm.s32 $_tile_overlayer_lowered  }
0x9b: {  	s22 =	simm.s32 $0x1BFF;
	s21 =	sshll.u32 s6, $0x1;
	s3 =	sadd.s32 s4, s19  }
0x9c: {  	s7 =	simm.s32 $0x0;
	s20 =	sshll.u32 s5, $0x1;
	s5 =	sadd.s32 s21, s3  }
0x9d: {  	[timem:s7], [sflag:s22] =	dma.local [hbm:s5], s20  }
0x9e: {  	_ =	swait.ge [sflag:s22], s20  }
0x9f: {  	s4 =	ssub.s32 $0x0, s20;
	[sflag:s22] =	ssyncset.done $0x0  }
0xa0: {  	[sflag:s22] =	ssyncadd.s32 s4;
	_ =	sdelay $0x1  }
0xa1: {  	s23 =	simm.s32 $0x1B8B  }
0xa2: {  	_ =	swait.ge [sflag:s23], $0x1  }
0xa3: {  	[sflag:s23] =	ssyncset.done $0x0  }
0xa4: {  	s25 =	simm.s32 $0x1B8E;
	s24 =	sld [smem:$0x3FFE];
	[sflag:s23] =	ssyncadd.s32 $0xFFFFFFFF  }
0xa5: {  	s26 =	simm.s32 $execute0_lowered;
	[smem:$0x3FD2] =	sst s25  }
0xa6: {  	s5 =	sshll.u32 s26, $0x1;
	_ =	strace $0x80000049;
	[dreg:$0x1] =	wrdreg $0xFFFFFFFF  }
0xa7: {  	s28 =	simm.s32 $_size_execute0_lowered;
	s3 =	sadd.s32 s3, s5;
	[dreg:$0x0] =	wrdreg $0x0  }
0xa8: {  	s5 =	sshll.u32 s28, $0x1;
	[dreg:$0x2] =	wrdreg s3  }
0xa9: {  	[dreg:$0x3] =	wrdreg s5  }
0xaa: {  	[dreg:$0x4] =	wrdreg $0xC0  }
0xab: {  	_ =	task [dreg:s7], $0x5FFFF  }
0xac: {  	[dreg:$0x1] =	wrdreg $0xFFFFFFFF  }
0xad: {  	[dreg:$0x0] =	wrdreg $0x60  }
0xae: {  	[dreg:$0x2] =	wrdreg s2  }
0xaf: {  	[dreg:$0x3] =	wrdreg s24  }
0xb0: {  	[dreg:$0x4] =	wrdreg $0x11D000  }
0xb1: {  	[dreg:$0x5] =	wrdreg $0x9  }
0xb2: {  	_ =	task.clear_ibuf [dreg:s7], $0x6FFFF;
	_ =	strace $0x90000049  }
0xb3: {  	s29 =	simm.s32 $0x9;
	_ =	strace $0x8000004B  }
0xb4: {  	_ =	swait.ge [sflag:s29], $0x1  }
0xb5: {  	[sflag:s29] =	ssyncadd.s32 $0xFFFFFFFF  }
0xb6: {  	_ =	strace $0x9000004B  }
0xb7: {  	_ =	sfence  }
0xb8: {  	s30 =	sld [smem:$0x0];
	_ =	sdelay $0x2  }
0xb9: {  	s31 =	sshll.u32 s1, $0xD;
	s1 =	sshrl.u32 s1, $0x2  }
0xba: {  	s3 =	sand.u32 $0x4000, s31;
	s1 =	sadd.s32 s1, s30  }
0xbb: {  	s0 =	sor.u32 s3, s0;
	s1 =	sshll.u32 s1, $0x11  }
0xbc: {  	s0 =	sor.u32 s1, s0  }
0xbd: {  	s0 =	sadd.s32 $0x8F2B, s0  }
0xbe: {  	[sflag:s0] =	ssyncadd.remote.s32 $0x1  }
0xbf: {  	_ =	sfence.sel $0xFFFF  }
0xc0: {  	[dreg:$0x0] =	wrdreg $0xFFFFFFFF;
	(pc) =	sbr.abs _section_cstart, $3  }
0xc1: {  	[dreg:$0x1] =	wrdreg $0xFFFFFFFF  }
0xc2: {  	_ =	task.clear_ibuf [dreg:s7], $0x2FFFF;
	_ =	strace $0x9FFFFFFF  }
0xc3: {  	(tm) =	ssettm $0x7FFFFFFF  }
tec
execute0_lowered:
.L_overlay_start_1:
0x0: {  	(tag) =	ssettag $0x1  }
0x1: {  	s1 =	rddreg [dreg:$0x0]  }
0x2: {  	s0 =	rddreg [dreg:$0x1]  }
0x3: {  	s2 =	rddreg [dreg:$0x2];
	s3 =	simm.s32 $0x0  }
0x4: {  	s20 =	stileid.u32;
	s4 =	srdreg.scid;
	s28 =	simm.s32 $0xDE80  }
0x5: {  	s30 =	simm.s32 $0xFDC0;
	s31 =	simm.s32 $0x1;
	s29 =	simm.s32 $0x0  }
0x6: {  	[smem:$0x7FF] =	sst s3;
	s5 =	smul.u32 $0xA00, s20;
	s13 =	sand.u32 $0x1, s4  }
0x7: {  	s4 =	sadd.s32 $0x29A00, s0;
	s14 =	smul.u32 $0x9C00, s20;
	s10 =	sadd.s32 $0x9C000, s2  }
0x8: {  	p1 =	sne.s32 s20, $0x0;
	s20 =	simm.s32 $0xA000;
	_ =	strace $0x8000004A  }
0x9: {  	s6 =	ssub.s32 $0x2, s13;
	s21 =	smul.u32 $0x9C400, s13;
	p0 =	seq.s32 s13, $0x1  }
0xa: {  	s12 =	sadd.s32 s5, s0;
	s0 =	sadd.s32 $0x3D400, s0;
	s11 =	sshrl.u32 s6, $0x1  }
0xb: {  	s5 =	sadd.s32 s14, s2;
	s15 =	sadd.s32 $0x1F40, s14;
	s16 =	sadd.s32 $0x3E80, s14  }
0xc: {  	s17 =	sadd.s32 $0x5DC0, s14;
	s18 =	sadd.s32 $0x7D00, s14;
	s19 =	ssub.s32 s6, s11  }
0xd: {  	s6 =	sadd.s32 s15, s2;
	s7 =	sadd.s32 s16, s2;
	s8 =	sadd.s32 s17, s2  }
0xe: {  	s9 =	sadd.s32 s18, s2;
	s11 =	sadd.s32 $0x1FA00, s12;
	s12 =	sadd.s32 $0x15A00, s12  }
0xf: {  	s14 =	sadd.s32 s14, s21;
	s22 =	sadd.s32 s21, s15;
	s23 =	sadd.s32 s21, s16  }
0x10: {  	s24 =	sadd.s32 s21, s17;
	s25 =	sadd.s32 s21, s18;
	s26 =	sshrl.u32 s21, $0x3  }
0x11: {  	s21 =	simm.s32 $0x2;
	s13 =	sshrl.u32 s14, $0x3;
	s14 =	sshrl.u32 s22, $0x3  }
.Ltmp0:
0x12: {  	s15 =	sshrl.u32 s23, $0x3;
	s16 =	sshrl.u32 s24, $0x3;
	(pc) =	sbr.rel .LBB2_1-.Ltmp0, $4  }
0x13: {  	s17 =	sshrl.u32 s25, $0x3;
	s18 =	sadd.s32 s0, s26;
	s19 =	smax.u32 s19, $0x1  }
0x14: {  	s23 =	simm.s32 $0x7D;
	s25 =	simm.s32 $0xBF40;
	s26 =	simm.s32 $0x9F80  }
0x15: {  	s13 =	sadd.s32 s0, s13;
	s14 =	sadd.s32 s0, s14;
	s15 =	sadd.s32 s0, s15  }
0x16: {  	v0 =	vimm.f32 $0.0e+00;
	s16 =	sadd.s32 s0, s16;
	s17 =	sadd.s32 s0, s17;
	s18 =	sadd.s32 $0x13800, s18  }
.LBB2_6:
0x17: {  	[tilespmem:s30], [sflag:$0x1] =	stream.indirect.gather [hbm4b:s1+s23], $0x40, s22, s23, $0xb8;
	[tilespmem:$0x1B940] =	vst v63  }
.LBB2_10:
0x18: {  	_ =	swait.ge [sflag:s31], $0x1F40  }
0x19: {  	[sflag:s31] =	ssyncset.done $0x0  }
0x1a: {  	s0 =	simm.s32 $0x9E00;
	[sflag:s31] =	ssyncadd.s32 $0xFFFFE0C0  }
0x1b: {  	[spmem:s2] =	stream.indirect.scatter.add.f32 [tilespmem:s20], [sflag:$0x2], $0x40, s0, s23, $0xb8;
	[tilespmem:$0x1B940] =	vst v63  }
0x1c: {  	_ =	swait.ge [sflag:s21], $0x1F40  }
0x1d: {  	[sflag:s21] =	ssyncset.done $0x0  }
0x1e: {  	[sflag:s21] =	ssyncadd.s32 $0xFFFFE0C0  }
0x1f: {  	_ =	swait.ge [sflag:s31], $0x1F40  }
0x20: {  	[sflag:s31] =	ssyncset.done $0x0  }
0x21: {  	s22 =	simm.s32 $0x9E80;
	[sflag:s31] =	ssyncadd.s32 $0xFFFFE0C0  }
0x22: {  	[spmem:s2] =	stream.indirect.scatter.add.f32 [tilespmem:s25], [sflag:$0x2], $0x40, s22, s23, $0xb8;
	[tilespmem:$0x1B940] =	vst v63  }
0x23: {  	_ =	swait.ge [sflag:s21], $0x1F40  }
0x24: {  	[sflag:s21] =	ssyncset.done $0x0  }
0x25: {  	[sflag:s21] =	ssyncadd.s32 $0xFFFFE0C0  }
0x26: {  	_ =	swait.ge [sflag:s31], $0x1F40  }
0x27: {  	[sflag:s31] =	ssyncset.done $0x0  }
0x28: {  	s24 =	simm.s32 $0x9F00;
	[sflag:s31] =	ssyncadd.s32 $0xFFFFE0C0  }
0x29: {  	[spmem:s2] =	stream.indirect.scatter.add.f32 [tilespmem:s28], [sflag:$0x2], $0x40, s24, s23, $0xb8;
	[tilespmem:$0x1B940] =	vst v63  }
0x2a: {  	_ =	swait.ge [sflag:s21], $0x1F40  }
0x2b: {  	[sflag:s21] =	ssyncset.done $0x0  }
0x2c: {  	[sflag:s21] =	ssyncadd.s32 $0xFFFFE0C0  }
0x2d: {  	_ =	swait.ge [sflag:s31], $0x1F40  }
0x2e: {  	[sflag:s31] =	ssyncset.done $0x0  }
0x2f: {  	[sflag:s31] =	ssyncadd.s32 $0xFFFFE0C0  }
0x30: {  	[spmem:s2] =	stream.indirect.scatter.add.f32 [tilespmem:s30], [sflag:$0x2], $0x40, s26, s23, $0xb8;
	[tilespmem:$0x1B940] =	vst v63  }
0x31: {  	_ =	swait.ge [sflag:s21], $0x1F40  }
0x32: {  	[sflag:s21] =	ssyncset.done $0x0  }
0x33: {  	[sflag:s21] =	ssyncadd.s32 $0xFFFFE0C0  }
0x34: {  	[bflag:$0x0] =	sbarrier.arrive $0xFFFF  }
0x35: {  	[tilespmem:s20], [sflag:$0x2] =	stream.linear.gather [spmem:s5], $0x1F40, $0x38;
	[tilespmem:$0x1B940] =	vst v63  }
0x36: {  	_ =	swait.ge [sflag:s21], $0x1F40  }
0x37: {  	[sflag:s21] =	ssyncset.done $0x0  }
0x38: {  	[sflag:s21] =	ssyncadd.s32 $0xFFFFE0C0  }
0x39: {  	[hbm4b:s13+s3] =	stream.linear.scatter [tilespmem:s20], [sflag:$0x2], $0x1F40, $0x38;
	[tilespmem:$0x1B940] =	vst v63  }
0x3a: {  	_ =	swait.ge [sflag:s21], $0x1F40  }
0x3b: {  	[sflag:s21] =	ssyncset.done $0x0  }
0x3c: {  	[sflag:s21] =	ssyncadd.s32 $0xFFFFE0C0  }
0x3d: {  	[tilespmem:s20], [sflag:$0x2] =	stream.linear.gather [spmem:s6], $0x1F40, $0x38;
	[tilespmem:$0x1B940] =	vst v63  }
0x3e: {  	_ =	swait.ge [sflag:s21], $0x1F40  }
0x3f: {  	[sflag:s21] =	ssyncset.done $0x0  }
0x40: {  	[sflag:s21] =	ssyncadd.s32 $0xFFFFE0C0  }
0x41: {  	[hbm4b:s14+s3] =	stream.linear.scatter [tilespmem:s20], [sflag:$0x2], $0x1F40, $0x38;
	[tilespmem:$0x1B940] =	vst v63  }
0x42: {  	_ =	swait.ge [sflag:s21], $0x1F40  }
0x43: {  	[sflag:s21] =	ssyncset.done $0x0  }
0x44: {  	[sflag:s21] =	ssyncadd.s32 $0xFFFFE0C0  }
0x45: {  	[tilespmem:s20], [sflag:$0x2] =	stream.linear.gather [spmem:s7], $0x1F40, $0x38;
	[tilespmem:$0x1B940] =	vst v63  }
0x46: {  	_ =	swait.ge [sflag:s21], $0x1F40  }
0x47: {  	[sflag:s21] =	ssyncset.done $0x0  }
0x48: {  	[sflag:s21] =	ssyncadd.s32 $0xFFFFE0C0  }
0x49: {  	[hbm4b:s15+s3] =	stream.linear.scatter [tilespmem:s20], [sflag:$0x2], $0x1F40, $0x38;
	[tilespmem:$0x1B940] =	vst v63  }
0x4a: {  	_ =	swait.ge [sflag:s21], $0x1F40  }
0x4b: {  	[sflag:s21] =	ssyncset.done $0x0  }
0x4c: {  	[sflag:s21] =	ssyncadd.s32 $0xFFFFE0C0  }
0x4d: {  	[tilespmem:s20], [sflag:$0x2] =	stream.linear.gather [spmem:s8], $0x1F40, $0x38;
	[tilespmem:$0x1B940] =	vst v63  }
0x4e: {  	_ =	swait.ge [sflag:s21], $0x1F40  }
0x4f: {  	[sflag:s21] =	ssyncset.done $0x0  }
0x50: {  	[sflag:s21] =	ssyncadd.s32 $0xFFFFE0C0  }
0x51: {  	[hbm4b:s16+s3] =	stream.linear.scatter [tilespmem:s20], [sflag:$0x2], $0x1F40, $0x38;
	[tilespmem:$0x1B940] =	vst v63  }
0x52: {  	_ =	swait.ge [sflag:s21], $0x1F40  }
0x53: {  	[sflag:s21] =	ssyncset.done $0x0  }
0x54: {  	[sflag:s21] =	ssyncadd.s32 $0xFFFFE0C0  }
0x55: {  	[tilespmem:s20], [sflag:$0x2] =	stream.linear.gather [spmem:s9], $0x1F00, $0x38;
	[tilespmem:$0x1B940] =	vst v63  }
0x56: {  	_ =	swait.ge [sflag:s21], $0x1F00  }
0x57: {  	[sflag:s21] =	ssyncset.done $0x0  }
0x58: {  	[sflag:s21] =	ssyncadd.s32 $0xFFFFE100  }
0x59: {  	[hbm4b:s17+s3] =	stream.linear.scatter [tilespmem:s20], [sflag:$0x2], $0x1F00, $0x38;
	[tilespmem:$0x1B940] =	vst v63  }
0x5a: {  	_ =	swait.ge [sflag:s21], $0x1F00  }
0x5b: {  	[sflag:s21] =	ssyncset.done $0x0  }
0x5c: {  	s0 =	simm.s32 @!p1 $0xBF40;
	s22 =	simm.s32 @!p1 $0x2;
	[sflag:s21] =	ssyncadd.s32 $0xFFFFE100  }
0x5d: {  	[tilespmem:s0], [sflag:$0x2] =	stream.linear.gather @!p1 [spmem:s10], $0x400, $0x38;
	[tilespmem:$0x1B940] =	vst v63  }
0x5e: {  	s29 =	sadd.s32 $0x1, s29;
	_ =	swait.ge @!p1 [sflag:s22], $0x400  }
0x5f: {  	p2 =	sne.s32 s29, s19;
	[sflag:s22] =	ssyncset.done @!p1 $0x0  }
.Ltmp1:
0x60: {  	s24 =	simm.s32 @!p1 $0x0;
	[sflag:s22] =	ssyncadd.s32 @!p1 $0xFFFFFC00;
	(pc) =	sbr.rel @!p2 .LBB2_11-.Ltmp1, $4  }
0x61: {  	[hbm4b:s18+s24] =	stream.linear.scatter @!p1 [tilespmem:s0], [sflag:$0x2], $0x400, $0x38;
	[tilespmem:$0x1B940] =	vst v63  }
0x62: {  	_ =	swait.ge @!p1 [sflag:s22], $0x400  }
0x63: {  	[sflag:s22] =	ssyncset.done @!p1 $0x0  }
0x64: {  	[sflag:s22] =	ssyncadd.s32 @!p1 $0xFFFFFC00  }
.LBB2_1:
0x65: {  	s22 =	simm.s32 $0x100;
	s0 =	simm.s32 $0x0  }
.LBB2_2:
0x66: {  	p2 =	sne.s32 s22, $0x7C00;
	[tilespmem:s0+$0xA030] =	vst v0;
	s24 =	smov.u32 s22;
	s22 =	sadd.s32 $0x100, s22  }
.Ltmp2:
0x67: {  	[tilespmem:s0+$0xA020] =	vst v0;
	(pc) =	sbr.rel @p2 .LBB2_2-.Ltmp2, $3  }
0x68: {  	[tilespmem:s0+$0xA000] =	vst v0  }
0x69: {  	[tilespmem:s0+$0xA010] =	vst v0;
	_ =	sdelay $0x1  }
0x6a: {  	s0 =	sshra.s32 s24, $0x2  }
0x6b: {  	[tilespmem:s0+$0xA030] =	vst v0  }
0x6c: {  	[tilespmem:s0+$0xA020] =	vst v0  }
0x6d: {  	[tilespmem:s0+$0xA000] =	vst v0  }
0x6e: {  	[tilespmem:s0+$0xA010] =	vst v0  }
0x6f: {  	[spmem:s5] =	stream.linear.scatter [tilespmem:s20], [sflag:$0x2], $0x1F40, $0x38;
	[tilespmem:$0x1B940] =	vst v63  }
0x70: {  	_ =	swait.ge [sflag:s21], $0x1F40  }
0x71: {  	[sflag:s21] =	ssyncset.done $0x0  }
0x72: {  	[sflag:s21] =	ssyncadd.s32 $0xFFFFE0C0  }
0x73: {  	[spmem:s6] =	stream.linear.scatter [tilespmem:s20], [sflag:$0x2], $0x1F40, $0x38;
	[tilespmem:$0x1B940] =	vst v63  }
0x74: {  	_ =	swait.ge [sflag:s21], $0x1F40  }
0x75: {  	[sflag:s21] =	ssyncset.done $0x0  }
0x76: {  	[sflag:s21] =	ssyncadd.s32 $0xFFFFE0C0  }
0x77: {  	[spmem:s7] =	stream.linear.scatter [tilespmem:s20], [sflag:$0x2], $0x1F40, $0x38;
	[tilespmem:$0x1B940] =	vst v63  }
0x78: {  	_ =	swait.ge [sflag:s21], $0x1F40  }
0x79: {  	[sflag:s21] =	ssyncset.done $0x0  }
0x7a: {  	[sflag:s21] =	ssyncadd.s32 $0xFFFFE0C0  }
0x7b: {  	[spmem:s8] =	stream.linear.scatter [tilespmem:s20], [sflag:$0x2], $0x1F40, $0x38;
	[tilespmem:$0x1B940] =	vst v63  }
0x7c: {  	_ =	swait.ge [sflag:s21], $0x1F40  }
0x7d: {  	[sflag:s21] =	ssyncset.done $0x0  }
0x7e: {  	[sflag:s21] =	ssyncadd.s32 $0xFFFFE0C0  }
0x7f: {  	[spmem:s9] =	stream.linear.scatter [tilespmem:s20], [sflag:$0x2], $0x1F00, $0x38;
	[tilespmem:$0x1B940] =	vst v63  }
0x80: {  	_ =	swait.ge [sflag:s21], $0x1F00  }
0x81: {  	[sflag:s21] =	ssyncset.done $0x0  }
0x82: {  	s0 =	simm.s32 @!p1 $0xA000;
	[sflag:s21] =	ssyncadd.s32 $0xFFFFE100  }
0x83: {  	[spmem:s10] =	stream.linear.scatter @!p1 [tilespmem:s0], [sflag:$0x2], $0x400, $0x38;
	[tilespmem:$0x1B940] =	vst v63  }
0x84: {  	s0 =	simm.s32 @!p1 $0x2  }
0x85: {  	_ =	swait.ge @!p1 [sflag:s0], $0x400  }
0x86: {  	[sflag:s0] =	ssyncset.done @!p1 $0x0  }
0x87: {  	[sflag:s0] =	ssyncadd.s32 @!p1 $0xFFFFFC00  }
0x88: {  	[tilespmem:s3], [sflag:$0x2] =	stream.linear.gather [hbm4b:s11+s3], $0x5000, $0x38;
	[tilespmem:$0x1B940] =	vst v63  }
0x89: {  	_ =	swait.ge [sflag:s21], $0x5000  }
0x8a: {  	[sflag:s21] =	ssyncset.done $0x0  }
0x8b: {  	s24 =	simm.s32 $0x5000;
	[sflag:s21] =	ssyncadd.s32 $0xFFFFB000  }
0x8c: {  	[tilespmem:s24], [sflag:$0x2] =	stream.linear.gather [hbm4b:s12+s3], $0x5000, $0x38;
	[tilespmem:$0x1B940] =	vst v63  }
.Ltmp3:
0x8d: {  	_ =	swait.ge [sflag:s21], $0x5000;
	(pc) =	sbr.rel @!p0 .LBB2_4-.Ltmp3, $4  }
0x8e: {  	[sflag:s21] =	ssyncset.done $0x0  }
0x8f: {  	[sflag:s21] =	ssyncadd.s32 $0xFFFFB000  }
0x90: {  	[bflag:$0x0] =	sbarrier.arrive $0xFFFF  }
0x91: {  	s0 =	simm.s32 $0x0  }
0x92: {  	[tilespmem:s20], [sflag:$0x1] =	stream.indirect.gather [hbm4b:s4+s23], $0x40, s0, s23, $0xb8;
	[tilespmem:$0x1B940] =	vst v63  }
0x93: {  	s22 =	simm.s32 $0x80  }
0x94: {  	[tilespmem:s25], [sflag:$0x1] =	stream.indirect.gather [hbm4b:s4+s23], $0x40, s22, s23, $0xb8;
	[tilespmem:$0x1B940] =	vst v63  }
0x95: {  	s24 =	simm.s32 $0x100  }
0x96: {  	[tilespmem:s28], [sflag:$0x1] =	stream.indirect.gather [hbm4b:s4+s23], $0x40, s24, s23, $0xb8;
	[tilespmem:$0x1B940] =	vst v63  }
0x97: {  	s22 =	simm.s32 $0x180  }
0x98: {  	[tilespmem:s30], [sflag:$0x1] =	stream.indirect.gather [hbm4b:s4+s23], $0x40, s22, s23, $0xb8;
	[tilespmem:$0x1B940] =	vst v63  }
0x99: {  	_ =	swait.ge [sflag:s31], $0x1F40  }
0x9a: {  	[sflag:s31] =	ssyncset.done $0x0  }
0x9b: {  	s24 =	simm.s32 $0x5000;
	[sflag:s31] =	ssyncadd.s32 $0xFFFFE0C0  }
0x9c: {  	[spmem:s2] =	stream.indirect.scatter.add.f32 [tilespmem:s20], [sflag:$0x2], $0x40, s24, s23, $0xb8;
	[tilespmem:$0x1B940] =	vst v63  }
0x9d: {  	_ =	swait.ge [sflag:s21], $0x1F40  }
0x9e: {  	[sflag:s21] =	ssyncset.done $0x0  }
0x9f: {  	s22 =	simm.s32 $0x200;
	[sflag:s21] =	ssyncadd.s32 $0xFFFFE0C0  }
0xa0: {  	[tilespmem:s20], [sflag:$0x1] =	stream.indirect.gather [hbm4b:s4+s23], $0x40, s22, s23, $0xb8;
	[tilespmem:$0x1B940] =	vst v63  }
0xa1: {  	_ =	swait.ge [sflag:s31], $0x1F40  }
0xa2: {  	[sflag:s31] =	ssyncset.done $0x0  }
0xa3: {  	s24 =	simm.s32 $0x5080;
	[sflag:s31] =	ssyncadd.s32 $0xFFFFE0C0  }
0xa4: {  	[spmem:s2] =	stream.indirect.scatter.add.f32 [tilespmem:s25], [sflag:$0x2], $0x40, s24, s23, $0xb8;
	[tilespmem:$0x1B940] =	vst v63  }
0xa5: {  	_ =	swait.ge [sflag:s21], $0x1F40  }
0xa6: {  	[sflag:s21] =	ssyncset.done $0x0  }
0xa7: {  	s22 =	simm.s32 $0x280;
	[sflag:s21] =	ssyncadd.s32 $0xFFFFE0C0  }
0xa8: {  	[tilespmem:s25], [sflag:$0x1] =	stream.indirect.gather [hbm4b:s4+s23], $0x40, s22, s23, $0xb8;
	[tilespmem:$0x1B940] =	vst v63  }
0xa9: {  	_ =	swait.ge [sflag:s31], $0x1F40  }
0xaa: {  	[sflag:s31] =	ssyncset.done $0x0  }
0xab: {  	s24 =	simm.s32 $0x5100;
	[sflag:s31] =	ssyncadd.s32 $0xFFFFE0C0  }
0xac: {  	[spmem:s2] =	stream.indirect.scatter.add.f32 [tilespmem:s28], [sflag:$0x2], $0x40, s24, s23, $0xb8;
	[tilespmem:$0x1B940] =	vst v63  }
0xad: {  	_ =	swait.ge [sflag:s21], $0x1F40  }
0xae: {  	[sflag:s21] =	ssyncset.done $0x0  }
0xaf: {  	s22 =	simm.s32 $0x300;
	[sflag:s21] =	ssyncadd.s32 $0xFFFFE0C0  }
0xb0: {  	[tilespmem:s28], [sflag:$0x1] =	stream.indirect.gather [hbm4b:s4+s23], $0x40, s22, s23, $0xb8;
	[tilespmem:$0x1B940] =	vst v63  }
0xb1: {  	_ =	swait.ge [sflag:s31], $0x1F40  }
0xb2: {  	[sflag:s31] =	ssyncset.done $0x0  }
0xb3: {  	s24 =	simm.s32 $0x5180;
	[sflag:s31] =	ssyncadd.s32 $0xFFFFE0C0  }
0xb4: {  	[spmem:s2] =	stream.indirect.scatter.add.f32 [tilespmem:s30], [sflag:$0x2], $0x40, s24, s23, $0xb8;
	[tilespmem:$0x1B940] =	vst v63  }
0xb5: {  	_ =	swait.ge [sflag:s21], $0x1F40  }
0xb6: {  	[sflag:s21] =	ssyncset.done $0x0  }
0xb7: {  	s0 =	simm.s32 $0x800;
	s22 =	simm.s32 $0x380;
	[sflag:s21] =	ssyncadd.s32 $0xFFFFE0C0  }
.LBB2_8:
0xb8: {  	[tilespmem:s30], [sflag:$0x1] =	stream.indirect.gather [hbm4b:s4+s23], $0x40, s22, s23, $0xb8;
	[tilespmem:$0x1B940] =	vst v63  }
0xb9: {  	s22 =	smov.u32 s0  }
0xba: {  	p2 =	sne.s32 s0, $0x13000;
	s0 =	sadd.s32 $0x800, s0;
	_ =	swait.ge [sflag:s31], $0x1F40  }
0xbb: {  	s22 =	sshra.s32 s22, $0x2;
	[sflag:s31] =	ssyncset.done $0x0  }
0xbc: {  	s24 =	sadd.s32 $0x5000, s22;
	[sflag:s31] =	ssyncadd.s32 $0xFFFFE0C0  }
0xbd: {  	[spmem:s2] =	stream.indirect.scatter.add.f32 [tilespmem:s20], [sflag:$0x2], $0x40, s24, s23, $0xb8;
	[tilespmem:$0x1B940] =	vst v63  }
0xbe: {  	_ =	swait.ge [sflag:s21], $0x1F40  }
0xbf: {  	[sflag:s21] =	ssyncset.done $0x0  }
0xc0: {  	s24 =	sadd.s32 $0x200, s22;
	[sflag:s21] =	ssyncadd.s32 $0xFFFFE0C0  }
0xc1: {  	[tilespmem:s20], [sflag:$0x1] =	stream.indirect.gather [hbm4b:s4+s23], $0x40, s24, s23, $0xb8;
	[tilespmem:$0x1B940] =	vst v63  }
0xc2: {  	_ =	swait.ge [sflag:s31], $0x1F40  }
0xc3: {  	[sflag:s31] =	ssyncset.done $0x0  }
0xc4: {  	s24 =	sadd.s32 $0x5080, s22;
	[sflag:s31] =	ssyncadd.s32 $0xFFFFE0C0  }
0xc5: {  	[spmem:s2] =	stream.indirect.scatter.add.f32 [tilespmem:s25], [sflag:$0x2], $0x40, s24, s23, $0xb8;
	[tilespmem:$0x1B940] =	vst v63  }
0xc6: {  	_ =	swait.ge [sflag:s21], $0x1F40  }
0xc7: {  	[sflag:s21] =	ssyncset.done $0x0  }
0xc8: {  	s24 =	sadd.s32 $0x280, s22;
	[sflag:s21] =	ssyncadd.s32 $0xFFFFE0C0  }
0xc9: {  	[tilespmem:s25], [sflag:$0x1] =	stream.indirect.gather [hbm4b:s4+s23], $0x40, s24, s23, $0xb8;
	[tilespmem:$0x1B940] =	vst v63  }
0xca: {  	_ =	swait.ge [sflag:s31], $0x1F40  }
0xcb: {  	[sflag:s31] =	ssyncset.done $0x0  }
0xcc: {  	s24 =	sadd.s32 $0x5100, s22;
	[sflag:s31] =	ssyncadd.s32 $0xFFFFE0C0  }
0xcd: {  	[spmem:s2] =	stream.indirect.scatter.add.f32 [tilespmem:s28], [sflag:$0x2], $0x40, s24, s23, $0xb8;
	[tilespmem:$0x1B940] =	vst v63  }
0xce: {  	_ =	swait.ge [sflag:s21], $0x1F40  }
0xcf: {  	[sflag:s21] =	ssyncset.done $0x0  }
0xd0: {  	s24 =	sadd.s32 $0x300, s22;
	[sflag:s21] =	ssyncadd.s32 $0xFFFFE0C0  }
0xd1: {  	[tilespmem:s28], [sflag:$0x1] =	stream.indirect.gather [hbm4b:s4+s23], $0x40, s24, s23, $0xb8;
	[tilespmem:$0x1B940] =	vst v63  }
0xd2: {  	_ =	swait.ge [sflag:s31], $0x1F40  }
0xd3: {  	[sflag:s31] =	ssyncset.done $0x0  }
.Ltmp4:
0xd4: {  	s24 =	sadd.s32 $0x5180, s22;
	[sflag:s31] =	ssyncadd.s32 $0xFFFFE0C0;
	(pc) =	sbr.rel @p2 .LBB2_8-.Ltmp4, $4  }
0xd5: {  	[spmem:s2] =	stream.indirect.scatter.add.f32 [tilespmem:s30], [sflag:$0x2], $0x40, s24, s23, $0xb8;
	[tilespmem:$0x1B940] =	vst v63  }
0xd6: {  	_ =	swait.ge [sflag:s21], $0x1F40  }
0xd7: {  	[sflag:s21] =	ssyncset.done $0x0  }
0xd8: {  	s22 =	sadd.s32 $0x380, s22;
	[sflag:s21] =	ssyncadd.s32 $0xFFFFE0C0  }
.Ltmp5:
0xd9: {  	(pc) =	sbr.rel .LBB2_10-.Ltmp5, $2  }
0xda: {  	_ =	sdelay $0x2  }
0xdb: {  	[tilespmem:s30], [sflag:$0x1] =	stream.indirect.gather [hbm4b:s4+s23], $0x40, s22, s23, $0xb8;
	[tilespmem:$0x1B940] =	vst v63  }
.LBB2_4:
0xdc: {  	[tilespmem:s20], [sflag:$0x1] =	stream.indirect.gather [hbm4b:s1+s23], $0x40, s0, s23, $0xb8;
	[tilespmem:$0x1B940] =	vst v63  }
0xdd: {  	s22 =	simm.s32 $0x80  }
0xde: {  	[tilespmem:s25], [sflag:$0x1] =	stream.indirect.gather [hbm4b:s1+s23], $0x40, s22, s23, $0xb8;
	[tilespmem:$0x1B940] =	vst v63  }
0xdf: {  	s24 =	simm.s32 $0x100  }
0xe0: {  	[tilespmem:s28], [sflag:$0x1] =	stream.indirect.gather [hbm4b:s1+s23], $0x40, s24, s23, $0xb8;
	[tilespmem:$0x1B940] =	vst v63  }
0xe1: {  	s22 =	simm.s32 $0x180  }
0xe2: {  	[tilespmem:s30], [sflag:$0x1] =	stream.indirect.gather [hbm4b:s1+s23], $0x40, s22, s23, $0xb8;
	[tilespmem:$0x1B940] =	vst v63  }
0xe3: {  	_ =	swait.ge [sflag:s31], $0x1F40  }
0xe4: {  	[sflag:s31] =	ssyncset.done $0x0  }
0xe5: {  	s24 =	simm.s32 $0x5000;
	[sflag:s31] =	ssyncadd.s32 $0xFFFFE0C0  }
0xe6: {  	[spmem:s2] =	stream.indirect.scatter.add.f32 [tilespmem:s20], [sflag:$0x2], $0x40, s24, s23, $0xb8;
	[tilespmem:$0x1B940] =	vst v63  }
0xe7: {  	_ =	swait.ge [sflag:s21], $0x1F40  }
0xe8: {  	[sflag:s21] =	ssyncset.done $0x0  }
0xe9: {  	s22 =	simm.s32 $0x200;
	[sflag:s21] =	ssyncadd.s32 $0xFFFFE0C0  }
0xea: {  	[tilespmem:s20], [sflag:$0x1] =	stream.indirect.gather [hbm4b:s1+s23], $0x40, s22, s23, $0xb8;
	[tilespmem:$0x1B940] =	vst v63  }
0xeb: {  	_ =	swait.ge [sflag:s31], $0x1F40  }
0xec: {  	[sflag:s31] =	ssyncset.done $0x0  }
0xed: {  	s24 =	simm.s32 $0x5080;
	[sflag:s31] =	ssyncadd.s32 $0xFFFFE0C0  }
0xee: {  	[spmem:s2] =	stream.indirect.scatter.add.f32 [tilespmem:s25], [sflag:$0x2], $0x40, s24, s23, $0xb8;
	[tilespmem:$0x1B940] =	vst v63  }
0xef: {  	_ =	swait.ge [sflag:s21], $0x1F40  }
0xf0: {  	[sflag:s21] =	ssyncset.done $0x0  }
0xf1: {  	s22 =	simm.s32 $0x280;
	[sflag:s21] =	ssyncadd.s32 $0xFFFFE0C0  }
0xf2: {  	[tilespmem:s25], [sflag:$0x1] =	stream.indirect.gather [hbm4b:s1+s23], $0x40, s22, s23, $0xb8;
	[tilespmem:$0x1B940] =	vst v63  }
0xf3: {  	_ =	swait.ge [sflag:s31], $0x1F40  }
0xf4: {  	[sflag:s31] =	ssyncset.done $0x0  }
0xf5: {  	s24 =	simm.s32 $0x5100;
	[sflag:s31] =	ssyncadd.s32 $0xFFFFE0C0  }
0xf6: {  	[spmem:s2] =	stream.indirect.scatter.add.f32 [tilespmem:s28], [sflag:$0x2], $0x40, s24, s23, $0xb8;
	[tilespmem:$0x1B940] =	vst v63  }
0xf7: {  	_ =	swait.ge [sflag:s21], $0x1F40  }
0xf8: {  	[sflag:s21] =	ssyncset.done $0x0  }
0xf9: {  	s22 =	simm.s32 $0x300;
	[sflag:s21] =	ssyncadd.s32 $0xFFFFE0C0  }
0xfa: {  	[tilespmem:s28], [sflag:$0x1] =	stream.indirect.gather [hbm4b:s1+s23], $0x40, s22, s23, $0xb8;
	[tilespmem:$0x1B940] =	vst v63  }
0xfb: {  	_ =	swait.ge [sflag:s31], $0x1F40  }
0xfc: {  	[sflag:s31] =	ssyncset.done $0x0  }
0xfd: {  	s24 =	simm.s32 $0x5180;
	[sflag:s31] =	ssyncadd.s32 $0xFFFFE0C0  }
0xfe: {  	[spmem:s2] =	stream.indirect.scatter.add.f32 [tilespmem:s30], [sflag:$0x2], $0x40, s24, s23, $0xb8;
	[tilespmem:$0x1B940] =	vst v63  }
0xff: {  	_ =	swait.ge [sflag:s21], $0x1F40  }
0x100: {  	[sflag:s21] =	ssyncset.done $0x0  }
0x101: {  	s0 =	simm.s32 $0x800;
	s22 =	simm.s32 $0x380;
	[sflag:s21] =	ssyncadd.s32 $0xFFFFE0C0  }
.LBB2_5:
0x102: {  	[tilespmem:s30], [sflag:$0x1] =	stream.indirect.gather [hbm4b:s1+s23], $0x40, s22, s23, $0xb8;
	[tilespmem:$0x1B940] =	vst v63  }
0x103: {  	s22 =	smov.u32 s0  }
0x104: {  	p2 =	seq.s32 s0, $0x13000;
	s0 =	sadd.s32 $0x800, s0;
	_ =	swait.ge [sflag:s31], $0x1F40  }
0x105: {  	s22 =	sshra.s32 s22, $0x2;
	[sflag:s31] =	ssyncset.done $0x0  }
0x106: {  	s24 =	sadd.s32 $0x5000, s22;
	[sflag:s31] =	ssyncadd.s32 $0xFFFFE0C0  }
0x107: {  	[spmem:s2] =	stream.indirect.scatter.add.f32 [tilespmem:s20], [sflag:$0x2], $0x40, s24, s23, $0xb8;
	[tilespmem:$0x1B940] =	vst v63  }
0x108: {  	_ =	swait.ge [sflag:s21], $0x1F40  }
0x109: {  	[sflag:s21] =	ssyncset.done $0x0  }
0x10a: {  	s24 =	sadd.s32 $0x200, s22;
	[sflag:s21] =	ssyncadd.s32 $0xFFFFE0C0  }
0x10b: {  	[tilespmem:s20], [sflag:$0x1] =	stream.indirect.gather [hbm4b:s1+s23], $0x40, s24, s23, $0xb8;
	[tilespmem:$0x1B940] =	vst v63  }
0x10c: {  	_ =	swait.ge [sflag:s31], $0x1F40  }
0x10d: {  	[sflag:s31] =	ssyncset.done $0x0  }
0x10e: {  	s24 =	sadd.s32 $0x5080, s22;
	[sflag:s31] =	ssyncadd.s32 $0xFFFFE0C0  }
0x10f: {  	[spmem:s2] =	stream.indirect.scatter.add.f32 [tilespmem:s25], [sflag:$0x2], $0x40, s24, s23, $0xb8;
	[tilespmem:$0x1B940] =	vst v63  }
0x110: {  	_ =	swait.ge [sflag:s21], $0x1F40  }
0x111: {  	[sflag:s21] =	ssyncset.done $0x0  }
0x112: {  	s24 =	sadd.s32 $0x280, s22;
	[sflag:s21] =	ssyncadd.s32 $0xFFFFE0C0  }
0x113: {  	[tilespmem:s25], [sflag:$0x1] =	stream.indirect.gather [hbm4b:s1+s23], $0x40, s24, s23, $0xb8;
	[tilespmem:$0x1B940] =	vst v63  }
0x114: {  	_ =	swait.ge [sflag:s31], $0x1F40  }
0x115: {  	[sflag:s31] =	ssyncset.done $0x0  }
0x116: {  	s24 =	sadd.s32 $0x5100, s22;
	[sflag:s31] =	ssyncadd.s32 $0xFFFFE0C0  }
0x117: {  	[spmem:s2] =	stream.indirect.scatter.add.f32 [tilespmem:s28], [sflag:$0x2], $0x40, s24, s23, $0xb8;
	[tilespmem:$0x1B940] =	vst v63  }
0x118: {  	_ =	swait.ge [sflag:s21], $0x1F40  }
0x119: {  	[sflag:s21] =	ssyncset.done $0x0  }
0x11a: {  	s24 =	sadd.s32 $0x300, s22;
	[sflag:s21] =	ssyncadd.s32 $0xFFFFE0C0  }
0x11b: {  	[tilespmem:s28], [sflag:$0x1] =	stream.indirect.gather [hbm4b:s1+s23], $0x40, s24, s23, $0xb8;
	[tilespmem:$0x1B940] =	vst v63  }
0x11c: {  	_ =	swait.ge [sflag:s31], $0x1F40  }
0x11d: {  	[sflag:s31] =	ssyncset.done $0x0  }
.Ltmp6:
0x11e: {  	s24 =	sadd.s32 $0x5180, s22;
	[sflag:s31] =	ssyncadd.s32 $0xFFFFE0C0;
	(pc) =	sbr.rel @!p2 .LBB2_5-.Ltmp6, $4  }
0x11f: {  	[spmem:s2] =	stream.indirect.scatter.add.f32 [tilespmem:s30], [sflag:$0x2], $0x40, s24, s23, $0xb8;
	[tilespmem:$0x1B940] =	vst v63  }
0x120: {  	_ =	swait.ge [sflag:s21], $0x1F40  }
0x121: {  	[sflag:s21] =	ssyncset.done $0x0  }
0x122: {  	s22 =	sadd.s32 $0x380, s22;
	[sflag:s21] =	ssyncadd.s32 $0xFFFFE0C0  }
.Ltmp7:
0x123: {  	_ = 	snop;
	(pc) =	sbr.rel .LBB2_6-.Ltmp7, $1  }
0x124: {  	_ =	sdelay $0x3  }
.LBB2_11:
0x125: {  	_ =	sfence.sel $0x180000  }
0x126: {  	[bflag:$0x0] =	sbarrier.arrive $0xFFFF  }
0x127: {  	_ =	strace $0x9000004A  }
0x128: {  	[bflag:$0x2] =	sbarrier.arrive $0xFFFF  }
0x129: {  	s0 =	rddreg [dreg:$0x3]  }
0x12a: {  	s0 =	sadd.s32 @!p1 $0x100000, s0  }
0x12b: {  	[sflag:s0] =	ssyncadd.tile.s32 @!p1 $0x1;
	_ =	shalt  }
.Lfunc_end2:
_tile_overlayer_lowered:
.L_overlay_start_2:
0x12c: {  	(tag) =	ssettag $0x2  }
0x12d: {  	s0 =	rddreg [dreg:$0x0];
	s2 =	stileid.u32  }
0x12e: {  	s1 =	rddreg [dreg:$0x1];
	p0 =	sne.s32 s2, $0x0  }
0x12f: {  	s3 =	rddreg [dreg:$0x2];
	[bflag:$0x3] =	sbarrier.arrive $0xFFFF;
	s2 =	simm.s32 @!p0 $0x1C02  }
0x130: {  	[timem:s3], [sflag:s2] =	dma.local @!p0 [hbm:s0], s1  }
0x131: {  	s0 =	simm.s32 @!p0 $0x2  }
0x132: {  	_ =	swait.ge @!p0 [sflag:s0], s1  }
0x133: {  	s1 =	ssub.s32 @!p0 $0x0, s1;
	[sflag:s0] =	ssyncset.done @!p0 $0x0  }
0x134: {  	[sflag:s0] =	ssyncadd.s32 @!p0 s1  }
0x135: {  	[bflag:$0x3] =	sbarrier.arrive $0xFFFF  }
0x136: {  	_ =	shalt  }

// kernel: kernel.15.cloned.1.call-start
scs
__scs_entry_jumppad:
0x0: {  	(pc) =	sbr.rel $0x88, $3  }
0x1: {  	(tag) =	ssettag $0x0;
	lr =	simm.s32 $0x1  }
0x2: {  	[smem:$0x3F9B] =	sst lr;
	_ =	strace $0xD0000000  }
0x3: {  	_ = 	snop  }
0x4: {  	_ = 	snop  }
0x5: {  	_ = 	snop  }
0x6: {  	_ = 	snop  }
0x7: {  	_ = 	snop  }
__scs_overlays_trampoline_lowered:
0x8: {  	[smem:$0x3FAA] =	sst s0  }
0x9: {  	[smem:$0x3FAB] =	sst s1  }
0xa: {  	[smem:$0x3FAC] =	sst s2  }
0xb: {  	[smem:$0x3FAD] =	sst s3  }
0xc: {  	[smem:$0x3FAE] =	sst s4  }
0xd: {  	[smem:$0x3FAF] =	sst s5  }
0xe: {  	[smem:$0x3FB0] =	sst s6  }
0xf: {  	[smem:$0x3FB1] =	sst s7  }
0x10: {  	[smem:$0x3FB2] =	sst s8  }
0x11: {  	[smem:$0x3FB3] =	sst s9;
	s0 =	simm.s32 @!p0 $0x0  }
0x12: {  	s1 =	sld [smem:$0x3F99];
	s0 =	simm.s32 @p0 $0x1  }
0x13: {  	[smem:$0x3FB4] =	sst s0;
	s0 =	simm.s32 @!p1 $0x0  }
0x14: {  	s2 =	sld [smem:$0x3F98];
	s0 =	simm.s32 @p1 $0x1  }
0x15: {  	[smem:$0x3FB5] =	sst s0;
	s0 =	simm.s32 @!p2 $0x0  }
0x16: {  	s3 =	sld [smem:$0x3FDB];
	s0 =	simm.s32 @p2 $0x1  }
0x17: {  	s4 =	simm.s32 $0x1BF5;
	[smem:$0x3FB7] =	sst s0  }
0x18: {  	s0 =	sld [smem:$0x3F9A];
	_ =	swait.ge [sflag:s4], $0x0  }
0x19: {  	s7 =	sld [smem:$0x3F9B]  }
0x1a: {  	s8 =	sadd.s32 $0xFFFFE003, lr  }
0x1b: {  	s9 =	sadd.s32 $0xFFFFFEF7, lr;
	s5 =	simm.s32 $0xFFFFFFFF;
	p2 =	slt.u32 s8, $0xFFFFF086  }
0x1c: {  	p1 =	slt.u32 s9, $0xF7A;
	s5 =	simm.s32 @!p2 $0x0  }
0x1d: {  	s5 =	simm.s32 @p1 $0x1;
	p0 =	seq.s32 s7, s2  }
0x1e: {  	s7 =	smul.u32 @!p0 $0xF7A, s2;
	p2 =	seq.s32 @!p0 s5, $0x0  }
0x1f: {  	s9 =	smul.u32 $0xF7A, s1;
	s8 =	simm.s32 @!p0 $0x1BF5;
	p2 =	por !p2, p0  }
0x20: {  	[sflag:s8] =	ssyncset.s32 @!p0 $0xFFFFF086;
	s6 =	sadd.s32 @!p0 s3, s7;
	s7 =	simm.s32 @!p0 $0x108  }
0x21: {  	s3 =	sadd.s32 s3, s9;
	s6 =	sadd.s32 @!p0 $0x88, s6;
	s7 =	simm.s32 @p2 $0x1082  }
0x22: {  	[simem:s7], [sflag:s8] =	dma.local @!p0 [hbm:s6], $0xF7A  }
0x23: {  	s9 =	sor.u32 $0xD0000000, s2;
	s6 =	simm.s32 $0x108;
	_ =	swait.ge @!p0 [sflag:s8], $0x0  }
0x24: {  	s3 =	sadd.s32 $0x88, s3;
	s6 =	simm.s32 @!p1 $0x1082;
	[sflag:s4] =	ssyncset.s32 $0xFFFFF086  }
0x25: {  	[simem:s6], [sflag:s4] =	dma.local [hbm:s3], $0xF7A  }
0x26: {  	[smem:$0x3F9B] =	sst s1;
	(tag) =	ssettag s2;
	_ =	strace s9  }
0x27: {  	s1 =	sld [smem:$0x3FAB]  }
0x28: {  	s2 =	sld [smem:$0x3FAC]  }
0x29: {  	s4 =	sld [smem:$0x3FAE]  }
0x2a: {  	p0 =	seq.s32 s5, $0x0;
	s5 =	sld [smem:$0x3FAF]  }
0x2b: {  	s6 =	sld [smem:$0x3FB0]  }
0x2c: {  	s7 =	sld [smem:$0x3FB1]  }
0x2d: {  	s3 =	simm.s32 $0x108;
	s8 =	sld [smem:$0x3FB2]  }
0x2e: {  	s3 =	simm.s32 @!p0 $0x1082;
	s9 =	sld [smem:$0x3FB3]  }
0x2f: {  	lr =	sadd.s32 s0, s3;
	s0 =	sld [smem:$0x3FAA]  }
0x30: {  	s3 =	sld [smem:$0x3FAD]  }
0x31: {  	[smem:$0x3FB6] =	sst s10  }
0x32: {  	s10 =	sld [smem:$0x3FB4];
	_ =	sdelay $0x3  }
0x33: {  	p0 =	seq.s32 s10, $0x1;
	s10 =	sld [smem:$0x3FB6];
	_ =	sdelay $0x3  }
0x34: {  	[smem:$0x3FB6] =	sst s10  }
0x35: {  	s10 =	sld [smem:$0x3FB5];
	_ =	sdelay $0x3  }
0x36: {  	p1 =	seq.s32 s10, $0x1;
	s10 =	sld [smem:$0x3FB6];
	_ =	sdelay $0x3  }
0x37: {  	[smem:$0x3FB6] =	sst s10  }
0x38: {  	s10 =	sld [smem:$0x3FB7]  }
0x39: {  	_ = 	snop;
	(pc) =	sbr.ind lr, $3  }
0x3a: {  	_ = 	snop  }
0x3b: {  	_ = 	snop  }
0x3c: {  	p2 =	seq.s32 s10, $0x1;
	s10 =	sld [smem:$0x3FB6]  }
0x3d: {  	_ =	shalt  }
0x3e: {  	_ =	shalt  }
0x3f: {  	_ =	shalt  }
0x40: {  	_ =	shalt  }
0x41: {  	_ =	shalt  }
0x42: {  	_ =	shalt  }
0x43: {  	_ =	shalt  }
0x44: {  	_ =	shalt  }
0x45: {  	_ =	shalt  }
0x46: {  	_ =	shalt  }
0x47: {  	_ =	shalt  }
0x48: {  	_ =	shalt  }
0x49: {  	_ =	shalt  }
0x4a: {  	_ =	shalt  }
0x4b: {  	_ =	shalt  }
0x4c: {  	_ =	shalt  }
0x4d: {  	_ =	shalt  }
0x4e: {  	_ =	shalt  }
0x4f: {  	_ =	shalt  }
0x50: {  	_ =	shalt  }
0x51: {  	_ =	shalt  }
0x52: {  	_ =	shalt  }
0x53: {  	_ =	shalt  }
0x54: {  	_ =	shalt  }
0x55: {  	_ =	shalt  }
0x56: {  	_ =	shalt  }
0x57: {  	_ =	shalt  }
0x58: {  	_ =	shalt  }
0x59: {  	_ =	shalt  }
0x5a: {  	_ =	shalt  }
0x5b: {  	_ =	shalt  }
0x5c: {  	_ =	shalt  }
0x5d: {  	_ =	shalt  }
0x5e: {  	_ =	shalt  }
0x5f: {  	_ =	shalt  }
0x60: {  	_ =	shalt  }
0x61: {  	_ =	shalt  }
0x62: {  	_ =	shalt  }
0x63: {  	_ =	shalt  }
0x64: {  	_ =	shalt  }
0x65: {  	_ =	shalt  }
0x66: {  	_ =	shalt  }
0x67: {  	_ =	shalt  }
0x68: {  	_ =	shalt  }
0x69: {  	_ =	shalt  }
0x6a: {  	_ =	shalt  }
0x6b: {  	_ =	shalt  }
0x6c: {  	_ =	shalt  }
0x6d: {  	_ =	shalt  }
0x6e: {  	_ =	shalt  }
0x6f: {  	_ =	shalt  }
0x70: {  	_ =	shalt  }
0x71: {  	_ =	shalt  }
0x72: {  	_ =	shalt  }
0x73: {  	_ =	shalt  }
0x74: {  	_ =	shalt  }
0x75: {  	_ =	shalt  }
0x76: {  	_ =	shalt  }
0x77: {  	_ =	shalt  }
0x78: {  	_ =	shalt  }
0x79: {  	_ =	shalt  }
0x7a: {  	_ =	shalt  }
0x7b: {  	_ =	shalt  }
0x7c: {  	_ =	shalt  }
0x7d: {  	_ =	shalt  }
0x7e: {  	_ =	shalt  }
0x7f: {  	_ =	shalt  }
0x80: {  	_ =	shalt  }
0x81: {  	_ =	shalt  }
0x82: {  	_ =	shalt  }
0x83: {  	_ =	shalt  }
0x84: {  	_ =	shalt  }
0x85: {  	_ =	shalt  }
0x86: {  	_ =	shalt  }
0x87: {  	_ =	shalt  }
.Lfunc_end0:
.L_simem_size_0:
called_computation.2_lowered:
.L_overlay_start_0:
0x88: {  	s2 =	sld [smem:$0x3FD9]  }
0x89: {  	s3 =	sld [smem:$0x3FFE];
	_ =	sdelay $0x1  }
0x8a: {  	s1 =	srdreg.scid  }
0x8b: {  	s0 =	sand.u32 $0x1, s1  }
0x8c: {  	s17 =	sshll.u32 s0, $0xA;
	s2 =	sadd.s32 s3, s2  }
0x8d: {  	s2 =	sadd.s32 s2, s17  }
0x8e: {  	[smem:$0x3FC2] =	sst s2  }
0x8f: {  	_ = 	snop  }
0x90: {  	s2 =	sld [smem:$0x3FD0];
	(tm) =	ssettm $0x1  }
0x91: {  	s18 =	sld [smem:$0x3FFB];
	_ =	sdelay $0x3  }
0x92: {  	_ =	strace s18  }
0x93: {  	s3 =	sld [smem:$0x3FFC];
	_ =	sdelay $0x3  }
0x94: {  	_ =	strace s3  }
0x95: {  	s3 =	sld [smem:$0x3FFD];
	_ =	sdelay $0x3  }
0x96: {  	_ =	strace s3  }
0x97: {  	_ =	strace $0x8FFFFFFF  }
0x98: {  	s19 =	sld [smem:$0x3FDB];
	_ =	sdelay $0x1  }
0x99: {  	s4 =	simm.s32 $_scs_section_size  }
0x9a: {  	s5 =	simm.s32 $_size__tile_overlayer_lowered;
	s6 =	simm.s32 $_tile_overlayer_lowered  }
0x9b: {  	s22 =	simm.s32 $0x1BFF;
	s21 =	sshll.u32 s6, $0x1;
	s3 =	sadd.s32 s4, s19  }
0x9c: {  	s7 =	simm.s32 $0x0;
	s20 =	sshll.u32 s5, $0x1;
	s5 =	sadd.s32 s21, s3  }
0x9d: {  	[timem:s7], [sflag:s22] =	dma.local [hbm:s5], s20  }
0x9e: {  	_ =	swait.ge [sflag:s22], s20  }
0x9f: {  	s4 =	ssub.s32 $0x0, s20;
	[sflag:s22] =	ssyncset.done $0x0  }
0xa0: {  	[sflag:s22] =	ssyncadd.s32 s4;
	_ =	sdelay $0x1  }
0xa1: {  	s23 =	simm.s32 $0x1B8B  }
0xa2: {  	_ =	swait.ge [sflag:s23], $0x1  }
0xa3: {  	[sflag:s23] =	ssyncset.done $0x0  }
0xa4: {  	s25 =	simm.s32 $0x1B8E;
	s24 =	sld [smem:$0x3FFE];
	[sflag:s23] =	ssyncadd.s32 $0xFFFFFFFF  }
0xa5: {  	s26 =	simm.s32 $execute0_lowered;
	[smem:$0x3FD2] =	sst s25  }
0xa6: {  	s5 =	sshll.u32 s26, $0x1;
	_ =	strace $0x8000004C;
	[dreg:$0x1] =	wrdreg $0xFFFFFFFF  }
0xa7: {  	s28 =	simm.s32 $_size_execute0_lowered;
	s3 =	sadd.s32 s3, s5;
	[dreg:$0x0] =	wrdreg $0x0  }
0xa8: {  	s5 =	sshll.u32 s28, $0x1;
	[dreg:$0x2] =	wrdreg s3  }
0xa9: {  	[dreg:$0x3] =	wrdreg s5  }
0xaa: {  	[dreg:$0x4] =	wrdreg $0xC0  }
0xab: {  	_ =	task [dreg:s7], $0x5FFFF  }
0xac: {  	[dreg:$0x1] =	wrdreg $0xFFFFFFFF  }
0xad: {  	[dreg:$0x0] =	wrdreg $0x60  }
0xae: {  	[dreg:$0x2] =	wrdreg s2  }
0xaf: {  	[dreg:$0x3] =	wrdreg s24  }
0xb0: {  	[dreg:$0x4] =	wrdreg $0xB2200  }
0xb1: {  	[dreg:$0x5] =	wrdreg $0x9  }
0xb2: {  	_ =	task.clear_ibuf [dreg:s7], $0x6FFFF;
	_ =	strace $0x9000004C  }
0xb3: {  	s29 =	simm.s32 $0x9;
	_ =	strace $0x8000004E  }
0xb4: {  	_ =	swait.ge [sflag:s29], $0x1  }
0xb5: {  	[sflag:s29] =	ssyncadd.s32 $0xFFFFFFFF  }
0xb6: {  	_ =	strace $0x9000004E  }
0xb7: {  	_ =	sfence  }
0xb8: {  	s30 =	sld [smem:$0x0];
	_ =	sdelay $0x2  }
0xb9: {  	s31 =	sshll.u32 s1, $0xD;
	s1 =	sshrl.u32 s1, $0x2  }
0xba: {  	s3 =	sand.u32 $0x4000, s31;
	s1 =	sadd.s32 s1, s30  }
0xbb: {  	s0 =	sor.u32 s3, s0;
	s1 =	sshll.u32 s1, $0x11  }
0xbc: {  	s0 =	sor.u32 s1, s0  }
0xbd: {  	s0 =	sadd.s32 $0x8F2B, s0  }
0xbe: {  	[sflag:s0] =	ssyncadd.remote.s32 $0x1  }
0xbf: {  	_ =	sfence.sel $0xFFFF  }
0xc0: {  	[dreg:$0x0] =	wrdreg $0xFFFFFFFF;
	(pc) =	sbr.abs _section_cstart, $3  }
0xc1: {  	[dreg:$0x1] =	wrdreg $0xFFFFFFFF  }
0xc2: {  	_ =	task.clear_ibuf [dreg:s7], $0x2FFFF;
	_ =	strace $0x9FFFFFFF  }
0xc3: {  	(tm) =	ssettm $0x7FFFFFFF  }
tec
execute0_lowered:
.L_overlay_start_1:
0x0: {  	(tag) =	ssettag $0x1  }
0x1: {  	s0 =	rddreg [dreg:$0x0];
	s2 =	srdreg.scid  }
0x2: {  	s1 =	stileid.u32;
	s4 =	rddreg [dreg:$0x1];
	s29 =	simm.s32 $0x50  }
0x3: {  	s30 =	simm.s32 $0x6220;
	s31 =	simm.s32 $0x8A20;
	s28 =	simm.s32 $0x9E20  }
0x4: {  	s9 =	sand.u32 $0x1, s2;
	s3 =	sshll.u32 s1, $0x1;
	s2 =	rddreg [dreg:$0x2]  }
0x5: {  	s12 =	smul.u32 $0x9C00, s1;
	s14 =	sadd.s32 $0x15A00, s4;
	p0 =	sne.s32 s1, $0x0  }
0x6: {  	s1 =	simm.s32 $0x7620;
	s5 =	sor.u32 s9, s3;
	s3 =	simm.s32 $0x0  }
0x7: {  	s22 =	ssub.s32 $0x2, s9;
	s5 =	smul.u32 $0x4E2, s5;
	[smem:$0x7FF] =	sst s3  }
0x8: {  	s23 =	sshrl.u32 s22, $0x1;
	s15 =	sadd.s32 $0x1400, s12;
	s17 =	sadd.s32 $0x2800, s12  }
0x9: {  	s18 =	sadd.s32 $0x3C00, s12;
	s19 =	sadd.s32 $0x5000, s12;
	s20 =	sadd.s32 $0x6400, s12  }
0xa: {  	s21 =	sadd.s32 $0x7800, s12;
	_ =	strace $0x8000004D;
	s16 =	ssub.s32 s22, s23  }
0xb: {  	s6 =	sadd.s32 s17, s2;
	s7 =	sadd.s32 s18, s2;
	s8 =	sadd.s32 s19, s2  }
0xc: {  	s22 =	smul.u32 $0x9C400, s9;
	s9 =	sadd.s32 s20, s2;
	s10 =	sadd.s32 s21, s2  }
0xd: {  	s23 =	sadd.s32 $0x8C00, s12;
	s13 =	sadd.s32 s5, s4;
	s4 =	sadd.s32 s12, s2  }
0xe: {  	s5 =	sadd.s32 s15, s2;
	s11 =	sadd.s32 s23, s2;
	s24 =	sadd.s32 s12, s22  }
0xf: {  	s15 =	sadd.s32 s22, s15;
	s12 =	sadd.s32 $0x9C000, s2;
	s25 =	sadd.s32 s22, s18  }
0x10: {  	s26 =	sadd.s32 s22, s19;
	s20 =	sadd.s32 s22, s20;
	s24 =	sshrl.u32 s24, $0x3  }
0x11: {  	s21 =	sadd.s32 s22, s21;
	s15 =	sshrl.u32 s15, $0x3;
	s24 =	sadd.s32 s14, s24  }
0x12: {  	s18 =	sshrl.u32 s26, $0x3;
	s15 =	sadd.s32 s14, s15;
	[dreg:$0x4] =	wrdreg s24  }
0x13: {  	s26 =	sshrl.u32 s22, $0x3;
	s19 =	sadd.s32 s14, s18;
	[dreg:$0x5] =	wrdreg s15  }
0x14: {  	s24 =	sadd.s32 s22, s17;
	s17 =	sshrl.u32 s25, $0x3;
	[dreg:$0x8] =	wrdreg s19  }
0x15: {  	s25 =	sshrl.u32 s21, $0x3;
	s21 =	sadd.s32 $0xBC00, s13;
	s15 =	sshrl.u32 s24, $0x3  }
0x16: {  	s24 =	sadd.s32 s22, s23;
	s19 =	sadd.s32 s14, s25;
	s15 =	sadd.s32 s14, s15  }
0x17: {  	s22 =	sadd.s32 $0x1E00, s13;
	[dreg:$0x6] =	wrdreg s15;
	s15 =	sadd.s32 s14, s17  }
0x18: {  	s25 =	simm.s32 $0x4E20;
	s13 =	simm.s32 $0x1;
	[dreg:$0x7] =	wrdreg s15  }
0x19: {  	s15 =	sshrl.u32 s20, $0x3;
	s20 =	sshrl.u32 s24, $0x3;
	s24 =	smax.u32 s16, $0x1  }
0x1a: {  	s18 =	sadd.s32 s14, s15;
	s20 =	sadd.s32 s14, s20;
	s14 =	sadd.s32 s14, s26  }
0x1b: {  	v0 =	vimm.f32 $0.0e+00;
	s26 =	simm.s32 $0x2;
	s23 =	sadd.s32 $0x13800, s14;
	s14 =	simm.s32 $0x0  }
.LBB2_1:
0x1c: {  	s16 =	simm.s32 $0x100;
	s15 =	simm.s32 $0x0  }
.LBB2_2:
0x1d: {  	p1 =	sne.s32 s16, $0x4F00;
	[tilespmem:s15+$0x4E50] =	vst v0;
	s17 =	smov.u32 s16;
	s16 =	sadd.s32 $0x100, s16  }
.Ltmp0:
0x1e: {  	[tilespmem:s15+$0x4E40] =	vst v0;
	(pc) =	sbr.rel @p1 .LBB2_2-.Ltmp0, $3  }
0x1f: {  	[tilespmem:s15+$0x4E20] =	vst v0  }
0x20: {  	[tilespmem:s15+$0x4E30] =	vst v0;
	_ =	sdelay $0x1  }
0x21: {  	s15 =	sshra.s32 s17, $0x2  }
0x22: {  	[tilespmem:s15+$0x4E50] =	vst v0  }
0x23: {  	[tilespmem:s15+$0x4E40] =	vst v0  }
0x24: {  	[tilespmem:s15+$0x4E20] =	vst v0  }
0x25: {  	[tilespmem:s15+$0x4E30] =	vst v0  }
0x26: {  	[spmem:s4] =	stream.linear.scatter [tilespmem:s25], [sflag:$0x2], $0x1400, $0x38;
	[tilespmem:$0x14E60] =	vst v63  }
0x27: {  	_ =	swait.ge [sflag:s26], $0x1400  }
0x28: {  	[sflag:s26] =	ssyncset.done $0x0  }
0x29: {  	[sflag:s26] =	ssyncadd.s32 $0xFFFFEC00  }
0x2a: {  	[spmem:s5] =	stream.linear.scatter [tilespmem:s25], [sflag:$0x2], $0x1400, $0x38;
	[tilespmem:$0x14E60] =	vst v63  }
0x2b: {  	_ =	swait.ge [sflag:s26], $0x1400  }
0x2c: {  	[sflag:s26] =	ssyncset.done $0x0  }
0x2d: {  	[sflag:s26] =	ssyncadd.s32 $0xFFFFEC00  }
0x2e: {  	[spmem:s6] =	stream.linear.scatter [tilespmem:s25], [sflag:$0x2], $0x1400, $0x38;
	[tilespmem:$0x14E60] =	vst v63  }
0x2f: {  	_ =	swait.ge [sflag:s26], $0x1400  }
0x30: {  	[sflag:s26] =	ssyncset.done $0x0  }
0x31: {  	[sflag:s26] =	ssyncadd.s32 $0xFFFFEC00  }
0x32: {  	[spmem:s7] =	stream.linear.scatter [tilespmem:s25], [sflag:$0x2], $0x1400, $0x38;
	[tilespmem:$0x14E60] =	vst v63  }
0x33: {  	_ =	swait.ge [sflag:s26], $0x1400  }
0x34: {  	[sflag:s26] =	ssyncset.done $0x0  }
0x35: {  	[sflag:s26] =	ssyncadd.s32 $0xFFFFEC00  }
0x36: {  	[spmem:s8] =	stream.linear.scatter [tilespmem:s25], [sflag:$0x2], $0x1400, $0x38;
	[tilespmem:$0x14E60] =	vst v63  }
0x37: {  	_ =	swait.ge [sflag:s26], $0x1400  }
0x38: {  	[sflag:s26] =	ssyncset.done $0x0  }
0x39: {  	[sflag:s26] =	ssyncadd.s32 $0xFFFFEC00  }
0x3a: {  	[spmem:s9] =	stream.linear.scatter [tilespmem:s25], [sflag:$0x2], $0x1400, $0x38;
	[tilespmem:$0x14E60] =	vst v63  }
0x3b: {  	_ =	swait.ge [sflag:s26], $0x1400  }
0x3c: {  	[sflag:s26] =	ssyncset.done $0x0  }
0x3d: {  	[sflag:s26] =	ssyncadd.s32 $0xFFFFEC00  }
0x3e: {  	[spmem:s10] =	stream.linear.scatter [tilespmem:s25], [sflag:$0x2], $0x1400, $0x38;
	[tilespmem:$0x14E60] =	vst v63  }
0x3f: {  	_ =	swait.ge [sflag:s26], $0x1400  }
0x40: {  	[sflag:s26] =	ssyncset.done $0x0  }
0x41: {  	[sflag:s26] =	ssyncadd.s32 $0xFFFFEC00  }
0x42: {  	[spmem:s11] =	stream.linear.scatter [tilespmem:s25], [sflag:$0x2], $0x1000, $0x38;
	[tilespmem:$0x14E60] =	vst v63  }
0x43: {  	_ =	swait.ge [sflag:s26], $0x1000  }
0x44: {  	[sflag:s26] =	ssyncset.done $0x0  }
0x45: {  	s15 =	simm.s32 @!p0 $0x4E20;
	[sflag:s26] =	ssyncadd.s32 $0xFFFFF000  }
0x46: {  	[spmem:s12] =	stream.linear.scatter @!p0 [tilespmem:s15], [sflag:$0x2], $0x400, $0x38;
	[tilespmem:$0x14E60] =	vst v63  }
0x47: {  	s15 =	simm.s32 @!p0 $0x2  }
0x48: {  	_ =	swait.ge @!p0 [sflag:s15], $0x400  }
0x49: {  	[sflag:s15] =	ssyncset.done @!p0 $0x0  }
0x4a: {  	s17 =	simm.s32 $0x0;
	[sflag:s15] =	ssyncadd.s32 @!p0 $0xFFFFFC00  }
0x4b: {  	[tilespmem:s17], [sflag:$0x2] =	stream.linear.gather [hbm4b:s21+s17], $0x2710, $0x38;
	[tilespmem:$0x14E60] =	vst v63  }
0x4c: {  	_ =	swait.ge [sflag:s26], $0x2710  }
0x4d: {  	[sflag:s26] =	ssyncset.done $0x0  }
0x4e: {  	s16 =	simm.s32 $0x2710;
	[sflag:s26] =	ssyncadd.s32 $0xFFFFD8F0  }
0x4f: {  	[tilespmem:s16], [sflag:$0x2] =	stream.linear.gather [hbm4b:s22+s17], $0x2710, $0x38;
	[tilespmem:$0x14E60] =	vst v63  }
0x50: {  	_ =	swait.ge [sflag:s26], $0x2710  }
0x51: {  	[sflag:s26] =	ssyncset.done $0x0  }
0x52: {  	[sflag:s26] =	ssyncadd.s32 $0xFFFFD8F0  }
0x53: {  	[bflag:$0x0] =	sbarrier.arrive $0xFFFF  }
0x54: {  	[tilespmem:s25], [sflag:$0x1] =	stream.indirect.gather [hbm4b:s0+s29], $0x40, s17, s29, $0xb8;
	[tilespmem:$0x14E60] =	vst v63  }
0x55: {  	_ = 	snop  }
0x56: {  	[tilespmem:s30], [sflag:$0x1] =	stream.indirect.gather [hbm4b:s0+s29], $0x40, s29, s29, $0xb8;
	[tilespmem:$0x14E60] =	vst v63  }
0x57: {  	s16 =	simm.s32 $0xA0  }
0x58: {  	[tilespmem:s1], [sflag:$0x1] =	stream.indirect.gather [hbm4b:s0+s29], $0x40, s16, s29, $0xb8;
	[tilespmem:$0x14E60] =	vst v63  }
0x59: {  	s17 =	simm.s32 $0xF0  }
0x5a: {  	[tilespmem:s31], [sflag:$0x1] =	stream.indirect.gather [hbm4b:s0+s29], $0x40, s17, s29, $0xb8;
	[tilespmem:$0x14E60] =	vst v63  }
0x5b: {  	s16 =	simm.s32 $0x140  }
0x5c: {  	[tilespmem:s28], [sflag:$0x1] =	stream.indirect.gather [hbm4b:s0+s29], $0x40, s16, s29, $0xb8;
	[tilespmem:$0x14E60] =	vst v63  }
0x5d: {  	_ =	swait.ge [sflag:s13], $0x1400  }
0x5e: {  	[sflag:s13] =	ssyncset.done $0x0  }
0x5f: {  	s17 =	simm.s32 $0x2710;
	[sflag:s13] =	ssyncadd.s32 $0xFFFFEC00  }
0x60: {  	[spmem:s2] =	stream.indirect.scatter.add.f32 [tilespmem:s25], [sflag:$0x2], $0x40, s17, s29, $0xb8;
	[tilespmem:$0x14E60] =	vst v63  }
0x61: {  	_ =	swait.ge [sflag:s26], $0x1400  }
0x62: {  	[sflag:s26] =	ssyncset.done $0x0  }
0x63: {  	s16 =	simm.s32 $0x190;
	[sflag:s26] =	ssyncadd.s32 $0xFFFFEC00  }
0x64: {  	[tilespmem:s25], [sflag:$0x1] =	stream.indirect.gather [hbm4b:s0+s29], $0x40, s16, s29, $0xb8;
	[tilespmem:$0x14E60] =	vst v63  }
0x65: {  	_ =	swait.ge [sflag:s13], $0x1400  }
0x66: {  	[sflag:s13] =	ssyncset.done $0x0  }
0x67: {  	s17 =	simm.s32 $0x2760;
	[sflag:s13] =	ssyncadd.s32 $0xFFFFEC00  }
0x68: {  	[spmem:s2] =	stream.indirect.scatter.add.f32 [tilespmem:s30], [sflag:$0x2], $0x40, s17, s29, $0xb8;
	[tilespmem:$0x14E60] =	vst v63  }
0x69: {  	_ =	swait.ge [sflag:s26], $0x1400  }
0x6a: {  	[sflag:s26] =	ssyncset.done $0x0  }
0x6b: {  	s16 =	simm.s32 $0x1E0;
	[sflag:s26] =	ssyncadd.s32 $0xFFFFEC00  }
0x6c: {  	[tilespmem:s30], [sflag:$0x1] =	stream.indirect.gather [hbm4b:s0+s29], $0x40, s16, s29, $0xb8;
	[tilespmem:$0x14E60] =	vst v63  }
0x6d: {  	_ =	swait.ge [sflag:s13], $0x1400  }
0x6e: {  	[sflag:s13] =	ssyncset.done $0x0  }
0x6f: {  	s17 =	simm.s32 $0x27B0;
	[sflag:s13] =	ssyncadd.s32 $0xFFFFEC00  }
0x70: {  	[spmem:s2] =	stream.indirect.scatter.add.f32 [tilespmem:s1], [sflag:$0x2], $0x40, s17, s29, $0xb8;
	[tilespmem:$0x14E60] =	vst v63  }
0x71: {  	_ =	swait.ge [sflag:s26], $0x1400  }
0x72: {  	[sflag:s26] =	ssyncset.done $0x0  }
0x73: {  	s16 =	simm.s32 $0x230;
	[sflag:s26] =	ssyncadd.s32 $0xFFFFEC00  }
0x74: {  	[tilespmem:s1], [sflag:$0x1] =	stream.indirect.gather [hbm4b:s0+s29], $0x40, s16, s29, $0xb8;
	[tilespmem:$0x14E60] =	vst v63  }
0x75: {  	_ =	swait.ge [sflag:s13], $0x1400  }
0x76: {  	[sflag:s13] =	ssyncset.done $0x0  }
0x77: {  	s17 =	simm.s32 $0x2800;
	[sflag:s13] =	ssyncadd.s32 $0xFFFFEC00  }
0x78: {  	[spmem:s2] =	stream.indirect.scatter.add.f32 [tilespmem:s31], [sflag:$0x2], $0x40, s17, s29, $0xb8;
	[tilespmem:$0x14E60] =	vst v63  }
0x79: {  	_ =	swait.ge [sflag:s26], $0x1400  }
0x7a: {  	[sflag:s26] =	ssyncset.done $0x0  }
0x7b: {  	s16 =	simm.s32 $0x280;
	[sflag:s26] =	ssyncadd.s32 $0xFFFFEC00  }
0x7c: {  	[tilespmem:s31], [sflag:$0x1] =	stream.indirect.gather [hbm4b:s0+s29], $0x40, s16, s29, $0xb8;
	[tilespmem:$0x14E60] =	vst v63  }
0x7d: {  	_ =	swait.ge [sflag:s13], $0x1400  }
0x7e: {  	[sflag:s13] =	ssyncset.done $0x0  }
0x7f: {  	s17 =	simm.s32 $0x2850;
	[sflag:s13] =	ssyncadd.s32 $0xFFFFEC00  }
0x80: {  	[spmem:s2] =	stream.indirect.scatter.add.f32 [tilespmem:s28], [sflag:$0x2], $0x40, s17, s29, $0xb8;
	[tilespmem:$0x14E60] =	vst v63  }
0x81: {  	_ =	swait.ge [sflag:s26], $0x1400  }
0x82: {  	[sflag:s26] =	ssyncset.done $0x0  }
0x83: {  	s15 =	simm.s32 $0x640;
	s16 =	simm.s32 $0x2D0;
	[sflag:s26] =	ssyncadd.s32 $0xFFFFEC00  }
.LBB2_4:
0x84: {  	[tilespmem:s28], [sflag:$0x1] =	stream.indirect.gather [hbm4b:s0+s29], $0x40, s16, s29, $0xb8;
	[tilespmem:$0x14E60] =	vst v63  }
0x85: {  	s16 =	smov.u32 s15  }
0x86: {  	p1 =	sne.s32 s15, $0x8FC0;
	s15 =	sadd.s32 $0x640, s15;
	_ =	swait.ge [sflag:s13], $0x1400  }
0x87: {  	s16 =	sshra.s32 s16, $0x2;
	[sflag:s13] =	ssyncset.done $0x0  }
0x88: {  	s17 =	sadd.s32 $0x2710, s16;
	[sflag:s13] =	ssyncadd.s32 $0xFFFFEC00  }
0x89: {  	[spmem:s2] =	stream.indirect.scatter.add.f32 [tilespmem:s25], [sflag:$0x2], $0x40, s17, s29, $0xb8;
	[tilespmem:$0x14E60] =	vst v63  }
0x8a: {  	_ =	swait.ge [sflag:s26], $0x1400  }
0x8b: {  	[sflag:s26] =	ssyncset.done $0x0  }
0x8c: {  	s17 =	sadd.s32 $0x190, s16;
	[sflag:s26] =	ssyncadd.s32 $0xFFFFEC00  }
0x8d: {  	[tilespmem:s25], [sflag:$0x1] =	stream.indirect.gather [hbm4b:s0+s29], $0x40, s17, s29, $0xb8;
	[tilespmem:$0x14E60] =	vst v63  }
0x8e: {  	_ =	swait.ge [sflag:s13], $0x1400  }
0x8f: {  	[sflag:s13] =	ssyncset.done $0x0  }
0x90: {  	s17 =	sadd.s32 $0x2760, s16;
	[sflag:s13] =	ssyncadd.s32 $0xFFFFEC00  }
0x91: {  	[spmem:s2] =	stream.indirect.scatter.add.f32 [tilespmem:s30], [sflag:$0x2], $0x40, s17, s29, $0xb8;
	[tilespmem:$0x14E60] =	vst v63  }
0x92: {  	_ =	swait.ge [sflag:s26], $0x1400  }
0x93: {  	[sflag:s26] =	ssyncset.done $0x0  }
0x94: {  	s17 =	sadd.s32 $0x1E0, s16;
	[sflag:s26] =	ssyncadd.s32 $0xFFFFEC00  }
0x95: {  	[tilespmem:s30], [sflag:$0x1] =	stream.indirect.gather [hbm4b:s0+s29], $0x40, s17, s29, $0xb8;
	[tilespmem:$0x14E60] =	vst v63  }
0x96: {  	_ =	swait.ge [sflag:s13], $0x1400  }
0x97: {  	[sflag:s13] =	ssyncset.done $0x0  }
0x98: {  	s17 =	sadd.s32 $0x27B0, s16;
	[sflag:s13] =	ssyncadd.s32 $0xFFFFEC00  }
0x99: {  	[spmem:s2] =	stream.indirect.scatter.add.f32 [tilespmem:s1], [sflag:$0x2], $0x40, s17, s29, $0xb8;
	[tilespmem:$0x14E60] =	vst v63  }
0x9a: {  	_ =	swait.ge [sflag:s26], $0x1400  }
0x9b: {  	[sflag:s26] =	ssyncset.done $0x0  }
0x9c: {  	s17 =	sadd.s32 $0x230, s16;
	[sflag:s26] =	ssyncadd.s32 $0xFFFFEC00  }
0x9d: {  	[tilespmem:s1], [sflag:$0x1] =	stream.indirect.gather [hbm4b:s0+s29], $0x40, s17, s29, $0xb8;
	[tilespmem:$0x14E60] =	vst v63  }
0x9e: {  	_ =	swait.ge [sflag:s13], $0x1400  }
0x9f: {  	[sflag:s13] =	ssyncset.done $0x0  }
0xa0: {  	s17 =	sadd.s32 $0x2800, s16;
	[sflag:s13] =	ssyncadd.s32 $0xFFFFEC00  }
0xa1: {  	[spmem:s2] =	stream.indirect.scatter.add.f32 [tilespmem:s31], [sflag:$0x2], $0x40, s17, s29, $0xb8;
	[tilespmem:$0x14E60] =	vst v63  }
0xa2: {  	_ =	swait.ge [sflag:s26], $0x1400  }
0xa3: {  	[sflag:s26] =	ssyncset.done $0x0  }
0xa4: {  	s17 =	sadd.s32 $0x280, s16;
	[sflag:s26] =	ssyncadd.s32 $0xFFFFEC00  }
0xa5: {  	[tilespmem:s31], [sflag:$0x1] =	stream.indirect.gather [hbm4b:s0+s29], $0x40, s17, s29, $0xb8;
	[tilespmem:$0x14E60] =	vst v63  }
0xa6: {  	_ =	swait.ge [sflag:s13], $0x1400  }
0xa7: {  	[sflag:s13] =	ssyncset.done $0x0  }
.Ltmp1:
0xa8: {  	s17 =	sadd.s32 $0x2850, s16;
	[sflag:s13] =	ssyncadd.s32 $0xFFFFEC00;
	(pc) =	sbr.rel @p1 .LBB2_4-.Ltmp1, $4  }
0xa9: {  	[spmem:s2] =	stream.indirect.scatter.add.f32 [tilespmem:s28], [sflag:$0x2], $0x40, s17, s29, $0xb8;
	[tilespmem:$0x14E60] =	vst v63  }
0xaa: {  	_ =	swait.ge [sflag:s26], $0x1400  }
0xab: {  	[sflag:s26] =	ssyncset.done $0x0  }
0xac: {  	s16 =	sadd.s32 $0x2D0, s16;
	[sflag:s26] =	ssyncadd.s32 $0xFFFFEC00  }
0xad: {  	[tilespmem:s28], [sflag:$0x1] =	stream.indirect.gather [hbm4b:s0+s29], $0x40, s16, s29, $0xb8;
	[tilespmem:$0x14E60] =	vst v63  }
0xae: {  	_ =	swait.ge [sflag:s13], $0x1400  }
0xaf: {  	[sflag:s13] =	ssyncset.done $0x0  }
0xb0: {  	s15 =	simm.s32 $0x4C90;
	[sflag:s13] =	ssyncadd.s32 $0xFFFFEC00  }
0xb1: {  	[spmem:s2] =	stream.indirect.scatter.add.f32 [tilespmem:s25], [sflag:$0x2], $0x40, s15, s29, $0xb8;
	[tilespmem:$0x14E60] =	vst v63  }
0xb2: {  	_ =	swait.ge [sflag:s26], $0x1400  }
0xb3: {  	[sflag:s26] =	ssyncset.done $0x0  }
0xb4: {  	[sflag:s26] =	ssyncadd.s32 $0xFFFFEC00  }
0xb5: {  	_ =	swait.ge [sflag:s13], $0x1400  }
0xb6: {  	[sflag:s13] =	ssyncset.done $0x0  }
0xb7: {  	s17 =	simm.s32 $0x4CE0;
	[sflag:s13] =	ssyncadd.s32 $0xFFFFEC00  }
0xb8: {  	[spmem:s2] =	stream.indirect.scatter.add.f32 [tilespmem:s30], [sflag:$0x2], $0x40, s17, s29, $0xb8;
	[tilespmem:$0x14E60] =	vst v63  }
0xb9: {  	_ =	swait.ge [sflag:s26], $0x1400  }
0xba: {  	[sflag:s26] =	ssyncset.done $0x0  }
0xbb: {  	[sflag:s26] =	ssyncadd.s32 $0xFFFFEC00  }
0xbc: {  	_ =	swait.ge [sflag:s13], $0x1400  }
0xbd: {  	[sflag:s13] =	ssyncset.done $0x0  }
0xbe: {  	s16 =	simm.s32 $0x4D30;
	[sflag:s13] =	ssyncadd.s32 $0xFFFFEC00  }
0xbf: {  	[spmem:s2] =	stream.indirect.scatter.add.f32 [tilespmem:s1], [sflag:$0x2], $0x40, s16, s29, $0xb8;
	[tilespmem:$0x14E60] =	vst v63  }
0xc0: {  	_ =	swait.ge [sflag:s26], $0x1400  }
0xc1: {  	[sflag:s26] =	ssyncset.done $0x0  }
0xc2: {  	[sflag:s26] =	ssyncadd.s32 $0xFFFFEC00  }
0xc3: {  	_ =	swait.ge [sflag:s13], $0x1400  }
0xc4: {  	[sflag:s13] =	ssyncset.done $0x0  }
0xc5: {  	s17 =	simm.s32 $0x4D80;
	[sflag:s13] =	ssyncadd.s32 $0xFFFFEC00  }
0xc6: {  	[spmem:s2] =	stream.indirect.scatter.add.f32 [tilespmem:s31], [sflag:$0x2], $0x40, s17, s29, $0xb8;
	[tilespmem:$0x14E60] =	vst v63  }
0xc7: {  	_ =	swait.ge [sflag:s26], $0x1400  }
0xc8: {  	[sflag:s26] =	ssyncset.done $0x0  }
0xc9: {  	[sflag:s26] =	ssyncadd.s32 $0xFFFFEC00  }
0xca: {  	_ =	swait.ge [sflag:s13], $0x1400  }
0xcb: {  	[sflag:s13] =	ssyncset.done $0x0  }
0xcc: {  	s16 =	simm.s32 $0x4DD0;
	[sflag:s13] =	ssyncadd.s32 $0xFFFFEC00  }
0xcd: {  	[spmem:s2] =	stream.indirect.scatter.add.f32 [tilespmem:s28], [sflag:$0x2], $0x40, s16, s29, $0xb8;
	[tilespmem:$0x14E60] =	vst v63  }
0xce: {  	_ =	swait.ge [sflag:s26], $0x1400  }
0xcf: {  	[sflag:s26] =	ssyncset.done $0x0  }
0xd0: {  	[sflag:s26] =	ssyncadd.s32 $0xFFFFEC00  }
0xd1: {  	[bflag:$0x0] =	sbarrier.arrive $0xFFFF  }
0xd2: {  	[tilespmem:s25], [sflag:$0x2] =	stream.linear.gather [spmem:s4], $0x1400, $0x38;
	[tilespmem:$0x14E60] =	vst v63  }
0xd3: {  	_ =	swait.ge [sflag:s26], $0x1400  }
0xd4: {  	[sflag:s26] =	ssyncset.done $0x0  }
0xd5: {  	s17 =	rddreg [dreg:$0x4];
	[sflag:s26] =	ssyncadd.s32 $0xFFFFEC00  }
0xd6: {  	[hbm4b:s17+s3] =	stream.linear.scatter [tilespmem:s25], [sflag:$0x2], $0x1400, $0x38;
	[tilespmem:$0x14E60] =	vst v63  }
0xd7: {  	_ =	swait.ge [sflag:s26], $0x1400  }
0xd8: {  	[sflag:s26] =	ssyncset.done $0x0  }
0xd9: {  	[sflag:s26] =	ssyncadd.s32 $0xFFFFEC00  }
0xda: {  	[tilespmem:s25], [sflag:$0x2] =	stream.linear.gather [spmem:s5], $0x1400, $0x38;
	[tilespmem:$0x14E60] =	vst v63  }
0xdb: {  	_ =	swait.ge [sflag:s26], $0x1400  }
0xdc: {  	[sflag:s26] =	ssyncset.done $0x0  }
0xdd: {  	s16 =	rddreg [dreg:$0x5];
	[sflag:s26] =	ssyncadd.s32 $0xFFFFEC00  }
0xde: {  	[hbm4b:s16+s3] =	stream.linear.scatter [tilespmem:s25], [sflag:$0x2], $0x1400, $0x38;
	[tilespmem:$0x14E60] =	vst v63  }
0xdf: {  	_ =	swait.ge [sflag:s26], $0x1400  }
0xe0: {  	[sflag:s26] =	ssyncset.done $0x0  }
0xe1: {  	[sflag:s26] =	ssyncadd.s32 $0xFFFFEC00  }
0xe2: {  	[tilespmem:s25], [sflag:$0x2] =	stream.linear.gather [spmem:s6], $0x1400, $0x38;
	[tilespmem:$0x14E60] =	vst v63  }
0xe3: {  	_ =	swait.ge [sflag:s26], $0x1400  }
0xe4: {  	[sflag:s26] =	ssyncset.done $0x0  }
0xe5: {  	s17 =	rddreg [dreg:$0x6];
	[sflag:s26] =	ssyncadd.s32 $0xFFFFEC00  }
0xe6: {  	[hbm4b:s17+s3] =	stream.linear.scatter [tilespmem:s25], [sflag:$0x2], $0x1400, $0x38;
	[tilespmem:$0x14E60] =	vst v63  }
0xe7: {  	_ =	swait.ge [sflag:s26], $0x1400  }
0xe8: {  	[sflag:s26] =	ssyncset.done $0x0  }
0xe9: {  	[sflag:s26] =	ssyncadd.s32 $0xFFFFEC00  }
0xea: {  	[tilespmem:s25], [sflag:$0x2] =	stream.linear.gather [spmem:s7], $0x1400, $0x38;
	[tilespmem:$0x14E60] =	vst v63  }
0xeb: {  	_ =	swait.ge [sflag:s26], $0x1400  }
0xec: {  	[sflag:s26] =	ssyncset.done $0x0  }
0xed: {  	s16 =	rddreg [dreg:$0x7];
	[sflag:s26] =	ssyncadd.s32 $0xFFFFEC00  }
0xee: {  	[hbm4b:s16+s3] =	stream.linear.scatter [tilespmem:s25], [sflag:$0x2], $0x1400, $0x38;
	[tilespmem:$0x14E60] =	vst v63  }
0xef: {  	_ =	swait.ge [sflag:s26], $0x1400  }
0xf0: {  	[sflag:s26] =	ssyncset.done $0x0  }
0xf1: {  	[sflag:s26] =	ssyncadd.s32 $0xFFFFEC00  }
0xf2: {  	[tilespmem:s25], [sflag:$0x2] =	stream.linear.gather [spmem:s8], $0x1400, $0x38;
	[tilespmem:$0x14E60] =	vst v63  }
0xf3: {  	_ =	swait.ge [sflag:s26], $0x1400  }
0xf4: {  	[sflag:s26] =	ssyncset.done $0x0  }
0xf5: {  	s17 =	rddreg [dreg:$0x8];
	[sflag:s26] =	ssyncadd.s32 $0xFFFFEC00  }
0xf6: {  	[hbm4b:s17+s3] =	stream.linear.scatter [tilespmem:s25], [sflag:$0x2], $0x1400, $0x38;
	[tilespmem:$0x14E60] =	vst v63  }
0xf7: {  	_ =	swait.ge [sflag:s26], $0x1400  }
0xf8: {  	[sflag:s26] =	ssyncset.done $0x0  }
0xf9: {  	[sflag:s26] =	ssyncadd.s32 $0xFFFFEC00  }
0xfa: {  	[tilespmem:s25], [sflag:$0x2] =	stream.linear.gather [spmem:s9], $0x1400, $0x38;
	[tilespmem:$0x14E60] =	vst v63  }
0xfb: {  	_ =	swait.ge [sflag:s26], $0x1400  }
0xfc: {  	[sflag:s26] =	ssyncset.done $0x0  }
0xfd: {  	[sflag:s26] =	ssyncadd.s32 $0xFFFFEC00  }
0xfe: {  	[hbm4b:s18+s3] =	stream.linear.scatter [tilespmem:s25], [sflag:$0x2], $0x1400, $0x38;
	[tilespmem:$0x14E60] =	vst v63  }
0xff: {  	_ =	swait.ge [sflag:s26], $0x1400  }
0x100: {  	[sflag:s26] =	ssyncset.done $0x0  }
0x101: {  	[sflag:s26] =	ssyncadd.s32 $0xFFFFEC00  }
0x102: {  	[tilespmem:s25], [sflag:$0x2] =	stream.linear.gather [spmem:s10], $0x1400, $0x38;
	[tilespmem:$0x14E60] =	vst v63  }
0x103: {  	_ =	swait.ge [sflag:s26], $0x1400  }
0x104: {  	[sflag:s26] =	ssyncset.done $0x0  }
0x105: {  	[sflag:s26] =	ssyncadd.s32 $0xFFFFEC00  }
0x106: {  	[hbm4b:s19+s3] =	stream.linear.scatter [tilespmem:s25], [sflag:$0x2], $0x1400, $0x38;
	[tilespmem:$0x14E60] =	vst v63  }
0x107: {  	_ =	swait.ge [sflag:s26], $0x1400  }
0x108: {  	[sflag:s26] =	ssyncset.done $0x0  }
0x109: {  	[sflag:s26] =	ssyncadd.s32 $0xFFFFEC00  }
0x10a: {  	[tilespmem:s25], [sflag:$0x2] =	stream.linear.gather [spmem:s11], $0x1000, $0x38;
	[tilespmem:$0x14E60] =	vst v63  }
0x10b: {  	_ =	swait.ge [sflag:s26], $0x1000  }
0x10c: {  	[sflag:s26] =	ssyncset.done $0x0  }
0x10d: {  	[sflag:s26] =	ssyncadd.s32 $0xFFFFF000  }
0x10e: {  	[hbm4b:s20+s3] =	stream.linear.scatter [tilespmem:s25], [sflag:$0x2], $0x1000, $0x38;
	[tilespmem:$0x14E60] =	vst v63  }
0x10f: {  	_ =	swait.ge [sflag:s26], $0x1000  }
0x110: {  	[sflag:s26] =	ssyncset.done $0x0  }
0x111: {  	s15 =	simm.s32 @!p0 $0x6220;
	s16 =	simm.s32 @!p0 $0x2;
	[sflag:s26] =	ssyncadd.s32 $0xFFFFF000  }
0x112: {  	[tilespmem:s15], [sflag:$0x2] =	stream.linear.gather @!p0 [spmem:s12], $0x400, $0x38;
	[tilespmem:$0x14E60] =	vst v63  }
0x113: {  	s14 =	sadd.s32 $0x1, s14;
	_ =	swait.ge @!p0 [sflag:s16], $0x400  }
0x114: {  	p1 =	sne.s32 s14, s24;
	[sflag:s16] =	ssyncset.done @!p0 $0x0  }
.Ltmp2:
0x115: {  	s17 =	simm.s32 @!p0 $0x0;
	[sflag:s16] =	ssyncadd.s32 @!p0 $0xFFFFFC00;
	(pc) =	sbr.rel @p1 .LBB2_1-.Ltmp2, $4  }
0x116: {  	[hbm4b:s23+s17] =	stream.linear.scatter @!p0 [tilespmem:s15], [sflag:$0x2], $0x400, $0x38;
	[tilespmem:$0x14E60] =	vst v63  }
0x117: {  	_ =	swait.ge @!p0 [sflag:s16], $0x400  }
0x118: {  	[sflag:s16] =	ssyncset.done @!p0 $0x0  }
0x119: {  	[sflag:s16] =	ssyncadd.s32 @!p0 $0xFFFFFC00  }
0x11a: {  	_ =	sfence.sel $0x180000  }
0x11b: {  	[bflag:$0x0] =	sbarrier.arrive $0xFFFF  }
0x11c: {  	_ =	strace $0x9000004D  }
0x11d: {  	[bflag:$0x2] =	sbarrier.arrive $0xFFFF  }
0x11e: {  	s0 =	rddreg [dreg:$0x3]  }
0x11f: {  	s0 =	sadd.s32 @!p0 $0x100000, s0  }
0x120: {  	[sflag:s0] =	ssyncadd.tile.s32 @!p0 $0x1;
	_ =	shalt  }
.Lfunc_end2:
_tile_overlayer_lowered:
.L_overlay_start_2:
0x121: {  	(tag) =	ssettag $0x2  }
0x122: {  	s0 =	rddreg [dreg:$0x0];
	s2 =	stileid.u32  }
0x123: {  	s1 =	rddreg [dreg:$0x1];
	p0 =	sne.s32 s2, $0x0  }
0x124: {  	s3 =	rddreg [dreg:$0x2];
	[bflag:$0x3] =	sbarrier.arrive $0xFFFF;
	s2 =	simm.s32 @!p0 $0x1C02  }
0x125: {  	[timem:s3], [sflag:s2] =	dma.local @!p0 [hbm:s0], s1  }
0x126: {  	s0 =	simm.s32 @!p0 $0x2  }
0x127: {  	_ =	swait.ge @!p0 [sflag:s0], s1  }
0x128: {  	s1 =	ssub.s32 @!p0 $0x0, s1;
	[sflag:s0] =	ssyncset.done @!p0 $0x0  }
0x129: {  	[sflag:s0] =	ssyncadd.s32 @!p0 s1  }
0x12a: {  	[bflag:$0x3] =	sbarrier.arrive $0xFFFF  }
0x12b: {  	_ =	shalt  }

// kernel: kernel.9.cloned.1.call-start
scs
__scs_entry_jumppad:
0x0: {  	(pc) =	sbr.rel $0x88, $3  }
0x1: {  	(tag) =	ssettag $0x0;
	lr =	simm.s32 $0x1  }
0x2: {  	[smem:$0x3F9B] =	sst lr;
	_ =	strace $0xD0000000  }
0x3: {  	_ = 	snop  }
0x4: {  	_ = 	snop  }
0x5: {  	_ = 	snop  }
0x6: {  	_ = 	snop  }
0x7: {  	_ = 	snop  }
__scs_overlays_trampoline_lowered:
0x8: {  	[smem:$0x3FAA] =	sst s0  }
0x9: {  	[smem:$0x3FAB] =	sst s1  }
0xa: {  	[smem:$0x3FAC] =	sst s2  }
0xb: {  	[smem:$0x3FAD] =	sst s3  }
0xc: {  	[smem:$0x3FAE] =	sst s4  }
0xd: {  	[smem:$0x3FAF] =	sst s5  }
0xe: {  	[smem:$0x3FB0] =	sst s6  }
0xf: {  	[smem:$0x3FB1] =	sst s7  }
0x10: {  	[smem:$0x3FB2] =	sst s8  }
0x11: {  	[smem:$0x3FB3] =	sst s9;
	s0 =	simm.s32 @!p0 $0x0  }
0x12: {  	s1 =	sld [smem:$0x3F99];
	s0 =	simm.s32 @p0 $0x1  }
0x13: {  	[smem:$0x3FB4] =	sst s0;
	s0 =	simm.s32 @!p1 $0x0  }
0x14: {  	s2 =	sld [smem:$0x3F98];
	s0 =	simm.s32 @p1 $0x1  }
0x15: {  	[smem:$0x3FB5] =	sst s0;
	s0 =	simm.s32 @!p2 $0x0  }
0x16: {  	s3 =	sld [smem:$0x3FDB];
	s0 =	simm.s32 @p2 $0x1  }
0x17: {  	s4 =	simm.s32 $0x1BF5;
	[smem:$0x3FB7] =	sst s0  }
0x18: {  	s0 =	sld [smem:$0x3F9A];
	_ =	swait.ge [sflag:s4], $0x0  }
0x19: {  	s7 =	sld [smem:$0x3F9B]  }
0x1a: {  	s8 =	sadd.s32 $0xFFFFE003, lr  }
0x1b: {  	s9 =	sadd.s32 $0xFFFFFEF7, lr;
	s5 =	simm.s32 $0xFFFFFFFF;
	p2 =	slt.u32 s8, $0xFFFFF086  }
0x1c: {  	p1 =	slt.u32 s9, $0xF7A;
	s5 =	simm.s32 @!p2 $0x0  }
0x1d: {  	s5 =	simm.s32 @p1 $0x1;
	p0 =	seq.s32 s7, s2  }
0x1e: {  	s7 =	smul.u32 @!p0 $0xF7A, s2;
	p2 =	seq.s32 @!p0 s5, $0x0  }
0x1f: {  	s9 =	smul.u32 $0xF7A, s1;
	s8 =	simm.s32 @!p0 $0x1BF5;
	p2 =	por !p2, p0  }
0x20: {  	[sflag:s8] =	ssyncset.s32 @!p0 $0xFFFFF086;
	s6 =	sadd.s32 @!p0 s3, s7;
	s7 =	simm.s32 @!p0 $0x108  }
0x21: {  	s3 =	sadd.s32 s3, s9;
	s6 =	sadd.s32 @!p0 $0x88, s6;
	s7 =	simm.s32 @p2 $0x1082  }
0x22: {  	[simem:s7], [sflag:s8] =	dma.local @!p0 [hbm:s6], $0xF7A  }
0x23: {  	s9 =	sor.u32 $0xD0000000, s2;
	s6 =	simm.s32 $0x108;
	_ =	swait.ge @!p0 [sflag:s8], $0x0  }
0x24: {  	s3 =	sadd.s32 $0x88, s3;
	s6 =	simm.s32 @!p1 $0x1082;
	[sflag:s4] =	ssyncset.s32 $0xFFFFF086  }
0x25: {  	[simem:s6], [sflag:s4] =	dma.local [hbm:s3], $0xF7A  }
0x26: {  	[smem:$0x3F9B] =	sst s1;
	(tag) =	ssettag s2;
	_ =	strace s9  }
0x27: {  	s1 =	sld [smem:$0x3FAB]  }
0x28: {  	s2 =	sld [smem:$0x3FAC]  }
0x29: {  	s4 =	sld [smem:$0x3FAE]  }
0x2a: {  	p0 =	seq.s32 s5, $0x0;
	s5 =	sld [smem:$0x3FAF]  }
0x2b: {  	s6 =	sld [smem:$0x3FB0]  }
0x2c: {  	s7 =	sld [smem:$0x3FB1]  }
0x2d: {  	s3 =	simm.s32 $0x108;
	s8 =	sld [smem:$0x3FB2]  }
0x2e: {  	s3 =	simm.s32 @!p0 $0x1082;
	s9 =	sld [smem:$0x3FB3]  }
0x2f: {  	lr =	sadd.s32 s0, s3;
	s0 =	sld [smem:$0x3FAA]  }
0x30: {  	s3 =	sld [smem:$0x3FAD]  }
0x31: {  	[smem:$0x3FB6] =	sst s10  }
0x32: {  	s10 =	sld [smem:$0x3FB4];
	_ =	sdelay $0x3  }
0x33: {  	p0 =	seq.s32 s10, $0x1;
	s10 =	sld [smem:$0x3FB6];
	_ =	sdelay $0x3  }
0x34: {  	[smem:$0x3FB6] =	sst s10  }
0x35: {  	s10 =	sld [smem:$0x3FB5];
	_ =	sdelay $0x3  }
0x36: {  	p1 =	seq.s32 s10, $0x1;
	s10 =	sld [smem:$0x3FB6];
	_ =	sdelay $0x3  }
0x37: {  	[smem:$0x3FB6] =	sst s10  }
0x38: {  	s10 =	sld [smem:$0x3FB7]  }
0x39: {  	_ = 	snop;
	(pc) =	sbr.ind lr, $3  }
0x3a: {  	_ = 	snop  }
0x3b: {  	_ = 	snop  }
0x3c: {  	p2 =	seq.s32 s10, $0x1;
	s10 =	sld [smem:$0x3FB6]  }
0x3d: {  	_ =	shalt  }
0x3e: {  	_ =	shalt  }
0x3f: {  	_ =	shalt  }
0x40: {  	_ =	shalt  }
0x41: {  	_ =	shalt  }
0x42: {  	_ =	shalt  }
0x43: {  	_ =	shalt  }
0x44: {  	_ =	shalt  }
0x45: {  	_ =	shalt  }
0x46: {  	_ =	shalt  }
0x47: {  	_ =	shalt  }
0x48: {  	_ =	shalt  }
0x49: {  	_ =	shalt  }
0x4a: {  	_ =	shalt  }
0x4b: {  	_ =	shalt  }
0x4c: {  	_ =	shalt  }
0x4d: {  	_ =	shalt  }
0x4e: {  	_ =	shalt  }
0x4f: {  	_ =	shalt  }
0x50: {  	_ =	shalt  }
0x51: {  	_ =	shalt  }
0x52: {  	_ =	shalt  }
0x53: {  	_ =	shalt  }
0x54: {  	_ =	shalt  }
0x55: {  	_ =	shalt  }
0x56: {  	_ =	shalt  }
0x57: {  	_ =	shalt  }
0x58: {  	_ =	shalt  }
0x59: {  	_ =	shalt  }
0x5a: {  	_ =	shalt  }
0x5b: {  	_ =	shalt  }
0x5c: {  	_ =	shalt  }
0x5d: {  	_ =	shalt  }
0x5e: {  	_ =	shalt  }
0x5f: {  	_ =	shalt  }
0x60: {  	_ =	shalt  }
0x61: {  	_ =	shalt  }
0x62: {  	_ =	shalt  }
0x63: {  	_ =	shalt  }
0x64: {  	_ =	shalt  }
0x65: {  	_ =	shalt  }
0x66: {  	_ =	shalt  }
0x67: {  	_ =	shalt  }
0x68: {  	_ =	shalt  }
0x69: {  	_ =	shalt  }
0x6a: {  	_ =	shalt  }
0x6b: {  	_ =	shalt  }
0x6c: {  	_ =	shalt  }
0x6d: {  	_ =	shalt  }
0x6e: {  	_ =	shalt  }
0x6f: {  	_ =	shalt  }
0x70: {  	_ =	shalt  }
0x71: {  	_ =	shalt  }
0x72: {  	_ =	shalt  }
0x73: {  	_ =	shalt  }
0x74: {  	_ =	shalt  }
0x75: {  	_ =	shalt  }
0x76: {  	_ =	shalt  }
0x77: {  	_ =	shalt  }
0x78: {  	_ =	shalt  }
0x79: {  	_ =	shalt  }
0x7a: {  	_ =	shalt  }
0x7b: {  	_ =	shalt  }
0x7c: {  	_ =	shalt  }
0x7d: {  	_ =	shalt  }
0x7e: {  	_ =	shalt  }
0x7f: {  	_ =	shalt  }
0x80: {  	_ =	shalt  }
0x81: {  	_ =	shalt  }
0x82: {  	_ =	shalt  }
0x83: {  	_ =	shalt  }
0x84: {  	_ =	shalt  }
0x85: {  	_ =	shalt  }
0x86: {  	_ =	shalt  }
0x87: {  	_ =	shalt  }
.Lfunc_end0:
.L_simem_size_0:
called_computation_lowered:
.L_overlay_start_0:
0x88: {  	s2 =	sld [smem:$0x3FD9]  }
0x89: {  	s3 =	sld [smem:$0x3FFE];
	_ =	sdelay $0x1  }
0x8a: {  	s1 =	srdreg.scid  }
0x8b: {  	s0 =	sand.u32 $0x1, s1  }
0x8c: {  	s17 =	sshll.u32 s0, $0xA;
	s2 =	sadd.s32 s3, s2  }
0x8d: {  	s2 =	sadd.s32 s2, s17  }
0x8e: {  	[smem:$0x3FC2] =	sst s2  }
0x8f: {  	_ = 	snop  }
0x90: {  	s2 =	sld [smem:$0x3FD0];
	(tm) =	ssettm $0x1  }
0x91: {  	s18 =	sld [smem:$0x3FFB];
	_ =	sdelay $0x3  }
0x92: {  	_ =	strace s18  }
0x93: {  	s3 =	sld [smem:$0x3FFC];
	_ =	sdelay $0x3  }
0x94: {  	_ =	strace s3  }
0x95: {  	s3 =	sld [smem:$0x3FFD];
	_ =	sdelay $0x3  }
0x96: {  	_ =	strace s3  }
0x97: {  	_ =	strace $0x8FFFFFFF  }
0x98: {  	s19 =	sld [smem:$0x3FDB];
	_ =	sdelay $0x1  }
0x99: {  	s4 =	simm.s32 $_scs_section_size  }
0x9a: {  	s5 =	simm.s32 $_size__tile_overlayer_lowered;
	s6 =	simm.s32 $_tile_overlayer_lowered  }
0x9b: {  	s22 =	simm.s32 $0x1BFF;
	s21 =	sshll.u32 s6, $0x1;
	s3 =	sadd.s32 s4, s19  }
0x9c: {  	s7 =	simm.s32 $0x0;
	s20 =	sshll.u32 s5, $0x1;
	s5 =	sadd.s32 s21, s3  }
0x9d: {  	[timem:s7], [sflag:s22] =	dma.local [hbm:s5], s20  }
0x9e: {  	_ =	swait.ge [sflag:s22], s20  }
0x9f: {  	s4 =	ssub.s32 $0x0, s20;
	[sflag:s22] =	ssyncset.done $0x0  }
0xa0: {  	[sflag:s22] =	ssyncadd.s32 s4;
	_ =	sdelay $0x1  }
0xa1: {  	s23 =	simm.s32 $0x1B8B  }
0xa2: {  	_ =	swait.ge [sflag:s23], $0x1  }
0xa3: {  	[sflag:s23] =	ssyncset.done $0x0  }
0xa4: {  	s25 =	simm.s32 $0x1B8E;
	s24 =	sld [smem:$0x3FFE];
	[sflag:s23] =	ssyncadd.s32 $0xFFFFFFFF  }
0xa5: {  	s26 =	simm.s32 $execute0_lowered;
	[smem:$0x3FD2] =	sst s25  }
0xa6: {  	s5 =	sshll.u32 s26, $0x1;
	_ =	strace $0x80000046;
	[dreg:$0x1] =	wrdreg $0xFFFFFFFF  }
0xa7: {  	s28 =	simm.s32 $_size_execute0_lowered;
	s3 =	sadd.s32 s3, s5;
	[dreg:$0x0] =	wrdreg $0x0  }
0xa8: {  	s5 =	sshll.u32 s28, $0x1;
	[dreg:$0x2] =	wrdreg s3  }
0xa9: {  	[dreg:$0x3] =	wrdreg s5  }
0xaa: {  	[dreg:$0x4] =	wrdreg $0xC0  }
0xab: {  	_ =	task [dreg:s7], $0x5FFFF  }
0xac: {  	[dreg:$0x1] =	wrdreg $0xFFFFFFFF  }
0xad: {  	[dreg:$0x0] =	wrdreg $0x60  }
0xae: {  	[dreg:$0x2] =	wrdreg s24  }
0xaf: {  	[dreg:$0x3] =	wrdreg s2  }
0xb0: {  	[dreg:$0x4] =	wrdreg $0x4E700  }
0xb1: {  	[dreg:$0x5] =	wrdreg $0x50E80  }
0xb2: {  	[dreg:$0x6] =	wrdreg $0x9  }
0xb3: {  	_ =	task.clear_ibuf [dreg:s7], $0x7FFFF;
	_ =	strace $0x90000046  }
0xb4: {  	s29 =	simm.s32 $0x9;
	_ =	strace $0x80000048  }
0xb5: {  	_ =	swait.ge [sflag:s29], $0x1  }
0xb6: {  	[sflag:s29] =	ssyncadd.s32 $0xFFFFFFFF  }
0xb7: {  	_ =	strace $0x90000048  }
0xb8: {  	_ =	sfence  }
0xb9: {  	s30 =	sld [smem:$0x0];
	_ =	sdelay $0x2  }
0xba: {  	s31 =	sshll.u32 s1, $0xD;
	s1 =	sshrl.u32 s1, $0x2  }
0xbb: {  	s3 =	sand.u32 $0x4000, s31;
	s1 =	sadd.s32 s1, s30  }
0xbc: {  	s0 =	sor.u32 s3, s0;
	s1 =	sshll.u32 s1, $0x11  }
0xbd: {  	s0 =	sor.u32 s1, s0  }
0xbe: {  	s0 =	sadd.s32 $0x8F2B, s0  }
0xbf: {  	[sflag:s0] =	ssyncadd.remote.s32 $0x1  }
0xc0: {  	_ =	sfence.sel $0xFFFF  }
0xc1: {  	[dreg:$0x0] =	wrdreg $0xFFFFFFFF;
	(pc) =	sbr.abs _section_cstart, $3  }
0xc2: {  	[dreg:$0x1] =	wrdreg $0xFFFFFFFF  }
0xc3: {  	_ =	task.clear_ibuf [dreg:s7], $0x2FFFF;
	_ =	strace $0x9FFFFFFF  }
0xc4: {  	(tm) =	ssettm $0x7FFFFFFF  }
0xc5: {  	_ =	shalt  }
tec
execute0_lowered:
.L_overlay_start_1:
0x0: {  	(tag) =	ssettag $0x1  }
0x1: {  	s4 =	rddreg [dreg:$0x0]  }
0x2: {  	s6 =	rddreg [dreg:$0x1];
	s0 =	srdreg.scid  }
0x3: {  	s9 =	stileid.u32;
	s1 =	rddreg [dreg:$0x2]  }
0x4: {  	s2 =	rddreg [dreg:$0x3];
	s3 =	simm.s32 $0x0;
	s12 =	simm.s32 $0x2710  }
0x5: {  	s5 =	sand.u32 $0x1, s0;
	s26 =	sshll.u32 s9, $0x1;
	s0 =	rddreg [dreg:$0x4]  }
0x6: {  	[smem:$0x7FF] =	sst s3;
	p0 =	sne.s32 s9, $0x0;
	s9 =	simm.s32 $0x2760  }
0x7: {  	s7 =	sor.u32 s5, s26;
	s8 =	smul.u32 $0x4E20, s5;
	s28 =	ssub.s32 $0x2, s5  }
0x8: {  	_ =	strace $0x80000047;
	s7 =	smul.u32 $0x4E2, s7;
	s10 =	sshrl.u32 s28, $0x1  }
0x9: {  	s11 =	smul.u32 $0x9C4, s5;
	s29 =	sshrl.u32 s8, $0x3;
	s30 =	ssub.s32 s28, s10  }
0xa: {  	s10 =	simm.s32 $0x1;
	s7 =	sadd.s32 s7, s4;
	s31 =	sadd.s32 s6, s29  }
0xb: {  	s6 =	sadd.s32 s6, s11;
	s8 =	smax.u32 s30, $0x1;
	s11 =	simm.s32 $0x50  }
0xc: {  	v0 =	vimm.f32 $1.000000000e+00;
	v1 =	vimm.f32 $0.0e+00;
	s4 =	sadd.s32 $0xBC00, s7;
	s5 =	sadd.s32 $0x1E00, s7;
	s7 =	sadd.s32 $0x4E2, s31  }
.LBB2_1:
.Ltmp0:
0xd: {  	[tilespmem:$0x2710] =	vst v0;
	(pc) =	sbr.rel @p0 .LBB2_5-.Ltmp0, $4  }
0xe: {  	[tilespmem:$0x2720] =	vst v0  }
0xf: {  	[tilespmem:$0x2730] =	vst v0  }
0x10: {  	[tilespmem:$0x2740] =	vst v0  }
0x11: {  	[tilespmem:$0x2750] =	vst v0  }
0x12: {  	s13 =	simm.s32 $0x40;
	s14 =	simm.s32 $0x0  }
.LBB2_3:
0x13: {  	p1 =	sne.s32 s13, $0x9C00;
	[tilespmem:s14+$0x2760] =	vst v1;
	s14 =	smov.u32 s13;
	s13 =	sadd.s32 $0x40, s13  }
.Ltmp1:
0x14: {  	(pc) =	sbr.rel @p1 .LBB2_3-.Ltmp1, $2  }
0x15: {  	_ =	sdelay $0x2  }
0x16: {  	s14 =	sshra.s32 s14, $0x2  }
0x17: {  	[tilespmem:s14+$0x2760] =	vst v1  }
0x18: {  	[spmem:s1] =	stream.linear.scatter [tilespmem:s9], [sflag:$0x1], $0x2710, $0x38;
	[tilespmem:$0x5360] =	vst v63  }
0x19: {  	_ =	swait.ge [sflag:s10], $0x2710  }
0x1a: {  	[sflag:s10] =	ssyncset.done $0x0  }
0x1b: {  	[sflag:s10] =	ssyncadd.s32 $0xFFFFD8F0  }
0x1c: {  	[spmem:s2] =	stream.linear.scatter [tilespmem:s9], [sflag:$0x1], $0x2710, $0x38;
	[tilespmem:$0x5360] =	vst v63  }
0x1d: {  	_ =	swait.ge [sflag:s10], $0x2710  }
0x1e: {  	[sflag:s10] =	ssyncset.done $0x0  }
0x1f: {  	[sflag:s10] =	ssyncadd.s32 $0xFFFFD8F0  }
.LBB2_5:
0x20: {  	[bflag:$0x0] =	sbarrier.arrive $0xFFFF;
	s13 =	simm.s32 $0x0  }
0x21: {  	[tilespmem:s13], [sflag:$0x1] =	stream.linear.gather [hbm4b:s4+s13], $0x2710, $0x38;
	[tilespmem:$0x5360] =	vst v63  }
0x22: {  	_ =	swait.ge [sflag:s10], $0x2710  }
0x23: {  	[sflag:s10] =	ssyncset.done $0x0  }
0x24: {  	s31 =	simm.s32 $0x0;
	[sflag:s10] =	ssyncadd.s32 $0xFFFFD8F0  }
0x25: {  	[spmem:s1] =	stream.indirect.scatter.add.f32 [tilespmem:s12], [sflag:$0x1], $0x1, s31, s11, $0xb8;
	[tilespmem:$0x5360] =	vst v63  }
0x26: {  	_ =	swait.ge [sflag:s10], $0x50  }
0x27: {  	s13 =	simm.s32 $0x140;
	[sflag:s10] =	ssyncset.done $0x0  }
.LBB2_6:
0x28: {  	s14 =	sshra.s32 s13, $0x2;
	[sflag:s10] =	ssyncadd.s32 $0xFFFFFFB0;
	p1 =	sne.s32 s13, $0x9B00  }
0x29: {  	[spmem:s1] =	stream.indirect.scatter.add.f32 [tilespmem:s12], [sflag:$0x1], $0x1, s14, s11, $0xb8;
	[tilespmem:$0x5360] =	vst v63  }
.Ltmp2:
0x2a: {  	_ = 	snop;
	(pc) =	sbr.rel @p1 .LBB2_6-.Ltmp2, $4  }
0x2b: {  	_ = 	snop  }
0x2c: {  	s13 =	sadd.s32 $0x140, s13  }
0x2d: {  	_ =	swait.ge [sflag:s10], $0x50  }
0x2e: {  	[sflag:s10] =	ssyncset.done $0x0  }
0x2f: {  	[sflag:s10] =	ssyncadd.s32 $0xFFFFFFB0;
	s13 =	simm.s32 $0x0  }
0x30: {  	[tilespmem:s13], [sflag:$0x1] =	stream.linear.gather [hbm4b:s5+s13], $0x2710, $0x38;
	[tilespmem:$0x5360] =	vst v63  }
0x31: {  	_ =	swait.ge [sflag:s10], $0x2710  }
0x32: {  	[sflag:s10] =	ssyncset.done $0x0  }
0x33: {  	s31 =	simm.s32 $0x0;
	[sflag:s10] =	ssyncadd.s32 $0xFFFFD8F0  }
0x34: {  	[spmem:s2] =	stream.indirect.scatter.add.f32 [tilespmem:s12], [sflag:$0x1], $0x1, s31, s11, $0xb8;
	[tilespmem:$0x5360] =	vst v63  }
0x35: {  	_ =	swait.ge [sflag:s10], $0x50  }
0x36: {  	s13 =	simm.s32 $0x140;
	[sflag:s10] =	ssyncset.done $0x0  }
.LBB2_8:
0x37: {  	s14 =	sshra.s32 s13, $0x2;
	[sflag:s10] =	ssyncadd.s32 $0xFFFFFFB0;
	p1 =	sne.s32 s13, $0x9B00  }
0x38: {  	[spmem:s2] =	stream.indirect.scatter.add.f32 [tilespmem:s12], [sflag:$0x1], $0x1, s14, s11, $0xb8;
	[tilespmem:$0x5360] =	vst v63  }
.Ltmp3:
0x39: {  	_ = 	snop;
	(pc) =	sbr.rel @p1 .LBB2_8-.Ltmp3, $4  }
0x3a: {  	_ = 	snop  }
0x3b: {  	s13 =	sadd.s32 $0x140, s13  }
0x3c: {  	_ =	swait.ge [sflag:s10], $0x50  }
0x3d: {  	[sflag:s10] =	ssyncset.done $0x0  }
0x3e: {  	[sflag:s10] =	ssyncadd.s32 $0xFFFFFFB0  }
0x3f: {  	s13 =	simm.s32 @!p0 $0x2760;
	s14 =	simm.s32 @!p0 $0x1;
	[bflag:$0x0] =	sbarrier.arrive $0xFFFF  }
0x40: {  	[tilespmem:s13], [sflag:$0x1] =	stream.linear.gather @!p0 [spmem:s1], $0x2710, $0x38;
	[tilespmem:$0x5360] =	vst v63  }
0x41: {  	_ =	swait.ge @!p0 [sflag:s14], $0x2710  }
0x42: {  	[sflag:s14] =	ssyncset.done @!p0 $0x0  }
0x43: {  	s15 =	simm.s32 @!p0 $0x0;
	[sflag:s14] =	ssyncadd.s32 @!p0 $0xFFFFD8F0  }
0x44: {  	[hbm4b:s6+s15] =	stream.linear.scatter @!p0 [tilespmem:s13], [sflag:$0x1], $0x2710, $0x38;
	[tilespmem:$0x5360] =	vst v63  }
0x45: {  	_ =	swait.ge @!p0 [sflag:s14], $0x2710  }
0x46: {  	[sflag:s14] =	ssyncset.done @!p0 $0x0  }
0x47: {  	[sflag:s14] =	ssyncadd.s32 @!p0 $0xFFFFD8F0  }
0x48: {  	[tilespmem:s13], [sflag:$0x1] =	stream.linear.gather @!p0 [spmem:s2], $0x2710, $0x38;
	[tilespmem:$0x5360] =	vst v63  }
0x49: {  	s3 =	sadd.s32 $0x1, s3;
	_ =	swait.ge @!p0 [sflag:s14], $0x2710  }
0x4a: {  	p1 =	sne.s32 s3, s8;
	[sflag:s14] =	ssyncset.done @!p0 $0x0  }
.Ltmp4:
0x4b: {  	[sflag:s14] =	ssyncadd.s32 @!p0 $0xFFFFD8F0;
	(pc) =	sbr.rel @p1 .LBB2_1-.Ltmp4, $4  }
0x4c: {  	[hbm4b:s7+s15] =	stream.linear.scatter @!p0 [tilespmem:s13], [sflag:$0x1], $0x2710, $0x38;
	[tilespmem:$0x5360] =	vst v63  }
0x4d: {  	_ =	swait.ge @!p0 [sflag:s14], $0x2710  }
0x4e: {  	[sflag:s14] =	ssyncset.done @!p0 $0x0  }
0x4f: {  	[sflag:s14] =	ssyncadd.s32 @!p0 $0xFFFFD8F0  }
0x50: {  	_ =	sfence.sel $0x180000  }
0x51: {  	[bflag:$0x0] =	sbarrier.arrive $0xFFFF  }
0x52: {  	_ =	strace $0x90000047  }
0x53: {  	s0 =	sadd.s32 @!p0 $0x100000, s0;
	[bflag:$0x2] =	sbarrier.arrive $0xFFFF  }
0x54: {  	[sflag:s0] =	ssyncadd.tile.s32 @!p0 $0x1;
	_ =	shalt  }
.Lfunc_end2:
_tile_overlayer_lowered:
.L_overlay_start_2:
0x55: {  	(tag) =	ssettag $0x2  }
0x56: {  	s0 =	rddreg [dreg:$0x0];
	s2 =	stileid.u32  }
0x57: {  	s1 =	rddreg [dreg:$0x1];
	p0 =	sne.s32 s2, $0x0  }
0x58: {  	s3 =	rddreg [dreg:$0x2];
	[bflag:$0x3] =	sbarrier.arrive $0xFFFF;
	s2 =	simm.s32 @!p0 $0x1C01  }
0x59: {  	[timem:s3], [sflag:s2] =	dma.local @!p0 [hbm:s0], s1  }
0x5a: {  	s0 =	simm.s32 @!p0 $0x1  }
0x5b: {  	_ =	swait.ge @!p0 [sflag:s0], s1  }
0x5c: {  	s1 =	ssub.s32 @!p0 $0x0, s1;
	[sflag:s0] =	ssyncset.done @!p0 $0x0  }
0x5d: {  	[sflag:s0] =	ssyncadd.s32 @!p0 s1  }
0x5e: {  	[bflag:$0x3] =	sbarrier.arrive $0xFFFF  }
0x5f: {  	_ =	shalt  }

</sc_bundles>
